<compile_context>
chip_gen: v7x
topology: tpu7x:2x2x1
jax: 0.10.2.dev20260603
libtpu: 0.0.44.dev20260713+nightly
codegen_flags: <defaults>
</compile_context>

<pallas_src>
import functools

import jax
import jax.numpy as jnp
from jax import lax
from jax.experimental import pallas as pl
from jax.experimental.pallas import tpu as pltpu
from jax.experimental.pallas import tpu_sc as plsc

N = 10000
E = 320000
NC = 2
NS = 16
NW = NC * NS
EPW = E // NW
K = 125
NCHUNK = EPW // K
ZR = 80
RB = 640
RB_LAST = N - 15 * RB

_MESH = plsc.VectorSubcoreMesh(core_axis_name="c", subcore_axis_name="s")
_SC_PARAMS = pltpu.CompilerParams(use_tc_tiling_on_sc=False)


def _zero_band(s, zbuf, acc_sh, zsem):
  r0 = s * RB

  @pl.when(s < NS - 1)
  def _():
    for t in range(RB // ZR):
      pltpu.async_copy(zbuf, acc_sh.at[pl.ds(r0 + t * ZR, ZR)], zsem)
    for t in range(RB // ZR):
      pltpu.make_async_copy(zbuf, acc_sh.at[pl.ds(r0 + t * ZR, ZR)],
                            zsem).wait()

  @pl.when(s == NS - 1)
  def _():
    for t in range(RB_LAST // ZR):
      pltpu.async_copy(zbuf, acc_sh.at[pl.ds(r0 + t * ZR, ZR)], zsem)
    for t in range(RB_LAST // ZR):
      pltpu.make_async_copy(zbuf, acc_sh.at[pl.ds(r0 + t * ZR, ZR)],
                            zsem).wait()


def _drain_band(s, c, acc_sh, out_hbm, D, stride):
  r0 = s * RB

  @pl.when(s < NS - 1)
  def _():
    pltpu.sync_copy(acc_sh.at[pl.ds(r0, RB)],
                    out_hbm.at[pl.ds(r0, RB), pl.ds(c * stride, D)])

  @pl.when(s == NS - 1)
  def _():
    pltpu.sync_copy(acc_sh.at[pl.ds(r0, RB_LAST)],
                    out_hbm.at[pl.ds(r0, RB_LAST), pl.ds(c * stride, D)])


def _make_sc_accumulate(D):

  @functools.partial(
      pl.kernel,
      out_type=jax.ShapeDtypeStruct((N, 128), jnp.float32),
      mesh=_MESH,
      compiler_params=_SC_PARAMS,
      scratch_types=[
          pltpu.VMEM((NCHUNK, K), jnp.int32),
          pltpu.VMEM((NCHUNK, K), jnp.int32),
          pltpu.VMEM((8, K, D), jnp.float32),
          pltpu.VMEM((ZR, D), jnp.float32),
          pltpu.VMEM_SHARED((N, D), jnp.float32),
          [pltpu.SemaphoreType.DMA] * 8,
          [pltpu.SemaphoreType.DMA] * 8,
      ],
  )
  def body(y_hbm, src_hbm, dst_hbm, ztile_hbm, out_hbm, src_all, dst_all,
           ring, zbuf, acc_sh, gsems, ssems):
    c = lax.axis_index("c")
    s = lax.axis_index("s")
    wid = c * NS + s

    pltpu.sync_copy(src_hbm.at[wid], src_all)
    pltpu.sync_copy(dst_hbm.at[wid], dst_all)
    pltpu.sync_copy(ztile_hbm, zbuf)
    _zero_band(s, zbuf, acc_sh, gsems[0])
    plsc.subcore_barrier()

    def g_issue(i, t):
      pltpu.async_copy(y_hbm.at[src_all.at[i]], ring.at[t], gsems[t])

    def g_wait(i, t):
      pltpu.make_async_copy(y_hbm.at[src_all.at[i]], ring.at[t],
                            gsems[t]).wait()

    def s_issue(i, t):
      pltpu.async_copy(ring.at[t], acc_sh.at[dst_all.at[i]], ssems[t],
                       add=True)

    def s_wait(i, t):
      pltpu.make_async_copy(ring.at[t], acc_sh.at[dst_all.at[i]],
                            ssems[t]).wait()

    for t in range(4):
      g_issue(t, t)
    for t in range(4):
      g_issue(t + 4, t + 4)
      g_wait(t, t)
      s_issue(t, t)
    for t in range(4):
      s_wait(t, t)
      g_issue(t + 8, t)
      g_wait(t + 4, t + 4)
      s_issue(t + 4, t + 4)

    def oct_step(jj, carry):
      base = jj * 8
      for t in range(8):
        i = base + t
        s_wait(i - 4, (t + 4) % 8)
        g_issue(i + 4, (t + 4) % 8)
        g_wait(i, t)
        s_issue(i, t)
      return carry

    lax.fori_loop(1, NCHUNK // 8 - 1, oct_step, 0)

    e = NCHUNK - 8
    for t in range(4):
      s_wait(e - 4 + t, (t + 4) % 8)
      g_issue(e + 4 + t, (t + 4) % 8)
      g_wait(e + t, t)
      s_issue(e + t, t)
    for t in range(4, 8):
      g_wait(e + t, t)
      s_issue(e + t, t)
    for t in range(8):
      s_wait(e + t, t)
    plsc.subcore_barrier()

    _drain_band(s, c, acc_sh, out_hbm, D, D)

  return body


@functools.partial(
    pl.kernel,
    out_type=jax.ShapeDtypeStruct((N, 128), jnp.float32),
    mesh=_MESH,
    compiler_params=_SC_PARAMS,
    scratch_types=[
        pltpu.VMEM((NCHUNK, K), jnp.int32),
        pltpu.VMEM((K, 8), jnp.float32),
        pltpu.VMEM((ZR, 8), jnp.float32),
        pltpu.VMEM_SHARED((N, 8), jnp.float32),
        [pltpu.SemaphoreType.DMA] * 4,
    ],
)
def _sc_degree_body(dst_hbm, ones_hbm, ztile_hbm, out_hbm, dst_all, ones_v,
                    zbuf, acc_sh, ssems):
  c = lax.axis_index("c")
  s = lax.axis_index("s")
  wid = c * NS + s

  pltpu.sync_copy(dst_hbm.at[wid], dst_all)
  pltpu.sync_copy(ones_hbm, ones_v)
  pltpu.sync_copy(ztile_hbm, zbuf)
  _zero_band(s, zbuf, acc_sh, ssems[0])
  plsc.subcore_barrier()

  def s_issue(i, t):
    pltpu.async_copy(ones_v, acc_sh.at[dst_all.at[i]], ssems[t], add=True)

  def s_wait(i, t):
    pltpu.make_async_copy(ones_v, acc_sh.at[dst_all.at[i]], ssems[t]).wait()

  s_issue(0, 0)
  s_issue(1, 1)
  s_issue(2, 2)
  s_issue(3, 3)

  def quad(jj, carry):
    base = jj * 4
    for t in range(4):
      i = base + t
      s_wait(i - 4, t)
      s_issue(i, t)
    return carry

  lax.fori_loop(1, NCHUNK // 4, quad, 0)
  for t in range(4):
    s_wait(NCHUNK - 4 + t, t)
  plsc.subcore_barrier()

  _drain_band(s, c, acc_sh, out_hbm, 8, 64)




def _scale_body(p_ref, x_ref, w_ref, dinv_ref, y_ref):
  dinv = lax.rsqrt(1.0 + p_ref[:, 0:1] + p_ref[:, 64:65])
  dinv_ref[...] = dinv
  xw = jnp.dot(x_ref[...], w_ref[...], preferred_element_type=jnp.float32)
  y_ref[...] = dinv * xw


def _tc_scale_mm(degparts, x, w):
  return pl.pallas_call(
      _scale_body,
      out_shape=[
          jax.ShapeDtypeStruct((N, 1), jnp.float32),
          jax.ShapeDtypeStruct((N, w.shape[1]), jnp.float32),
      ],
  )(degparts, x, w)


def _layer_body(a_ref, y_ref, dinv_ref, b_ref, w_ref, o_ref):
  d = w_ref.shape[0]
  t = a_ref[:, 0:d] + a_ref[:, d:2 * d] + y_ref[...]
  h = jnp.maximum(dinv_ref[...] * t + b_ref[...], 0.0)
  o_ref[...] = dinv_ref[...] * jnp.dot(h, w_ref[...],
                                       preferred_element_type=jnp.float32)


def _tc_layer(accparts, y, dinv, b, w):
  return pl.pallas_call(
      _layer_body,
      out_shape=jax.ShapeDtypeStruct((N, w.shape[1]), jnp.float32),
  )(accparts, y, dinv, b, w)


def _combine_body(a_ref, y_ref, dinv_ref, b_ref, o_ref):
  d = b_ref.shape[1]
  t = a_ref[:, 0:d] + a_ref[:, d:2 * d] + y_ref[...]
  o_ref[...] = dinv_ref[...] * t + b_ref[...]


def _tc_combine(accparts, y, dinv, b):
  d = b.shape[1]
  return pl.pallas_call(
      _combine_body,
      out_shape=jax.ShapeDtypeStruct((N, d), jnp.float32),
  )(accparts, y, dinv, b)


def kernel(x, edge_index, W1, b1, W2, b2):
  srcw = edge_index[0].reshape(NW, NCHUNK, K)
  dstw = edge_index[1].reshape(NW, NCHUNK, K)

  degparts = _sc_degree_body(dstw, jnp.ones((K, 8), jnp.float32),
                             jnp.zeros((ZR, 8), jnp.float32))
  dinv, y1 = _tc_scale_mm(degparts, x, W1)

  acc1 = _make_sc_accumulate(64)(y1, srcw, dstw,
                                 jnp.zeros((ZR, 64), jnp.float32))
  y2 = _tc_layer(acc1, y1, dinv, b1.reshape(1, -1), W2)

  acc2 = _make_sc_accumulate(32)(y2, srcw, dstw,
                                 jnp.zeros((ZR, 32), jnp.float32))
  return _tc_combine(acc2, y2, dinv, b2.reshape(1, -1))

# --- scband reference (transcript-rebuilt; emitter-appended) ---
"""Pipeline reference for scband-gnnnode-embedding-79388175499492 (READ-ONLY COPY).

The authoritative reference and input builder live on the scoring server;
editing this copy changes nothing except your own understanding.
"""

import jax, jax.numpy as jnp
import numpy as np

N_NODES = 10000
N_EDGES = 320000
IN_DIM = 128
HID_DIM = 64
OUT_DIM = 32


def gcn_conv(x, edge_index, W, b):
    # PyG-style GCNConv: out = D^{-1/2} (A + I) D^{-1/2} X W + b
    n = x.shape[0]
    src = edge_index[0]
    dst = edge_index[1]
    loop = jnp.arange(n, dtype=edge_index.dtype)
    src = jnp.concatenate([src, loop])
    dst = jnp.concatenate([dst, loop])
    deg = jnp.zeros((n,), dtype=x.dtype).at[dst].add(1.0)
    dinv = jnp.where(deg > 0, jax.lax.rsqrt(deg), 0.0)
    norm = dinv[src] * dinv[dst]
    xw = x @ W
    msg = jnp.take(xw, src, axis=0) * norm[:, None]
    out = jnp.zeros((n, W.shape[1]), dtype=x.dtype).at[dst].add(msg)
    return out + b


def setup_inputs(seed: int = 0) -> dict:
    key = jax.random.key(seed)
    k1, k2, k3, k4, k5, k6 = jax.random.split(key, 6)
    x = jax.random.normal(k1, (N_NODES, IN_DIM), dtype=jnp.float32)
    edge_index = jax.random.randint(k2, (2, N_EDGES), 0, N_NODES, dtype=jnp.int32)
    W1 = jax.random.normal(k3, (IN_DIM, HID_DIM), dtype=jnp.float32) * (1.0 / np.sqrt(IN_DIM))
    b1 = jnp.zeros((HID_DIM,), dtype=jnp.float32)
    W2 = jax.random.normal(k4, (HID_DIM, OUT_DIM), dtype=jnp.float32) * (1.0 / np.sqrt(HID_DIM))
    b2 = jnp.zeros((OUT_DIM,), dtype=jnp.float32)
    return {"x": x, "edge_index": edge_index, "W1": W1, "b1": b1, "W2": W2, "b2": b2}


def reference(x, edge_index, W1, b1, W2, b2):
    h = jax.nn.relu(gcn_conv(x, edge_index, W1, b1))
    # F.dropout with training=self.training: identity at inference
    out = gcn_conv(h, edge_index, W2, b2)
    return out

if __name__ == "__main__":
    import jax
    _d = setup_inputs()
    print(jax.jit(kernel)(*tuple(_d.values())))

</pallas_src>

<mosaic_0001>
#map = affine_map<(d0, d1) -> (0, 0)>
#map1 = affine_map<(d0, d1) -> (0, 0, 0)>
module attributes {stable_mosaic.version = 14 : i64} {
  func.func @body(%arg0: i32, %arg1: i32, %arg2: memref<10000x32xf32, #tpu.memory_space<hbm>>, %arg3: memref<32x80x125xi32, #tpu.memory_space<hbm>>, %arg4: memref<32x80x125xi32, #tpu.memory_space<hbm>>, %arg5: memref<80x32xf32, #tpu.memory_space<hbm>>, %arg6: memref<10000x128xf32, #tpu.memory_space<hbm>>, %arg7: memref<80x125xi32, #tpu.memory_space<vmem>>, %arg8: memref<80x125xi32, #tpu.memory_space<vmem>>, %arg9: memref<8x125x32xf32, #tpu.memory_space<vmem>>, %arg10: memref<80x32xf32, #tpu.memory_space<vmem>>, %arg11: memref<10000x32xf32, #tpu.memory_space<vmem_shared>>, %arg12: memref<!tpu.dma_semaphore, #tpu.memory_space<semaphore_mem>>, %arg13: memref<!tpu.dma_semaphore, #tpu.memory_space<semaphore_mem>>, %arg14: memref<!tpu.dma_semaphore, #tpu.memory_space<semaphore_mem>>, %arg15: memref<!tpu.dma_semaphore, #tpu.memory_space<semaphore_mem>>, %arg16: memref<!tpu.dma_semaphore, #tpu.memory_space<semaphore_mem>>, %arg17: memref<!tpu.dma_semaphore, #tpu.memory_space<semaphore_mem>>, %arg18: memref<!tpu.dma_semaphore, #tpu.memory_space<semaphore_mem>>, %arg19: memref<!tpu.dma_semaphore, #tpu.memory_space<semaphore_mem>>, %arg20: memref<!tpu.dma_semaphore, #tpu.memory_space<semaphore_mem>>, %arg21: memref<!tpu.dma_semaphore, #tpu.memory_space<semaphore_mem>>, %arg22: memref<!tpu.dma_semaphore, #tpu.memory_space<semaphore_mem>>, %arg23: memref<!tpu.dma_semaphore, #tpu.memory_space<semaphore_mem>>, %arg24: memref<!tpu.dma_semaphore, #tpu.memory_space<semaphore_mem>>, %arg25: memref<!tpu.dma_semaphore, #tpu.memory_space<semaphore_mem>>, %arg26: memref<!tpu.dma_semaphore, #tpu.memory_space<semaphore_mem>>, %arg27: memref<!tpu.dma_semaphore, #tpu.memory_space<semaphore_mem>>) attributes {dimension_semantics = [#tpu.dimension_semantics<core_parallel>, #tpu.dimension_semantics<subcore_parallel>], iteration_bounds = array<i64: 2, 16>, scalar_prefetch = 0 : i64, scratch_operands = 21 : i64, tpu.core_type = #tpu.core_type<sc_vector_subcore>, window_params = [{transform_indices = #map}, {transform_indices = #map1}, {transform_indices = #map1}, {transform_indices = #map}, {transform_indices = #map}]} {
    %mul3A = arith.constant 16 : i32
    %mul3A_0 = arith.muli %arg0, %mul3A : i32
    %add3A = arith.addi %mul3A_0, %arg1 : i32
    "tpu.region"() ({
      %run_scoped3A = tpu.sem_alloc : memref<!tpu.dma_semaphore, #tpu.memory_space<semaphore_mem>>
      %dma_start3A_793 = arith.constant 0 : i32
      %dma_start3A_794 = arith.constant 0 : i32
      %dma_start3A_795 = tpu.memref_slice %arg3[%add3A, %dma_start3A_793, %dma_start3A_794] : memref<32x80x125xi32, #tpu.memory_space<hbm>> -> memref<1x80x125xi32, #tpu.memory_space<hbm>>
      %dma_start3A_796 = tpu.memref_squeeze %dma_start3A_795 : memref<1x80x125xi32, #tpu.memory_space<hbm>> -> memref<80x125xi32, #tpu.memory_space<hbm>>
      %dma_start3A_797 = arith.constant 0 : i32
      %dma_start3A_798 = arith.constant 0 : i32
      %dma_start3A_799 = tpu.memref_slice %arg3[%add3A, %dma_start3A_797, %dma_start3A_798] : memref<32x80x125xi32, #tpu.memory_space<hbm>> -> memref<1x80x125xi32, #tpu.memory_space<hbm>>
      %dma_start3A_800 = tpu.memref_squeeze %dma_start3A_799 : memref<1x80x125xi32, #tpu.memory_space<hbm>> -> memref<80x125xi32, #tpu.memory_space<hbm>>
      tpu.enqueue_dma source(%dma_start3A_800 : memref<80x125xi32, #tpu.memory_space<hbm>>) target(%arg7 : memref<80x125xi32, #tpu.memory_space<vmem>>) target_semaphore(%run_scoped3A : memref<!tpu.dma_semaphore, #tpu.memory_space<semaphore_mem>>)
      %dma_wait3A_801 = arith.constant 0 : i32
      %dma_wait3A_802 = arith.constant 0 : i32
      %dma_wait3A_803 = tpu.memref_slice %arg3[%add3A, %dma_wait3A_801, %dma_wait3A_802] : memref<32x80x125xi32, #tpu.memory_space<hbm>> -> memref<1x80x125xi32, #tpu.memory_space<hbm>>
      %dma_wait3A_804 = tpu.memref_squeeze %dma_wait3A_803 : memref<1x80x125xi32, #tpu.memory_space<hbm>> -> memref<80x125xi32, #tpu.memory_space<hbm>>
      %dma_wait3A_805 = arith.constant 0 : i32
      %dma_wait3A_806 = arith.constant 0 : i32
      %dma_wait3A_807 = tpu.memref_slice %arg3[%add3A, %dma_wait3A_805, %dma_wait3A_806] : memref<32x80x125xi32, #tpu.memory_space<hbm>> -> memref<1x80x125xi32, #tpu.memory_space<hbm>>
      %dma_wait3A_808 = tpu.memref_squeeze %dma_wait3A_807 : memref<1x80x125xi32, #tpu.memory_space<hbm>> -> memref<80x125xi32, #tpu.memory_space<hbm>>
      tpu.wait_dma2 semaphore(%run_scoped3A : memref<!tpu.dma_semaphore, #tpu.memory_space<semaphore_mem>>) src(%dma_wait3A_808 : memref<80x125xi32, #tpu.memory_space<hbm>>) dst(%arg7 : memref<80x125xi32, #tpu.memory_space<vmem>>)
      tpu.yield
    }) : () -> ()
    "tpu.region"() ({
      %run_scoped3A = tpu.sem_alloc : memref<!tpu.dma_semaphore, #tpu.memory_space<semaphore_mem>>
      %dma_start3A_793 = arith.constant 0 : i32
      %dma_start3A_794 = arith.constant 0 : i32
      %dma_start3A_795 = tpu.memref_slice %arg4[%add3A, %dma_start3A_793, %dma_start3A_794] : memref<32x80x125xi32, #tpu.memory_space<hbm>> -> memref<1x80x125xi32, #tpu.memory_space<hbm>>
      %dma_start3A_796 = tpu.memref_squeeze %dma_start3A_795 : memref<1x80x125xi32, #tpu.memory_space<hbm>> -> memref<80x125xi32, #tpu.memory_space<hbm>>
      %dma_start3A_797 = arith.constant 0 : i32
      %dma_start3A_798 = arith.constant 0 : i32
      %dma_start3A_799 = tpu.memref_slice %arg4[%add3A, %dma_start3A_797, %dma_start3A_798] : memref<32x80x125xi32, #tpu.memory_space<hbm>> -> memref<1x80x125xi32, #tpu.memory_space<hbm>>
      %dma_start3A_800 = tpu.memref_squeeze %dma_start3A_799 : memref<1x80x125xi32, #tpu.memory_space<hbm>> -> memref<80x125xi32, #tpu.memory_space<hbm>>
      tpu.enqueue_dma source(%dma_start3A_800 : memref<80x125xi32, #tpu.memory_space<hbm>>) target(%arg8 : memref<80x125xi32, #tpu.memory_space<vmem>>) target_semaphore(%run_scoped3A : memref<!tpu.dma_semaphore, #tpu.memory_space<semaphore_mem>>)
      %dma_wait3A_801 = arith.constant 0 : i32
      %dma_wait3A_802 = arith.constant 0 : i32
      %dma_wait3A_803 = tpu.memref_slice %arg4[%add3A, %dma_wait3A_801, %dma_wait3A_802] : memref<32x80x125xi32, #tpu.memory_space<hbm>> -> memref<1x80x125xi32, #tpu.memory_space<hbm>>
      %dma_wait3A_804 = tpu.memref_squeeze %dma_wait3A_803 : memref<1x80x125xi32, #tpu.memory_space<hbm>> -> memref<80x125xi32, #tpu.memory_space<hbm>>
      %dma_wait3A_805 = arith.constant 0 : i32
      %dma_wait3A_806 = arith.constant 0 : i32
      %dma_wait3A_807 = tpu.memref_slice %arg4[%add3A, %dma_wait3A_805, %dma_wait3A_806] : memref<32x80x125xi32, #tpu.memory_space<hbm>> -> memref<1x80x125xi32, #tpu.memory_space<hbm>>
      %dma_wait3A_808 = tpu.memref_squeeze %dma_wait3A_807 : memref<1x80x125xi32, #tpu.memory_space<hbm>> -> memref<80x125xi32, #tpu.memory_space<hbm>>
      tpu.wait_dma2 semaphore(%run_scoped3A : memref<!tpu.dma_semaphore, #tpu.memory_space<semaphore_mem>>) src(%dma_wait3A_808 : memref<80x125xi32, #tpu.memory_space<hbm>>) dst(%arg8 : memref<80x125xi32, #tpu.memory_space<vmem>>)
      tpu.yield
    }) : () -> ()
    "tpu.region"() ({
      %run_scoped3A = tpu.sem_alloc : memref<!tpu.dma_semaphore, #tpu.memory_space<semaphore_mem>>
      tpu.enqueue_dma source(%arg5 : memref<80x32xf32, #tpu.memory_space<hbm>>) target(%arg10 : memref<80x32xf32, #tpu.memory_space<vmem>>) target_semaphore(%run_scoped3A : memref<!tpu.dma_semaphore, #tpu.memory_space<semaphore_mem>>)
      tpu.wait_dma2 semaphore(%run_scoped3A : memref<!tpu.dma_semaphore, #tpu.memory_space<semaphore_mem>>) src(%arg5 : memref<80x32xf32, #tpu.memory_space<hbm>>) dst(%arg10 : memref<80x32xf32, #tpu.memory_space<vmem>>)
      tpu.yield
    }) : () -> ()
    %mul3A_1 = arith.constant 640 : i32
    %mul3A_2 = arith.muli %arg1, %mul3A_1 : i32
    %lt3A = arith.constant 15 : i32
    %lt3A_3 = arith.cmpi slt, %arg1, %lt3A : i32
    %convert_element_type3A = arith.extui %lt3A_3 : i1 to i32
    %cond3A = arith.constant 0 : i32
    %cond3A_4 = arith.cmpi ne, %convert_element_type3A, %cond3A : i32
    scf.if %cond3A_4 {
      %add3A_793 = arith.constant 0 : i32
      %add3A_794 = arith.addi %mul3A_2, %add3A_793 : i32
      %dma_start3A_795 = arith.constant 0 : i32
      %dma_start3A_796 = tpu.memref_slice %arg11[%add3A_794, %dma_start3A_795] : memref<10000x32xf32, #tpu.memory_space<vmem_shared>> -> memref<80x32xf32, #tpu.memory_space<vmem_shared>>
      %dma_start3A_797 = arith.constant 0 : i32
      %dma_start3A_798 = tpu.memref_slice %arg11[%add3A_794, %dma_start3A_797] : memref<10000x32xf32, #tpu.memory_space<vmem_shared>> -> memref<80x32xf32, #tpu.memory_space<vmem_shared>>
      tpu.enqueue_dma source(%arg10 : memref<80x32xf32, #tpu.memory_space<vmem>>) target(%dma_start3A_798 : memref<80x32xf32, #tpu.memory_space<vmem_shared>>) target_semaphore(%arg12 : memref<!tpu.dma_semaphore, #tpu.memory_space<semaphore_mem>>)
      %add3A_799 = arith.constant 80 : i32
      %add3A_800 = arith.addi %mul3A_2, %add3A_799 : i32
      %dma_start3A_801 = arith.constant 0 : i32
      %dma_start3A_802 = tpu.memref_slice %arg11[%add3A_800, %dma_start3A_801] : memref<10000x32xf32, #tpu.memory_space<vmem_shared>> -> memref<80x32xf32, #tpu.memory_space<vmem_shared>>
      %dma_start3A_803 = arith.constant 0 : i32
      %dma_start3A_804 = tpu.memref_slice %arg11[%add3A_800, %dma_start3A_803] : memref<10000x32xf32, #tpu.memory_space<vmem_shared>> -> memref<80x32xf32, #tpu.memory_space<vmem_shared>>
      tpu.enqueue_dma source(%arg10 : memref<80x32xf32, #tpu.memory_space<vmem>>) target(%dma_start3A_804 : memref<80x32xf32, #tpu.memory_space<vmem_shared>>) target_semaphore(%arg12 : memref<!tpu.dma_semaphore, #tpu.memory_space<semaphore_mem>>)
      %add3A_805 = arith.constant 160 : i32
      %add3A_806 = arith.addi %mul3A_2, %add3A_805 : i32
      %dma_start3A_807 = arith.constant 0 : i32
      %dma_start3A_808 = tpu.memref_slice %arg11[%add3A_806, %dma_start3A_807] : memref<10000x32xf32, #tpu.memory_space<vmem_shared>> -> memref<80x32xf32, #tpu.memory_space<vmem_shared>>
      %dma_start3A_809 = arith.constant 0 : i32
      %dma_start3A_810 = tpu.memref_slice %arg11[%add3A_806, %dma_start3A_809] : memref<10000x32xf32, #tpu.memory_space<vmem_shared>> -> memref<80x32xf32, #tpu.memory_space<vmem_shared>>
      tpu.enqueue_dma source(%arg10 : memref<80x32xf32, #tpu.memory_space<vmem>>) target(%dma_start3A_810 : memref<80x32xf32, #tpu.memory_space<vmem_shared>>) target_semaphore(%arg12 : memref<!tpu.dma_semaphore, #tpu.memory_space<semaphore_mem>>)
      %add3A_811 = arith.constant 240 : i32
      %add3A_812 = arith.addi %mul3A_2, %add3A_811 : i32
      %dma_start3A_813 = arith.constant 0 : i32
      %dma_start3A_814 = tpu.memref_slice %arg11[%add3A_812, %dma_start3A_813] : memref<10000x32xf32, #tpu.memory_space<vmem_shared>> -> memref<80x32xf32, #tpu.memory_space<vmem_shared>>
      %dma_start3A_815 = arith.constant 0 : i32
      %dma_start3A_816 = tpu.memref_slice %arg11[%add3A_812, %dma_start3A_815] : memref<10000x32xf32, #tpu.memory_space<vmem_shared>> -> memref<80x32xf32, #tpu.memory_space<vmem_shared>>
      tpu.enqueue_dma source(%arg10 : memref<80x32xf32, #tpu.memory_space<vmem>>) target(%dma_start3A_816 : memref<80x32xf32, #tpu.memory_space<vmem_shared>>) target_semaphore(%arg12 : memref<!tpu.dma_semaphore, #tpu.memory_space<semaphore_mem>>)
      %add3A_817 = arith.constant 320 : i32
      %add3A_818 = arith.addi %mul3A_2, %add3A_817 : i32
      %dma_start3A_819 = arith.constant 0 : i32
      %dma_start3A_820 = tpu.memref_slice %arg11[%add3A_818, %dma_start3A_819] : memref<10000x32xf32, #tpu.memory_space<vmem_shared>> -> memref<80x32xf32, #tpu.memory_space<vmem_shared>>
      %dma_start3A_821 = arith.constant 0 : i32
      %dma_start3A_822 = tpu.memref_slice %arg11[%add3A_818, %dma_start3A_821] : memref<10000x32xf32, #tpu.memory_space<vmem_shared>> -> memref<80x32xf32, #tpu.memory_space<vmem_shared>>
      tpu.enqueue_dma source(%arg10 : memref<80x32xf32, #tpu.memory_space<vmem>>) target(%dma_start3A_822 : memref<80x32xf32, #tpu.memory_space<vmem_shared>>) target_semaphore(%arg12 : memref<!tpu.dma_semaphore, #tpu.memory_space<semaphore_mem>>)
      %add3A_823 = arith.constant 400 : i32
      %add3A_824 = arith.addi %mul3A_2, %add3A_823 : i32
      %dma_start3A_825 = arith.constant 0 : i32
      %dma_start3A_826 = tpu.memref_slice %arg11[%add3A_824, %dma_start3A_825] : memref<10000x32xf32, #tpu.memory_space<vmem_shared>> -> memref<80x32xf32, #tpu.memory_space<vmem_shared>>
      %dma_start3A_827 = arith.constant 0 : i32
      %dma_start3A_828 = tpu.memref_slice %arg11[%add3A_824, %dma_start3A_827] : memref<10000x32xf32, #tpu.memory_space<vmem_shared>> -> memref<80x32xf32, #tpu.memory_space<vmem_shared>>
      tpu.enqueue_dma source(%arg10 : memref<80x32xf32, #tpu.memory_space<vmem>>) target(%dma_start3A_828 : memref<80x32xf32, #tpu.memory_space<vmem_shared>>) target_semaphore(%arg12 : memref<!tpu.dma_semaphore, #tpu.memory_space<semaphore_mem>>)
      %add3A_829 = arith.constant 480 : i32
      %add3A_830 = arith.addi %mul3A_2, %add3A_829 : i32
      %dma_start3A_831 = arith.constant 0 : i32
      %dma_start3A_832 = tpu.memref_slice %arg11[%add3A_830, %dma_start3A_831] : memref<10000x32xf32, #tpu.memory_space<vmem_shared>> -> memref<80x32xf32, #tpu.memory_space<vmem_shared>>
      %dma_start3A_833 = arith.constant 0 : i32
      %dma_start3A_834 = tpu.memref_slice %arg11[%add3A_830, %dma_start3A_833] : memref<10000x32xf32, #tpu.memory_space<vmem_shared>> -> memref<80x32xf32, #tpu.memory_space<vmem_shared>>
      tpu.enqueue_dma source(%arg10 : memref<80x32xf32, #tpu.memory_space<vmem>>) target(%dma_start3A_834 : memref<80x32xf32, #tpu.memory_space<vmem_shared>>) target_semaphore(%arg12 : memref<!tpu.dma_semaphore, #tpu.memory_space<semaphore_mem>>)
      %add3A_835 = arith.constant 560 : i32
      %add3A_836 = arith.addi %mul3A_2, %add3A_835 : i32
      %dma_start3A_837 = arith.constant 0 : i32
      %dma_start3A_838 = tpu.memref_slice %arg11[%add3A_836, %dma_start3A_837] : memref<10000x32xf32, #tpu.memory_space<vmem_shared>> -> memref<80x32xf32, #tpu.memory_space<vmem_shared>>
      %dma_start3A_839 = arith.constant 0 : i32
      %dma_start3A_840 = tpu.memref_slice %arg11[%add3A_836, %dma_start3A_839] : memref<10000x32xf32, #tpu.memory_space<vmem_shared>> -> memref<80x32xf32, #tpu.memory_space<vmem_shared>>
      tpu.enqueue_dma source(%arg10 : memref<80x32xf32, #tpu.memory_space<vmem>>) target(%dma_start3A_840 : memref<80x32xf32, #tpu.memory_space<vmem_shared>>) target_semaphore(%arg12 : memref<!tpu.dma_semaphore, #tpu.memory_space<semaphore_mem>>)
      %add3A_841 = arith.constant 0 : i32
      %add3A_842 = arith.addi %mul3A_2, %add3A_841 : i32
      %dma_wait3A_843 = arith.constant 0 : i32
      %dma_wait3A_844 = tpu.memref_slice %arg11[%add3A_842, %dma_wait3A_843] : memref<10000x32xf32, #tpu.memory_space<vmem_shared>> -> memref<80x32xf32, #tpu.memory_space<vmem_shared>>
      %dma_wait3A_845 = arith.constant 0 : i32
      %dma_wait3A_846 = tpu.memref_slice %arg11[%add3A_842, %dma_wait3A_845] : memref<10000x32xf32, #tpu.memory_space<vmem_shared>> -> memref<80x32xf32, #tpu.memory_space<vmem_shared>>
      tpu.wait_dma2 semaphore(%arg12 : memref<!tpu.dma_semaphore, #tpu.memory_space<semaphore_mem>>) src(%arg10 : memref<80x32xf32, #tpu.memory_space<vmem>>) dst(%dma_wait3A_846 : memref<80x32xf32, #tpu.memory_space<vmem_shared>>)
      %add3A_847 = arith.constant 80 : i32
      %add3A_848 = arith.addi %mul3A_2, %add3A_847 : i32
      %dma_wait3A_849 = arith.constant 0 : i32
      %dma_wait3A_850 = tpu.memref_slice %arg11[%add3A_848, %dma_wait3A_849] : memref<10000x32xf32, #tpu.memory_space<vmem_shared>> -> memref<80x32xf32, #tpu.memory_space<vmem_shared>>
      %dma_wait3A_851 = arith.constant 0 : i32
      %dma_wait3A_852 = tpu.memref_slice %arg11[%add3A_848, %dma_wait3A_851] : memref<10000x32xf32, #tpu.memory_space<vmem_shared>> -> memref<80x32xf32, #tpu.memory_space<vmem_shared>>
      tpu.wait_dma2 semaphore(%arg12 : memref<!tpu.dma_semaphore, #tpu.memory_space<semaphore_mem>>) src(%arg10 : memref<80x32xf32, #tpu.memory_space<vmem>>) dst(%dma_wait3A_852 : memref<80x32xf32, #tpu.memory_space<vmem_shared>>)
      %add3A_853 = arith.constant 160 : i32
      %add3A_854 = arith.addi %mul3A_2, %add3A_853 : i32
      %dma_wait3A_855 = arith.constant 0 : i32
      %dma_wait3A_856 = tpu.memref_slice %arg11[%add3A_854, %dma_wait3A_855] : memref<10000x32xf32, #tpu.memory_space<vmem_shared>> -> memref<80x32xf32, #tpu.memory_space<vmem_shared>>
      %dma_wait3A_857 = arith.constant 0 : i32
      %dma_wait3A_858 = tpu.memref_slice %arg11[%add3A_854, %dma_wait3A_857] : memref<10000x32xf32, #tpu.memory_space<vmem_shared>> -> memref<80x32xf32, #tpu.memory_space<vmem_shared>>
      tpu.wait_dma2 semaphore(%arg12 : memref<!tpu.dma_semaphore, #tpu.memory_space<semaphore_mem>>) src(%arg10 : memref<80x32xf32, #tpu.memory_space<vmem>>) dst(%dma_wait3A_858 : memref<80x32xf32, #tpu.memory_space<vmem_shared>>)
      %add3A_859 = arith.constant 240 : i32
      %add3A_860 = arith.addi %mul3A_2, %add3A_859 : i32
      %dma_wait3A_861 = arith.constant 0 : i32
      %dma_wait3A_862 = tpu.memref_slice %arg11[%add3A_860, %dma_wait3A_861] : memref<10000x32xf32, #tpu.memory_space<vmem_shared>> -> memref<80x32xf32, #tpu.memory_space<vmem_shared>>
      %dma_wait3A_863 = arith.constant 0 : i32
      %dma_wait3A_864 = tpu.memref_slice %arg11[%add3A_860, %dma_wait3A_863] : memref<10000x32xf32, #tpu.memory_space<vmem_shared>> -> memref<80x32xf32, #tpu.memory_space<vmem_shared>>
      tpu.wait_dma2 semaphore(%arg12 : memref<!tpu.dma_semaphore, #tpu.memory_space<semaphore_mem>>) src(%arg10 : memref<80x32xf32, #tpu.memory_space<vmem>>) dst(%dma_wait3A_864 : memref<80x32xf32, #tpu.memory_space<vmem_shared>>)
      %add3A_865 = arith.constant 320 : i32
      %add3A_866 = arith.addi %mul3A_2, %add3A_865 : i32
      %dma_wait3A_867 = arith.constant 0 : i32
      %dma_wait3A_868 = tpu.memref_slice %arg11[%add3A_866, %dma_wait3A_867] : memref<10000x32xf32, #tpu.memory_space<vmem_shared>> -> memref<80x32xf32, #tpu.memory_space<vmem_shared>>
      %dma_wait3A_869 = arith.constant 0 : i32
      %dma_wait3A_870 = tpu.memref_slice %arg11[%add3A_866, %dma_wait3A_869] : memref<10000x32xf32, #tpu.memory_space<vmem_shared>> -> memref<80x32xf32, #tpu.memory_space<vmem_shared>>
      tpu.wait_dma2 semaphore(%arg12 : memref<!tpu.dma_semaphore, #tpu.memory_space<semaphore_mem>>) src(%arg10 : memref<80x32xf32, #tpu.memory_space<vmem>>) dst(%dma_wait3A_870 : memref<80x32xf32, #tpu.memory_space<vmem_shared>>)
      %add3A_871 = arith.constant 400 : i32
      %add3A_872 = arith.addi %mul3A_2, %add3A_871 : i32
      %dma_wait3A_873 = arith.constant 0 : i32
      %dma_wait3A_874 = tpu.memref_slice %arg11[%add3A_872, %dma_wait3A_873] : memref<10000x32xf32, #tpu.memory_space<vmem_shared>> -> memref<80x32xf32, #tpu.memory_space<vmem_shared>>
      %dma_wait3A_875 = arith.constant 0 : i32
      %dma_wait3A_876 = tpu.memref_slice %arg11[%add3A_872, %dma_wait3A_875] : memref<10000x32xf32, #tpu.memory_space<vmem_shared>> -> memref<80x32xf32, #tpu.memory_space<vmem_shared>>
      tpu.wait_dma2 semaphore(%arg12 : memref<!tpu.dma_semaphore, #tpu.memory_space<semaphore_mem>>) src(%arg10 : memref<80x32xf32, #tpu.memory_space<vmem>>) dst(%dma_wait3A_876 : memref<80x32xf32, #tpu.memory_space<vmem_shared>>)
      %add3A_877 = arith.constant 480 : i32
      %add3A_878 = arith.addi %mul3A_2, %add3A_877 : i32
      %dma_wait3A_879 = arith.constant 0 : i32
      %dma_wait3A_880 = tpu.memref_slice %arg11[%add3A_878, %dma_wait3A_879] : memref<10000x32xf32, #tpu.memory_space<vmem_shared>> -> memref<80x32xf32, #tpu.memory_space<vmem_shared>>
      %dma_wait3A_881 = arith.constant 0 : i32
      %dma_wait3A_882 = tpu.memref_slice %arg11[%add3A_878, %dma_wait3A_881] : memref<10000x32xf32, #tpu.memory_space<vmem_shared>> -> memref<80x32xf32, #tpu.memory_space<vmem_shared>>
      tpu.wait_dma2 semaphore(%arg12 : memref<!tpu.dma_semaphore, #tpu.memory_space<semaphore_mem>>) src(%arg10 : memref<80x32xf32, #tpu.memory_space<vmem>>) dst(%dma_wait3A_882 : memref<80x32xf32, #tpu.memory_space<vmem_shared>>)
      %add3A_883 = arith.constant 560 : i32
      %add3A_884 = arith.addi %mul3A_2, %add3A_883 : i32
      %dma_wait3A_885 = arith.constant 0 : i32
      %dma_wait3A_886 = tpu.memref_slice %arg11[%add3A_884, %dma_wait3A_885] : memref<10000x32xf32, #tpu.memory_space<vmem_shared>> -> memref<80x32xf32, #tpu.memory_space<vmem_shared>>
      %dma_wait3A_887 = arith.constant 0 : i32
      %dma_wait3A_888 = tpu.memref_slice %arg11[%add3A_884, %dma_wait3A_887] : memref<10000x32xf32, #tpu.memory_space<vmem_shared>> -> memref<80x32xf32, #tpu.memory_space<vmem_shared>>
      tpu.wait_dma2 semaphore(%arg12 : memref<!tpu.dma_semaphore, #tpu.memory_space<semaphore_mem>>) src(%arg10 : memref<80x32xf32, #tpu.memory_space<vmem>>) dst(%dma_wait3A_888 : memref<80x32xf32, #tpu.memory_space<vmem_shared>>)
    } else {
    }
    %eq3A = arith.constant 15 : i32
    %eq3A_5 = arith.cmpi eq, %arg1, %eq3A : i32
    %convert_element_type3A_6 = arith.extui %eq3A_5 : i1 to i32
    %cond3A_7 = arith.constant 0 : i32
    %cond3A_8 = arith.cmpi ne, %convert_element_type3A_6, %cond3A_7 : i32
    scf.if %cond3A_8 {
      %add3A_793 = arith.constant 0 : i32
      %add3A_794 = arith.addi %mul3A_2, %add3A_793 : i32
      %dma_start3A_795 = arith.constant 0 : i32
      %dma_start3A_796 = tpu.memref_slice %arg11[%add3A_794, %dma_start3A_795] : memref<10000x32xf32, #tpu.memory_space<vmem_shared>> -> memref<80x32xf32, #tpu.memory_space<vmem_shared>>
      %dma_start3A_797 = arith.constant 0 : i32
      %dma_start3A_798 = tpu.memref_slice %arg11[%add3A_794, %dma_start3A_797] : memref<10000x32xf32, #tpu.memory_space<vmem_shared>> -> memref<80x32xf32, #tpu.memory_space<vmem_shared>>
      tpu.enqueue_dma source(%arg10 : memref<80x32xf32, #tpu.memory_space<vmem>>) target(%dma_start3A_798 : memref<80x32xf32, #tpu.memory_space<vmem_shared>>) target_semaphore(%arg12 : memref<!tpu.dma_semaphore, #tpu.memory_space<semaphore_mem>>)
      %add3A_799 = arith.constant 80 : i32
      %add3A_800 = arith.addi %mul3A_2, %add3A_799 : i32
      %dma_start3A_801 = arith.constant 0 : i32
      %dma_start3A_802 = tpu.memref_slice %arg11[%add3A_800, %dma_start3A_801] : memref<10000x32xf32, #tpu.memory_space<vmem_shared>> -> memref<80x32xf32, #tpu.memory_space<vmem_shared>>
      %dma_start3A_803 = arith.constant 0 : i32
      %dma_start3A_804 = tpu.memref_slice %arg11[%add3A_800, %dma_start3A_803] : memref<10000x32xf32, #tpu.memory_space<vmem_shared>> -> memref<80x32xf32, #tpu.memory_space<vmem_shared>>
      tpu.enqueue_dma source(%arg10 : memref<80x32xf32, #tpu.memory_space<vmem>>) target(%dma_start3A_804 : memref<80x32xf32, #tpu.memory_space<vmem_shared>>) target_semaphore(%arg12 : memref<!tpu.dma_semaphore, #tpu.memory_space<semaphore_mem>>)
      %add3A_805 = arith.constant 160 : i32
      %add3A_806 = arith.addi %mul3A_2, %add3A_805 : i32
      %dma_start3A_807 = arith.constant 0 : i32
      %dma_start3A_808 = tpu.memref_slice %arg11[%add3A_806, %dma_start3A_807] : memref<10000x32xf32, #tpu.memory_space<vmem_shared>> -> memref<80x32xf32, #tpu.memory_space<vmem_shared>>
      %dma_start3A_809 = arith.constant 0 : i32
      %dma_start3A_810 = tpu.memref_slice %arg11[%add3A_806, %dma_start3A_809] : memref<10000x32xf32, #tpu.memory_space<vmem_shared>> -> memref<80x32xf32, #tpu.memory_space<vmem_shared>>
      tpu.enqueue_dma source(%arg10 : memref<80x32xf32, #tpu.memory_space<vmem>>) target(%dma_start3A_810 : memref<80x32xf32, #tpu.memory_space<vmem_shared>>) target_semaphore(%arg12 : memref<!tpu.dma_semaphore, #tpu.memory_space<semaphore_mem>>)
      %add3A_811 = arith.constant 240 : i32
      %add3A_812 = arith.addi %mul3A_2, %add3A_811 : i32
      %dma_start3A_813 = arith.constant 0 : i32
      %dma_start3A_814 = tpu.memref_slice %arg11[%add3A_812, %dma_start3A_813] : memref<10000x32xf32, #tpu.memory_space<vmem_shared>> -> memref<80x32xf32, #tpu.memory_space<vmem_shared>>
      %dma_start3A_815 = arith.constant 0 : i32
      %dma_start3A_816 = tpu.memref_slice %arg11[%add3A_812, %dma_start3A_815] : memref<10000x32xf32, #tpu.memory_space<vmem_shared>> -> memref<80x32xf32, #tpu.memory_space<vmem_shared>>
      tpu.enqueue_dma source(%arg10 : memref<80x32xf32, #tpu.memory_space<vmem>>) target(%dma_start3A_816 : memref<80x32xf32, #tpu.memory_space<vmem_shared>>) target_semaphore(%arg12 : memref<!tpu.dma_semaphore, #tpu.memory_space<semaphore_mem>>)
      %add3A_817 = arith.constant 320 : i32
      %add3A_818 = arith.addi %mul3A_2, %add3A_817 : i32
      %dma_start3A_819 = arith.constant 0 : i32
      %dma_start3A_820 = tpu.memref_slice %arg11[%add3A_818, %dma_start3A_819] : memref<10000x32xf32, #tpu.memory_space<vmem_shared>> -> memref<80x32xf32, #tpu.memory_space<vmem_shared>>
      %dma_start3A_821 = arith.constant 0 : i32
      %dma_start3A_822 = tpu.memref_slice %arg11[%add3A_818, %dma_start3A_821] : memref<10000x32xf32, #tpu.memory_space<vmem_shared>> -> memref<80x32xf32, #tpu.memory_space<vmem_shared>>
      tpu.enqueue_dma source(%arg10 : memref<80x32xf32, #tpu.memory_space<vmem>>) target(%dma_start3A_822 : memref<80x32xf32, #tpu.memory_space<vmem_shared>>) target_semaphore(%arg12 : memref<!tpu.dma_semaphore, #tpu.memory_space<semaphore_mem>>)
      %add3A_823 = arith.constant 0 : i32
      %add3A_824 = arith.addi %mul3A_2, %add3A_823 : i32
      %dma_wait3A_825 = arith.constant 0 : i32
      %dma_wait3A_826 = tpu.memref_slice %arg11[%add3A_824, %dma_wait3A_825] : memref<10000x32xf32, #tpu.memory_space<vmem_shared>> -> memref<80x32xf32, #tpu.memory_space<vmem_shared>>
      %dma_wait3A_827 = arith.constant 0 : i32
      %dma_wait3A_828 = tpu.memref_slice %arg11[%add3A_824, %dma_wait3A_827] : memref<10000x32xf32, #tpu.memory_space<vmem_shared>> -> memref<80x32xf32, #tpu.memory_space<vmem_shared>>
      tpu.wait_dma2 semaphore(%arg12 : memref<!tpu.dma_semaphore, #tpu.memory_space<semaphore_mem>>) src(%arg10 : memref<80x32xf32, #tpu.memory_space<vmem>>) dst(%dma_wait3A_828 : memref<80x32xf32, #tpu.memory_space<vmem_shared>>)
      %add3A_829 = arith.constant 80 : i32
      %add3A_830 = arith.addi %mul3A_2, %add3A_829 : i32
      %dma_wait3A_831 = arith.constant 0 : i32
      %dma_wait3A_832 = tpu.memref_slice %arg11[%add3A_830, %dma_wait3A_831] : memref<10000x32xf32, #tpu.memory_space<vmem_shared>> -> memref<80x32xf32, #tpu.memory_space<vmem_shared>>
      %dma_wait3A_833 = arith.constant 0 : i32
      %dma_wait3A_834 = tpu.memref_slice %arg11[%add3A_830, %dma_wait3A_833] : memref<10000x32xf32, #tpu.memory_space<vmem_shared>> -> memref<80x32xf32, #tpu.memory_space<vmem_shared>>
      tpu.wait_dma2 semaphore(%arg12 : memref<!tpu.dma_semaphore, #tpu.memory_space<semaphore_mem>>) src(%arg10 : memref<80x32xf32, #tpu.memory_space<vmem>>) dst(%dma_wait3A_834 : memref<80x32xf32, #tpu.memory_space<vmem_shared>>)
      %add3A_835 = arith.constant 160 : i32
      %add3A_836 = arith.addi %mul3A_2, %add3A_835 : i32
      %dma_wait3A_837 = arith.constant 0 : i32
      %dma_wait3A_838 = tpu.memref_slice %arg11[%add3A_836, %dma_wait3A_837] : memref<10000x32xf32, #tpu.memory_space<vmem_shared>> -> memref<80x32xf32, #tpu.memory_space<vmem_shared>>
      %dma_wait3A_839 = arith.constant 0 : i32
      %dma_wait3A_840 = tpu.memref_slice %arg11[%add3A_836, %dma_wait3A_839] : memref<10000x32xf32, #tpu.memory_space<vmem_shared>> -> memref<80x32xf32, #tpu.memory_space<vmem_shared>>
      tpu.wait_dma2 semaphore(%arg12 : memref<!tpu.dma_semaphore, #tpu.memory_space<semaphore_mem>>) src(%arg10 : memref<80x32xf32, #tpu.memory_space<vmem>>) dst(%dma_wait3A_840 : memref<80x32xf32, #tpu.memory_space<vmem_shared>>)
      %add3A_841 = arith.constant 240 : i32
      %add3A_842 = arith.addi %mul3A_2, %add3A_841 : i32
      %dma_wait3A_843 = arith.constant 0 : i32
      %dma_wait3A_844 = tpu.memref_slice %arg11[%add3A_842, %dma_wait3A_843] : memref<10000x32xf32, #tpu.memory_space<vmem_shared>> -> memref<80x32xf32, #tpu.memory_space<vmem_shared>>
      %dma_wait3A_845 = arith.constant 0 : i32
      %dma_wait3A_846 = tpu.memref_slice %arg11[%add3A_842, %dma_wait3A_845] : memref<10000x32xf32, #tpu.memory_space<vmem_shared>> -> memref<80x32xf32, #tpu.memory_space<vmem_shared>>
      tpu.wait_dma2 semaphore(%arg12 : memref<!tpu.dma_semaphore, #tpu.memory_space<semaphore_mem>>) src(%arg10 : memref<80x32xf32, #tpu.memory_space<vmem>>) dst(%dma_wait3A_846 : memref<80x32xf32, #tpu.memory_space<vmem_shared>>)
      %add3A_847 = arith.constant 320 : i32
      %add3A_848 = arith.addi %mul3A_2, %add3A_847 : i32
      %dma_wait3A_849 = arith.constant 0 : i32
      %dma_wait3A_850 = tpu.memref_slice %arg11[%add3A_848, %dma_wait3A_849] : memref<10000x32xf32, #tpu.memory_space<vmem_shared>> -> memref<80x32xf32, #tpu.memory_space<vmem_shared>>
      %dma_wait3A_851 = arith.constant 0 : i32
      %dma_wait3A_852 = tpu.memref_slice %arg11[%add3A_848, %dma_wait3A_851] : memref<10000x32xf32, #tpu.memory_space<vmem_shared>> -> memref<80x32xf32, #tpu.memory_space<vmem_shared>>
      tpu.wait_dma2 semaphore(%arg12 : memref<!tpu.dma_semaphore, #tpu.memory_space<semaphore_mem>>) src(%arg10 : memref<80x32xf32, #tpu.memory_space<vmem>>) dst(%dma_wait3A_852 : memref<80x32xf32, #tpu.memory_space<vmem_shared>>)
    } else {
    }
    %barrier3A = arith.constant 0 : index
    tpu.barrier barrier_id(%barrier3A)
    %dma_start3A = arith.constant 0 : i32
    %dma_start3A_9 = arith.constant 0 : i32
    %dma_start3A_10 = arith.constant 0 : i32
    %dma_start3A_11 = arith.constant 0 : i32
    %dma_start3A_12 = tpu.memref_slice %arg9[%dma_start3A_9, %dma_start3A_10, %dma_start3A_11] : memref<8x125x32xf32, #tpu.memory_space<vmem>> -> memref<1x125x32xf32, #tpu.memory_space<vmem>>
    %dma_start3A_13 = tpu.memref_squeeze %dma_start3A_12 : memref<1x125x32xf32, #tpu.memory_space<vmem>> -> memref<125x32xf32, #tpu.memory_space<vmem>>
    %dma_start3A_14 = arith.constant 0 : i32
    %dma_start3A_15 = tpu.memref_slice %arg7[%dma_start3A, %dma_start3A_14] : memref<80x125xi32, #tpu.memory_space<vmem>> -> memref<1x125xi32, #tpu.memory_space<vmem>>
    %dma_start3A_16 = tpu.memref_squeeze %dma_start3A_15 : memref<1x125xi32, #tpu.memory_space<vmem>> -> memref<125xi32, #tpu.memory_space<vmem>>
    %dma_start3A_17 = arith.constant 0 : i32
    %dma_start3A_18 = arith.constant 0 : i32
    %dma_start3A_19 = tpu.memref_slice %arg2[%dma_start3A_17, %dma_start3A_18] : memref<10000x32xf32, #tpu.memory_space<hbm>> -> memref<10000x32xf32, #tpu.memory_space<hbm>>
    tpu.enqueue_indirect_dma source(%dma_start3A_19 : memref<10000x32xf32, #tpu.memory_space<hbm>>) target(%dma_start3A_13 : memref<125x32xf32, #tpu.memory_space<vmem>>) offsets(%dma_start3A_16 : memref<125xi32, #tpu.memory_space<vmem>>) semaphore(%arg12 : memref<!tpu.dma_semaphore, #tpu.memory_space<semaphore_mem>>)
    %dma_start3A_20 = arith.constant 1 : i32
    %dma_start3A_21 = arith.constant 1 : i32
    %dma_start3A_22 = arith.constant 0 : i32
    %dma_start3A_23 = arith.constant 0 : i32
    %dma_start3A_24 = tpu.memref_slice %arg9[%dma_start3A_21, %dma_start3A_22, %dma_start3A_23] : memref<8x125x32xf32, #tpu.memory_space<vmem>> -> memref<1x125x32xf32, #tpu.memory_space<vmem>>
    %dma_start3A_25 = tpu.memref_squeeze %dma_start3A_24 : memref<1x125x32xf32, #tpu.memory_space<vmem>> -> memref<125x32xf32, #tpu.memory_space<vmem>>
    %dma_start3A_26 = arith.constant 0 : i32
    %dma_start3A_27 = tpu.memref_slice %arg7[%dma_start3A_20, %dma_start3A_26] : memref<80x125xi32, #tpu.memory_space<vmem>> -> memref<1x125xi32, #tpu.memory_space<vmem>>
    %dma_start3A_28 = tpu.memref_squeeze %dma_start3A_27 : memref<1x125xi32, #tpu.memory_space<vmem>> -> memref<125xi32, #tpu.memory_space<vmem>>
    %dma_start3A_29 = arith.constant 0 : i32
    %dma_start3A_30 = arith.constant 0 : i32
    %dma_start3A_31 = tpu.memref_slice %arg2[%dma_start3A_29, %dma_start3A_30] : memref<10000x32xf32, #tpu.memory_space<hbm>> -> memref<10000x32xf32, #tpu.memory_space<hbm>>
    tpu.enqueue_indirect_dma source(%dma_start3A_31 : memref<10000x32xf32, #tpu.memory_space<hbm>>) target(%dma_start3A_25 : memref<125x32xf32, #tpu.memory_space<vmem>>) offsets(%dma_start3A_28 : memref<125xi32, #tpu.memory_space<vmem>>) semaphore(%arg13 : memref<!tpu.dma_semaphore, #tpu.memory_space<semaphore_mem>>)
    %dma_start3A_32 = arith.constant 2 : i32
    %dma_start3A_33 = arith.constant 2 : i32
    %dma_start3A_34 = arith.constant 0 : i32
    %dma_start3A_35 = arith.constant 0 : i32
    %dma_start3A_36 = tpu.memref_slice %arg9[%dma_start3A_33, %dma_start3A_34, %dma_start3A_35] : memref<8x125x32xf32, #tpu.memory_space<vmem>> -> memref<1x125x32xf32, #tpu.memory_space<vmem>>
    %dma_start3A_37 = tpu.memref_squeeze %dma_start3A_36 : memref<1x125x32xf32, #tpu.memory_space<vmem>> -> memref<125x32xf32, #tpu.memory_space<vmem>>
    %dma_start3A_38 = arith.constant 0 : i32
    %dma_start3A_39 = tpu.memref_slice %arg7[%dma_start3A_32, %dma_start3A_38] : memref<80x125xi32, #tpu.memory_space<vmem>> -> memref<1x125xi32, #tpu.memory_space<vmem>>
    %dma_start3A_40 = tpu.memref_squeeze %dma_start3A_39 : memref<1x125xi32, #tpu.memory_space<vmem>> -> memref<125xi32, #tpu.memory_space<vmem>>
    %dma_start3A_41 = arith.constant 0 : i32
    %dma_start3A_42 = arith.constant 0 : i32
    %dma_start3A_43 = tpu.memref_slice %arg2[%dma_start3A_41, %dma_start3A_42] : memref<10000x32xf32, #tpu.memory_space<hbm>> -> memref<10000x32xf32, #tpu.memory_space<hbm>>
    tpu.enqueue_indirect_dma source(%dma_start3A_43 : memref<10000x32xf32, #tpu.memory_space<hbm>>) target(%dma_start3A_37 : memref<125x32xf32, #tpu.memory_space<vmem>>) offsets(%dma_start3A_40 : memref<125xi32, #tpu.memory_space<vmem>>) semaphore(%arg14 : memref<!tpu.dma_semaphore, #tpu.memory_space<semaphore_mem>>)
    %dma_start3A_44 = arith.constant 3 : i32
    %dma_start3A_45 = arith.constant 3 : i32
    %dma_start3A_46 = arith.constant 0 : i32
    %dma_start3A_47 = arith.constant 0 : i32
    %dma_start3A_48 = tpu.memref_slice %arg9[%dma_start3A_45, %dma_start3A_46, %dma_start3A_47] : memref<8x125x32xf32, #tpu.memory_space<vmem>> -> memref<1x125x32xf32, #tpu.memory_space<vmem>>
    %dma_start3A_49 = tpu.memref_squeeze %dma_start3A_48 : memref<1x125x32xf32, #tpu.memory_space<vmem>> -> memref<125x32xf32, #tpu.memory_space<vmem>>
    %dma_start3A_50 = arith.constant 0 : i32
    %dma_start3A_51 = tpu.memref_slice %arg7[%dma_start3A_44, %dma_start3A_50] : memref<80x125xi32, #tpu.memory_space<vmem>> -> memref<1x125xi32, #tpu.memory_space<vmem>>
    %dma_start3A_52 = tpu.memref_squeeze %dma_start3A_51 : memref<1x125xi32, #tpu.memory_space<vmem>> -> memref<125xi32, #tpu.memory_space<vmem>>
    %dma_start3A_53 = arith.constant 0 : i32
    %dma_start3A_54 = arith.constant 0 : i32
    %dma_start3A_55 = tpu.memref_slice %arg2[%dma_start3A_53, %dma_start3A_54] : memref<10000x32xf32, #tpu.memory_space<hbm>> -> memref<10000x32xf32, #tpu.memory_space<hbm>>
    tpu.enqueue_indirect_dma source(%dma_start3A_55 : memref<10000x32xf32, #tpu.memory_space<hbm>>) target(%dma_start3A_49 : memref<125x32xf32, #tpu.memory_space<vmem>>) offsets(%dma_start3A_52 : memref<125xi32, #tpu.memory_space<vmem>>) semaphore(%arg15 : memref<!tpu.dma_semaphore, #tpu.memory_space<semaphore_mem>>)
    %dma_start3A_56 = arith.constant 4 : i32
    %dma_start3A_57 = arith.constant 4 : i32
    %dma_start3A_58 = arith.constant 0 : i32
    %dma_start3A_59 = arith.constant 0 : i32
    %dma_start3A_60 = tpu.memref_slice %arg9[%dma_start3A_57, %dma_start3A_58, %dma_start3A_59] : memref<8x125x32xf32, #tpu.memory_space<vmem>> -> memref<1x125x32xf32, #tpu.memory_space<vmem>>
    %dma_start3A_61 = tpu.memref_squeeze %dma_start3A_60 : memref<1x125x32xf32, #tpu.memory_space<vmem>> -> memref<125x32xf32, #tpu.memory_space<vmem>>
    %dma_start3A_62 = arith.constant 0 : i32
    %dma_start3A_63 = tpu.memref_slice %arg7[%dma_start3A_56, %dma_start3A_62] : memref<80x125xi32, #tpu.memory_space<vmem>> -> memref<1x125xi32, #tpu.memory_space<vmem>>
    %dma_start3A_64 = tpu.memref_squeeze %dma_start3A_63 : memref<1x125xi32, #tpu.memory_space<vmem>> -> memref<125xi32, #tpu.memory_space<vmem>>
    %dma_start3A_65 = arith.constant 0 : i32
    %dma_start3A_66 = arith.constant 0 : i32
    %dma_start3A_67 = tpu.memref_slice %arg2[%dma_start3A_65, %dma_start3A_66] : memref<10000x32xf32, #tpu.memory_space<hbm>> -> memref<10000x32xf32, #tpu.memory_space<hbm>>
    tpu.enqueue_indirect_dma source(%dma_start3A_67 : memref<10000x32xf32, #tpu.memory_space<hbm>>) target(%dma_start3A_61 : memref<125x32xf32, #tpu.memory_space<vmem>>) offsets(%dma_start3A_64 : memref<125xi32, #tpu.memory_space<vmem>>) semaphore(%arg16 : memref<!tpu.dma_semaphore, #tpu.memory_space<semaphore_mem>>)
    %dma_wait3A = arith.constant 0 : i32
    %dma_wait3A_68 = arith.constant 0 : i32
    %dma_wait3A_69 = arith.constant 0 : i32
    %dma_wait3A_70 = arith.constant 0 : i32
    %dma_wait3A_71 = tpu.memref_slice %arg9[%dma_wait3A_68, %dma_wait3A_69, %dma_wait3A_70] : memref<8x125x32xf32, #tpu.memory_space<vmem>> -> memref<1x125x32xf32, #tpu.memory_space<vmem>>
    %dma_wait3A_72 = tpu.memref_squeeze %dma_wait3A_71 : memref<1x125x32xf32, #tpu.memory_space<vmem>> -> memref<125x32xf32, #tpu.memory_space<vmem>>
    %dma_wait3A_73 = arith.constant 0 : i32
    %dma_wait3A_74 = tpu.memref_slice %arg7[%dma_wait3A, %dma_wait3A_73] : memref<80x125xi32, #tpu.memory_space<vmem>> -> memref<1x125xi32, #tpu.memory_space<vmem>>
    %dma_wait3A_75 = tpu.memref_squeeze %dma_wait3A_74 : memref<1x125xi32, #tpu.memory_space<vmem>> -> memref<125xi32, #tpu.memory_space<vmem>>
    %dma_wait3A_76 = arith.constant 0 : i32
    %dma_wait3A_77 = arith.constant 0 : i32
    %dma_wait3A_78 = tpu.memref_slice %arg2[%dma_wait3A_76, %dma_wait3A_77] : memref<10000x32xf32, #tpu.memory_space<hbm>> -> memref<10000x32xf32, #tpu.memory_space<hbm>>
    tpu.wait_indirect_dma semaphore(%arg12 : memref<!tpu.dma_semaphore, #tpu.memory_space<semaphore_mem>>) src(%dma_wait3A_78 : memref<10000x32xf32, #tpu.memory_space<hbm>>) dst(%dma_wait3A_72 : memref<125x32xf32, #tpu.memory_space<vmem>>)
    %dma_start3A_79 = arith.constant 0 : i32
    %dma_start3A_80 = arith.constant 0 : i32
    %dma_start3A_81 = arith.constant 0 : i32
    %dma_start3A_82 = arith.constant 0 : i32
    %dma_start3A_83 = tpu.memref_slice %arg9[%dma_start3A_79, %dma_start3A_81, %dma_start3A_82] : memref<8x125x32xf32, #tpu.memory_space<vmem>> -> memref<1x125x32xf32, #tpu.memory_space<vmem>>
    %dma_start3A_84 = tpu.memref_squeeze %dma_start3A_83 : memref<1x125x32xf32, #tpu.memory_space<vmem>> -> memref<125x32xf32, #tpu.memory_space<vmem>>
    %dma_start3A_85 = arith.constant 0 : i32
    %dma_start3A_86 = tpu.memref_slice %arg8[%dma_start3A_80, %dma_start3A_85] : memref<80x125xi32, #tpu.memory_space<vmem>> -> memref<1x125xi32, #tpu.memory_space<vmem>>
    %dma_start3A_87 = tpu.memref_squeeze %dma_start3A_86 : memref<1x125xi32, #tpu.memory_space<vmem>> -> memref<125xi32, #tpu.memory_space<vmem>>
    %dma_start3A_88 = arith.constant 0 : i32
    %dma_start3A_89 = arith.constant 0 : i32
    %dma_start3A_90 = tpu.memref_slice %arg11[%dma_start3A_88, %dma_start3A_89] : memref<10000x32xf32, #tpu.memory_space<vmem_shared>> -> memref<10000x32xf32, #tpu.memory_space<vmem_shared>>
    tpu.enqueue_indirect_dma source(%dma_start3A_84 : memref<125x32xf32, #tpu.memory_space<vmem>>) target(%dma_start3A_90 : memref<10000x32xf32, #tpu.memory_space<vmem_shared>>) offsets(%dma_start3A_87 : memref<125xi32, #tpu.memory_space<vmem>>) semaphore(%arg20 : memref<!tpu.dma_semaphore, #tpu.memory_space<semaphore_mem>>) {add = true}
    %dma_start3A_91 = arith.constant 5 : i32
    %dma_start3A_92 = arith.constant 5 : i32
    %dma_start3A_93 = arith.constant 0 : i32
    %dma_start3A_94 = arith.constant 0 : i32
    %dma_start3A_95 = tpu.memref_slice %arg9[%dma_start3A_92, %dma_start3A_93, %dma_start3A_94] : memref<8x125x32xf32, #tpu.memory_space<vmem>> -> memref<1x125x32xf32, #tpu.memory_space<vmem>>
    %dma_start3A_96 = tpu.memref_squeeze %dma_start3A_95 : memref<1x125x32xf32, #tpu.memory_space<vmem>> -> memref<125x32xf32, #tpu.memory_space<vmem>>
    %dma_start3A_97 = arith.constant 0 : i32
    %dma_start3A_98 = tpu.memref_slice %arg7[%dma_start3A_91, %dma_start3A_97] : memref<80x125xi32, #tpu.memory_space<vmem>> -> memref<1x125xi32, #tpu.memory_space<vmem>>
    %dma_start3A_99 = tpu.memref_squeeze %dma_start3A_98 : memref<1x125xi32, #tpu.memory_space<vmem>> -> memref<125xi32, #tpu.memory_space<vmem>>
    %dma_start3A_100 = arith.constant 0 : i32
    %dma_start3A_101 = arith.constant 0 : i32
    %dma_start3A_102 = tpu.memref_slice %arg2[%dma_start3A_100, %dma_start3A_101] : memref<10000x32xf32, #tpu.memory_space<hbm>> -> memref<10000x32xf32, #tpu.memory_space<hbm>>
    tpu.enqueue_indirect_dma source(%dma_start3A_102 : memref<10000x32xf32, #tpu.memory_space<hbm>>) target(%dma_start3A_96 : memref<125x32xf32, #tpu.memory_space<vmem>>) offsets(%dma_start3A_99 : memref<125xi32, #tpu.memory_space<vmem>>) semaphore(%arg17 : memref<!tpu.dma_semaphore, #tpu.memory_space<semaphore_mem>>)
    %dma_wait3A_103 = arith.constant 1 : i32
    %dma_wait3A_104 = arith.constant 1 : i32
    %dma_wait3A_105 = arith.constant 0 : i32
    %dma_wait3A_106 = arith.constant 0 : i32
    %dma_wait3A_107 = tpu.memref_slice %arg9[%dma_wait3A_104, %dma_wait3A_105, %dma_wait3A_106] : memref<8x125x32xf32, #tpu.memory_space<vmem>> -> memref<1x125x32xf32, #tpu.memory_space<vmem>>
    %dma_wait3A_108 = tpu.memref_squeeze %dma_wait3A_107 : memref<1x125x32xf32, #tpu.memory_space<vmem>> -> memref<125x32xf32, #tpu.memory_space<vmem>>
    %dma_wait3A_109 = arith.constant 0 : i32
    %dma_wait3A_110 = tpu.memref_slice %arg7[%dma_wait3A_103, %dma_wait3A_109] : memref<80x125xi32, #tpu.memory_space<vmem>> -> memref<1x125xi32, #tpu.memory_space<vmem>>
    %dma_wait3A_111 = tpu.memref_squeeze %dma_wait3A_110 : memref<1x125xi32, #tpu.memory_space<vmem>> -> memref<125xi32, #tpu.memory_space<vmem>>
    %dma_wait3A_112 = arith.constant 0 : i32
    %dma_wait3A_113 = arith.constant 0 : i32
    %dma_wait3A_114 = tpu.memref_slice %arg2[%dma_wait3A_112, %dma_wait3A_113] : memref<10000x32xf32, #tpu.memory_space<hbm>> -> memref<10000x32xf32, #tpu.memory_space<hbm>>
    tpu.wait_indirect_dma semaphore(%arg13 : memref<!tpu.dma_semaphore, #tpu.memory_space<semaphore_mem>>) src(%dma_wait3A_114 : memref<10000x32xf32, #tpu.memory_space<hbm>>) dst(%dma_wait3A_108 : memref<125x32xf32, #tpu.memory_space<vmem>>)
    %dma_start3A_115 = arith.constant 1 : i32
    %dma_start3A_116 = arith.constant 1 : i32
    %dma_start3A_117 = arith.constant 0 : i32
    %dma_start3A_118 = arith.constant 0 : i32
    %dma_start3A_119 = tpu.memref_slice %arg9[%dma_start3A_115, %dma_start3A_117, %dma_start3A_118] : memref<8x125x32xf32, #tpu.memory_space<vmem>> -> memref<1x125x32xf32, #tpu.memory_space<vmem>>
    %dma_start3A_120 = tpu.memref_squeeze %dma_start3A_119 : memref<1x125x32xf32, #tpu.memory_space<vmem>> -> memref<125x32xf32, #tpu.memory_space<vmem>>
    %dma_start3A_121 = arith.constant 0 : i32
    %dma_start3A_122 = tpu.memref_slice %arg8[%dma_start3A_116, %dma_start3A_121] : memref<80x125xi32, #tpu.memory_space<vmem>> -> memref<1x125xi32, #tpu.memory_space<vmem>>
    %dma_start3A_123 = tpu.memref_squeeze %dma_start3A_122 : memref<1x125xi32, #tpu.memory_space<vmem>> -> memref<125xi32, #tpu.memory_space<vmem>>
    %dma_start3A_124 = arith.constant 0 : i32
    %dma_start3A_125 = arith.constant 0 : i32
    %dma_start3A_126 = tpu.memref_slice %arg11[%dma_start3A_124, %dma_start3A_125] : memref<10000x32xf32, #tpu.memory_space<vmem_shared>> -> memref<10000x32xf32, #tpu.memory_space<vmem_shared>>
    tpu.enqueue_indirect_dma source(%dma_start3A_120 : memref<125x32xf32, #tpu.memory_space<vmem>>) target(%dma_start3A_126 : memref<10000x32xf32, #tpu.memory_space<vmem_shared>>) offsets(%dma_start3A_123 : memref<125xi32, #tpu.memory_space<vmem>>) semaphore(%arg21 : memref<!tpu.dma_semaphore, #tpu.memory_space<semaphore_mem>>) {add = true}
    %dma_start3A_127 = arith.constant 6 : i32
    %dma_start3A_128 = arith.constant 6 : i32
    %dma_start3A_129 = arith.constant 0 : i32
    %dma_start3A_130 = arith.constant 0 : i32
    %dma_start3A_131 = tpu.memref_slice %arg9[%dma_start3A_128, %dma_start3A_129, %dma_start3A_130] : memref<8x125x32xf32, #tpu.memory_space<vmem>> -> memref<1x125x32xf32, #tpu.memory_space<vmem>>
    %dma_start3A_132 = tpu.memref_squeeze %dma_start3A_131 : memref<1x125x32xf32, #tpu.memory_space<vmem>> -> memref<125x32xf32, #tpu.memory_space<vmem>>
    %dma_start3A_133 = arith.constant 0 : i32
    %dma_start3A_134 = tpu.memref_slice %arg7[%dma_start3A_127, %dma_start3A_133] : memref<80x125xi32, #tpu.memory_space<vmem>> -> memref<1x125xi32, #tpu.memory_space<vmem>>
    %dma_start3A_135 = tpu.memref_squeeze %dma_start3A_134 : memref<1x125xi32, #tpu.memory_space<vmem>> -> memref<125xi32, #tpu.memory_space<vmem>>
    %dma_start3A_136 = arith.constant 0 : i32
    %dma_start3A_137 = arith.constant 0 : i32
    %dma_start3A_138 = tpu.memref_slice %arg2[%dma_start3A_136, %dma_start3A_137] : memref<10000x32xf32, #tpu.memory_space<hbm>> -> memref<10000x32xf32, #tpu.memory_space<hbm>>
    tpu.enqueue_indirect_dma source(%dma_start3A_138 : memref<10000x32xf32, #tpu.memory_space<hbm>>) target(%dma_start3A_132 : memref<125x32xf32, #tpu.memory_space<vmem>>) offsets(%dma_start3A_135 : memref<125xi32, #tpu.memory_space<vmem>>) semaphore(%arg18 : memref<!tpu.dma_semaphore, #tpu.memory_space<semaphore_mem>>)
    %dma_wait3A_139 = arith.constant 2 : i32
    %dma_wait3A_140 = arith.constant 2 : i32
    %dma_wait3A_141 = arith.constant 0 : i32
    %dma_wait3A_142 = arith.constant 0 : i32
    %dma_wait3A_143 = tpu.memref_slice %arg9[%dma_wait3A_140, %dma_wait3A_141, %dma_wait3A_142] : memref<8x125x32xf32, #tpu.memory_space<vmem>> -> memref<1x125x32xf32, #tpu.memory_space<vmem>>
    %dma_wait3A_144 = tpu.memref_squeeze %dma_wait3A_143 : memref<1x125x32xf32, #tpu.memory_space<vmem>> -> memref<125x32xf32, #tpu.memory_space<vmem>>
    %dma_wait3A_145 = arith.constant 0 : i32
    %dma_wait3A_146 = tpu.memref_slice %arg7[%dma_wait3A_139, %dma_wait3A_145] : memref<80x125xi32, #tpu.memory_space<vmem>> -> memref<1x125xi32, #tpu.memory_space<vmem>>
    %dma_wait3A_147 = tpu.memref_squeeze %dma_wait3A_146 : memref<1x125xi32, #tpu.memory_space<vmem>> -> memref<125xi32, #tpu.memory_space<vmem>>
    %dma_wait3A_148 = arith.constant 0 : i32
    %dma_wait3A_149 = arith.constant 0 : i32
    %dma_wait3A_150 = tpu.memref_slice %arg2[%dma_wait3A_148, %dma_wait3A_149] : memref<10000x32xf32, #tpu.memory_space<hbm>> -> memref<10000x32xf32, #tpu.memory_space<hbm>>
    tpu.wait_indirect_dma semaphore(%arg14 : memref<!tpu.dma_semaphore, #tpu.memory_space<semaphore_mem>>) src(%dma_wait3A_150 : memref<10000x32xf32, #tpu.memory_space<hbm>>) dst(%dma_wait3A_144 : memref<125x32xf32, #tpu.memory_space<vmem>>)
    %dma_start3A_151 = arith.constant 2 : i32
    %dma_start3A_152 = arith.constant 2 : i32
    %dma_start3A_153 = arith.constant 0 : i32
    %dma_start3A_154 = arith.constant 0 : i32
    %dma_start3A_155 = tpu.memref_slice %arg9[%dma_start3A_151, %dma_start3A_153, %dma_start3A_154] : memref<8x125x32xf32, #tpu.memory_space<vmem>> -> memref<1x125x32xf32, #tpu.memory_space<vmem>>
    %dma_start3A_156 = tpu.memref_squeeze %dma_start3A_155 : memref<1x125x32xf32, #tpu.memory_space<vmem>> -> memref<125x32xf32, #tpu.memory_space<vmem>>
    %dma_start3A_157 = arith.constant 0 : i32
    %dma_start3A_158 = tpu.memref_slice %arg8[%dma_start3A_152, %dma_start3A_157] : memref<80x125xi32, #tpu.memory_space<vmem>> -> memref<1x125xi32, #tpu.memory_space<vmem>>
    %dma_start3A_159 = tpu.memref_squeeze %dma_start3A_158 : memref<1x125xi32, #tpu.memory_space<vmem>> -> memref<125xi32, #tpu.memory_space<vmem>>
    %dma_start3A_160 = arith.constant 0 : i32
    %dma_start3A_161 = arith.constant 0 : i32
    %dma_start3A_162 = tpu.memref_slice %arg11[%dma_start3A_160, %dma_start3A_161] : memref<10000x32xf32, #tpu.memory_space<vmem_shared>> -> memref<10000x32xf32, #tpu.memory_space<vmem_shared>>
    tpu.enqueue_indirect_dma source(%dma_start3A_156 : memref<125x32xf32, #tpu.memory_space<vmem>>) target(%dma_start3A_162 : memref<10000x32xf32, #tpu.memory_space<vmem_shared>>) offsets(%dma_start3A_159 : memref<125xi32, #tpu.memory_space<vmem>>) semaphore(%arg22 : memref<!tpu.dma_semaphore, #tpu.memory_space<semaphore_mem>>) {add = true}
    %dma_start3A_163 = arith.constant 7 : i32
    %dma_start3A_164 = arith.constant 7 : i32
    %dma_start3A_165 = arith.constant 0 : i32
    %dma_start3A_166 = arith.constant 0 : i32
    %dma_start3A_167 = tpu.memref_slice %arg9[%dma_start3A_164, %dma_start3A_165, %dma_start3A_166] : memref<8x125x32xf32, #tpu.memory_space<vmem>> -> memref<1x125x32xf32, #tpu.memory_space<vmem>>
    %dma_start3A_168 = tpu.memref_squeeze %dma_start3A_167 : memref<1x125x32xf32, #tpu.memory_space<vmem>> -> memref<125x32xf32, #tpu.memory_space<vmem>>
    %dma_start3A_169 = arith.constant 0 : i32
    %dma_start3A_170 = tpu.memref_slice %arg7[%dma_start3A_163, %dma_start3A_169] : memref<80x125xi32, #tpu.memory_space<vmem>> -> memref<1x125xi32, #tpu.memory_space<vmem>>
    %dma_start3A_171 = tpu.memref_squeeze %dma_start3A_170 : memref<1x125xi32, #tpu.memory_space<vmem>> -> memref<125xi32, #tpu.memory_space<vmem>>
    %dma_start3A_172 = arith.constant 0 : i32
    %dma_start3A_173 = arith.constant 0 : i32
    %dma_start3A_174 = tpu.memref_slice %arg2[%dma_start3A_172, %dma_start3A_173] : memref<10000x32xf32, #tpu.memory_space<hbm>> -> memref<10000x32xf32, #tpu.memory_space<hbm>>
    tpu.enqueue_indirect_dma source(%dma_start3A_174 : memref<10000x32xf32, #tpu.memory_space<hbm>>) target(%dma_start3A_168 : memref<125x32xf32, #tpu.memory_space<vmem>>) offsets(%dma_start3A_171 : memref<125xi32, #tpu.memory_space<vmem>>) semaphore(%arg19 : memref<!tpu.dma_semaphore, #tpu.memory_space<semaphore_mem>>)
    %dma_wait3A_175 = arith.constant 3 : i32
    %dma_wait3A_176 = arith.constant 3 : i32
    %dma_wait3A_177 = arith.constant 0 : i32
    %dma_wait3A_178 = arith.constant 0 : i32
    %dma_wait3A_179 = tpu.memref_slice %arg9[%dma_wait3A_176, %dma_wait3A_177, %dma_wait3A_178] : memref<8x125x32xf32, #tpu.memory_space<vmem>> -> memref<1x125x32xf32, #tpu.memory_space<vmem>>
    %dma_wait3A_180 = tpu.memref_squeeze %dma_wait3A_179 : memref<1x125x32xf32, #tpu.memory_space<vmem>> -> memref<125x32xf32, #tpu.memory_space<vmem>>
    %dma_wait3A_181 = arith.constant 0 : i32
    %dma_wait3A_182 = tpu.memref_slice %arg7[%dma_wait3A_175, %dma_wait3A_181] : memref<80x125xi32, #tpu.memory_space<vmem>> -> memref<1x125xi32, #tpu.memory_space<vmem>>
    %dma_wait3A_183 = tpu.memref_squeeze %dma_wait3A_182 : memref<1x125xi32, #tpu.memory_space<vmem>> -> memref<125xi32, #tpu.memory_space<vmem>>
    %dma_wait3A_184 = arith.constant 0 : i32
    %dma_wait3A_185 = arith.constant 0 : i32
    %dma_wait3A_186 = tpu.memref_slice %arg2[%dma_wait3A_184, %dma_wait3A_185] : memref<10000x32xf32, #tpu.memory_space<hbm>> -> memref<10000x32xf32, #tpu.memory_space<hbm>>
    tpu.wait_indirect_dma semaphore(%arg15 : memref<!tpu.dma_semaphore, #tpu.memory_space<semaphore_mem>>) src(%dma_wait3A_186 : memref<10000x32xf32, #tpu.memory_space<hbm>>) dst(%dma_wait3A_180 : memref<125x32xf32, #tpu.memory_space<vmem>>)
    %dma_start3A_187 = arith.constant 3 : i32
    %dma_start3A_188 = arith.constant 3 : i32
    %dma_start3A_189 = arith.constant 0 : i32
    %dma_start3A_190 = arith.constant 0 : i32
    %dma_start3A_191 = tpu.memref_slice %arg9[%dma_start3A_187, %dma_start3A_189, %dma_start3A_190] : memref<8x125x32xf32, #tpu.memory_space<vmem>> -> memref<1x125x32xf32, #tpu.memory_space<vmem>>
    %dma_start3A_192 = tpu.memref_squeeze %dma_start3A_191 : memref<1x125x32xf32, #tpu.memory_space<vmem>> -> memref<125x32xf32, #tpu.memory_space<vmem>>
    %dma_start3A_193 = arith.constant 0 : i32
    %dma_start3A_194 = tpu.memref_slice %arg8[%dma_start3A_188, %dma_start3A_193] : memref<80x125xi32, #tpu.memory_space<vmem>> -> memref<1x125xi32, #tpu.memory_space<vmem>>
    %dma_start3A_195 = tpu.memref_squeeze %dma_start3A_194 : memref<1x125xi32, #tpu.memory_space<vmem>> -> memref<125xi32, #tpu.memory_space<vmem>>
    %dma_start3A_196 = arith.constant 0 : i32
    %dma_start3A_197 = arith.constant 0 : i32
    %dma_start3A_198 = tpu.memref_slice %arg11[%dma_start3A_196, %dma_start3A_197] : memref<10000x32xf32, #tpu.memory_space<vmem_shared>> -> memref<10000x32xf32, #tpu.memory_space<vmem_shared>>
    tpu.enqueue_indirect_dma source(%dma_start3A_192 : memref<125x32xf32, #tpu.memory_space<vmem>>) target(%dma_start3A_198 : memref<10000x32xf32, #tpu.memory_space<vmem_shared>>) offsets(%dma_start3A_195 : memref<125xi32, #tpu.memory_space<vmem>>) semaphore(%arg23 : memref<!tpu.dma_semaphore, #tpu.memory_space<semaphore_mem>>) {add = true}
    %dma_wait3A_199 = arith.constant 0 : i32
    %dma_wait3A_200 = arith.constant 0 : i32
    %dma_wait3A_201 = arith.constant 0 : i32
    %dma_wait3A_202 = arith.constant 0 : i32
    %dma_wait3A_203 = tpu.memref_slice %arg9[%dma_wait3A_199, %dma_wait3A_201, %dma_wait3A_202] : memref<8x125x32xf32, #tpu.memory_space<vmem>> -> memref<1x125x32xf32, #tpu.memory_space<vmem>>
    %dma_wait3A_204 = tpu.memref_squeeze %dma_wait3A_203 : memref<1x125x32xf32, #tpu.memory_space<vmem>> -> memref<125x32xf32, #tpu.memory_space<vmem>>
    %dma_wait3A_205 = arith.constant 0 : i32
    %dma_wait3A_206 = tpu.memref_slice %arg8[%dma_wait3A_200, %dma_wait3A_205] : memref<80x125xi32, #tpu.memory_space<vmem>> -> memref<1x125xi32, #tpu.memory_space<vmem>>
    %dma_wait3A_207 = tpu.memref_squeeze %dma_wait3A_206 : memref<1x125xi32, #tpu.memory_space<vmem>> -> memref<125xi32, #tpu.memory_space<vmem>>
    %dma_wait3A_208 = arith.constant 0 : i32
    %dma_wait3A_209 = arith.constant 0 : i32
    %dma_wait3A_210 = tpu.memref_slice %arg11[%dma_wait3A_208, %dma_wait3A_209] : memref<10000x32xf32, #tpu.memory_space<vmem_shared>> -> memref<10000x32xf32, #tpu.memory_space<vmem_shared>>
    tpu.wait_indirect_dma semaphore(%arg20 : memref<!tpu.dma_semaphore, #tpu.memory_space<semaphore_mem>>) src(%dma_wait3A_204 : memref<125x32xf32, #tpu.memory_space<vmem>>) dst(%dma_wait3A_210 : memref<10000x32xf32, #tpu.memory_space<vmem_shared>>)
    %dma_start3A_211 = arith.constant 8 : i32
    %dma_start3A_212 = arith.constant 0 : i32
    %dma_start3A_213 = arith.constant 0 : i32
    %dma_start3A_214 = arith.constant 0 : i32
    %dma_start3A_215 = tpu.memref_slice %arg9[%dma_start3A_212, %dma_start3A_213, %dma_start3A_214] : memref<8x125x32xf32, #tpu.memory_space<vmem>> -> memref<1x125x32xf32, #tpu.memory_space<vmem>>
    %dma_start3A_216 = tpu.memref_squeeze %dma_start3A_215 : memref<1x125x32xf32, #tpu.memory_space<vmem>> -> memref<125x32xf32, #tpu.memory_space<vmem>>
    %dma_start3A_217 = arith.constant 0 : i32
    %dma_start3A_218 = tpu.memref_slice %arg7[%dma_start3A_211, %dma_start3A_217] : memref<80x125xi32, #tpu.memory_space<vmem>> -> memref<1x125xi32, #tpu.memory_space<vmem>>
    %dma_start3A_219 = tpu.memref_squeeze %dma_start3A_218 : memref<1x125xi32, #tpu.memory_space<vmem>> -> memref<125xi32, #tpu.memory_space<vmem>>
    %dma_start3A_220 = arith.constant 0 : i32
    %dma_start3A_221 = arith.constant 0 : i32
    %dma_start3A_222 = tpu.memref_slice %arg2[%dma_start3A_220, %dma_start3A_221] : memref<10000x32xf32, #tpu.memory_space<hbm>> -> memref<10000x32xf32, #tpu.memory_space<hbm>>
    tpu.enqueue_indirect_dma source(%dma_start3A_222 : memref<10000x32xf32, #tpu.memory_space<hbm>>) target(%dma_start3A_216 : memref<125x32xf32, #tpu.memory_space<vmem>>) offsets(%dma_start3A_219 : memref<125xi32, #tpu.memory_space<vmem>>) semaphore(%arg12 : memref<!tpu.dma_semaphore, #tpu.memory_space<semaphore_mem>>)
    %dma_wait3A_223 = arith.constant 4 : i32
    %dma_wait3A_224 = arith.constant 4 : i32
    %dma_wait3A_225 = arith.constant 0 : i32
    %dma_wait3A_226 = arith.constant 0 : i32
    %dma_wait3A_227 = tpu.memref_slice %arg9[%dma_wait3A_224, %dma_wait3A_225, %dma_wait3A_226] : memref<8x125x32xf32, #tpu.memory_space<vmem>> -> memref<1x125x32xf32, #tpu.memory_space<vmem>>
    %dma_wait3A_228 = tpu.memref_squeeze %dma_wait3A_227 : memref<1x125x32xf32, #tpu.memory_space<vmem>> -> memref<125x32xf32, #tpu.memory_space<vmem>>
    %dma_wait3A_229 = arith.constant 0 : i32
    %dma_wait3A_230 = tpu.memref_slice %arg7[%dma_wait3A_223, %dma_wait3A_229] : memref<80x125xi32, #tpu.memory_space<vmem>> -> memref<1x125xi32, #tpu.memory_space<vmem>>
    %dma_wait3A_231 = tpu.memref_squeeze %dma_wait3A_230 : memref<1x125xi32, #tpu.memory_space<vmem>> -> memref<125xi32, #tpu.memory_space<vmem>>
    %dma_wait3A_232 = arith.constant 0 : i32
    %dma_wait3A_233 = arith.constant 0 : i32
    %dma_wait3A_234 = tpu.memref_slice %arg2[%dma_wait3A_232, %dma_wait3A_233] : memref<10000x32xf32, #tpu.memory_space<hbm>> -> memref<10000x32xf32, #tpu.memory_space<hbm>>
    tpu.wait_indirect_dma semaphore(%arg16 : memref<!tpu.dma_semaphore, #tpu.memory_space<semaphore_mem>>) src(%dma_wait3A_234 : memref<10000x32xf32, #tpu.memory_space<hbm>>) dst(%dma_wait3A_228 : memref<125x32xf32, #tpu.memory_space<vmem>>)
    %dma_start3A_235 = arith.constant 4 : i32
    %dma_start3A_236 = arith.constant 4 : i32
    %dma_start3A_237 = arith.constant 0 : i32
    %dma_start3A_238 = arith.constant 0 : i32
    %dma_start3A_239 = tpu.memref_slice %arg9[%dma_start3A_235, %dma_start3A_237, %dma_start3A_238] : memref<8x125x32xf32, #tpu.memory_space<vmem>> -> memref<1x125x32xf32, #tpu.memory_space<vmem>>
    %dma_start3A_240 = tpu.memref_squeeze %dma_start3A_239 : memref<1x125x32xf32, #tpu.memory_space<vmem>> -> memref<125x32xf32, #tpu.memory_space<vmem>>
    %dma_start3A_241 = arith.constant 0 : i32
    %dma_start3A_242 = tpu.memref_slice %arg8[%dma_start3A_236, %dma_start3A_241] : memref<80x125xi32, #tpu.memory_space<vmem>> -> memref<1x125xi32, #tpu.memory_space<vmem>>
    %dma_start3A_243 = tpu.memref_squeeze %dma_start3A_242 : memref<1x125xi32, #tpu.memory_space<vmem>> -> memref<125xi32, #tpu.memory_space<vmem>>
    %dma_start3A_244 = arith.constant 0 : i32
    %dma_start3A_245 = arith.constant 0 : i32
    %dma_start3A_246 = tpu.memref_slice %arg11[%dma_start3A_244, %dma_start3A_245] : memref<10000x32xf32, #tpu.memory_space<vmem_shared>> -> memref<10000x32xf32, #tpu.memory_space<vmem_shared>>
    tpu.enqueue_indirect_dma source(%dma_start3A_240 : memref<125x32xf32, #tpu.memory_space<vmem>>) target(%dma_start3A_246 : memref<10000x32xf32, #tpu.memory_space<vmem_shared>>) offsets(%dma_start3A_243 : memref<125xi32, #tpu.memory_space<vmem>>) semaphore(%arg24 : memref<!tpu.dma_semaphore, #tpu.memory_space<semaphore_mem>>) {add = true}
    %dma_wait3A_247 = arith.constant 1 : i32
    %dma_wait3A_248 = arith.constant 1 : i32
    %dma_wait3A_249 = arith.constant 0 : i32
    %dma_wait3A_250 = arith.constant 0 : i32
    %dma_wait3A_251 = tpu.memref_slice %arg9[%dma_wait3A_247, %dma_wait3A_249, %dma_wait3A_250] : memref<8x125x32xf32, #tpu.memory_space<vmem>> -> memref<1x125x32xf32, #tpu.memory_space<vmem>>
    %dma_wait3A_252 = tpu.memref_squeeze %dma_wait3A_251 : memref<1x125x32xf32, #tpu.memory_space<vmem>> -> memref<125x32xf32, #tpu.memory_space<vmem>>
    %dma_wait3A_253 = arith.constant 0 : i32
    %dma_wait3A_254 = tpu.memref_slice %arg8[%dma_wait3A_248, %dma_wait3A_253] : memref<80x125xi32, #tpu.memory_space<vmem>> -> memref<1x125xi32, #tpu.memory_space<vmem>>
    %dma_wait3A_255 = tpu.memref_squeeze %dma_wait3A_254 : memref<1x125xi32, #tpu.memory_space<vmem>> -> memref<125xi32, #tpu.memory_space<vmem>>
    %dma_wait3A_256 = arith.constant 0 : i32
    %dma_wait3A_257 = arith.constant 0 : i32
    %dma_wait3A_258 = tpu.memref_slice %arg11[%dma_wait3A_256, %dma_wait3A_257] : memref<10000x32xf32, #tpu.memory_space<vmem_shared>> -> memref<10000x32xf32, #tpu.memory_space<vmem_shared>>
    tpu.wait_indirect_dma semaphore(%arg21 : memref<!tpu.dma_semaphore, #tpu.memory_space<semaphore_mem>>) src(%dma_wait3A_252 : memref<125x32xf32, #tpu.memory_space<vmem>>) dst(%dma_wait3A_258 : memref<10000x32xf32, #tpu.memory_space<vmem_shared>>)
    %dma_start3A_259 = arith.constant 9 : i32
    %dma_start3A_260 = arith.constant 1 : i32
    %dma_start3A_261 = arith.constant 0 : i32
    %dma_start3A_262 = arith.constant 0 : i32
    %dma_start3A_263 = tpu.memref_slice %arg9[%dma_start3A_260, %dma_start3A_261, %dma_start3A_262] : memref<8x125x32xf32, #tpu.memory_space<vmem>> -> memref<1x125x32xf32, #tpu.memory_space<vmem>>
    %dma_start3A_264 = tpu.memref_squeeze %dma_start3A_263 : memref<1x125x32xf32, #tpu.memory_space<vmem>> -> memref<125x32xf32, #tpu.memory_space<vmem>>
    %dma_start3A_265 = arith.constant 0 : i32
    %dma_start3A_266 = tpu.memref_slice %arg7[%dma_start3A_259, %dma_start3A_265] : memref<80x125xi32, #tpu.memory_space<vmem>> -> memref<1x125xi32, #tpu.memory_space<vmem>>
    %dma_start3A_267 = tpu.memref_squeeze %dma_start3A_266 : memref<1x125xi32, #tpu.memory_space<vmem>> -> memref<125xi32, #tpu.memory_space<vmem>>
    %dma_start3A_268 = arith.constant 0 : i32
    %dma_start3A_269 = arith.constant 0 : i32
    %dma_start3A_270 = tpu.memref_slice %arg2[%dma_start3A_268, %dma_start3A_269] : memref<10000x32xf32, #tpu.memory_space<hbm>> -> memref<10000x32xf32, #tpu.memory_space<hbm>>
    tpu.enqueue_indirect_dma source(%dma_start3A_270 : memref<10000x32xf32, #tpu.memory_space<hbm>>) target(%dma_start3A_264 : memref<125x32xf32, #tpu.memory_space<vmem>>) offsets(%dma_start3A_267 : memref<125xi32, #tpu.memory_space<vmem>>) semaphore(%arg13 : memref<!tpu.dma_semaphore, #tpu.memory_space<semaphore_mem>>)
    %dma_wait3A_271 = arith.constant 5 : i32
    %dma_wait3A_272 = arith.constant 5 : i32
    %dma_wait3A_273 = arith.constant 0 : i32
    %dma_wait3A_274 = arith.constant 0 : i32
    %dma_wait3A_275 = tpu.memref_slice %arg9[%dma_wait3A_272, %dma_wait3A_273, %dma_wait3A_274] : memref<8x125x32xf32, #tpu.memory_space<vmem>> -> memref<1x125x32xf32, #tpu.memory_space<vmem>>
    %dma_wait3A_276 = tpu.memref_squeeze %dma_wait3A_275 : memref<1x125x32xf32, #tpu.memory_space<vmem>> -> memref<125x32xf32, #tpu.memory_space<vmem>>
    %dma_wait3A_277 = arith.constant 0 : i32
    %dma_wait3A_278 = tpu.memref_slice %arg7[%dma_wait3A_271, %dma_wait3A_277] : memref<80x125xi32, #tpu.memory_space<vmem>> -> memref<1x125xi32, #tpu.memory_space<vmem>>
    %dma_wait3A_279 = tpu.memref_squeeze %dma_wait3A_278 : memref<1x125xi32, #tpu.memory_space<vmem>> -> memref<125xi32, #tpu.memory_space<vmem>>
    %dma_wait3A_280 = arith.constant 0 : i32
    %dma_wait3A_281 = arith.constant 0 : i32
    %dma_wait3A_282 = tpu.memref_slice %arg2[%dma_wait3A_280, %dma_wait3A_281] : memref<10000x32xf32, #tpu.memory_space<hbm>> -> memref<10000x32xf32, #tpu.memory_space<hbm>>
    tpu.wait_indirect_dma semaphore(%arg17 : memref<!tpu.dma_semaphore, #tpu.memory_space<semaphore_mem>>) src(%dma_wait3A_282 : memref<10000x32xf32, #tpu.memory_space<hbm>>) dst(%dma_wait3A_276 : memref<125x32xf32, #tpu.memory_space<vmem>>)
    %dma_start3A_283 = arith.constant 5 : i32
    %dma_start3A_284 = arith.constant 5 : i32
    %dma_start3A_285 = arith.constant 0 : i32
    %dma_start3A_286 = arith.constant 0 : i32
    %dma_start3A_287 = tpu.memref_slice %arg9[%dma_start3A_283, %dma_start3A_285, %dma_start3A_286] : memref<8x125x32xf32, #tpu.memory_space<vmem>> -> memref<1x125x32xf32, #tpu.memory_space<vmem>>
    %dma_start3A_288 = tpu.memref_squeeze %dma_start3A_287 : memref<1x125x32xf32, #tpu.memory_space<vmem>> -> memref<125x32xf32, #tpu.memory_space<vmem>>
    %dma_start3A_289 = arith.constant 0 : i32
    %dma_start3A_290 = tpu.memref_slice %arg8[%dma_start3A_284, %dma_start3A_289] : memref<80x125xi32, #tpu.memory_space<vmem>> -> memref<1x125xi32, #tpu.memory_space<vmem>>
    %dma_start3A_291 = tpu.memref_squeeze %dma_start3A_290 : memref<1x125xi32, #tpu.memory_space<vmem>> -> memref<125xi32, #tpu.memory_space<vmem>>
    %dma_start3A_292 = arith.constant 0 : i32
    %dma_start3A_293 = arith.constant 0 : i32
    %dma_start3A_294 = tpu.memref_slice %arg11[%dma_start3A_292, %dma_start3A_293] : memref<10000x32xf32, #tpu.memory_space<vmem_shared>> -> memref<10000x32xf32, #tpu.memory_space<vmem_shared>>
    tpu.enqueue_indirect_dma source(%dma_start3A_288 : memref<125x32xf32, #tpu.memory_space<vmem>>) target(%dma_start3A_294 : memref<10000x32xf32, #tpu.memory_space<vmem_shared>>) offsets(%dma_start3A_291 : memref<125xi32, #tpu.memory_space<vmem>>) semaphore(%arg25 : memref<!tpu.dma_semaphore, #tpu.memory_space<semaphore_mem>>) {add = true}
    %dma_wait3A_295 = arith.constant 2 : i32
    %dma_wait3A_296 = arith.constant 2 : i32
    %dma_wait3A_297 = arith.constant 0 : i32
    %dma_wait3A_298 = arith.constant 0 : i32
    %dma_wait3A_299 = tpu.memref_slice %arg9[%dma_wait3A_295, %dma_wait3A_297, %dma_wait3A_298] : memref<8x125x32xf32, #tpu.memory_space<vmem>> -> memref<1x125x32xf32, #tpu.memory_space<vmem>>
    %dma_wait3A_300 = tpu.memref_squeeze %dma_wait3A_299 : memref<1x125x32xf32, #tpu.memory_space<vmem>> -> memref<125x32xf32, #tpu.memory_space<vmem>>
    %dma_wait3A_301 = arith.constant 0 : i32
    %dma_wait3A_302 = tpu.memref_slice %arg8[%dma_wait3A_296, %dma_wait3A_301] : memref<80x125xi32, #tpu.memory_space<vmem>> -> memref<1x125xi32, #tpu.memory_space<vmem>>
    %dma_wait3A_303 = tpu.memref_squeeze %dma_wait3A_302 : memref<1x125xi32, #tpu.memory_space<vmem>> -> memref<125xi32, #tpu.memory_space<vmem>>
    %dma_wait3A_304 = arith.constant 0 : i32
    %dma_wait3A_305 = arith.constant 0 : i32
    %dma_wait3A_306 = tpu.memref_slice %arg11[%dma_wait3A_304, %dma_wait3A_305] : memref<10000x32xf32, #tpu.memory_space<vmem_shared>> -> memref<10000x32xf32, #tpu.memory_space<vmem_shared>>
    tpu.wait_indirect_dma semaphore(%arg22 : memref<!tpu.dma_semaphore, #tpu.memory_space<semaphore_mem>>) src(%dma_wait3A_300 : memref<125x32xf32, #tpu.memory_space<vmem>>) dst(%dma_wait3A_306 : memref<10000x32xf32, #tpu.memory_space<vmem_shared>>)
    %dma_start3A_307 = arith.constant 10 : i32
    %dma_start3A_308 = arith.constant 2 : i32
    %dma_start3A_309 = arith.constant 0 : i32
    %dma_start3A_310 = arith.constant 0 : i32
    %dma_start3A_311 = tpu.memref_slice %arg9[%dma_start3A_308, %dma_start3A_309, %dma_start3A_310] : memref<8x125x32xf32, #tpu.memory_space<vmem>> -> memref<1x125x32xf32, #tpu.memory_space<vmem>>
    %dma_start3A_312 = tpu.memref_squeeze %dma_start3A_311 : memref<1x125x32xf32, #tpu.memory_space<vmem>> -> memref<125x32xf32, #tpu.memory_space<vmem>>
    %dma_start3A_313 = arith.constant 0 : i32
    %dma_start3A_314 = tpu.memref_slice %arg7[%dma_start3A_307, %dma_start3A_313] : memref<80x125xi32, #tpu.memory_space<vmem>> -> memref<1x125xi32, #tpu.memory_space<vmem>>
    %dma_start3A_315 = tpu.memref_squeeze %dma_start3A_314 : memref<1x125xi32, #tpu.memory_space<vmem>> -> memref<125xi32, #tpu.memory_space<vmem>>
    %dma_start3A_316 = arith.constant 0 : i32
    %dma_start3A_317 = arith.constant 0 : i32
    %dma_start3A_318 = tpu.memref_slice %arg2[%dma_start3A_316, %dma_start3A_317] : memref<10000x32xf32, #tpu.memory_space<hbm>> -> memref<10000x32xf32, #tpu.memory_space<hbm>>
    tpu.enqueue_indirect_dma source(%dma_start3A_318 : memref<10000x32xf32, #tpu.memory_space<hbm>>) target(%dma_start3A_312 : memref<125x32xf32, #tpu.memory_space<vmem>>) offsets(%dma_start3A_315 : memref<125xi32, #tpu.memory_space<vmem>>) semaphore(%arg14 : memref<!tpu.dma_semaphore, #tpu.memory_space<semaphore_mem>>)
    %dma_wait3A_319 = arith.constant 6 : i32
    %dma_wait3A_320 = arith.constant 6 : i32
    %dma_wait3A_321 = arith.constant 0 : i32
    %dma_wait3A_322 = arith.constant 0 : i32
    %dma_wait3A_323 = tpu.memref_slice %arg9[%dma_wait3A_320, %dma_wait3A_321, %dma_wait3A_322] : memref<8x125x32xf32, #tpu.memory_space<vmem>> -> memref<1x125x32xf32, #tpu.memory_space<vmem>>
    %dma_wait3A_324 = tpu.memref_squeeze %dma_wait3A_323 : memref<1x125x32xf32, #tpu.memory_space<vmem>> -> memref<125x32xf32, #tpu.memory_space<vmem>>
    %dma_wait3A_325 = arith.constant 0 : i32
    %dma_wait3A_326 = tpu.memref_slice %arg7[%dma_wait3A_319, %dma_wait3A_325] : memref<80x125xi32, #tpu.memory_space<vmem>> -> memref<1x125xi32, #tpu.memory_space<vmem>>
    %dma_wait3A_327 = tpu.memref_squeeze %dma_wait3A_326 : memref<1x125xi32, #tpu.memory_space<vmem>> -> memref<125xi32, #tpu.memory_space<vmem>>
    %dma_wait3A_328 = arith.constant 0 : i32
    %dma_wait3A_329 = arith.constant 0 : i32
    %dma_wait3A_330 = tpu.memref_slice %arg2[%dma_wait3A_328, %dma_wait3A_329] : memref<10000x32xf32, #tpu.memory_space<hbm>> -> memref<10000x32xf32, #tpu.memory_space<hbm>>
    tpu.wait_indirect_dma semaphore(%arg18 : memref<!tpu.dma_semaphore, #tpu.memory_space<semaphore_mem>>) src(%dma_wait3A_330 : memref<10000x32xf32, #tpu.memory_space<hbm>>) dst(%dma_wait3A_324 : memref<125x32xf32, #tpu.memory_space<vmem>>)
    %dma_start3A_331 = arith.constant 6 : i32
    %dma_start3A_332 = arith.constant 6 : i32
    %dma_start3A_333 = arith.constant 0 : i32
    %dma_start3A_334 = arith.constant 0 : i32
    %dma_start3A_335 = tpu.memref_slice %arg9[%dma_start3A_331, %dma_start3A_333, %dma_start3A_334] : memref<8x125x32xf32, #tpu.memory_space<vmem>> -> memref<1x125x32xf32, #tpu.memory_space<vmem>>
    %dma_start3A_336 = tpu.memref_squeeze %dma_start3A_335 : memref<1x125x32xf32, #tpu.memory_space<vmem>> -> memref<125x32xf32, #tpu.memory_space<vmem>>
    %dma_start3A_337 = arith.constant 0 : i32
    %dma_start3A_338 = tpu.memref_slice %arg8[%dma_start3A_332, %dma_start3A_337] : memref<80x125xi32, #tpu.memory_space<vmem>> -> memref<1x125xi32, #tpu.memory_space<vmem>>
    %dma_start3A_339 = tpu.memref_squeeze %dma_start3A_338 : memref<1x125xi32, #tpu.memory_space<vmem>> -> memref<125xi32, #tpu.memory_space<vmem>>
    %dma_start3A_340 = arith.constant 0 : i32
    %dma_start3A_341 = arith.constant 0 : i32
    %dma_start3A_342 = tpu.memref_slice %arg11[%dma_start3A_340, %dma_start3A_341] : memref<10000x32xf32, #tpu.memory_space<vmem_shared>> -> memref<10000x32xf32, #tpu.memory_space<vmem_shared>>
    tpu.enqueue_indirect_dma source(%dma_start3A_336 : memref<125x32xf32, #tpu.memory_space<vmem>>) target(%dma_start3A_342 : memref<10000x32xf32, #tpu.memory_space<vmem_shared>>) offsets(%dma_start3A_339 : memref<125xi32, #tpu.memory_space<vmem>>) semaphore(%arg26 : memref<!tpu.dma_semaphore, #tpu.memory_space<semaphore_mem>>) {add = true}
    %dma_wait3A_343 = arith.constant 3 : i32
    %dma_wait3A_344 = arith.constant 3 : i32
    %dma_wait3A_345 = arith.constant 0 : i32
    %dma_wait3A_346 = arith.constant 0 : i32
    %dma_wait3A_347 = tpu.memref_slice %arg9[%dma_wait3A_343, %dma_wait3A_345, %dma_wait3A_346] : memref<8x125x32xf32, #tpu.memory_space<vmem>> -> memref<1x125x32xf32, #tpu.memory_space<vmem>>
    %dma_wait3A_348 = tpu.memref_squeeze %dma_wait3A_347 : memref<1x125x32xf32, #tpu.memory_space<vmem>> -> memref<125x32xf32, #tpu.memory_space<vmem>>
    %dma_wait3A_349 = arith.constant 0 : i32
    %dma_wait3A_350 = tpu.memref_slice %arg8[%dma_wait3A_344, %dma_wait3A_349] : memref<80x125xi32, #tpu.memory_space<vmem>> -> memref<1x125xi32, #tpu.memory_space<vmem>>
    %dma_wait3A_351 = tpu.memref_squeeze %dma_wait3A_350 : memref<1x125xi32, #tpu.memory_space<vmem>> -> memref<125xi32, #tpu.memory_space<vmem>>
    %dma_wait3A_352 = arith.constant 0 : i32
    %dma_wait3A_353 = arith.constant 0 : i32
    %dma_wait3A_354 = tpu.memref_slice %arg11[%dma_wait3A_352, %dma_wait3A_353] : memref<10000x32xf32, #tpu.memory_space<vmem_shared>> -> memref<10000x32xf32, #tpu.memory_space<vmem_shared>>
    tpu.wait_indirect_dma semaphore(%arg23 : memref<!tpu.dma_semaphore, #tpu.memory_space<semaphore_mem>>) src(%dma_wait3A_348 : memref<125x32xf32, #tpu.memory_space<vmem>>) dst(%dma_wait3A_354 : memref<10000x32xf32, #tpu.memory_space<vmem_shared>>)
    %dma_start3A_355 = arith.constant 11 : i32
    %dma_start3A_356 = arith.constant 3 : i32
    %dma_start3A_357 = arith.constant 0 : i32
    %dma_start3A_358 = arith.constant 0 : i32
    %dma_start3A_359 = tpu.memref_slice %arg9[%dma_start3A_356, %dma_start3A_357, %dma_start3A_358] : memref<8x125x32xf32, #tpu.memory_space<vmem>> -> memref<1x125x32xf32, #tpu.memory_space<vmem>>
    %dma_start3A_360 = tpu.memref_squeeze %dma_start3A_359 : memref<1x125x32xf32, #tpu.memory_space<vmem>> -> memref<125x32xf32, #tpu.memory_space<vmem>>
    %dma_start3A_361 = arith.constant 0 : i32
    %dma_start3A_362 = tpu.memref_slice %arg7[%dma_start3A_355, %dma_start3A_361] : memref<80x125xi32, #tpu.memory_space<vmem>> -> memref<1x125xi32, #tpu.memory_space<vmem>>
    %dma_start3A_363 = tpu.memref_squeeze %dma_start3A_362 : memref<1x125xi32, #tpu.memory_space<vmem>> -> memref<125xi32, #tpu.memory_space<vmem>>
    %dma_start3A_364 = arith.constant 0 : i32
    %dma_start3A_365 = arith.constant 0 : i32
    %dma_start3A_366 = tpu.memref_slice %arg2[%dma_start3A_364, %dma_start3A_365] : memref<10000x32xf32, #tpu.memory_space<hbm>> -> memref<10000x32xf32, #tpu.memory_space<hbm>>
    tpu.enqueue_indirect_dma source(%dma_start3A_366 : memref<10000x32xf32, #tpu.memory_space<hbm>>) target(%dma_start3A_360 : memref<125x32xf32, #tpu.memory_space<vmem>>) offsets(%dma_start3A_363 : memref<125xi32, #tpu.memory_space<vmem>>) semaphore(%arg15 : memref<!tpu.dma_semaphore, #tpu.memory_space<semaphore_mem>>)
    %dma_wait3A_367 = arith.constant 7 : i32
    %dma_wait3A_368 = arith.constant 7 : i32
    %dma_wait3A_369 = arith.constant 0 : i32
    %dma_wait3A_370 = arith.constant 0 : i32
    %dma_wait3A_371 = tpu.memref_slice %arg9[%dma_wait3A_368, %dma_wait3A_369, %dma_wait3A_370] : memref<8x125x32xf32, #tpu.memory_space<vmem>> -> memref<1x125x32xf32, #tpu.memory_space<vmem>>
    %dma_wait3A_372 = tpu.memref_squeeze %dma_wait3A_371 : memref<1x125x32xf32, #tpu.memory_space<vmem>> -> memref<125x32xf32, #tpu.memory_space<vmem>>
    %dma_wait3A_373 = arith.constant 0 : i32
    %dma_wait3A_374 = tpu.memref_slice %arg7[%dma_wait3A_367, %dma_wait3A_373] : memref<80x125xi32, #tpu.memory_space<vmem>> -> memref<1x125xi32, #tpu.memory_space<vmem>>
    %dma_wait3A_375 = tpu.memref_squeeze %dma_wait3A_374 : memref<1x125xi32, #tpu.memory_space<vmem>> -> memref<125xi32, #tpu.memory_space<vmem>>
    %dma_wait3A_376 = arith.constant 0 : i32
    %dma_wait3A_377 = arith.constant 0 : i32
    %dma_wait3A_378 = tpu.memref_slice %arg2[%dma_wait3A_376, %dma_wait3A_377] : memref<10000x32xf32, #tpu.memory_space<hbm>> -> memref<10000x32xf32, #tpu.memory_space<hbm>>
    tpu.wait_indirect_dma semaphore(%arg19 : memref<!tpu.dma_semaphore, #tpu.memory_space<semaphore_mem>>) src(%dma_wait3A_378 : memref<10000x32xf32, #tpu.memory_space<hbm>>) dst(%dma_wait3A_372 : memref<125x32xf32, #tpu.memory_space<vmem>>)
    %dma_start3A_379 = arith.constant 7 : i32
    %dma_start3A_380 = arith.constant 7 : i32
    %dma_start3A_381 = arith.constant 0 : i32
    %dma_start3A_382 = arith.constant 0 : i32
    %dma_start3A_383 = tpu.memref_slice %arg9[%dma_start3A_379, %dma_start3A_381, %dma_start3A_382] : memref<8x125x32xf32, #tpu.memory_space<vmem>> -> memref<1x125x32xf32, #tpu.memory_space<vmem>>
    %dma_start3A_384 = tpu.memref_squeeze %dma_start3A_383 : memref<1x125x32xf32, #tpu.memory_space<vmem>> -> memref<125x32xf32, #tpu.memory_space<vmem>>
    %dma_start3A_385 = arith.constant 0 : i32
    %dma_start3A_386 = tpu.memref_slice %arg8[%dma_start3A_380, %dma_start3A_385] : memref<80x125xi32, #tpu.memory_space<vmem>> -> memref<1x125xi32, #tpu.memory_space<vmem>>
    %dma_start3A_387 = tpu.memref_squeeze %dma_start3A_386 : memref<1x125xi32, #tpu.memory_space<vmem>> -> memref<125xi32, #tpu.memory_space<vmem>>
    %dma_start3A_388 = arith.constant 0 : i32
    %dma_start3A_389 = arith.constant 0 : i32
    %dma_start3A_390 = tpu.memref_slice %arg11[%dma_start3A_388, %dma_start3A_389] : memref<10000x32xf32, #tpu.memory_space<vmem_shared>> -> memref<10000x32xf32, #tpu.memory_space<vmem_shared>>
    tpu.enqueue_indirect_dma source(%dma_start3A_384 : memref<125x32xf32, #tpu.memory_space<vmem>>) target(%dma_start3A_390 : memref<10000x32xf32, #tpu.memory_space<vmem_shared>>) offsets(%dma_start3A_387 : memref<125xi32, #tpu.memory_space<vmem>>) semaphore(%arg27 : memref<!tpu.dma_semaphore, #tpu.memory_space<semaphore_mem>>) {add = true}
    %scan3A = arith.constant 0 : i32
    %scan3A_391 = arith.constant 1 : i32
    %scan3A_392 = arith.constant 8 : i32
    %scan3A_393 = arith.addi %scan3A_391, %scan3A_392 : i32
    %scan3A_394 = arith.constant 1 : i32
    scf.for %scan3A_793 = %scan3A_391 to %scan3A_393 step %scan3A_394  : i32 {
      %mul3A_794 = arith.constant 8 : i32
      %mul3A_795 = arith.muli %scan3A_793, %mul3A_794 : i32
      %add3A_796 = arith.constant 0 : i32
      %add3A_797 = arith.addi %mul3A_795, %add3A_796 : i32
      %sub3A = arith.constant 4 : i32
      %sub3A_798 = arith.subi %add3A_797, %sub3A : i32
      %dma_wait3A_799 = arith.constant 4 : i32
      %dma_wait3A_800 = arith.constant 0 : i32
      %dma_wait3A_801 = arith.constant 0 : i32
      %dma_wait3A_802 = tpu.memref_slice %arg9[%dma_wait3A_799, %dma_wait3A_800, %dma_wait3A_801] : memref<8x125x32xf32, #tpu.memory_space<vmem>> -> memref<1x125x32xf32, #tpu.memory_space<vmem>>
      %dma_wait3A_803 = tpu.memref_squeeze %dma_wait3A_802 : memref<1x125x32xf32, #tpu.memory_space<vmem>> -> memref<125x32xf32, #tpu.memory_space<vmem>>
      %dma_wait3A_804 = arith.constant 0 : i32
      %dma_wait3A_805 = tpu.memref_slice %arg8[%sub3A_798, %dma_wait3A_804] : memref<80x125xi32, #tpu.memory_space<vmem>> -> memref<1x125xi32, #tpu.memory_space<vmem>>
      %dma_wait3A_806 = tpu.memref_squeeze %dma_wait3A_805 : memref<1x125xi32, #tpu.memory_space<vmem>> -> memref<125xi32, #tpu.memory_space<vmem>>
      %dma_wait3A_807 = arith.constant 0 : i32
      %dma_wait3A_808 = arith.constant 0 : i32
      %dma_wait3A_809 = tpu.memref_slice %arg11[%dma_wait3A_807, %dma_wait3A_808] : memref<10000x32xf32, #tpu.memory_space<vmem_shared>> -> memref<10000x32xf32, #tpu.memory_space<vmem_shared>>
      tpu.wait_indirect_dma semaphore(%arg24 : memref<!tpu.dma_semaphore, #tpu.memory_space<semaphore_mem>>) src(%dma_wait3A_803 : memref<125x32xf32, #tpu.memory_space<vmem>>) dst(%dma_wait3A_809 : memref<10000x32xf32, #tpu.memory_space<vmem_shared>>)
      %add3A_810 = arith.constant 4 : i32
      %add3A_811 = arith.addi %add3A_797, %add3A_810 : i32
      %dma_start3A_812 = arith.constant 4 : i32
      %dma_start3A_813 = arith.constant 0 : i32
      %dma_start3A_814 = arith.constant 0 : i32
      %dma_start3A_815 = tpu.memref_slice %arg9[%dma_start3A_812, %dma_start3A_813, %dma_start3A_814] : memref<8x125x32xf32, #tpu.memory_space<vmem>> -> memref<1x125x32xf32, #tpu.memory_space<vmem>>
      %dma_start3A_816 = tpu.memref_squeeze %dma_start3A_815 : memref<1x125x32xf32, #tpu.memory_space<vmem>> -> memref<125x32xf32, #tpu.memory_space<vmem>>
      %dma_start3A_817 = arith.constant 0 : i32
      %dma_start3A_818 = tpu.memref_slice %arg7[%add3A_811, %dma_start3A_817] : memref<80x125xi32, #tpu.memory_space<vmem>> -> memref<1x125xi32, #tpu.memory_space<vmem>>
      %dma_start3A_819 = tpu.memref_squeeze %dma_start3A_818 : memref<1x125xi32, #tpu.memory_space<vmem>> -> memref<125xi32, #tpu.memory_space<vmem>>
      %dma_start3A_820 = arith.constant 0 : i32
      %dma_start3A_821 = arith.constant 0 : i32
      %dma_start3A_822 = tpu.memref_slice %arg2[%dma_start3A_820, %dma_start3A_821] : memref<10000x32xf32, #tpu.memory_space<hbm>> -> memref<10000x32xf32, #tpu.memory_space<hbm>>
      tpu.enqueue_indirect_dma source(%dma_start3A_822 : memref<10000x32xf32, #tpu.memory_space<hbm>>) target(%dma_start3A_816 : memref<125x32xf32, #tpu.memory_space<vmem>>) offsets(%dma_start3A_819 : memref<125xi32, #tpu.memory_space<vmem>>) semaphore(%arg16 : memref<!tpu.dma_semaphore, #tpu.memory_space<semaphore_mem>>)
      %dma_wait3A_823 = arith.constant 0 : i32
      %dma_wait3A_824 = arith.constant 0 : i32
      %dma_wait3A_825 = arith.constant 0 : i32
      %dma_wait3A_826 = tpu.memref_slice %arg9[%dma_wait3A_823, %dma_wait3A_824, %dma_wait3A_825] : memref<8x125x32xf32, #tpu.memory_space<vmem>> -> memref<1x125x32xf32, #tpu.memory_space<vmem>>
      %dma_wait3A_827 = tpu.memref_squeeze %dma_wait3A_826 : memref<1x125x32xf32, #tpu.memory_space<vmem>> -> memref<125x32xf32, #tpu.memory_space<vmem>>
      %dma_wait3A_828 = arith.constant 0 : i32
      %dma_wait3A_829 = tpu.memref_slice %arg7[%add3A_797, %dma_wait3A_828] : memref<80x125xi32, #tpu.memory_space<vmem>> -> memref<1x125xi32, #tpu.memory_space<vmem>>
      %dma_wait3A_830 = tpu.memref_squeeze %dma_wait3A_829 : memref<1x125xi32, #tpu.memory_space<vmem>> -> memref<125xi32, #tpu.memory_space<vmem>>
      %dma_wait3A_831 = arith.constant 0 : i32
      %dma_wait3A_832 = arith.constant 0 : i32
      %dma_wait3A_833 = tpu.memref_slice %arg2[%dma_wait3A_831, %dma_wait3A_832] : memref<10000x32xf32, #tpu.memory_space<hbm>> -> memref<10000x32xf32, #tpu.memory_space<hbm>>
      tpu.wait_indirect_dma semaphore(%arg12 : memref<!tpu.dma_semaphore, #tpu.memory_space<semaphore_mem>>) src(%dma_wait3A_833 : memref<10000x32xf32, #tpu.memory_space<hbm>>) dst(%dma_wait3A_827 : memref<125x32xf32, #tpu.memory_space<vmem>>)
      %dma_start3A_834 = arith.constant 0 : i32
      %dma_start3A_835 = arith.constant 0 : i32
      %dma_start3A_836 = arith.constant 0 : i32
      %dma_start3A_837 = tpu.memref_slice %arg9[%dma_start3A_834, %dma_start3A_835, %dma_start3A_836] : memref<8x125x32xf32, #tpu.memory_space<vmem>> -> memref<1x125x32xf32, #tpu.memory_space<vmem>>
      %dma_start3A_838 = tpu.memref_squeeze %dma_start3A_837 : memref<1x125x32xf32, #tpu.memory_space<vmem>> -> memref<125x32xf32, #tpu.memory_space<vmem>>
      %dma_start3A_839 = arith.constant 0 : i32
      %dma_start3A_840 = tpu.memref_slice %arg8[%add3A_797, %dma_start3A_839] : memref<80x125xi32, #tpu.memory_space<vmem>> -> memref<1x125xi32, #tpu.memory_space<vmem>>
      %dma_start3A_841 = tpu.memref_squeeze %dma_start3A_840 : memref<1x125xi32, #tpu.memory_space<vmem>> -> memref<125xi32, #tpu.memory_space<vmem>>
      %dma_start3A_842 = arith.constant 0 : i32
      %dma_start3A_843 = arith.constant 0 : i32
      %dma_start3A_844 = tpu.memref_slice %arg11[%dma_start3A_842, %dma_start3A_843] : memref<10000x32xf32, #tpu.memory_space<vmem_shared>> -> memref<10000x32xf32, #tpu.memory_space<vmem_shared>>
      tpu.enqueue_indirect_dma source(%dma_start3A_838 : memref<125x32xf32, #tpu.memory_space<vmem>>) target(%dma_start3A_844 : memref<10000x32xf32, #tpu.memory_space<vmem_shared>>) offsets(%dma_start3A_841 : memref<125xi32, #tpu.memory_space<vmem>>) semaphore(%arg20 : memref<!tpu.dma_semaphore, #tpu.memory_space<semaphore_mem>>) {add = true}
      %add3A_845 = arith.constant 1 : i32
      %add3A_846 = arith.addi %mul3A_795, %add3A_845 : i32
      %sub3A_847 = arith.constant 4 : i32
      %sub3A_848 = arith.subi %add3A_846, %sub3A_847 : i32
      %dma_wait3A_849 = arith.constant 5 : i32
      %dma_wait3A_850 = arith.constant 0 : i32
      %dma_wait3A_851 = arith.constant 0 : i32
      %dma_wait3A_852 = tpu.memref_slice %arg9[%dma_wait3A_849, %dma_wait3A_850, %dma_wait3A_851] : memref<8x125x32xf32, #tpu.memory_space<vmem>> -> memref<1x125x32xf32, #tpu.memory_space<vmem>>
      %dma_wait3A_853 = tpu.memref_squeeze %dma_wait3A_852 : memref<1x125x32xf32, #tpu.memory_space<vmem>> -> memref<125x32xf32, #tpu.memory_space<vmem>>
      %dma_wait3A_854 = arith.constant 0 : i32
      %dma_wait3A_855 = tpu.memref_slice %arg8[%sub3A_848, %dma_wait3A_854] : memref<80x125xi32, #tpu.memory_space<vmem>> -> memref<1x125xi32, #tpu.memory_space<vmem>>
      %dma_wait3A_856 = tpu.memref_squeeze %dma_wait3A_855 : memref<1x125xi32, #tpu.memory_space<vmem>> -> memref<125xi32, #tpu.memory_space<vmem>>
      %dma_wait3A_857 = arith.constant 0 : i32
      %dma_wait3A_858 = arith.constant 0 : i32
      %dma_wait3A_859 = tpu.memref_slice %arg11[%dma_wait3A_857, %dma_wait3A_858] : memref<10000x32xf32, #tpu.memory_space<vmem_shared>> -> memref<10000x32xf32, #tpu.memory_space<vmem_shared>>
      tpu.wait_indirect_dma semaphore(%arg25 : memref<!tpu.dma_semaphore, #tpu.memory_space<semaphore_mem>>) src(%dma_wait3A_853 : memref<125x32xf32, #tpu.memory_space<vmem>>) dst(%dma_wait3A_859 : memref<10000x32xf32, #tpu.memory_space<vmem_shared>>)
      %add3A_860 = arith.constant 4 : i32
      %add3A_861 = arith.addi %add3A_846, %add3A_860 : i32
      %dma_start3A_862 = arith.constant 5 : i32
      %dma_start3A_863 = arith.constant 0 : i32
      %dma_start3A_864 = arith.constant 0 : i32
      %dma_start3A_865 = tpu.memref_slice %arg9[%dma_start3A_862, %dma_start3A_863, %dma_start3A_864] : memref<8x125x32xf32, #tpu.memory_space<vmem>> -> memref<1x125x32xf32, #tpu.memory_space<vmem>>
      %dma_start3A_866 = tpu.memref_squeeze %dma_start3A_865 : memref<1x125x32xf32, #tpu.memory_space<vmem>> -> memref<125x32xf32, #tpu.memory_space<vmem>>
      %dma_start3A_867 = arith.constant 0 : i32
      %dma_start3A_868 = tpu.memref_slice %arg7[%add3A_861, %dma_start3A_867] : memref<80x125xi32, #tpu.memory_space<vmem>> -> memref<1x125xi32, #tpu.memory_space<vmem>>
      %dma_start3A_869 = tpu.memref_squeeze %dma_start3A_868 : memref<1x125xi32, #tpu.memory_space<vmem>> -> memref<125xi32, #tpu.memory_space<vmem>>
      %dma_start3A_870 = arith.constant 0 : i32
      %dma_start3A_871 = arith.constant 0 : i32
      %dma_start3A_872 = tpu.memref_slice %arg2[%dma_start3A_870, %dma_start3A_871] : memref<10000x32xf32, #tpu.memory_space<hbm>> -> memref<10000x32xf32, #tpu.memory_space<hbm>>
      tpu.enqueue_indirect_dma source(%dma_start3A_872 : memref<10000x32xf32, #tpu.memory_space<hbm>>) target(%dma_start3A_866 : memref<125x32xf32, #tpu.memory_space<vmem>>) offsets(%dma_start3A_869 : memref<125xi32, #tpu.memory_space<vmem>>) semaphore(%arg17 : memref<!tpu.dma_semaphore, #tpu.memory_space<semaphore_mem>>)
      %dma_wait3A_873 = arith.constant 1 : i32
      %dma_wait3A_874 = arith.constant 0 : i32
      %dma_wait3A_875 = arith.constant 0 : i32
      %dma_wait3A_876 = tpu.memref_slice %arg9[%dma_wait3A_873, %dma_wait3A_874, %dma_wait3A_875] : memref<8x125x32xf32, #tpu.memory_space<vmem>> -> memref<1x125x32xf32, #tpu.memory_space<vmem>>
      %dma_wait3A_877 = tpu.memref_squeeze %dma_wait3A_876 : memref<1x125x32xf32, #tpu.memory_space<vmem>> -> memref<125x32xf32, #tpu.memory_space<vmem>>
      %dma_wait3A_878 = arith.constant 0 : i32
      %dma_wait3A_879 = tpu.memref_slice %arg7[%add3A_846, %dma_wait3A_878] : memref<80x125xi32, #tpu.memory_space<vmem>> -> memref<1x125xi32, #tpu.memory_space<vmem>>
      %dma_wait3A_880 = tpu.memref_squeeze %dma_wait3A_879 : memref<1x125xi32, #tpu.memory_space<vmem>> -> memref<125xi32, #tpu.memory_space<vmem>>
      %dma_wait3A_881 = arith.constant 0 : i32
      %dma_wait3A_882 = arith.constant 0 : i32
      %dma_wait3A_883 = tpu.memref_slice %arg2[%dma_wait3A_881, %dma_wait3A_882] : memref<10000x32xf32, #tpu.memory_space<hbm>> -> memref<10000x32xf32, #tpu.memory_space<hbm>>
      tpu.wait_indirect_dma semaphore(%arg13 : memref<!tpu.dma_semaphore, #tpu.memory_space<semaphore_mem>>) src(%dma_wait3A_883 : memref<10000x32xf32, #tpu.memory_space<hbm>>) dst(%dma_wait3A_877 : memref<125x32xf32, #tpu.memory_space<vmem>>)
      %dma_start3A_884 = arith.constant 1 : i32
      %dma_start3A_885 = arith.constant 0 : i32
      %dma_start3A_886 = arith.constant 0 : i32
      %dma_start3A_887 = tpu.memref_slice %arg9[%dma_start3A_884, %dma_start3A_885, %dma_start3A_886] : memref<8x125x32xf32, #tpu.memory_space<vmem>> -> memref<1x125x32xf32, #tpu.memory_space<vmem>>
      %dma_start3A_888 = tpu.memref_squeeze %dma_start3A_887 : memref<1x125x32xf32, #tpu.memory_space<vmem>> -> memref<125x32xf32, #tpu.memory_space<vmem>>
      %dma_start3A_889 = arith.constant 0 : i32
      %dma_start3A_890 = tpu.memref_slice %arg8[%add3A_846, %dma_start3A_889] : memref<80x125xi32, #tpu.memory_space<vmem>> -> memref<1x125xi32, #tpu.memory_space<vmem>>
      %dma_start3A_891 = tpu.memref_squeeze %dma_start3A_890 : memref<1x125xi32, #tpu.memory_space<vmem>> -> memref<125xi32, #tpu.memory_space<vmem>>
      %dma_start3A_892 = arith.constant 0 : i32
      %dma_start3A_893 = arith.constant 0 : i32
      %dma_start3A_894 = tpu.memref_slice %arg11[%dma_start3A_892, %dma_start3A_893] : memref<10000x32xf32, #tpu.memory_space<vmem_shared>> -> memref<10000x32xf32, #tpu.memory_space<vmem_shared>>
      tpu.enqueue_indirect_dma source(%dma_start3A_888 : memref<125x32xf32, #tpu.memory_space<vmem>>) target(%dma_start3A_894 : memref<10000x32xf32, #tpu.memory_space<vmem_shared>>) offsets(%dma_start3A_891 : memref<125xi32, #tpu.memory_space<vmem>>) semaphore(%arg21 : memref<!tpu.dma_semaphore, #tpu.memory_space<semaphore_mem>>) {add = true}
      %add3A_895 = arith.constant 2 : i32
      %add3A_896 = arith.addi %mul3A_795, %add3A_895 : i32
      %sub3A_897 = arith.constant 4 : i32
      %sub3A_898 = arith.subi %add3A_896, %sub3A_897 : i32
      %dma_wait3A_899 = arith.constant 6 : i32
      %dma_wait3A_900 = arith.constant 0 : i32
      %dma_wait3A_901 = arith.constant 0 : i32
      %dma_wait3A_902 = tpu.memref_slice %arg9[%dma_wait3A_899, %dma_wait3A_900, %dma_wait3A_901] : memref<8x125x32xf32, #tpu.memory_space<vmem>> -> memref<1x125x32xf32, #tpu.memory_space<vmem>>
      %dma_wait3A_903 = tpu.memref_squeeze %dma_wait3A_902 : memref<1x125x32xf32, #tpu.memory_space<vmem>> -> memref<125x32xf32, #tpu.memory_space<vmem>>
      %dma_wait3A_904 = arith.constant 0 : i32
      %dma_wait3A_905 = tpu.memref_slice %arg8[%sub3A_898, %dma_wait3A_904] : memref<80x125xi32, #tpu.memory_space<vmem>> -> memref<1x125xi32, #tpu.memory_space<vmem>>
      %dma_wait3A_906 = tpu.memref_squeeze %dma_wait3A_905 : memref<1x125xi32, #tpu.memory_space<vmem>> -> memref<125xi32, #tpu.memory_space<vmem>>
      %dma_wait3A_907 = arith.constant 0 : i32
      %dma_wait3A_908 = arith.constant 0 : i32
      %dma_wait3A_909 = tpu.memref_slice %arg11[%dma_wait3A_907, %dma_wait3A_908] : memref<10000x32xf32, #tpu.memory_space<vmem_shared>> -> memref<10000x32xf32, #tpu.memory_space<vmem_shared>>
      tpu.wait_indirect_dma semaphore(%arg26 : memref<!tpu.dma_semaphore, #tpu.memory_space<semaphore_mem>>) src(%dma_wait3A_903 : memref<125x32xf32, #tpu.memory_space<vmem>>) dst(%dma_wait3A_909 : memref<10000x32xf32, #tpu.memory_space<vmem_shared>>)
      %add3A_910 = arith.constant 4 : i32
      %add3A_911 = arith.addi %add3A_896, %add3A_910 : i32
      %dma_start3A_912 = arith.constant 6 : i32
      %dma_start3A_913 = arith.constant 0 : i32
      %dma_start3A_914 = arith.constant 0 : i32
      %dma_start3A_915 = tpu.memref_slice %arg9[%dma_start3A_912, %dma_start3A_913, %dma_start3A_914] : memref<8x125x32xf32, #tpu.memory_space<vmem>> -> memref<1x125x32xf32, #tpu.memory_space<vmem>>
      %dma_start3A_916 = tpu.memref_squeeze %dma_start3A_915 : memref<1x125x32xf32, #tpu.memory_space<vmem>> -> memref<125x32xf32, #tpu.memory_space<vmem>>
      %dma_start3A_917 = arith.constant 0 : i32
      %dma_start3A_918 = tpu.memref_slice %arg7[%add3A_911, %dma_start3A_917] : memref<80x125xi32, #tpu.memory_space<vmem>> -> memref<1x125xi32, #tpu.memory_space<vmem>>
      %dma_start3A_919 = tpu.memref_squeeze %dma_start3A_918 : memref<1x125xi32, #tpu.memory_space<vmem>> -> memref<125xi32, #tpu.memory_space<vmem>>
      %dma_start3A_920 = arith.constant 0 : i32
      %dma_start3A_921 = arith.constant 0 : i32
      %dma_start3A_922 = tpu.memref_slice %arg2[%dma_start3A_920, %dma_start3A_921] : memref<10000x32xf32, #tpu.memory_space<hbm>> -> memref<10000x32xf32, #tpu.memory_space<hbm>>
      tpu.enqueue_indirect_dma source(%dma_start3A_922 : memref<10000x32xf32, #tpu.memory_space<hbm>>) target(%dma_start3A_916 : memref<125x32xf32, #tpu.memory_space<vmem>>) offsets(%dma_start3A_919 : memref<125xi32, #tpu.memory_space<vmem>>) semaphore(%arg18 : memref<!tpu.dma_semaphore, #tpu.memory_space<semaphore_mem>>)
      %dma_wait3A_923 = arith.constant 2 : i32
      %dma_wait3A_924 = arith.constant 0 : i32
      %dma_wait3A_925 = arith.constant 0 : i32
      %dma_wait3A_926 = tpu.memref_slice %arg9[%dma_wait3A_923, %dma_wait3A_924, %dma_wait3A_925] : memref<8x125x32xf32, #tpu.memory_space<vmem>> -> memref<1x125x32xf32, #tpu.memory_space<vmem>>
      %dma_wait3A_927 = tpu.memref_squeeze %dma_wait3A_926 : memref<1x125x32xf32, #tpu.memory_space<vmem>> -> memref<125x32xf32, #tpu.memory_space<vmem>>
      %dma_wait3A_928 = arith.constant 0 : i32
      %dma_wait3A_929 = tpu.memref_slice %arg7[%add3A_896, %dma_wait3A_928] : memref<80x125xi32, #tpu.memory_space<vmem>> -> memref<1x125xi32, #tpu.memory_space<vmem>>
      %dma_wait3A_930 = tpu.memref_squeeze %dma_wait3A_929 : memref<1x125xi32, #tpu.memory_space<vmem>> -> memref<125xi32, #tpu.memory_space<vmem>>
      %dma_wait3A_931 = arith.constant 0 : i32
      %dma_wait3A_932 = arith.constant 0 : i32
      %dma_wait3A_933 = tpu.memref_slice %arg2[%dma_wait3A_931, %dma_wait3A_932] : memref<10000x32xf32, #tpu.memory_space<hbm>> -> memref<10000x32xf32, #tpu.memory_space<hbm>>
      tpu.wait_indirect_dma semaphore(%arg14 : memref<!tpu.dma_semaphore, #tpu.memory_space<semaphore_mem>>) src(%dma_wait3A_933 : memref<10000x32xf32, #tpu.memory_space<hbm>>) dst(%dma_wait3A_927 : memref<125x32xf32, #tpu.memory_space<vmem>>)
      %dma_start3A_934 = arith.constant 2 : i32
      %dma_start3A_935 = arith.constant 0 : i32
      %dma_start3A_936 = arith.constant 0 : i32
      %dma_start3A_937 = tpu.memref_slice %arg9[%dma_start3A_934, %dma_start3A_935, %dma_start3A_936] : memref<8x125x32xf32, #tpu.memory_space<vmem>> -> memref<1x125x32xf32, #tpu.memory_space<vmem>>
      %dma_start3A_938 = tpu.memref_squeeze %dma_start3A_937 : memref<1x125x32xf32, #tpu.memory_space<vmem>> -> memref<125x32xf32, #tpu.memory_space<vmem>>
      %dma_start3A_939 = arith.constant 0 : i32
      %dma_start3A_940 = tpu.memref_slice %arg8[%add3A_896, %dma_start3A_939] : memref<80x125xi32, #tpu.memory_space<vmem>> -> memref<1x125xi32, #tpu.memory_space<vmem>>
      %dma_start3A_941 = tpu.memref_squeeze %dma_start3A_940 : memref<1x125xi32, #tpu.memory_space<vmem>> -> memref<125xi32, #tpu.memory_space<vmem>>
      %dma_start3A_942 = arith.constant 0 : i32
      %dma_start3A_943 = arith.constant 0 : i32
      %dma_start3A_944 = tpu.memref_slice %arg11[%dma_start3A_942, %dma_start3A_943] : memref<10000x32xf32, #tpu.memory_space<vmem_shared>> -> memref<10000x32xf32, #tpu.memory_space<vmem_shared>>
      tpu.enqueue_indirect_dma source(%dma_start3A_938 : memref<125x32xf32, #tpu.memory_space<vmem>>) target(%dma_start3A_944 : memref<10000x32xf32, #tpu.memory_space<vmem_shared>>) offsets(%dma_start3A_941 : memref<125xi32, #tpu.memory_space<vmem>>) semaphore(%arg22 : memref<!tpu.dma_semaphore, #tpu.memory_space<semaphore_mem>>) {add = true}
      %add3A_945 = arith.constant 3 : i32
      %add3A_946 = arith.addi %mul3A_795, %add3A_945 : i32
      %sub3A_947 = arith.constant 4 : i32
      %sub3A_948 = arith.subi %add3A_946, %sub3A_947 : i32
      %dma_wait3A_949 = arith.constant 7 : i32
      %dma_wait3A_950 = arith.constant 0 : i32
      %dma_wait3A_951 = arith.constant 0 : i32
      %dma_wait3A_952 = tpu.memref_slice %arg9[%dma_wait3A_949, %dma_wait3A_950, %dma_wait3A_951] : memref<8x125x32xf32, #tpu.memory_space<vmem>> -> memref<1x125x32xf32, #tpu.memory_space<vmem>>
      %dma_wait3A_953 = tpu.memref_squeeze %dma_wait3A_952 : memref<1x125x32xf32, #tpu.memory_space<vmem>> -> memref<125x32xf32, #tpu.memory_space<vmem>>
      %dma_wait3A_954 = arith.constant 0 : i32
      %dma_wait3A_955 = tpu.memref_slice %arg8[%sub3A_948, %dma_wait3A_954] : memref<80x125xi32, #tpu.memory_space<vmem>> -> memref<1x125xi32, #tpu.memory_space<vmem>>
      %dma_wait3A_956 = tpu.memref_squeeze %dma_wait3A_955 : memref<1x125xi32, #tpu.memory_space<vmem>> -> memref<125xi32, #tpu.memory_space<vmem>>
      %dma_wait3A_957 = arith.constant 0 : i32
      %dma_wait3A_958 = arith.constant 0 : i32
      %dma_wait3A_959 = tpu.memref_slice %arg11[%dma_wait3A_957, %dma_wait3A_958] : memref<10000x32xf32, #tpu.memory_space<vmem_shared>> -> memref<10000x32xf32, #tpu.memory_space<vmem_shared>>
      tpu.wait_indirect_dma semaphore(%arg27 : memref<!tpu.dma_semaphore, #tpu.memory_space<semaphore_mem>>) src(%dma_wait3A_953 : memref<125x32xf32, #tpu.memory_space<vmem>>) dst(%dma_wait3A_959 : memref<10000x32xf32, #tpu.memory_space<vmem_shared>>)
      %add3A_960 = arith.constant 4 : i32
      %add3A_961 = arith.addi %add3A_946, %add3A_960 : i32
      %dma_start3A_962 = arith.constant 7 : i32
      %dma_start3A_963 = arith.constant 0 : i32
      %dma_start3A_964 = arith.constant 0 : i32
      %dma_start3A_965 = tpu.memref_slice %arg9[%dma_start3A_962, %dma_start3A_963, %dma_start3A_964] : memref<8x125x32xf32, #tpu.memory_space<vmem>> -> memref<1x125x32xf32, #tpu.memory_space<vmem>>
      %dma_start3A_966 = tpu.memref_squeeze %dma_start3A_965 : memref<1x125x32xf32, #tpu.memory_space<vmem>> -> memref<125x32xf32, #tpu.memory_space<vmem>>
      %dma_start3A_967 = arith.constant 0 : i32
      %dma_start3A_968 = tpu.memref_slice %arg7[%add3A_961, %dma_start3A_967] : memref<80x125xi32, #tpu.memory_space<vmem>> -> memref<1x125xi32, #tpu.memory_space<vmem>>
      %dma_start3A_969 = tpu.memref_squeeze %dma_start3A_968 : memref<1x125xi32, #tpu.memory_space<vmem>> -> memref<125xi32, #tpu.memory_space<vmem>>
      %dma_start3A_970 = arith.constant 0 : i32
      %dma_start3A_971 = arith.constant 0 : i32
      %dma_start3A_972 = tpu.memref_slice %arg2[%dma_start3A_970, %dma_start3A_971] : memref<10000x32xf32, #tpu.memory_space<hbm>> -> memref<10000x32xf32, #tpu.memory_space<hbm>>
      tpu.enqueue_indirect_dma source(%dma_start3A_972 : memref<10000x32xf32, #tpu.memory_space<hbm>>) target(%dma_start3A_966 : memref<125x32xf32, #tpu.memory_space<vmem>>) offsets(%dma_start3A_969 : memref<125xi32, #tpu.memory_space<vmem>>) semaphore(%arg19 : memref<!tpu.dma_semaphore, #tpu.memory_space<semaphore_mem>>)
      %dma_wait3A_973 = arith.constant 3 : i32
      %dma_wait3A_974 = arith.constant 0 : i32
      %dma_wait3A_975 = arith.constant 0 : i32
      %dma_wait3A_976 = tpu.memref_slice %arg9[%dma_wait3A_973, %dma_wait3A_974, %dma_wait3A_975] : memref<8x125x32xf32, #tpu.memory_space<vmem>> -> memref<1x125x32xf32, #tpu.memory_space<vmem>>
      %dma_wait3A_977 = tpu.memref_squeeze %dma_wait3A_976 : memref<1x125x32xf32, #tpu.memory_space<vmem>> -> memref<125x32xf32, #tpu.memory_space<vmem>>
      %dma_wait3A_978 = arith.constant 0 : i32
      %dma_wait3A_979 = tpu.memref_slice %arg7[%add3A_946, %dma_wait3A_978] : memref<80x125xi32, #tpu.memory_space<vmem>> -> memref<1x125xi32, #tpu.memory_space<vmem>>
      %dma_wait3A_980 = tpu.memref_squeeze %dma_wait3A_979 : memref<1x125xi32, #tpu.memory_space<vmem>> -> memref<125xi32, #tpu.memory_space<vmem>>
      %dma_wait3A_981 = arith.constant 0 : i32
      %dma_wait3A_982 = arith.constant 0 : i32
      %dma_wait3A_983 = tpu.memref_slice %arg2[%dma_wait3A_981, %dma_wait3A_982] : memref<10000x32xf32, #tpu.memory_space<hbm>> -> memref<10000x32xf32, #tpu.memory_space<hbm>>
      tpu.wait_indirect_dma semaphore(%arg15 : memref<!tpu.dma_semaphore, #tpu.memory_space<semaphore_mem>>) src(%dma_wait3A_983 : memref<10000x32xf32, #tpu.memory_space<hbm>>) dst(%dma_wait3A_977 : memref<125x32xf32, #tpu.memory_space<vmem>>)
      %dma_start3A_984 = arith.constant 3 : i32
      %dma_start3A_985 = arith.constant 0 : i32
      %dma_start3A_986 = arith.constant 0 : i32
      %dma_start3A_987 = tpu.memref_slice %arg9[%dma_start3A_984, %dma_start3A_985, %dma_start3A_986] : memref<8x125x32xf32, #tpu.memory_space<vmem>> -> memref<1x125x32xf32, #tpu.memory_space<vmem>>
      %dma_start3A_988 = tpu.memref_squeeze %dma_start3A_987 : memref<1x125x32xf32, #tpu.memory_space<vmem>> -> memref<125x32xf32, #tpu.memory_space<vmem>>
      %dma_start3A_989 = arith.constant 0 : i32
      %dma_start3A_990 = tpu.memref_slice %arg8[%add3A_946, %dma_start3A_989] : memref<80x125xi32, #tpu.memory_space<vmem>> -> memref<1x125xi32, #tpu.memory_space<vmem>>
      %dma_start3A_991 = tpu.memref_squeeze %dma_start3A_990 : memref<1x125xi32, #tpu.memory_space<vmem>> -> memref<125xi32, #tpu.memory_space<vmem>>
      %dma_start3A_992 = arith.constant 0 : i32
      %dma_start3A_993 = arith.constant 0 : i32
      %dma_start3A_994 = tpu.memref_slice %arg11[%dma_start3A_992, %dma_start3A_993] : memref<10000x32xf32, #tpu.memory_space<vmem_shared>> -> memref<10000x32xf32, #tpu.memory_space<vmem_shared>>
      tpu.enqueue_indirect_dma source(%dma_start3A_988 : memref<125x32xf32, #tpu.memory_space<vmem>>) target(%dma_start3A_994 : memref<10000x32xf32, #tpu.memory_space<vmem_shared>>) offsets(%dma_start3A_991 : memref<125xi32, #tpu.memory_space<vmem>>) semaphore(%arg23 : memref<!tpu.dma_semaphore, #tpu.memory_space<semaphore_mem>>) {add = true}
      %add3A_995 = arith.constant 4 : i32
      %add3A_996 = arith.addi %mul3A_795, %add3A_995 : i32
      %sub3A_997 = arith.constant 4 : i32
      %sub3A_998 = arith.subi %add3A_996, %sub3A_997 : i32
      %dma_wait3A_999 = arith.constant 0 : i32
      %dma_wait3A_1000 = arith.constant 0 : i32
      %dma_wait3A_1001 = arith.constant 0 : i32
      %dma_wait3A_1002 = tpu.memref_slice %arg9[%dma_wait3A_999, %dma_wait3A_1000, %dma_wait3A_1001] : memref<8x125x32xf32, #tpu.memory_space<vmem>> -> memref<1x125x32xf32, #tpu.memory_space<vmem>>
      %dma_wait3A_1003 = tpu.memref_squeeze %dma_wait3A_1002 : memref<1x125x32xf32, #tpu.memory_space<vmem>> -> memref<125x32xf32, #tpu.memory_space<vmem>>
      %dma_wait3A_1004 = arith.constant 0 : i32
      %dma_wait3A_1005 = tpu.memref_slice %arg8[%sub3A_998, %dma_wait3A_1004] : memref<80x125xi32, #tpu.memory_space<vmem>> -> memref<1x125xi32, #tpu.memory_space<vmem>>
      %dma_wait3A_1006 = tpu.memref_squeeze %dma_wait3A_1005 : memref<1x125xi32, #tpu.memory_space<vmem>> -> memref<125xi32, #tpu.memory_space<vmem>>
      %dma_wait3A_1007 = arith.constant 0 : i32
      %dma_wait3A_1008 = arith.constant 0 : i32
      %dma_wait3A_1009 = tpu.memref_slice %arg11[%dma_wait3A_1007, %dma_wait3A_1008] : memref<10000x32xf32, #tpu.memory_space<vmem_shared>> -> memref<10000x32xf32, #tpu.memory_space<vmem_shared>>
      tpu.wait_indirect_dma semaphore(%arg20 : memref<!tpu.dma_semaphore, #tpu.memory_space<semaphore_mem>>) src(%dma_wait3A_1003 : memref<125x32xf32, #tpu.memory_space<vmem>>) dst(%dma_wait3A_1009 : memref<10000x32xf32, #tpu.memory_space<vmem_shared>>)
      %add3A_1010 = arith.constant 4 : i32
      %add3A_1011 = arith.addi %add3A_996, %add3A_1010 : i32
      %dma_start3A_1012 = arith.constant 0 : i32
      %dma_start3A_1013 = arith.constant 0 : i32
      %dma_start3A_1014 = arith.constant 0 : i32
      %dma_start3A_1015 = tpu.memref_slice %arg9[%dma_start3A_1012, %dma_start3A_1013, %dma_start3A_1014] : memref<8x125x32xf32, #tpu.memory_space<vmem>> -> memref<1x125x32xf32, #tpu.memory_space<vmem>>
      %dma_start3A_1016 = tpu.memref_squeeze %dma_start3A_1015 : memref<1x125x32xf32, #tpu.memory_space<vmem>> -> memref<125x32xf32, #tpu.memory_space<vmem>>
      %dma_start3A_1017 = arith.constant 0 : i32
      %dma_start3A_1018 = tpu.memref_slice %arg7[%add3A_1011, %dma_start3A_1017] : memref<80x125xi32, #tpu.memory_space<vmem>> -> memref<1x125xi32, #tpu.memory_space<vmem>>
      %dma_start3A_1019 = tpu.memref_squeeze %dma_start3A_1018 : memref<1x125xi32, #tpu.memory_space<vmem>> -> memref<125xi32, #tpu.memory_space<vmem>>
      %dma_start3A_1020 = arith.constant 0 : i32
      %dma_start3A_1021 = arith.constant 0 : i32
      %dma_start3A_1022 = tpu.memref_slice %arg2[%dma_start3A_1020, %dma_start3A_1021] : memref<10000x32xf32, #tpu.memory_space<hbm>> -> memref<10000x32xf32, #tpu.memory_space<hbm>>
      tpu.enqueue_indirect_dma source(%dma_start3A_1022 : memref<10000x32xf32, #tpu.memory_space<hbm>>) target(%dma_start3A_1016 : memref<125x32xf32, #tpu.memory_space<vmem>>) offsets(%dma_start3A_1019 : memref<125xi32, #tpu.memory_space<vmem>>) semaphore(%arg12 : memref<!tpu.dma_semaphore, #tpu.memory_space<semaphore_mem>>)
      %dma_wait3A_1023 = arith.constant 4 : i32
      %dma_wait3A_1024 = arith.constant 0 : i32
      %dma_wait3A_1025 = arith.constant 0 : i32
      %dma_wait3A_1026 = tpu.memref_slice %arg9[%dma_wait3A_1023, %dma_wait3A_1024, %dma_wait3A_1025] : memref<8x125x32xf32, #tpu.memory_space<vmem>> -> memref<1x125x32xf32, #tpu.memory_space<vmem>>
      %dma_wait3A_1027 = tpu.memref_squeeze %dma_wait3A_1026 : memref<1x125x32xf32, #tpu.memory_space<vmem>> -> memref<125x32xf32, #tpu.memory_space<vmem>>
      %dma_wait3A_1028 = arith.constant 0 : i32
      %dma_wait3A_1029 = tpu.memref_slice %arg7[%add3A_996, %dma_wait3A_1028] : memref<80x125xi32, #tpu.memory_space<vmem>> -> memref<1x125xi32, #tpu.memory_space<vmem>>
      %dma_wait3A_1030 = tpu.memref_squeeze %dma_wait3A_1029 : memref<1x125xi32, #tpu.memory_space<vmem>> -> memref<125xi32, #tpu.memory_space<vmem>>
      %dma_wait3A_1031 = arith.constant 0 : i32
      %dma_wait3A_1032 = arith.constant 0 : i32
      %dma_wait3A_1033 = tpu.memref_slice %arg2[%dma_wait3A_1031, %dma_wait3A_1032] : memref<10000x32xf32, #tpu.memory_space<hbm>> -> memref<10000x32xf32, #tpu.memory_space<hbm>>
      tpu.wait_indirect_dma semaphore(%arg16 : memref<!tpu.dma_semaphore, #tpu.memory_space<semaphore_mem>>) src(%dma_wait3A_1033 : memref<10000x32xf32, #tpu.memory_space<hbm>>) dst(%dma_wait3A_1027 : memref<125x32xf32, #tpu.memory_space<vmem>>)
      %dma_start3A_1034 = arith.constant 4 : i32
      %dma_start3A_1035 = arith.constant 0 : i32
      %dma_start3A_1036 = arith.constant 0 : i32
      %dma_start3A_1037 = tpu.memref_slice %arg9[%dma_start3A_1034, %dma_start3A_1035, %dma_start3A_1036] : memref<8x125x32xf32, #tpu.memory_space<vmem>> -> memref<1x125x32xf32, #tpu.memory_space<vmem>>
      %dma_start3A_1038 = tpu.memref_squeeze %dma_start3A_1037 : memref<1x125x32xf32, #tpu.memory_space<vmem>> -> memref<125x32xf32, #tpu.memory_space<vmem>>
      %dma_start3A_1039 = arith.constant 0 : i32
      %dma_start3A_1040 = tpu.memref_slice %arg8[%add3A_996, %dma_start3A_1039] : memref<80x125xi32, #tpu.memory_space<vmem>> -> memref<1x125xi32, #tpu.memory_space<vmem>>
      %dma_start3A_1041 = tpu.memref_squeeze %dma_start3A_1040 : memref<1x125xi32, #tpu.memory_space<vmem>> -> memref<125xi32, #tpu.memory_space<vmem>>
      %dma_start3A_1042 = arith.constant 0 : i32
      %dma_start3A_1043 = arith.constant 0 : i32
      %dma_start3A_1044 = tpu.memref_slice %arg11[%dma_start3A_1042, %dma_start3A_1043] : memref<10000x32xf32, #tpu.memory_space<vmem_shared>> -> memref<10000x32xf32, #tpu.memory_space<vmem_shared>>
      tpu.enqueue_indirect_dma source(%dma_start3A_1038 : memref<125x32xf32, #tpu.memory_space<vmem>>) target(%dma_start3A_1044 : memref<10000x32xf32, #tpu.memory_space<vmem_shared>>) offsets(%dma_start3A_1041 : memref<125xi32, #tpu.memory_space<vmem>>) semaphore(%arg24 : memref<!tpu.dma_semaphore, #tpu.memory_space<semaphore_mem>>) {add = true}
      %add3A_1045 = arith.constant 5 : i32
      %add3A_1046 = arith.addi %mul3A_795, %add3A_1045 : i32
      %sub3A_1047 = arith.constant 4 : i32
      %sub3A_1048 = arith.subi %add3A_1046, %sub3A_1047 : i32
      %dma_wait3A_1049 = arith.constant 1 : i32
      %dma_wait3A_1050 = arith.constant 0 : i32
      %dma_wait3A_1051 = arith.constant 0 : i32
      %dma_wait3A_1052 = tpu.memref_slice %arg9[%dma_wait3A_1049, %dma_wait3A_1050, %dma_wait3A_1051] : memref<8x125x32xf32, #tpu.memory_space<vmem>> -> memref<1x125x32xf32, #tpu.memory_space<vmem>>
      %dma_wait3A_1053 = tpu.memref_squeeze %dma_wait3A_1052 : memref<1x125x32xf32, #tpu.memory_space<vmem>> -> memref<125x32xf32, #tpu.memory_space<vmem>>
      %dma_wait3A_1054 = arith.constant 0 : i32
      %dma_wait3A_1055 = tpu.memref_slice %arg8[%sub3A_1048, %dma_wait3A_1054] : memref<80x125xi32, #tpu.memory_space<vmem>> -> memref<1x125xi32, #tpu.memory_space<vmem>>
      %dma_wait3A_1056 = tpu.memref_squeeze %dma_wait3A_1055 : memref<1x125xi32, #tpu.memory_space<vmem>> -> memref<125xi32, #tpu.memory_space<vmem>>
      %dma_wait3A_1057 = arith.constant 0 : i32
      %dma_wait3A_1058 = arith.constant 0 : i32
      %dma_wait3A_1059 = tpu.memref_slice %arg11[%dma_wait3A_1057, %dma_wait3A_1058] : memref<10000x32xf32, #tpu.memory_space<vmem_shared>> -> memref<10000x32xf32, #tpu.memory_space<vmem_shared>>
      tpu.wait_indirect_dma semaphore(%arg21 : memref<!tpu.dma_semaphore, #tpu.memory_space<semaphore_mem>>) src(%dma_wait3A_1053 : memref<125x32xf32, #tpu.memory_space<vmem>>) dst(%dma_wait3A_1059 : memref<10000x32xf32, #tpu.memory_space<vmem_shared>>)
      %add3A_1060 = arith.constant 4 : i32
      %add3A_1061 = arith.addi %add3A_1046, %add3A_1060 : i32
      %dma_start3A_1062 = arith.constant 1 : i32
      %dma_start3A_1063 = arith.constant 0 : i32
      %dma_start3A_1064 = arith.constant 0 : i32
      %dma_start3A_1065 = tpu.memref_slice %arg9[%dma_start3A_1062, %dma_start3A_1063, %dma_start3A_1064] : memref<8x125x32xf32, #tpu.memory_space<vmem>> -> memref<1x125x32xf32, #tpu.memory_space<vmem>>
      %dma_start3A_1066 = tpu.memref_squeeze %dma_start3A_1065 : memref<1x125x32xf32, #tpu.memory_space<vmem>> -> memref<125x32xf32, #tpu.memory_space<vmem>>
      %dma_start3A_1067 = arith.constant 0 : i32
      %dma_start3A_1068 = tpu.memref_slice %arg7[%add3A_1061, %dma_start3A_1067] : memref<80x125xi32, #tpu.memory_space<vmem>> -> memref<1x125xi32, #tpu.memory_space<vmem>>
      %dma_start3A_1069 = tpu.memref_squeeze %dma_start3A_1068 : memref<1x125xi32, #tpu.memory_space<vmem>> -> memref<125xi32, #tpu.memory_space<vmem>>
      %dma_start3A_1070 = arith.constant 0 : i32
      %dma_start3A_1071 = arith.constant 0 : i32
      %dma_start3A_1072 = tpu.memref_slice %arg2[%dma_start3A_1070, %dma_start3A_1071] : memref<10000x32xf32, #tpu.memory_space<hbm>> -> memref<10000x32xf32, #tpu.memory_space<hbm>>
      tpu.enqueue_indirect_dma source(%dma_start3A_1072 : memref<10000x32xf32, #tpu.memory_space<hbm>>) target(%dma_start3A_1066 : memref<125x32xf32, #tpu.memory_space<vmem>>) offsets(%dma_start3A_1069 : memref<125xi32, #tpu.memory_space<vmem>>) semaphore(%arg13 : memref<!tpu.dma_semaphore, #tpu.memory_space<semaphore_mem>>)
      %dma_wait3A_1073 = arith.constant 5 : i32
      %dma_wait3A_1074 = arith.constant 0 : i32
      %dma_wait3A_1075 = arith.constant 0 : i32
      %dma_wait3A_1076 = tpu.memref_slice %arg9[%dma_wait3A_1073, %dma_wait3A_1074, %dma_wait3A_1075] : memref<8x125x32xf32, #tpu.memory_space<vmem>> -> memref<1x125x32xf32, #tpu.memory_space<vmem>>
      %dma_wait3A_1077 = tpu.memref_squeeze %dma_wait3A_1076 : memref<1x125x32xf32, #tpu.memory_space<vmem>> -> memref<125x32xf32, #tpu.memory_space<vmem>>
      %dma_wait3A_1078 = arith.constant 0 : i32
      %dma_wait3A_1079 = tpu.memref_slice %arg7[%add3A_1046, %dma_wait3A_1078] : memref<80x125xi32, #tpu.memory_space<vmem>> -> memref<1x125xi32, #tpu.memory_space<vmem>>
      %dma_wait3A_1080 = tpu.memref_squeeze %dma_wait3A_1079 : memref<1x125xi32, #tpu.memory_space<vmem>> -> memref<125xi32, #tpu.memory_space<vmem>>
      %dma_wait3A_1081 = arith.constant 0 : i32
      %dma_wait3A_1082 = arith.constant 0 : i32
      %dma_wait3A_1083 = tpu.memref_slice %arg2[%dma_wait3A_1081, %dma_wait3A_1082] : memref<10000x32xf32, #tpu.memory_space<hbm>> -> memref<10000x32xf32, #tpu.memory_space<hbm>>
      tpu.wait_indirect_dma semaphore(%arg17 : memref<!tpu.dma_semaphore, #tpu.memory_space<semaphore_mem>>) src(%dma_wait3A_1083 : memref<10000x32xf32, #tpu.memory_space<hbm>>) dst(%dma_wait3A_1077 : memref<125x32xf32, #tpu.memory_space<vmem>>)
      %dma_start3A_1084 = arith.constant 5 : i32
      %dma_start3A_1085 = arith.constant 0 : i32
      %dma_start3A_1086 = arith.constant 0 : i32
      %dma_start3A_1087 = tpu.memref_slice %arg9[%dma_start3A_1084, %dma_start3A_1085, %dma_start3A_1086] : memref<8x125x32xf32, #tpu.memory_space<vmem>> -> memref<1x125x32xf32, #tpu.memory_space<vmem>>
      %dma_start3A_1088 = tpu.memref_squeeze %dma_start3A_1087 : memref<1x125x32xf32, #tpu.memory_space<vmem>> -> memref<125x32xf32, #tpu.memory_space<vmem>>
      %dma_start3A_1089 = arith.constant 0 : i32
      %dma_start3A_1090 = tpu.memref_slice %arg8[%add3A_1046, %dma_start3A_1089] : memref<80x125xi32, #tpu.memory_space<vmem>> -> memref<1x125xi32, #tpu.memory_space<vmem>>
      %dma_start3A_1091 = tpu.memref_squeeze %dma_start3A_1090 : memref<1x125xi32, #tpu.memory_space<vmem>> -> memref<125xi32, #tpu.memory_space<vmem>>
      %dma_start3A_1092 = arith.constant 0 : i32
      %dma_start3A_1093 = arith.constant 0 : i32
      %dma_start3A_1094 = tpu.memref_slice %arg11[%dma_start3A_1092, %dma_start3A_1093] : memref<10000x32xf32, #tpu.memory_space<vmem_shared>> -> memref<10000x32xf32, #tpu.memory_space<vmem_shared>>
      tpu.enqueue_indirect_dma source(%dma_start3A_1088 : memref<125x32xf32, #tpu.memory_space<vmem>>) target(%dma_start3A_1094 : memref<10000x32xf32, #tpu.memory_space<vmem_shared>>) offsets(%dma_start3A_1091 : memref<125xi32, #tpu.memory_space<vmem>>) semaphore(%arg25 : memref<!tpu.dma_semaphore, #tpu.memory_space<semaphore_mem>>) {add = true}
      %add3A_1095 = arith.constant 6 : i32
      %add3A_1096 = arith.addi %mul3A_795, %add3A_1095 : i32
      %sub3A_1097 = arith.constant 4 : i32
      %sub3A_1098 = arith.subi %add3A_1096, %sub3A_1097 : i32
      %dma_wait3A_1099 = arith.constant 2 : i32
      %dma_wait3A_1100 = arith.constant 0 : i32
      %dma_wait3A_1101 = arith.constant 0 : i32
      %dma_wait3A_1102 = tpu.memref_slice %arg9[%dma_wait3A_1099, %dma_wait3A_1100, %dma_wait3A_1101] : memref<8x125x32xf32, #tpu.memory_space<vmem>> -> memref<1x125x32xf32, #tpu.memory_space<vmem>>
      %dma_wait3A_1103 = tpu.memref_squeeze %dma_wait3A_1102 : memref<1x125x32xf32, #tpu.memory_space<vmem>> -> memref<125x32xf32, #tpu.memory_space<vmem>>
      %dma_wait3A_1104 = arith.constant 0 : i32
      %dma_wait3A_1105 = tpu.memref_slice %arg8[%sub3A_1098, %dma_wait3A_1104] : memref<80x125xi32, #tpu.memory_space<vmem>> -> memref<1x125xi32, #tpu.memory_space<vmem>>
      %dma_wait3A_1106 = tpu.memref_squeeze %dma_wait3A_1105 : memref<1x125xi32, #tpu.memory_space<vmem>> -> memref<125xi32, #tpu.memory_space<vmem>>
      %dma_wait3A_1107 = arith.constant 0 : i32
      %dma_wait3A_1108 = arith.constant 0 : i32
      %dma_wait3A_1109 = tpu.memref_slice %arg11[%dma_wait3A_1107, %dma_wait3A_1108] : memref<10000x32xf32, #tpu.memory_space<vmem_shared>> -> memref<10000x32xf32, #tpu.memory_space<vmem_shared>>
      tpu.wait_indirect_dma semaphore(%arg22 : memref<!tpu.dma_semaphore, #tpu.memory_space<semaphore_mem>>) src(%dma_wait3A_1103 : memref<125x32xf32, #tpu.memory_space<vmem>>) dst(%dma_wait3A_1109 : memref<10000x32xf32, #tpu.memory_space<vmem_shared>>)
      %add3A_1110 = arith.constant 4 : i32
      %add3A_1111 = arith.addi %add3A_1096, %add3A_1110 : i32
      %dma_start3A_1112 = arith.constant 2 : i32
      %dma_start3A_1113 = arith.constant 0 : i32
      %dma_start3A_1114 = arith.constant 0 : i32
      %dma_start3A_1115 = tpu.memref_slice %arg9[%dma_start3A_1112, %dma_start3A_1113, %dma_start3A_1114] : memref<8x125x32xf32, #tpu.memory_space<vmem>> -> memref<1x125x32xf32, #tpu.memory_space<vmem>>
      %dma_start3A_1116 = tpu.memref_squeeze %dma_start3A_1115 : memref<1x125x32xf32, #tpu.memory_space<vmem>> -> memref<125x32xf32, #tpu.memory_space<vmem>>
      %dma_start3A_1117 = arith.constant 0 : i32
      %dma_start3A_1118 = tpu.memref_slice %arg7[%add3A_1111, %dma_start3A_1117] : memref<80x125xi32, #tpu.memory_space<vmem>> -> memref<1x125xi32, #tpu.memory_space<vmem>>
      %dma_start3A_1119 = tpu.memref_squeeze %dma_start3A_1118 : memref<1x125xi32, #tpu.memory_space<vmem>> -> memref<125xi32, #tpu.memory_space<vmem>>
      %dma_start3A_1120 = arith.constant 0 : i32
      %dma_start3A_1121 = arith.constant 0 : i32
      %dma_start3A_1122 = tpu.memref_slice %arg2[%dma_start3A_1120, %dma_start3A_1121] : memref<10000x32xf32, #tpu.memory_space<hbm>> -> memref<10000x32xf32, #tpu.memory_space<hbm>>
      tpu.enqueue_indirect_dma source(%dma_start3A_1122 : memref<10000x32xf32, #tpu.memory_space<hbm>>) target(%dma_start3A_1116 : memref<125x32xf32, #tpu.memory_space<vmem>>) offsets(%dma_start3A_1119 : memref<125xi32, #tpu.memory_space<vmem>>) semaphore(%arg14 : memref<!tpu.dma_semaphore, #tpu.memory_space<semaphore_mem>>)
      %dma_wait3A_1123 = arith.constant 6 : i32
      %dma_wait3A_1124 = arith.constant 0 : i32
      %dma_wait3A_1125 = arith.constant 0 : i32
      %dma_wait3A_1126 = tpu.memref_slice %arg9[%dma_wait3A_1123, %dma_wait3A_1124, %dma_wait3A_1125] : memref<8x125x32xf32, #tpu.memory_space<vmem>> -> memref<1x125x32xf32, #tpu.memory_space<vmem>>
      %dma_wait3A_1127 = tpu.memref_squeeze %dma_wait3A_1126 : memref<1x125x32xf32, #tpu.memory_space<vmem>> -> memref<125x32xf32, #tpu.memory_space<vmem>>
      %dma_wait3A_1128 = arith.constant 0 : i32
      %dma_wait3A_1129 = tpu.memref_slice %arg7[%add3A_1096, %dma_wait3A_1128] : memref<80x125xi32, #tpu.memory_space<vmem>> -> memref<1x125xi32, #tpu.memory_space<vmem>>
      %dma_wait3A_1130 = tpu.memref_squeeze %dma_wait3A_1129 : memref<1x125xi32, #tpu.memory_space<vmem>> -> memref<125xi32, #tpu.memory_space<vmem>>
      %dma_wait3A_1131 = arith.constant 0 : i32
      %dma_wait3A_1132 = arith.constant 0 : i32
      %dma_wait3A_1133 = tpu.memref_slice %arg2[%dma_wait3A_1131, %dma_wait3A_1132] : memref<10000x32xf32, #tpu.memory_space<hbm>> -> memref<10000x32xf32, #tpu.memory_space<hbm>>
      tpu.wait_indirect_dma semaphore(%arg18 : memref<!tpu.dma_semaphore, #tpu.memory_space<semaphore_mem>>) src(%dma_wait3A_1133 : memref<10000x32xf32, #tpu.memory_space<hbm>>) dst(%dma_wait3A_1127 : memref<125x32xf32, #tpu.memory_space<vmem>>)
      %dma_start3A_1134 = arith.constant 6 : i32
      %dma_start3A_1135 = arith.constant 0 : i32
      %dma_start3A_1136 = arith.constant 0 : i32
      %dma_start3A_1137 = tpu.memref_slice %arg9[%dma_start3A_1134, %dma_start3A_1135, %dma_start3A_1136] : memref<8x125x32xf32, #tpu.memory_space<vmem>> -> memref<1x125x32xf32, #tpu.memory_space<vmem>>
      %dma_start3A_1138 = tpu.memref_squeeze %dma_start3A_1137 : memref<1x125x32xf32, #tpu.memory_space<vmem>> -> memref<125x32xf32, #tpu.memory_space<vmem>>
      %dma_start3A_1139 = arith.constant 0 : i32
      %dma_start3A_1140 = tpu.memref_slice %arg8[%add3A_1096, %dma_start3A_1139] : memref<80x125xi32, #tpu.memory_space<vmem>> -> memref<1x125xi32, #tpu.memory_space<vmem>>
      %dma_start3A_1141 = tpu.memref_squeeze %dma_start3A_1140 : memref<1x125xi32, #tpu.memory_space<vmem>> -> memref<125xi32, #tpu.memory_space<vmem>>
      %dma_start3A_1142 = arith.constant 0 : i32
      %dma_start3A_1143 = arith.constant 0 : i32
      %dma_start3A_1144 = tpu.memref_slice %arg11[%dma_start3A_1142, %dma_start3A_1143] : memref<10000x32xf32, #tpu.memory_space<vmem_shared>> -> memref<10000x32xf32, #tpu.memory_space<vmem_shared>>
      tpu.enqueue_indirect_dma source(%dma_start3A_1138 : memref<125x32xf32, #tpu.memory_space<vmem>>) target(%dma_start3A_1144 : memref<10000x32xf32, #tpu.memory_space<vmem_shared>>) offsets(%dma_start3A_1141 : memref<125xi32, #tpu.memory_space<vmem>>) semaphore(%arg26 : memref<!tpu.dma_semaphore, #tpu.memory_space<semaphore_mem>>) {add = true}
      %add3A_1145 = arith.constant 7 : i32
      %add3A_1146 = arith.addi %mul3A_795, %add3A_1145 : i32
      %sub3A_1147 = arith.constant 4 : i32
      %sub3A_1148 = arith.subi %add3A_1146, %sub3A_1147 : i32
      %dma_wait3A_1149 = arith.constant 3 : i32
      %dma_wait3A_1150 = arith.constant 0 : i32
      %dma_wait3A_1151 = arith.constant 0 : i32
      %dma_wait3A_1152 = tpu.memref_slice %arg9[%dma_wait3A_1149, %dma_wait3A_1150, %dma_wait3A_1151] : memref<8x125x32xf32, #tpu.memory_space<vmem>> -> memref<1x125x32xf32, #tpu.memory_space<vmem>>
      %dma_wait3A_1153 = tpu.memref_squeeze %dma_wait3A_1152 : memref<1x125x32xf32, #tpu.memory_space<vmem>> -> memref<125x32xf32, #tpu.memory_space<vmem>>
      %dma_wait3A_1154 = arith.constant 0 : i32
      %dma_wait3A_1155 = tpu.memref_slice %arg8[%sub3A_1148, %dma_wait3A_1154] : memref<80x125xi32, #tpu.memory_space<vmem>> -> memref<1x125xi32, #tpu.memory_space<vmem>>
      %dma_wait3A_1156 = tpu.memref_squeeze %dma_wait3A_1155 : memref<1x125xi32, #tpu.memory_space<vmem>> -> memref<125xi32, #tpu.memory_space<vmem>>
      %dma_wait3A_1157 = arith.constant 0 : i32
      %dma_wait3A_1158 = arith.constant 0 : i32
      %dma_wait3A_1159 = tpu.memref_slice %arg11[%dma_wait3A_1157, %dma_wait3A_1158] : memref<10000x32xf32, #tpu.memory_space<vmem_shared>> -> memref<10000x32xf32, #tpu.memory_space<vmem_shared>>
      tpu.wait_indirect_dma semaphore(%arg23 : memref<!tpu.dma_semaphore, #tpu.memory_space<semaphore_mem>>) src(%dma_wait3A_1153 : memref<125x32xf32, #tpu.memory_space<vmem>>) dst(%dma_wait3A_1159 : memref<10000x32xf32, #tpu.memory_space<vmem_shared>>)
      %add3A_1160 = arith.constant 4 : i32
      %add3A_1161 = arith.addi %add3A_1146, %add3A_1160 : i32
      %dma_start3A_1162 = arith.constant 3 : i32
      %dma_start3A_1163 = arith.constant 0 : i32
      %dma_start3A_1164 = arith.constant 0 : i32
      %dma_start3A_1165 = tpu.memref_slice %arg9[%dma_start3A_1162, %dma_start3A_1163, %dma_start3A_1164] : memref<8x125x32xf32, #tpu.memory_space<vmem>> -> memref<1x125x32xf32, #tpu.memory_space<vmem>>
      %dma_start3A_1166 = tpu.memref_squeeze %dma_start3A_1165 : memref<1x125x32xf32, #tpu.memory_space<vmem>> -> memref<125x32xf32, #tpu.memory_space<vmem>>
      %dma_start3A_1167 = arith.constant 0 : i32
      %dma_start3A_1168 = tpu.memref_slice %arg7[%add3A_1161, %dma_start3A_1167] : memref<80x125xi32, #tpu.memory_space<vmem>> -> memref<1x125xi32, #tpu.memory_space<vmem>>
      %dma_start3A_1169 = tpu.memref_squeeze %dma_start3A_1168 : memref<1x125xi32, #tpu.memory_space<vmem>> -> memref<125xi32, #tpu.memory_space<vmem>>
      %dma_start3A_1170 = arith.constant 0 : i32
      %dma_start3A_1171 = arith.constant 0 : i32
      %dma_start3A_1172 = tpu.memref_slice %arg2[%dma_start3A_1170, %dma_start3A_1171] : memref<10000x32xf32, #tpu.memory_space<hbm>> -> memref<10000x32xf32, #tpu.memory_space<hbm>>
      tpu.enqueue_indirect_dma source(%dma_start3A_1172 : memref<10000x32xf32, #tpu.memory_space<hbm>>) target(%dma_start3A_1166 : memref<125x32xf32, #tpu.memory_space<vmem>>) offsets(%dma_start3A_1169 : memref<125xi32, #tpu.memory_space<vmem>>) semaphore(%arg15 : memref<!tpu.dma_semaphore, #tpu.memory_space<semaphore_mem>>)
      %dma_wait3A_1173 = arith.constant 7 : i32
      %dma_wait3A_1174 = arith.constant 0 : i32
      %dma_wait3A_1175 = arith.constant 0 : i32
      %dma_wait3A_1176 = tpu.memref_slice %arg9[%dma_wait3A_1173, %dma_wait3A_1174, %dma_wait3A_1175] : memref<8x125x32xf32, #tpu.memory_space<vmem>> -> memref<1x125x32xf32, #tpu.memory_space<vmem>>
      %dma_wait3A_1177 = tpu.memref_squeeze %dma_wait3A_1176 : memref<1x125x32xf32, #tpu.memory_space<vmem>> -> memref<125x32xf32, #tpu.memory_space<vmem>>
      %dma_wait3A_1178 = arith.constant 0 : i32
      %dma_wait3A_1179 = tpu.memref_slice %arg7[%add3A_1146, %dma_wait3A_1178] : memref<80x125xi32, #tpu.memory_space<vmem>> -> memref<1x125xi32, #tpu.memory_space<vmem>>
      %dma_wait3A_1180 = tpu.memref_squeeze %dma_wait3A_1179 : memref<1x125xi32, #tpu.memory_space<vmem>> -> memref<125xi32, #tpu.memory_space<vmem>>
      %dma_wait3A_1181 = arith.constant 0 : i32
      %dma_wait3A_1182 = arith.constant 0 : i32
      %dma_wait3A_1183 = tpu.memref_slice %arg2[%dma_wait3A_1181, %dma_wait3A_1182] : memref<10000x32xf32, #tpu.memory_space<hbm>> -> memref<10000x32xf32, #tpu.memory_space<hbm>>
      tpu.wait_indirect_dma semaphore(%arg19 : memref<!tpu.dma_semaphore, #tpu.memory_space<semaphore_mem>>) src(%dma_wait3A_1183 : memref<10000x32xf32, #tpu.memory_space<hbm>>) dst(%dma_wait3A_1177 : memref<125x32xf32, #tpu.memory_space<vmem>>)
      %dma_start3A_1184 = arith.constant 7 : i32
      %dma_start3A_1185 = arith.constant 0 : i32
      %dma_start3A_1186 = arith.constant 0 : i32
      %dma_start3A_1187 = tpu.memref_slice %arg9[%dma_start3A_1184, %dma_start3A_1185, %dma_start3A_1186] : memref<8x125x32xf32, #tpu.memory_space<vmem>> -> memref<1x125x32xf32, #tpu.memory_space<vmem>>
      %dma_start3A_1188 = tpu.memref_squeeze %dma_start3A_1187 : memref<1x125x32xf32, #tpu.memory_space<vmem>> -> memref<125x32xf32, #tpu.memory_space<vmem>>
      %dma_start3A_1189 = arith.constant 0 : i32
      %dma_start3A_1190 = tpu.memref_slice %arg8[%add3A_1146, %dma_start3A_1189] : memref<80x125xi32, #tpu.memory_space<vmem>> -> memref<1x125xi32, #tpu.memory_space<vmem>>
      %dma_start3A_1191 = tpu.memref_squeeze %dma_start3A_1190 : memref<1x125xi32, #tpu.memory_space<vmem>> -> memref<125xi32, #tpu.memory_space<vmem>>
      %dma_start3A_1192 = arith.constant 0 : i32
      %dma_start3A_1193 = arith.constant 0 : i32
      %dma_start3A_1194 = tpu.memref_slice %arg11[%dma_start3A_1192, %dma_start3A_1193] : memref<10000x32xf32, #tpu.memory_space<vmem_shared>> -> memref<10000x32xf32, #tpu.memory_space<vmem_shared>>
      tpu.enqueue_indirect_dma source(%dma_start3A_1188 : memref<125x32xf32, #tpu.memory_space<vmem>>) target(%dma_start3A_1194 : memref<10000x32xf32, #tpu.memory_space<vmem_shared>>) offsets(%dma_start3A_1191 : memref<125xi32, #tpu.memory_space<vmem>>) semaphore(%arg27 : memref<!tpu.dma_semaphore, #tpu.memory_space<semaphore_mem>>) {add = true}
    }
    %scan3A_395 = arith.constant 8 : i32
    %dma_wait3A_396 = arith.constant 4 : i32
    %dma_wait3A_397 = arith.constant 68 : i32
    %dma_wait3A_398 = arith.constant 0 : i32
    %dma_wait3A_399 = arith.constant 0 : i32
    %dma_wait3A_400 = tpu.memref_slice %arg9[%dma_wait3A_396, %dma_wait3A_398, %dma_wait3A_399] : memref<8x125x32xf32, #tpu.memory_space<vmem>> -> memref<1x125x32xf32, #tpu.memory_space<vmem>>
    %dma_wait3A_401 = tpu.memref_squeeze %dma_wait3A_400 : memref<1x125x32xf32, #tpu.memory_space<vmem>> -> memref<125x32xf32, #tpu.memory_space<vmem>>
    %dma_wait3A_402 = arith.constant 0 : i32
    %dma_wait3A_403 = tpu.memref_slice %arg8[%dma_wait3A_397, %dma_wait3A_402] : memref<80x125xi32, #tpu.memory_space<vmem>> -> memref<1x125xi32, #tpu.memory_space<vmem>>
    %dma_wait3A_404 = tpu.memref_squeeze %dma_wait3A_403 : memref<1x125xi32, #tpu.memory_space<vmem>> -> memref<125xi32, #tpu.memory_space<vmem>>
    %dma_wait3A_405 = arith.constant 0 : i32
    %dma_wait3A_406 = arith.constant 0 : i32
    %dma_wait3A_407 = tpu.memref_slice %arg11[%dma_wait3A_405, %dma_wait3A_406] : memref<10000x32xf32, #tpu.memory_space<vmem_shared>> -> memref<10000x32xf32, #tpu.memory_space<vmem_shared>>
    tpu.wait_indirect_dma semaphore(%arg24 : memref<!tpu.dma_semaphore, #tpu.memory_space<semaphore_mem>>) src(%dma_wait3A_401 : memref<125x32xf32, #tpu.memory_space<vmem>>) dst(%dma_wait3A_407 : memref<10000x32xf32, #tpu.memory_space<vmem_shared>>)
    %dma_start3A_408 = arith.constant 76 : i32
    %dma_start3A_409 = arith.constant 4 : i32
    %dma_start3A_410 = arith.constant 0 : i32
    %dma_start3A_411 = arith.constant 0 : i32
    %dma_start3A_412 = tpu.memref_slice %arg9[%dma_start3A_409, %dma_start3A_410, %dma_start3A_411] : memref<8x125x32xf32, #tpu.memory_space<vmem>> -> memref<1x125x32xf32, #tpu.memory_space<vmem>>
    %dma_start3A_413 = tpu.memref_squeeze %dma_start3A_412 : memref<1x125x32xf32, #tpu.memory_space<vmem>> -> memref<125x32xf32, #tpu.memory_space<vmem>>
    %dma_start3A_414 = arith.constant 0 : i32
    %dma_start3A_415 = tpu.memref_slice %arg7[%dma_start3A_408, %dma_start3A_414] : memref<80x125xi32, #tpu.memory_space<vmem>> -> memref<1x125xi32, #tpu.memory_space<vmem>>
    %dma_start3A_416 = tpu.memref_squeeze %dma_start3A_415 : memref<1x125xi32, #tpu.memory_space<vmem>> -> memref<125xi32, #tpu.memory_space<vmem>>
    %dma_start3A_417 = arith.constant 0 : i32
    %dma_start3A_418 = arith.constant 0 : i32
    %dma_start3A_419 = tpu.memref_slice %arg2[%dma_start3A_417, %dma_start3A_418] : memref<10000x32xf32, #tpu.memory_space<hbm>> -> memref<10000x32xf32, #tpu.memory_space<hbm>>
    tpu.enqueue_indirect_dma source(%dma_start3A_419 : memref<10000x32xf32, #tpu.memory_space<hbm>>) target(%dma_start3A_413 : memref<125x32xf32, #tpu.memory_space<vmem>>) offsets(%dma_start3A_416 : memref<125xi32, #tpu.memory_space<vmem>>) semaphore(%arg16 : memref<!tpu.dma_semaphore, #tpu.memory_space<semaphore_mem>>)
    %dma_wait3A_420 = arith.constant 72 : i32
    %dma_wait3A_421 = arith.constant 0 : i32
    %dma_wait3A_422 = arith.constant 0 : i32
    %dma_wait3A_423 = arith.constant 0 : i32
    %dma_wait3A_424 = tpu.memref_slice %arg9[%dma_wait3A_421, %dma_wait3A_422, %dma_wait3A_423] : memref<8x125x32xf32, #tpu.memory_space<vmem>> -> memref<1x125x32xf32, #tpu.memory_space<vmem>>
    %dma_wait3A_425 = tpu.memref_squeeze %dma_wait3A_424 : memref<1x125x32xf32, #tpu.memory_space<vmem>> -> memref<125x32xf32, #tpu.memory_space<vmem>>
    %dma_wait3A_426 = arith.constant 0 : i32
    %dma_wait3A_427 = tpu.memref_slice %arg7[%dma_wait3A_420, %dma_wait3A_426] : memref<80x125xi32, #tpu.memory_space<vmem>> -> memref<1x125xi32, #tpu.memory_space<vmem>>
    %dma_wait3A_428 = tpu.memref_squeeze %dma_wait3A_427 : memref<1x125xi32, #tpu.memory_space<vmem>> -> memref<125xi32, #tpu.memory_space<vmem>>
    %dma_wait3A_429 = arith.constant 0 : i32
    %dma_wait3A_430 = arith.constant 0 : i32
    %dma_wait3A_431 = tpu.memref_slice %arg2[%dma_wait3A_429, %dma_wait3A_430] : memref<10000x32xf32, #tpu.memory_space<hbm>> -> memref<10000x32xf32, #tpu.memory_space<hbm>>
    tpu.wait_indirect_dma semaphore(%arg12 : memref<!tpu.dma_semaphore, #tpu.memory_space<semaphore_mem>>) src(%dma_wait3A_431 : memref<10000x32xf32, #tpu.memory_space<hbm>>) dst(%dma_wait3A_425 : memref<125x32xf32, #tpu.memory_space<vmem>>)
    %dma_start3A_432 = arith.constant 0 : i32
    %dma_start3A_433 = arith.constant 72 : i32
    %dma_start3A_434 = arith.constant 0 : i32
    %dma_start3A_435 = arith.constant 0 : i32
    %dma_start3A_436 = tpu.memref_slice %arg9[%dma_start3A_432, %dma_start3A_434, %dma_start3A_435] : memref<8x125x32xf32, #tpu.memory_space<vmem>> -> memref<1x125x32xf32, #tpu.memory_space<vmem>>
    %dma_start3A_437 = tpu.memref_squeeze %dma_start3A_436 : memref<1x125x32xf32, #tpu.memory_space<vmem>> -> memref<125x32xf32, #tpu.memory_space<vmem>>
    %dma_start3A_438 = arith.constant 0 : i32
    %dma_start3A_439 = tpu.memref_slice %arg8[%dma_start3A_433, %dma_start3A_438] : memref<80x125xi32, #tpu.memory_space<vmem>> -> memref<1x125xi32, #tpu.memory_space<vmem>>
    %dma_start3A_440 = tpu.memref_squeeze %dma_start3A_439 : memref<1x125xi32, #tpu.memory_space<vmem>> -> memref<125xi32, #tpu.memory_space<vmem>>
    %dma_start3A_441 = arith.constant 0 : i32
    %dma_start3A_442 = arith.constant 0 : i32
    %dma_start3A_443 = tpu.memref_slice %arg11[%dma_start3A_441, %dma_start3A_442] : memref<10000x32xf32, #tpu.memory_space<vmem_shared>> -> memref<10000x32xf32, #tpu.memory_space<vmem_shared>>
    tpu.enqueue_indirect_dma source(%dma_start3A_437 : memref<125x32xf32, #tpu.memory_space<vmem>>) target(%dma_start3A_443 : memref<10000x32xf32, #tpu.memory_space<vmem_shared>>) offsets(%dma_start3A_440 : memref<125xi32, #tpu.memory_space<vmem>>) semaphore(%arg20 : memref<!tpu.dma_semaphore, #tpu.memory_space<semaphore_mem>>) {add = true}
    %dma_wait3A_444 = arith.constant 5 : i32
    %dma_wait3A_445 = arith.constant 69 : i32
    %dma_wait3A_446 = arith.constant 0 : i32
    %dma_wait3A_447 = arith.constant 0 : i32
    %dma_wait3A_448 = tpu.memref_slice %arg9[%dma_wait3A_444, %dma_wait3A_446, %dma_wait3A_447] : memref<8x125x32xf32, #tpu.memory_space<vmem>> -> memref<1x125x32xf32, #tpu.memory_space<vmem>>
    %dma_wait3A_449 = tpu.memref_squeeze %dma_wait3A_448 : memref<1x125x32xf32, #tpu.memory_space<vmem>> -> memref<125x32xf32, #tpu.memory_space<vmem>>
    %dma_wait3A_450 = arith.constant 0 : i32
    %dma_wait3A_451 = tpu.memref_slice %arg8[%dma_wait3A_445, %dma_wait3A_450] : memref<80x125xi32, #tpu.memory_space<vmem>> -> memref<1x125xi32, #tpu.memory_space<vmem>>
    %dma_wait3A_452 = tpu.memref_squeeze %dma_wait3A_451 : memref<1x125xi32, #tpu.memory_space<vmem>> -> memref<125xi32, #tpu.memory_space<vmem>>
    %dma_wait3A_453 = arith.constant 0 : i32
    %dma_wait3A_454 = arith.constant 0 : i32
    %dma_wait3A_455 = tpu.memref_slice %arg11[%dma_wait3A_453, %dma_wait3A_454] : memref<10000x32xf32, #tpu.memory_space<vmem_shared>> -> memref<10000x32xf32, #tpu.memory_space<vmem_shared>>
    tpu.wait_indirect_dma semaphore(%arg25 : memref<!tpu.dma_semaphore, #tpu.memory_space<semaphore_mem>>) src(%dma_wait3A_449 : memref<125x32xf32, #tpu.memory_space<vmem>>) dst(%dma_wait3A_455 : memref<10000x32xf32, #tpu.memory_space<vmem_shared>>)
    %dma_start3A_456 = arith.constant 77 : i32
    %dma_start3A_457 = arith.constant 5 : i32
    %dma_start3A_458 = arith.constant 0 : i32
    %dma_start3A_459 = arith.constant 0 : i32
    %dma_start3A_460 = tpu.memref_slice %arg9[%dma_start3A_457, %dma_start3A_458, %dma_start3A_459] : memref<8x125x32xf32, #tpu.memory_space<vmem>> -> memref<1x125x32xf32, #tpu.memory_space<vmem>>
    %dma_start3A_461 = tpu.memref_squeeze %dma_start3A_460 : memref<1x125x32xf32, #tpu.memory_space<vmem>> -> memref<125x32xf32, #tpu.memory_space<vmem>>
    %dma_start3A_462 = arith.constant 0 : i32
    %dma_start3A_463 = tpu.memref_slice %arg7[%dma_start3A_456, %dma_start3A_462] : memref<80x125xi32, #tpu.memory_space<vmem>> -> memref<1x125xi32, #tpu.memory_space<vmem>>
    %dma_start3A_464 = tpu.memref_squeeze %dma_start3A_463 : memref<1x125xi32, #tpu.memory_space<vmem>> -> memref<125xi32, #tpu.memory_space<vmem>>
    %dma_start3A_465 = arith.constant 0 : i32
    %dma_start3A_466 = arith.constant 0 : i32
    %dma_start3A_467 = tpu.memref_slice %arg2[%dma_start3A_465, %dma_start3A_466] : memref<10000x32xf32, #tpu.memory_space<hbm>> -> memref<10000x32xf32, #tpu.memory_space<hbm>>
    tpu.enqueue_indirect_dma source(%dma_start3A_467 : memref<10000x32xf32, #tpu.memory_space<hbm>>) target(%dma_start3A_461 : memref<125x32xf32, #tpu.memory_space<vmem>>) offsets(%dma_start3A_464 : memref<125xi32, #tpu.memory_space<vmem>>) semaphore(%arg17 : memref<!tpu.dma_semaphore, #tpu.memory_space<semaphore_mem>>)
    %dma_wait3A_468 = arith.constant 73 : i32
    %dma_wait3A_469 = arith.constant 1 : i32
    %dma_wait3A_470 = arith.constant 0 : i32
    %dma_wait3A_471 = arith.constant 0 : i32
    %dma_wait3A_472 = tpu.memref_slice %arg9[%dma_wait3A_469, %dma_wait3A_470, %dma_wait3A_471] : memref<8x125x32xf32, #tpu.memory_space<vmem>> -> memref<1x125x32xf32, #tpu.memory_space<vmem>>
    %dma_wait3A_473 = tpu.memref_squeeze %dma_wait3A_472 : memref<1x125x32xf32, #tpu.memory_space<vmem>> -> memref<125x32xf32, #tpu.memory_space<vmem>>
    %dma_wait3A_474 = arith.constant 0 : i32
    %dma_wait3A_475 = tpu.memref_slice %arg7[%dma_wait3A_468, %dma_wait3A_474] : memref<80x125xi32, #tpu.memory_space<vmem>> -> memref<1x125xi32, #tpu.memory_space<vmem>>
    %dma_wait3A_476 = tpu.memref_squeeze %dma_wait3A_475 : memref<1x125xi32, #tpu.memory_space<vmem>> -> memref<125xi32, #tpu.memory_space<vmem>>
    %dma_wait3A_477 = arith.constant 0 : i32
    %dma_wait3A_478 = arith.constant 0 : i32
    %dma_wait3A_479 = tpu.memref_slice %arg2[%dma_wait3A_477, %dma_wait3A_478] : memref<10000x32xf32, #tpu.memory_space<hbm>> -> memref<10000x32xf32, #tpu.memory_space<hbm>>
    tpu.wait_indirect_dma semaphore(%arg13 : memref<!tpu.dma_semaphore, #tpu.memory_space<semaphore_mem>>) src(%dma_wait3A_479 : memref<10000x32xf32, #tpu.memory_space<hbm>>) dst(%dma_wait3A_473 : memref<125x32xf32, #tpu.memory_space<vmem>>)
    %dma_start3A_480 = arith.constant 1 : i32
    %dma_start3A_481 = arith.constant 73 : i32
    %dma_start3A_482 = arith.constant 0 : i32
    %dma_start3A_483 = arith.constant 0 : i32
    %dma_start3A_484 = tpu.memref_slice %arg9[%dma_start3A_480, %dma_start3A_482, %dma_start3A_483] : memref<8x125x32xf32, #tpu.memory_space<vmem>> -> memref<1x125x32xf32, #tpu.memory_space<vmem>>
    %dma_start3A_485 = tpu.memref_squeeze %dma_start3A_484 : memref<1x125x32xf32, #tpu.memory_space<vmem>> -> memref<125x32xf32, #tpu.memory_space<vmem>>
    %dma_start3A_486 = arith.constant 0 : i32
    %dma_start3A_487 = tpu.memref_slice %arg8[%dma_start3A_481, %dma_start3A_486] : memref<80x125xi32, #tpu.memory_space<vmem>> -> memref<1x125xi32, #tpu.memory_space<vmem>>
    %dma_start3A_488 = tpu.memref_squeeze %dma_start3A_487 : memref<1x125xi32, #tpu.memory_space<vmem>> -> memref<125xi32, #tpu.memory_space<vmem>>
    %dma_start3A_489 = arith.constant 0 : i32
    %dma_start3A_490 = arith.constant 0 : i32
    %dma_start3A_491 = tpu.memref_slice %arg11[%dma_start3A_489, %dma_start3A_490] : memref<10000x32xf32, #tpu.memory_space<vmem_shared>> -> memref<10000x32xf32, #tpu.memory_space<vmem_shared>>
    tpu.enqueue_indirect_dma source(%dma_start3A_485 : memref<125x32xf32, #tpu.memory_space<vmem>>) target(%dma_start3A_491 : memref<10000x32xf32, #tpu.memory_space<vmem_shared>>) offsets(%dma_start3A_488 : memref<125xi32, #tpu.memory_space<vmem>>) semaphore(%arg21 : memref<!tpu.dma_semaphore, #tpu.memory_space<semaphore_mem>>) {add = true}
    %dma_wait3A_492 = arith.constant 6 : i32
    %dma_wait3A_493 = arith.constant 70 : i32
    %dma_wait3A_494 = arith.constant 0 : i32
    %dma_wait3A_495 = arith.constant 0 : i32
    %dma_wait3A_496 = tpu.memref_slice %arg9[%dma_wait3A_492, %dma_wait3A_494, %dma_wait3A_495] : memref<8x125x32xf32, #tpu.memory_space<vmem>> -> memref<1x125x32xf32, #tpu.memory_space<vmem>>
    %dma_wait3A_497 = tpu.memref_squeeze %dma_wait3A_496 : memref<1x125x32xf32, #tpu.memory_space<vmem>> -> memref<125x32xf32, #tpu.memory_space<vmem>>
    %dma_wait3A_498 = arith.constant 0 : i32
    %dma_wait3A_499 = tpu.memref_slice %arg8[%dma_wait3A_493, %dma_wait3A_498] : memref<80x125xi32, #tpu.memory_space<vmem>> -> memref<1x125xi32, #tpu.memory_space<vmem>>
    %dma_wait3A_500 = tpu.memref_squeeze %dma_wait3A_499 : memref<1x125xi32, #tpu.memory_space<vmem>> -> memref<125xi32, #tpu.memory_space<vmem>>
    %dma_wait3A_501 = arith.constant 0 : i32
    %dma_wait3A_502 = arith.constant 0 : i32
    %dma_wait3A_503 = tpu.memref_slice %arg11[%dma_wait3A_501, %dma_wait3A_502] : memref<10000x32xf32, #tpu.memory_space<vmem_shared>> -> memref<10000x32xf32, #tpu.memory_space<vmem_shared>>
    tpu.wait_indirect_dma semaphore(%arg26 : memref<!tpu.dma_semaphore, #tpu.memory_space<semaphore_mem>>) src(%dma_wait3A_497 : memref<125x32xf32, #tpu.memory_space<vmem>>) dst(%dma_wait3A_503 : memref<10000x32xf32, #tpu.memory_space<vmem_shared>>)
    %dma_start3A_504 = arith.constant 78 : i32
    %dma_start3A_505 = arith.constant 6 : i32
    %dma_start3A_506 = arith.constant 0 : i32
    %dma_start3A_507 = arith.constant 0 : i32
    %dma_start3A_508 = tpu.memref_slice %arg9[%dma_start3A_505, %dma_start3A_506, %dma_start3A_507] : memref<8x125x32xf32, #tpu.memory_space<vmem>> -> memref<1x125x32xf32, #tpu.memory_space<vmem>>
    %dma_start3A_509 = tpu.memref_squeeze %dma_start3A_508 : memref<1x125x32xf32, #tpu.memory_space<vmem>> -> memref<125x32xf32, #tpu.memory_space<vmem>>
    %dma_start3A_510 = arith.constant 0 : i32
    %dma_start3A_511 = tpu.memref_slice %arg7[%dma_start3A_504, %dma_start3A_510] : memref<80x125xi32, #tpu.memory_space<vmem>> -> memref<1x125xi32, #tpu.memory_space<vmem>>
    %dma_start3A_512 = tpu.memref_squeeze %dma_start3A_511 : memref<1x125xi32, #tpu.memory_space<vmem>> -> memref<125xi32, #tpu.memory_space<vmem>>
    %dma_start3A_513 = arith.constant 0 : i32
    %dma_start3A_514 = arith.constant 0 : i32
    %dma_start3A_515 = tpu.memref_slice %arg2[%dma_start3A_513, %dma_start3A_514] : memref<10000x32xf32, #tpu.memory_space<hbm>> -> memref<10000x32xf32, #tpu.memory_space<hbm>>
    tpu.enqueue_indirect_dma source(%dma_start3A_515 : memref<10000x32xf32, #tpu.memory_space<hbm>>) target(%dma_start3A_509 : memref<125x32xf32, #tpu.memory_space<vmem>>) offsets(%dma_start3A_512 : memref<125xi32, #tpu.memory_space<vmem>>) semaphore(%arg18 : memref<!tpu.dma_semaphore, #tpu.memory_space<semaphore_mem>>)
    %dma_wait3A_516 = arith.constant 74 : i32
    %dma_wait3A_517 = arith.constant 2 : i32
    %dma_wait3A_518 = arith.constant 0 : i32
    %dma_wait3A_519 = arith.constant 0 : i32
    %dma_wait3A_520 = tpu.memref_slice %arg9[%dma_wait3A_517, %dma_wait3A_518, %dma_wait3A_519] : memref<8x125x32xf32, #tpu.memory_space<vmem>> -> memref<1x125x32xf32, #tpu.memory_space<vmem>>
    %dma_wait3A_521 = tpu.memref_squeeze %dma_wait3A_520 : memref<1x125x32xf32, #tpu.memory_space<vmem>> -> memref<125x32xf32, #tpu.memory_space<vmem>>
    %dma_wait3A_522 = arith.constant 0 : i32
    %dma_wait3A_523 = tpu.memref_slice %arg7[%dma_wait3A_516, %dma_wait3A_522] : memref<80x125xi32, #tpu.memory_space<vmem>> -> memref<1x125xi32, #tpu.memory_space<vmem>>
    %dma_wait3A_524 = tpu.memref_squeeze %dma_wait3A_523 : memref<1x125xi32, #tpu.memory_space<vmem>> -> memref<125xi32, #tpu.memory_space<vmem>>
    %dma_wait3A_525 = arith.constant 0 : i32
    %dma_wait3A_526 = arith.constant 0 : i32
    %dma_wait3A_527 = tpu.memref_slice %arg2[%dma_wait3A_525, %dma_wait3A_526] : memref<10000x32xf32, #tpu.memory_space<hbm>> -> memref<10000x32xf32, #tpu.memory_space<hbm>>
    tpu.wait_indirect_dma semaphore(%arg14 : memref<!tpu.dma_semaphore, #tpu.memory_space<semaphore_mem>>) src(%dma_wait3A_527 : memref<10000x32xf32, #tpu.memory_space<hbm>>) dst(%dma_wait3A_521 : memref<125x32xf32, #tpu.memory_space<vmem>>)
    %dma_start3A_528 = arith.constant 2 : i32
    %dma_start3A_529 = arith.constant 74 : i32
    %dma_start3A_530 = arith.constant 0 : i32
    %dma_start3A_531 = arith.constant 0 : i32
    %dma_start3A_532 = tpu.memref_slice %arg9[%dma_start3A_528, %dma_start3A_530, %dma_start3A_531] : memref<8x125x32xf32, #tpu.memory_space<vmem>> -> memref<1x125x32xf32, #tpu.memory_space<vmem>>
    %dma_start3A_533 = tpu.memref_squeeze %dma_start3A_532 : memref<1x125x32xf32, #tpu.memory_space<vmem>> -> memref<125x32xf32, #tpu.memory_space<vmem>>
    %dma_start3A_534 = arith.constant 0 : i32
    %dma_start3A_535 = tpu.memref_slice %arg8[%dma_start3A_529, %dma_start3A_534] : memref<80x125xi32, #tpu.memory_space<vmem>> -> memref<1x125xi32, #tpu.memory_space<vmem>>
    %dma_start3A_536 = tpu.memref_squeeze %dma_start3A_535 : memref<1x125xi32, #tpu.memory_space<vmem>> -> memref<125xi32, #tpu.memory_space<vmem>>
    %dma_start3A_537 = arith.constant 0 : i32
    %dma_start3A_538 = arith.constant 0 : i32
    %dma_start3A_539 = tpu.memref_slice %arg11[%dma_start3A_537, %dma_start3A_538] : memref<10000x32xf32, #tpu.memory_space<vmem_shared>> -> memref<10000x32xf32, #tpu.memory_space<vmem_shared>>
    tpu.enqueue_indirect_dma source(%dma_start3A_533 : memref<125x32xf32, #tpu.memory_space<vmem>>) target(%dma_start3A_539 : memref<10000x32xf32, #tpu.memory_space<vmem_shared>>) offsets(%dma_start3A_536 : memref<125xi32, #tpu.memory_space<vmem>>) semaphore(%arg22 : memref<!tpu.dma_semaphore, #tpu.memory_space<semaphore_mem>>) {add = true}
    %dma_wait3A_540 = arith.constant 7 : i32
    %dma_wait3A_541 = arith.constant 71 : i32
    %dma_wait3A_542 = arith.constant 0 : i32
    %dma_wait3A_543 = arith.constant 0 : i32
    %dma_wait3A_544 = tpu.memref_slice %arg9[%dma_wait3A_540, %dma_wait3A_542, %dma_wait3A_543] : memref<8x125x32xf32, #tpu.memory_space<vmem>> -> memref<1x125x32xf32, #tpu.memory_space<vmem>>
    %dma_wait3A_545 = tpu.memref_squeeze %dma_wait3A_544 : memref<1x125x32xf32, #tpu.memory_space<vmem>> -> memref<125x32xf32, #tpu.memory_space<vmem>>
    %dma_wait3A_546 = arith.constant 0 : i32
    %dma_wait3A_547 = tpu.memref_slice %arg8[%dma_wait3A_541, %dma_wait3A_546] : memref<80x125xi32, #tpu.memory_space<vmem>> -> memref<1x125xi32, #tpu.memory_space<vmem>>
    %dma_wait3A_548 = tpu.memref_squeeze %dma_wait3A_547 : memref<1x125xi32, #tpu.memory_space<vmem>> -> memref<125xi32, #tpu.memory_space<vmem>>
    %dma_wait3A_549 = arith.constant 0 : i32
    %dma_wait3A_550 = arith.constant 0 : i32
    %dma_wait3A_551 = tpu.memref_slice %arg11[%dma_wait3A_549, %dma_wait3A_550] : memref<10000x32xf32, #tpu.memory_space<vmem_shared>> -> memref<10000x32xf32, #tpu.memory_space<vmem_shared>>
    tpu.wait_indirect_dma semaphore(%arg27 : memref<!tpu.dma_semaphore, #tpu.memory_space<semaphore_mem>>) src(%dma_wait3A_545 : memref<125x32xf32, #tpu.memory_space<vmem>>) dst(%dma_wait3A_551 : memref<10000x32xf32, #tpu.memory_space<vmem_shared>>)
    %dma_start3A_552 = arith.constant 79 : i32
    %dma_start3A_553 = arith.constant 7 : i32
    %dma_start3A_554 = arith.constant 0 : i32
    %dma_start3A_555 = arith.constant 0 : i32
    %dma_start3A_556 = tpu.memref_slice %arg9[%dma_start3A_553, %dma_start3A_554, %dma_start3A_555] : memref<8x125x32xf32, #tpu.memory_space<vmem>> -> memref<1x125x32xf32, #tpu.memory_space<vmem>>
    %dma_start3A_557 = tpu.memref_squeeze %dma_start3A_556 : memref<1x125x32xf32, #tpu.memory_space<vmem>> -> memref<125x32xf32, #tpu.memory_space<vmem>>
    %dma_start3A_558 = arith.constant 0 : i32
    %dma_start3A_559 = tpu.memref_slice %arg7[%dma_start3A_552, %dma_start3A_558] : memref<80x125xi32, #tpu.memory_space<vmem>> -> memref<1x125xi32, #tpu.memory_space<vmem>>
    %dma_start3A_560 = tpu.memref_squeeze %dma_start3A_559 : memref<1x125xi32, #tpu.memory_space<vmem>> -> memref<125xi32, #tpu.memory_space<vmem>>
    %dma_start3A_561 = arith.constant 0 : i32
    %dma_start3A_562 = arith.constant 0 : i32
    %dma_start3A_563 = tpu.memref_slice %arg2[%dma_start3A_561, %dma_start3A_562] : memref<10000x32xf32, #tpu.memory_space<hbm>> -> memref<10000x32xf32, #tpu.memory_space<hbm>>
    tpu.enqueue_indirect_dma source(%dma_start3A_563 : memref<10000x32xf32, #tpu.memory_space<hbm>>) target(%dma_start3A_557 : memref<125x32xf32, #tpu.memory_space<vmem>>) offsets(%dma_start3A_560 : memref<125xi32, #tpu.memory_space<vmem>>) semaphore(%arg19 : memref<!tpu.dma_semaphore, #tpu.memory_space<semaphore_mem>>)
    %dma_wait3A_564 = arith.constant 75 : i32
    %dma_wait3A_565 = arith.constant 3 : i32
    %dma_wait3A_566 = arith.constant 0 : i32
    %dma_wait3A_567 = arith.constant 0 : i32
    %dma_wait3A_568 = tpu.memref_slice %arg9[%dma_wait3A_565, %dma_wait3A_566, %dma_wait3A_567] : memref<8x125x32xf32, #tpu.memory_space<vmem>> -> memref<1x125x32xf32, #tpu.memory_space<vmem>>
    %dma_wait3A_569 = tpu.memref_squeeze %dma_wait3A_568 : memref<1x125x32xf32, #tpu.memory_space<vmem>> -> memref<125x32xf32, #tpu.memory_space<vmem>>
    %dma_wait3A_570 = arith.constant 0 : i32
    %dma_wait3A_571 = tpu.memref_slice %arg7[%dma_wait3A_564, %dma_wait3A_570] : memref<80x125xi32, #tpu.memory_space<vmem>> -> memref<1x125xi32, #tpu.memory_space<vmem>>
    %dma_wait3A_572 = tpu.memref_squeeze %dma_wait3A_571 : memref<1x125xi32, #tpu.memory_space<vmem>> -> memref<125xi32, #tpu.memory_space<vmem>>
    %dma_wait3A_573 = arith.constant 0 : i32
    %dma_wait3A_574 = arith.constant 0 : i32
    %dma_wait3A_575 = tpu.memref_slice %arg2[%dma_wait3A_573, %dma_wait3A_574] : memref<10000x32xf32, #tpu.memory_space<hbm>> -> memref<10000x32xf32, #tpu.memory_space<hbm>>
    tpu.wait_indirect_dma semaphore(%arg15 : memref<!tpu.dma_semaphore, #tpu.memory_space<semaphore_mem>>) src(%dma_wait3A_575 : memref<10000x32xf32, #tpu.memory_space<hbm>>) dst(%dma_wait3A_569 : memref<125x32xf32, #tpu.memory_space<vmem>>)
    %dma_start3A_576 = arith.constant 3 : i32
    %dma_start3A_577 = arith.constant 75 : i32
    %dma_start3A_578 = arith.constant 0 : i32
    %dma_start3A_579 = arith.constant 0 : i32
    %dma_start3A_580 = tpu.memref_slice %arg9[%dma_start3A_576, %dma_start3A_578, %dma_start3A_579] : memref<8x125x32xf32, #tpu.memory_space<vmem>> -> memref<1x125x32xf32, #tpu.memory_space<vmem>>
    %dma_start3A_581 = tpu.memref_squeeze %dma_start3A_580 : memref<1x125x32xf32, #tpu.memory_space<vmem>> -> memref<125x32xf32, #tpu.memory_space<vmem>>
    %dma_start3A_582 = arith.constant 0 : i32
    %dma_start3A_583 = tpu.memref_slice %arg8[%dma_start3A_577, %dma_start3A_582] : memref<80x125xi32, #tpu.memory_space<vmem>> -> memref<1x125xi32, #tpu.memory_space<vmem>>
    %dma_start3A_584 = tpu.memref_squeeze %dma_start3A_583 : memref<1x125xi32, #tpu.memory_space<vmem>> -> memref<125xi32, #tpu.memory_space<vmem>>
    %dma_start3A_585 = arith.constant 0 : i32
    %dma_start3A_586 = arith.constant 0 : i32
    %dma_start3A_587 = tpu.memref_slice %arg11[%dma_start3A_585, %dma_start3A_586] : memref<10000x32xf32, #tpu.memory_space<vmem_shared>> -> memref<10000x32xf32, #tpu.memory_space<vmem_shared>>
    tpu.enqueue_indirect_dma source(%dma_start3A_581 : memref<125x32xf32, #tpu.memory_space<vmem>>) target(%dma_start3A_587 : memref<10000x32xf32, #tpu.memory_space<vmem_shared>>) offsets(%dma_start3A_584 : memref<125xi32, #tpu.memory_space<vmem>>) semaphore(%arg23 : memref<!tpu.dma_semaphore, #tpu.memory_space<semaphore_mem>>) {add = true}
    %dma_wait3A_588 = arith.constant 76 : i32
    %dma_wait3A_589 = arith.constant 4 : i32
    %dma_wait3A_590 = arith.constant 0 : i32
    %dma_wait3A_591 = arith.constant 0 : i32
    %dma_wait3A_592 = tpu.memref_slice %arg9[%dma_wait3A_589, %dma_wait3A_590, %dma_wait3A_591] : memref<8x125x32xf32, #tpu.memory_space<vmem>> -> memref<1x125x32xf32, #tpu.memory_space<vmem>>
    %dma_wait3A_593 = tpu.memref_squeeze %dma_wait3A_592 : memref<1x125x32xf32, #tpu.memory_space<vmem>> -> memref<125x32xf32, #tpu.memory_space<vmem>>
    %dma_wait3A_594 = arith.constant 0 : i32
    %dma_wait3A_595 = tpu.memref_slice %arg7[%dma_wait3A_588, %dma_wait3A_594] : memref<80x125xi32, #tpu.memory_space<vmem>> -> memref<1x125xi32, #tpu.memory_space<vmem>>
    %dma_wait3A_596 = tpu.memref_squeeze %dma_wait3A_595 : memref<1x125xi32, #tpu.memory_space<vmem>> -> memref<125xi32, #tpu.memory_space<vmem>>
    %dma_wait3A_597 = arith.constant 0 : i32
    %dma_wait3A_598 = arith.constant 0 : i32
    %dma_wait3A_599 = tpu.memref_slice %arg2[%dma_wait3A_597, %dma_wait3A_598] : memref<10000x32xf32, #tpu.memory_space<hbm>> -> memref<10000x32xf32, #tpu.memory_space<hbm>>
    tpu.wait_indirect_dma semaphore(%arg16 : memref<!tpu.dma_semaphore, #tpu.memory_space<semaphore_mem>>) src(%dma_wait3A_599 : memref<10000x32xf32, #tpu.memory_space<hbm>>) dst(%dma_wait3A_593 : memref<125x32xf32, #tpu.memory_space<vmem>>)
    %dma_start3A_600 = arith.constant 4 : i32
    %dma_start3A_601 = arith.constant 76 : i32
    %dma_start3A_602 = arith.constant 0 : i32
    %dma_start3A_603 = arith.constant 0 : i32
    %dma_start3A_604 = tpu.memref_slice %arg9[%dma_start3A_600, %dma_start3A_602, %dma_start3A_603] : memref<8x125x32xf32, #tpu.memory_space<vmem>> -> memref<1x125x32xf32, #tpu.memory_space<vmem>>
    %dma_start3A_605 = tpu.memref_squeeze %dma_start3A_604 : memref<1x125x32xf32, #tpu.memory_space<vmem>> -> memref<125x32xf32, #tpu.memory_space<vmem>>
    %dma_start3A_606 = arith.constant 0 : i32
    %dma_start3A_607 = tpu.memref_slice %arg8[%dma_start3A_601, %dma_start3A_606] : memref<80x125xi32, #tpu.memory_space<vmem>> -> memref<1x125xi32, #tpu.memory_space<vmem>>
    %dma_start3A_608 = tpu.memref_squeeze %dma_start3A_607 : memref<1x125xi32, #tpu.memory_space<vmem>> -> memref<125xi32, #tpu.memory_space<vmem>>
    %dma_start3A_609 = arith.constant 0 : i32
    %dma_start3A_610 = arith.constant 0 : i32
    %dma_start3A_611 = tpu.memref_slice %arg11[%dma_start3A_609, %dma_start3A_610] : memref<10000x32xf32, #tpu.memory_space<vmem_shared>> -> memref<10000x32xf32, #tpu.memory_space<vmem_shared>>
    tpu.enqueue_indirect_dma source(%dma_start3A_605 : memref<125x32xf32, #tpu.memory_space<vmem>>) target(%dma_start3A_611 : memref<10000x32xf32, #tpu.memory_space<vmem_shared>>) offsets(%dma_start3A_608 : memref<125xi32, #tpu.memory_space<vmem>>) semaphore(%arg24 : memref<!tpu.dma_semaphore, #tpu.memory_space<semaphore_mem>>) {add = true}
    %dma_wait3A_612 = arith.constant 77 : i32
    %dma_wait3A_613 = arith.constant 5 : i32
    %dma_wait3A_614 = arith.constant 0 : i32
    %dma_wait3A_615 = arith.constant 0 : i32
    %dma_wait3A_616 = tpu.memref_slice %arg9[%dma_wait3A_613, %dma_wait3A_614, %dma_wait3A_615] : memref<8x125x32xf32, #tpu.memory_space<vmem>> -> memref<1x125x32xf32, #tpu.memory_space<vmem>>
    %dma_wait3A_617 = tpu.memref_squeeze %dma_wait3A_616 : memref<1x125x32xf32, #tpu.memory_space<vmem>> -> memref<125x32xf32, #tpu.memory_space<vmem>>
    %dma_wait3A_618 = arith.constant 0 : i32
    %dma_wait3A_619 = tpu.memref_slice %arg7[%dma_wait3A_612, %dma_wait3A_618] : memref<80x125xi32, #tpu.memory_space<vmem>> -> memref<1x125xi32, #tpu.memory_space<vmem>>
    %dma_wait3A_620 = tpu.memref_squeeze %dma_wait3A_619 : memref<1x125xi32, #tpu.memory_space<vmem>> -> memref<125xi32, #tpu.memory_space<vmem>>
    %dma_wait3A_621 = arith.constant 0 : i32
    %dma_wait3A_622 = arith.constant 0 : i32
    %dma_wait3A_623 = tpu.memref_slice %arg2[%dma_wait3A_621, %dma_wait3A_622] : memref<10000x32xf32, #tpu.memory_space<hbm>> -> memref<10000x32xf32, #tpu.memory_space<hbm>>
    tpu.wait_indirect_dma semaphore(%arg17 : memref<!tpu.dma_semaphore, #tpu.memory_space<semaphore_mem>>) src(%dma_wait3A_623 : memref<10000x32xf32, #tpu.memory_space<hbm>>) dst(%dma_wait3A_617 : memref<125x32xf32, #tpu.memory_space<vmem>>)
    %dma_start3A_624 = arith.constant 5 : i32
    %dma_start3A_625 = arith.constant 77 : i32
    %dma_start3A_626 = arith.constant 0 : i32
    %dma_start3A_627 = arith.constant 0 : i32
    %dma_start3A_628 = tpu.memref_slice %arg9[%dma_start3A_624, %dma_start3A_626, %dma_start3A_627] : memref<8x125x32xf32, #tpu.memory_space<vmem>> -> memref<1x125x32xf32, #tpu.memory_space<vmem>>
    %dma_start3A_629 = tpu.memref_squeeze %dma_start3A_628 : memref<1x125x32xf32, #tpu.memory_space<vmem>> -> memref<125x32xf32, #tpu.memory_space<vmem>>
    %dma_start3A_630 = arith.constant 0 : i32
    %dma_start3A_631 = tpu.memref_slice %arg8[%dma_start3A_625, %dma_start3A_630] : memref<80x125xi32, #tpu.memory_space<vmem>> -> memref<1x125xi32, #tpu.memory_space<vmem>>
    %dma_start3A_632 = tpu.memref_squeeze %dma_start3A_631 : memref<1x125xi32, #tpu.memory_space<vmem>> -> memref<125xi32, #tpu.memory_space<vmem>>
    %dma_start3A_633 = arith.constant 0 : i32
    %dma_start3A_634 = arith.constant 0 : i32
    %dma_start3A_635 = tpu.memref_slice %arg11[%dma_start3A_633, %dma_start3A_634] : memref<10000x32xf32, #tpu.memory_space<vmem_shared>> -> memref<10000x32xf32, #tpu.memory_space<vmem_shared>>
    tpu.enqueue_indirect_dma source(%dma_start3A_629 : memref<125x32xf32, #tpu.memory_space<vmem>>) target(%dma_start3A_635 : memref<10000x32xf32, #tpu.memory_space<vmem_shared>>) offsets(%dma_start3A_632 : memref<125xi32, #tpu.memory_space<vmem>>) semaphore(%arg25 : memref<!tpu.dma_semaphore, #tpu.memory_space<semaphore_mem>>) {add = true}
    %dma_wait3A_636 = arith.constant 78 : i32
    %dma_wait3A_637 = arith.constant 6 : i32
    %dma_wait3A_638 = arith.constant 0 : i32
    %dma_wait3A_639 = arith.constant 0 : i32
    %dma_wait3A_640 = tpu.memref_slice %arg9[%dma_wait3A_637, %dma_wait3A_638, %dma_wait3A_639] : memref<8x125x32xf32, #tpu.memory_space<vmem>> -> memref<1x125x32xf32, #tpu.memory_space<vmem>>
    %dma_wait3A_641 = tpu.memref_squeeze %dma_wait3A_640 : memref<1x125x32xf32, #tpu.memory_space<vmem>> -> memref<125x32xf32, #tpu.memory_space<vmem>>
    %dma_wait3A_642 = arith.constant 0 : i32
    %dma_wait3A_643 = tpu.memref_slice %arg7[%dma_wait3A_636, %dma_wait3A_642] : memref<80x125xi32, #tpu.memory_space<vmem>> -> memref<1x125xi32, #tpu.memory_space<vmem>>
    %dma_wait3A_644 = tpu.memref_squeeze %dma_wait3A_643 : memref<1x125xi32, #tpu.memory_space<vmem>> -> memref<125xi32, #tpu.memory_space<vmem>>
    %dma_wait3A_645 = arith.constant 0 : i32
    %dma_wait3A_646 = arith.constant 0 : i32
    %dma_wait3A_647 = tpu.memref_slice %arg2[%dma_wait3A_645, %dma_wait3A_646] : memref<10000x32xf32, #tpu.memory_space<hbm>> -> memref<10000x32xf32, #tpu.memory_space<hbm>>
    tpu.wait_indirect_dma semaphore(%arg18 : memref<!tpu.dma_semaphore, #tpu.memory_space<semaphore_mem>>) src(%dma_wait3A_647 : memref<10000x32xf32, #tpu.memory_space<hbm>>) dst(%dma_wait3A_641 : memref<125x32xf32, #tpu.memory_space<vmem>>)
    %dma_start3A_648 = arith.constant 6 : i32
    %dma_start3A_649 = arith.constant 78 : i32
    %dma_start3A_650 = arith.constant 0 : i32
    %dma_start3A_651 = arith.constant 0 : i32
    %dma_start3A_652 = tpu.memref_slice %arg9[%dma_start3A_648, %dma_start3A_650, %dma_start3A_651] : memref<8x125x32xf32, #tpu.memory_space<vmem>> -> memref<1x125x32xf32, #tpu.memory_space<vmem>>
    %dma_start3A_653 = tpu.memref_squeeze %dma_start3A_652 : memref<1x125x32xf32, #tpu.memory_space<vmem>> -> memref<125x32xf32, #tpu.memory_space<vmem>>
    %dma_start3A_654 = arith.constant 0 : i32
    %dma_start3A_655 = tpu.memref_slice %arg8[%dma_start3A_649, %dma_start3A_654] : memref<80x125xi32, #tpu.memory_space<vmem>> -> memref<1x125xi32, #tpu.memory_space<vmem>>
    %dma_start3A_656 = tpu.memref_squeeze %dma_start3A_655 : memref<1x125xi32, #tpu.memory_space<vmem>> -> memref<125xi32, #tpu.memory_space<vmem>>
    %dma_start3A_657 = arith.constant 0 : i32
    %dma_start3A_658 = arith.constant 0 : i32
    %dma_start3A_659 = tpu.memref_slice %arg11[%dma_start3A_657, %dma_start3A_658] : memref<10000x32xf32, #tpu.memory_space<vmem_shared>> -> memref<10000x32xf32, #tpu.memory_space<vmem_shared>>
    tpu.enqueue_indirect_dma source(%dma_start3A_653 : memref<125x32xf32, #tpu.memory_space<vmem>>) target(%dma_start3A_659 : memref<10000x32xf32, #tpu.memory_space<vmem_shared>>) offsets(%dma_start3A_656 : memref<125xi32, #tpu.memory_space<vmem>>) semaphore(%arg26 : memref<!tpu.dma_semaphore, #tpu.memory_space<semaphore_mem>>) {add = true}
    %dma_wait3A_660 = arith.constant 79 : i32
    %dma_wait3A_661 = arith.constant 7 : i32
    %dma_wait3A_662 = arith.constant 0 : i32
    %dma_wait3A_663 = arith.constant 0 : i32
    %dma_wait3A_664 = tpu.memref_slice %arg9[%dma_wait3A_661, %dma_wait3A_662, %dma_wait3A_663] : memref<8x125x32xf32, #tpu.memory_space<vmem>> -> memref<1x125x32xf32, #tpu.memory_space<vmem>>
    %dma_wait3A_665 = tpu.memref_squeeze %dma_wait3A_664 : memref<1x125x32xf32, #tpu.memory_space<vmem>> -> memref<125x32xf32, #tpu.memory_space<vmem>>
    %dma_wait3A_666 = arith.constant 0 : i32
    %dma_wait3A_667 = tpu.memref_slice %arg7[%dma_wait3A_660, %dma_wait3A_666] : memref<80x125xi32, #tpu.memory_space<vmem>> -> memref<1x125xi32, #tpu.memory_space<vmem>>
    %dma_wait3A_668 = tpu.memref_squeeze %dma_wait3A_667 : memref<1x125xi32, #tpu.memory_space<vmem>> -> memref<125xi32, #tpu.memory_space<vmem>>
    %dma_wait3A_669 = arith.constant 0 : i32
    %dma_wait3A_670 = arith.constant 0 : i32
    %dma_wait3A_671 = tpu.memref_slice %arg2[%dma_wait3A_669, %dma_wait3A_670] : memref<10000x32xf32, #tpu.memory_space<hbm>> -> memref<10000x32xf32, #tpu.memory_space<hbm>>
    tpu.wait_indirect_dma semaphore(%arg19 : memref<!tpu.dma_semaphore, #tpu.memory_space<semaphore_mem>>) src(%dma_wait3A_671 : memref<10000x32xf32, #tpu.memory_space<hbm>>) dst(%dma_wait3A_665 : memref<125x32xf32, #tpu.memory_space<vmem>>)
    %dma_start3A_672 = arith.constant 7 : i32
    %dma_start3A_673 = arith.constant 79 : i32
    %dma_start3A_674 = arith.constant 0 : i32
    %dma_start3A_675 = arith.constant 0 : i32
    %dma_start3A_676 = tpu.memref_slice %arg9[%dma_start3A_672, %dma_start3A_674, %dma_start3A_675] : memref<8x125x32xf32, #tpu.memory_space<vmem>> -> memref<1x125x32xf32, #tpu.memory_space<vmem>>
    %dma_start3A_677 = tpu.memref_squeeze %dma_start3A_676 : memref<1x125x32xf32, #tpu.memory_space<vmem>> -> memref<125x32xf32, #tpu.memory_space<vmem>>
    %dma_start3A_678 = arith.constant 0 : i32
    %dma_start3A_679 = tpu.memref_slice %arg8[%dma_start3A_673, %dma_start3A_678] : memref<80x125xi32, #tpu.memory_space<vmem>> -> memref<1x125xi32, #tpu.memory_space<vmem>>
    %dma_start3A_680 = tpu.memref_squeeze %dma_start3A_679 : memref<1x125xi32, #tpu.memory_space<vmem>> -> memref<125xi32, #tpu.memory_space<vmem>>
    %dma_start3A_681 = arith.constant 0 : i32
    %dma_start3A_682 = arith.constant 0 : i32
    %dma_start3A_683 = tpu.memref_slice %arg11[%dma_start3A_681, %dma_start3A_682] : memref<10000x32xf32, #tpu.memory_space<vmem_shared>> -> memref<10000x32xf32, #tpu.memory_space<vmem_shared>>
    tpu.enqueue_indirect_dma source(%dma_start3A_677 : memref<125x32xf32, #tpu.memory_space<vmem>>) target(%dma_start3A_683 : memref<10000x32xf32, #tpu.memory_space<vmem_shared>>) offsets(%dma_start3A_680 : memref<125xi32, #tpu.memory_space<vmem>>) semaphore(%arg27 : memref<!tpu.dma_semaphore, #tpu.memory_space<semaphore_mem>>) {add = true}
    %dma_wait3A_684 = arith.constant 0 : i32
    %dma_wait3A_685 = arith.constant 72 : i32
    %dma_wait3A_686 = arith.constant 0 : i32
    %dma_wait3A_687 = arith.constant 0 : i32
    %dma_wait3A_688 = tpu.memref_slice %arg9[%dma_wait3A_684, %dma_wait3A_686, %dma_wait3A_687] : memref<8x125x32xf32, #tpu.memory_space<vmem>> -> memref<1x125x32xf32, #tpu.memory_space<vmem>>
    %dma_wait3A_689 = tpu.memref_squeeze %dma_wait3A_688 : memref<1x125x32xf32, #tpu.memory_space<vmem>> -> memref<125x32xf32, #tpu.memory_space<vmem>>
    %dma_wait3A_690 = arith.constant 0 : i32
    %dma_wait3A_691 = tpu.memref_slice %arg8[%dma_wait3A_685, %dma_wait3A_690] : memref<80x125xi32, #tpu.memory_space<vmem>> -> memref<1x125xi32, #tpu.memory_space<vmem>>
    %dma_wait3A_692 = tpu.memref_squeeze %dma_wait3A_691 : memref<1x125xi32, #tpu.memory_space<vmem>> -> memref<125xi32, #tpu.memory_space<vmem>>
    %dma_wait3A_693 = arith.constant 0 : i32
    %dma_wait3A_694 = arith.constant 0 : i32
    %dma_wait3A_695 = tpu.memref_slice %arg11[%dma_wait3A_693, %dma_wait3A_694] : memref<10000x32xf32, #tpu.memory_space<vmem_shared>> -> memref<10000x32xf32, #tpu.memory_space<vmem_shared>>
    tpu.wait_indirect_dma semaphore(%arg20 : memref<!tpu.dma_semaphore, #tpu.memory_space<semaphore_mem>>) src(%dma_wait3A_689 : memref<125x32xf32, #tpu.memory_space<vmem>>) dst(%dma_wait3A_695 : memref<10000x32xf32, #tpu.memory_space<vmem_shared>>)
    %dma_wait3A_696 = arith.constant 1 : i32
    %dma_wait3A_697 = arith.constant 73 : i32
    %dma_wait3A_698 = arith.constant 0 : i32
    %dma_wait3A_699 = arith.constant 0 : i32
    %dma_wait3A_700 = tpu.memref_slice %arg9[%dma_wait3A_696, %dma_wait3A_698, %dma_wait3A_699] : memref<8x125x32xf32, #tpu.memory_space<vmem>> -> memref<1x125x32xf32, #tpu.memory_space<vmem>>
    %dma_wait3A_701 = tpu.memref_squeeze %dma_wait3A_700 : memref<1x125x32xf32, #tpu.memory_space<vmem>> -> memref<125x32xf32, #tpu.memory_space<vmem>>
    %dma_wait3A_702 = arith.constant 0 : i32
    %dma_wait3A_703 = tpu.memref_slice %arg8[%dma_wait3A_697, %dma_wait3A_702] : memref<80x125xi32, #tpu.memory_space<vmem>> -> memref<1x125xi32, #tpu.memory_space<vmem>>
    %dma_wait3A_704 = tpu.memref_squeeze %dma_wait3A_703 : memref<1x125xi32, #tpu.memory_space<vmem>> -> memref<125xi32, #tpu.memory_space<vmem>>
    %dma_wait3A_705 = arith.constant 0 : i32
    %dma_wait3A_706 = arith.constant 0 : i32
    %dma_wait3A_707 = tpu.memref_slice %arg11[%dma_wait3A_705, %dma_wait3A_706] : memref<10000x32xf32, #tpu.memory_space<vmem_shared>> -> memref<10000x32xf32, #tpu.memory_space<vmem_shared>>
    tpu.wait_indirect_dma semaphore(%arg21 : memref<!tpu.dma_semaphore, #tpu.memory_space<semaphore_mem>>) src(%dma_wait3A_701 : memref<125x32xf32, #tpu.memory_space<vmem>>) dst(%dma_wait3A_707 : memref<10000x32xf32, #tpu.memory_space<vmem_shared>>)
    %dma_wait3A_708 = arith.constant 2 : i32
    %dma_wait3A_709 = arith.constant 74 : i32
    %dma_wait3A_710 = arith.constant 0 : i32
    %dma_wait3A_711 = arith.constant 0 : i32
    %dma_wait3A_712 = tpu.memref_slice %arg9[%dma_wait3A_708, %dma_wait3A_710, %dma_wait3A_711] : memref<8x125x32xf32, #tpu.memory_space<vmem>> -> memref<1x125x32xf32, #tpu.memory_space<vmem>>
    %dma_wait3A_713 = tpu.memref_squeeze %dma_wait3A_712 : memref<1x125x32xf32, #tpu.memory_space<vmem>> -> memref<125x32xf32, #tpu.memory_space<vmem>>
    %dma_wait3A_714 = arith.constant 0 : i32
    %dma_wait3A_715 = tpu.memref_slice %arg8[%dma_wait3A_709, %dma_wait3A_714] : memref<80x125xi32, #tpu.memory_space<vmem>> -> memref<1x125xi32, #tpu.memory_space<vmem>>
    %dma_wait3A_716 = tpu.memref_squeeze %dma_wait3A_715 : memref<1x125xi32, #tpu.memory_space<vmem>> -> memref<125xi32, #tpu.memory_space<vmem>>
    %dma_wait3A_717 = arith.constant 0 : i32
    %dma_wait3A_718 = arith.constant 0 : i32
    %dma_wait3A_719 = tpu.memref_slice %arg11[%dma_wait3A_717, %dma_wait3A_718] : memref<10000x32xf32, #tpu.memory_space<vmem_shared>> -> memref<10000x32xf32, #tpu.memory_space<vmem_shared>>
    tpu.wait_indirect_dma semaphore(%arg22 : memref<!tpu.dma_semaphore, #tpu.memory_space<semaphore_mem>>) src(%dma_wait3A_713 : memref<125x32xf32, #tpu.memory_space<vmem>>) dst(%dma_wait3A_719 : memref<10000x32xf32, #tpu.memory_space<vmem_shared>>)
    %dma_wait3A_720 = arith.constant 3 : i32
    %dma_wait3A_721 = arith.constant 75 : i32
    %dma_wait3A_722 = arith.constant 0 : i32
    %dma_wait3A_723 = arith.constant 0 : i32
    %dma_wait3A_724 = tpu.memref_slice %arg9[%dma_wait3A_720, %dma_wait3A_722, %dma_wait3A_723] : memref<8x125x32xf32, #tpu.memory_space<vmem>> -> memref<1x125x32xf32, #tpu.memory_space<vmem>>
    %dma_wait3A_725 = tpu.memref_squeeze %dma_wait3A_724 : memref<1x125x32xf32, #tpu.memory_space<vmem>> -> memref<125x32xf32, #tpu.memory_space<vmem>>
    %dma_wait3A_726 = arith.constant 0 : i32
    %dma_wait3A_727 = tpu.memref_slice %arg8[%dma_wait3A_721, %dma_wait3A_726] : memref<80x125xi32, #tpu.memory_space<vmem>> -> memref<1x125xi32, #tpu.memory_space<vmem>>
    %dma_wait3A_728 = tpu.memref_squeeze %dma_wait3A_727 : memref<1x125xi32, #tpu.memory_space<vmem>> -> memref<125xi32, #tpu.memory_space<vmem>>
    %dma_wait3A_729 = arith.constant 0 : i32
    %dma_wait3A_730 = arith.constant 0 : i32
    %dma_wait3A_731 = tpu.memref_slice %arg11[%dma_wait3A_729, %dma_wait3A_730] : memref<10000x32xf32, #tpu.memory_space<vmem_shared>> -> memref<10000x32xf32, #tpu.memory_space<vmem_shared>>
    tpu.wait_indirect_dma semaphore(%arg23 : memref<!tpu.dma_semaphore, #tpu.memory_space<semaphore_mem>>) src(%dma_wait3A_725 : memref<125x32xf32, #tpu.memory_space<vmem>>) dst(%dma_wait3A_731 : memref<10000x32xf32, #tpu.memory_space<vmem_shared>>)
    %dma_wait3A_732 = arith.constant 4 : i32
    %dma_wait3A_733 = arith.constant 76 : i32
    %dma_wait3A_734 = arith.constant 0 : i32
    %dma_wait3A_735 = arith.constant 0 : i32
    %dma_wait3A_736 = tpu.memref_slice %arg9[%dma_wait3A_732, %dma_wait3A_734, %dma_wait3A_735] : memref<8x125x32xf32, #tpu.memory_space<vmem>> -> memref<1x125x32xf32, #tpu.memory_space<vmem>>
    %dma_wait3A_737 = tpu.memref_squeeze %dma_wait3A_736 : memref<1x125x32xf32, #tpu.memory_space<vmem>> -> memref<125x32xf32, #tpu.memory_space<vmem>>
    %dma_wait3A_738 = arith.constant 0 : i32
    %dma_wait3A_739 = tpu.memref_slice %arg8[%dma_wait3A_733, %dma_wait3A_738] : memref<80x125xi32, #tpu.memory_space<vmem>> -> memref<1x125xi32, #tpu.memory_space<vmem>>
    %dma_wait3A_740 = tpu.memref_squeeze %dma_wait3A_739 : memref<1x125xi32, #tpu.memory_space<vmem>> -> memref<125xi32, #tpu.memory_space<vmem>>
    %dma_wait3A_741 = arith.constant 0 : i32
    %dma_wait3A_742 = arith.constant 0 : i32
    %dma_wait3A_743 = tpu.memref_slice %arg11[%dma_wait3A_741, %dma_wait3A_742] : memref<10000x32xf32, #tpu.memory_space<vmem_shared>> -> memref<10000x32xf32, #tpu.memory_space<vmem_shared>>
    tpu.wait_indirect_dma semaphore(%arg24 : memref<!tpu.dma_semaphore, #tpu.memory_space<semaphore_mem>>) src(%dma_wait3A_737 : memref<125x32xf32, #tpu.memory_space<vmem>>) dst(%dma_wait3A_743 : memref<10000x32xf32, #tpu.memory_space<vmem_shared>>)
    %dma_wait3A_744 = arith.constant 5 : i32
    %dma_wait3A_745 = arith.constant 77 : i32
    %dma_wait3A_746 = arith.constant 0 : i32
    %dma_wait3A_747 = arith.constant 0 : i32
    %dma_wait3A_748 = tpu.memref_slice %arg9[%dma_wait3A_744, %dma_wait3A_746, %dma_wait3A_747] : memref<8x125x32xf32, #tpu.memory_space<vmem>> -> memref<1x125x32xf32, #tpu.memory_space<vmem>>
    %dma_wait3A_749 = tpu.memref_squeeze %dma_wait3A_748 : memref<1x125x32xf32, #tpu.memory_space<vmem>> -> memref<125x32xf32, #tpu.memory_space<vmem>>
    %dma_wait3A_750 = arith.constant 0 : i32
    %dma_wait3A_751 = tpu.memref_slice %arg8[%dma_wait3A_745, %dma_wait3A_750] : memref<80x125xi32, #tpu.memory_space<vmem>> -> memref<1x125xi32, #tpu.memory_space<vmem>>
    %dma_wait3A_752 = tpu.memref_squeeze %dma_wait3A_751 : memref<1x125xi32, #tpu.memory_space<vmem>> -> memref<125xi32, #tpu.memory_space<vmem>>
    %dma_wait3A_753 = arith.constant 0 : i32
    %dma_wait3A_754 = arith.constant 0 : i32
    %dma_wait3A_755 = tpu.memref_slice %arg11[%dma_wait3A_753, %dma_wait3A_754] : memref<10000x32xf32, #tpu.memory_space<vmem_shared>> -> memref<10000x32xf32, #tpu.memory_space<vmem_shared>>
    tpu.wait_indirect_dma semaphore(%arg25 : memref<!tpu.dma_semaphore, #tpu.memory_space<semaphore_mem>>) src(%dma_wait3A_749 : memref<125x32xf32, #tpu.memory_space<vmem>>) dst(%dma_wait3A_755 : memref<10000x32xf32, #tpu.memory_space<vmem_shared>>)
    %dma_wait3A_756 = arith.constant 6 : i32
    %dma_wait3A_757 = arith.constant 78 : i32
    %dma_wait3A_758 = arith.constant 0 : i32
    %dma_wait3A_759 = arith.constant 0 : i32
    %dma_wait3A_760 = tpu.memref_slice %arg9[%dma_wait3A_756, %dma_wait3A_758, %dma_wait3A_759] : memref<8x125x32xf32, #tpu.memory_space<vmem>> -> memref<1x125x32xf32, #tpu.memory_space<vmem>>
    %dma_wait3A_761 = tpu.memref_squeeze %dma_wait3A_760 : memref<1x125x32xf32, #tpu.memory_space<vmem>> -> memref<125x32xf32, #tpu.memory_space<vmem>>
    %dma_wait3A_762 = arith.constant 0 : i32
    %dma_wait3A_763 = tpu.memref_slice %arg8[%dma_wait3A_757, %dma_wait3A_762] : memref<80x125xi32, #tpu.memory_space<vmem>> -> memref<1x125xi32, #tpu.memory_space<vmem>>
    %dma_wait3A_764 = tpu.memref_squeeze %dma_wait3A_763 : memref<1x125xi32, #tpu.memory_space<vmem>> -> memref<125xi32, #tpu.memory_space<vmem>>
    %dma_wait3A_765 = arith.constant 0 : i32
    %dma_wait3A_766 = arith.constant 0 : i32
    %dma_wait3A_767 = tpu.memref_slice %arg11[%dma_wait3A_765, %dma_wait3A_766] : memref<10000x32xf32, #tpu.memory_space<vmem_shared>> -> memref<10000x32xf32, #tpu.memory_space<vmem_shared>>
    tpu.wait_indirect_dma semaphore(%arg26 : memref<!tpu.dma_semaphore, #tpu.memory_space<semaphore_mem>>) src(%dma_wait3A_761 : memref<125x32xf32, #tpu.memory_space<vmem>>) dst(%dma_wait3A_767 : memref<10000x32xf32, #tpu.memory_space<vmem_shared>>)
    %dma_wait3A_768 = arith.constant 7 : i32
    %dma_wait3A_769 = arith.constant 79 : i32
    %dma_wait3A_770 = arith.constant 0 : i32
    %dma_wait3A_771 = arith.constant 0 : i32
    %dma_wait3A_772 = tpu.memref_slice %arg9[%dma_wait3A_768, %dma_wait3A_770, %dma_wait3A_771] : memref<8x125x32xf32, #tpu.memory_space<vmem>> -> memref<1x125x32xf32, #tpu.memory_space<vmem>>
    %dma_wait3A_773 = tpu.memref_squeeze %dma_wait3A_772 : memref<1x125x32xf32, #tpu.memory_space<vmem>> -> memref<125x32xf32, #tpu.memory_space<vmem>>
    %dma_wait3A_774 = arith.constant 0 : i32
    %dma_wait3A_775 = tpu.memref_slice %arg8[%dma_wait3A_769, %dma_wait3A_774] : memref<80x125xi32, #tpu.memory_space<vmem>> -> memref<1x125xi32, #tpu.memory_space<vmem>>
    %dma_wait3A_776 = tpu.memref_squeeze %dma_wait3A_775 : memref<1x125xi32, #tpu.memory_space<vmem>> -> memref<125xi32, #tpu.memory_space<vmem>>
    %dma_wait3A_777 = arith.constant 0 : i32
    %dma_wait3A_778 = arith.constant 0 : i32
    %dma_wait3A_779 = tpu.memref_slice %arg11[%dma_wait3A_777, %dma_wait3A_778] : memref<10000x32xf32, #tpu.memory_space<vmem_shared>> -> memref<10000x32xf32, #tpu.memory_space<vmem_shared>>
    tpu.wait_indirect_dma semaphore(%arg27 : memref<!tpu.dma_semaphore, #tpu.memory_space<semaphore_mem>>) src(%dma_wait3A_773 : memref<125x32xf32, #tpu.memory_space<vmem>>) dst(%dma_wait3A_779 : memref<10000x32xf32, #tpu.memory_space<vmem_shared>>)
    %barrier3A_780 = arith.constant 0 : index
    tpu.barrier barrier_id(%barrier3A_780)
    %mul3A_781 = arith.constant 640 : i32
    %mul3A_782 = arith.muli %arg1, %mul3A_781 : i32
    %lt3A_783 = arith.constant 15 : i32
    %lt3A_784 = arith.cmpi slt, %arg1, %lt3A_783 : i32
    %convert_element_type3A_785 = arith.extui %lt3A_784 : i1 to i32
    %cond3A_786 = arith.constant 0 : i32
    %cond3A_787 = arith.cmpi ne, %convert_element_type3A_785, %cond3A_786 : i32
    scf.if %cond3A_787 {
      %mul3A_793 = arith.constant 32 : i32
      %mul3A_794 = arith.muli %arg0, %mul3A_793 : i32
      "tpu.region"() ({
        %run_scoped3A = tpu.sem_alloc : memref<!tpu.dma_semaphore, #tpu.memory_space<semaphore_mem>>
        %dma_start3A_795 = tpu.memref_slice %arg6[%mul3A_782, %mul3A_794] : memref<10000x128xf32, #tpu.memory_space<hbm>> -> memref<640x32xf32, #tpu.memory_space<hbm>>
        %dma_start3A_796 = arith.constant 0 : i32
        %dma_start3A_797 = tpu.memref_slice %arg11[%mul3A_782, %dma_start3A_796] : memref<10000x32xf32, #tpu.memory_space<vmem_shared>> -> memref<640x32xf32, #tpu.memory_space<vmem_shared>>
        tpu.enqueue_dma source(%dma_start3A_797 : memref<640x32xf32, #tpu.memory_space<vmem_shared>>) target(%dma_start3A_795 : memref<640x32xf32, #tpu.memory_space<hbm>>) target_semaphore(%run_scoped3A : memref<!tpu.dma_semaphore, #tpu.memory_space<semaphore_mem>>)
        %dma_wait3A_798 = tpu.memref_slice %arg6[%mul3A_782, %mul3A_794] : memref<10000x128xf32, #tpu.memory_space<hbm>> -> memref<640x32xf32, #tpu.memory_space<hbm>>
        %dma_wait3A_799 = arith.constant 0 : i32
        %dma_wait3A_800 = tpu.memref_slice %arg11[%mul3A_782, %dma_wait3A_799] : memref<10000x32xf32, #tpu.memory_space<vmem_shared>> -> memref<640x32xf32, #tpu.memory_space<vmem_shared>>
        tpu.wait_dma2 semaphore(%run_scoped3A : memref<!tpu.dma_semaphore, #tpu.memory_space<semaphore_mem>>) src(%dma_wait3A_800 : memref<640x32xf32, #tpu.memory_space<vmem_shared>>) dst(%dma_wait3A_798 : memref<640x32xf32, #tpu.memory_space<hbm>>)
        tpu.yield
      }) : () -> ()
    } else {
    }
    %eq3A_788 = arith.constant 15 : i32
    %eq3A_789 = arith.cmpi eq, %arg1, %eq3A_788 : i32
    %convert_element_type3A_790 = arith.extui %eq3A_789 : i1 to i32
    %cond3A_791 = arith.constant 0 : i32
    %cond3A_792 = arith.cmpi ne, %convert_element_type3A_790, %cond3A_791 : i32
    scf.if %cond3A_792 {
      %mul3A_793 = arith.constant 32 : i32
      %mul3A_794 = arith.muli %arg0, %mul3A_793 : i32
      "tpu.region"() ({
        %run_scoped3A = tpu.sem_alloc : memref<!tpu.dma_semaphore, #tpu.memory_space<semaphore_mem>>
        %dma_start3A_795 = tpu.memref_slice %arg6[%mul3A_782, %mul3A_794] : memref<10000x128xf32, #tpu.memory_space<hbm>> -> memref<400x32xf32, #tpu.memory_space<hbm>>
        %dma_start3A_796 = arith.constant 0 : i32
        %dma_start3A_797 = tpu.memref_slice %arg11[%mul3A_782, %dma_start3A_796] : memref<10000x32xf32, #tpu.memory_space<vmem_shared>> -> memref<400x32xf32, #tpu.memory_space<vmem_shared>>
        tpu.enqueue_dma source(%dma_start3A_797 : memref<400x32xf32, #tpu.memory_space<vmem_shared>>) target(%dma_start3A_795 : memref<400x32xf32, #tpu.memory_space<hbm>>) target_semaphore(%run_scoped3A : memref<!tpu.dma_semaphore, #tpu.memory_space<semaphore_mem>>)
        %dma_wait3A_798 = tpu.memref_slice %arg6[%mul3A_782, %mul3A_794] : memref<10000x128xf32, #tpu.memory_space<hbm>> -> memref<400x32xf32, #tpu.memory_space<hbm>>
        %dma_wait3A_799 = arith.constant 0 : i32
        %dma_wait3A_800 = tpu.memref_slice %arg11[%mul3A_782, %dma_wait3A_799] : memref<10000x32xf32, #tpu.memory_space<vmem_shared>> -> memref<400x32xf32, #tpu.memory_space<vmem_shared>>
        tpu.wait_dma2 semaphore(%run_scoped3A : memref<!tpu.dma_semaphore, #tpu.memory_space<semaphore_mem>>) src(%dma_wait3A_800 : memref<400x32xf32, #tpu.memory_space<vmem_shared>>) dst(%dma_wait3A_798 : memref<400x32xf32, #tpu.memory_space<hbm>>)
        tpu.yield
      }) : () -> ()
    } else {
    }
    return
  }
}

#map = affine_map<(d0, d1) -> (0, 0, 0)>
#map1 = affine_map<(d0, d1) -> (0, 0)>
module attributes {stable_mosaic.version = 14 : i64} {
  func.func @_sc_degree_body(%arg0: i32, %arg1: i32, %arg2: memref<32x80x125xi32, #tpu.memory_space<hbm>>, %arg3: memref<125x8xf32, #tpu.memory_space<hbm>>, %arg4: memref<80x8xf32, #tpu.memory_space<hbm>>, %arg5: memref<10000x128xf32, #tpu.memory_space<hbm>>, %arg6: memref<80x125xi32, #tpu.memory_space<vmem>>, %arg7: memref<125x8xf32, #tpu.memory_space<vmem>>, %arg8: memref<80x8xf32, #tpu.memory_space<vmem>>, %arg9: memref<10000x8xf32, #tpu.memory_space<vmem_shared>>, %arg10: memref<!tpu.dma_semaphore, #tpu.memory_space<semaphore_mem>>, %arg11: memref<!tpu.dma_semaphore, #tpu.memory_space<semaphore_mem>>, %arg12: memref<!tpu.dma_semaphore, #tpu.memory_space<semaphore_mem>>, %arg13: memref<!tpu.dma_semaphore, #tpu.memory_space<semaphore_mem>>) attributes {dimension_semantics = [#tpu.dimension_semantics<core_parallel>, #tpu.dimension_semantics<subcore_parallel>], iteration_bounds = array<i64: 2, 16>, scalar_prefetch = 0 : i64, scratch_operands = 8 : i64, tpu.core_type = #tpu.core_type<sc_vector_subcore>, window_params = [{transform_indices = #map}, {transform_indices = #map1}, {transform_indices = #map1}, {transform_indices = #map1}]} {
    %mul3A = arith.constant 16 : i32
    %mul3A_0 = arith.muli %arg0, %mul3A : i32
    %add3A = arith.addi %mul3A_0, %arg1 : i32
    "tpu.region"() ({
      %run_scoped3A = tpu.sem_alloc : memref<!tpu.dma_semaphore, #tpu.memory_space<semaphore_mem>>
      %dma_start3A_81 = arith.constant 0 : i32
      %dma_start3A_82 = arith.constant 0 : i32
      %dma_start3A_83 = tpu.memref_slice %arg2[%add3A, %dma_start3A_81, %dma_start3A_82] : memref<32x80x125xi32, #tpu.memory_space<hbm>> -> memref<1x80x125xi32, #tpu.memory_space<hbm>>
      %dma_start3A_84 = tpu.memref_squeeze %dma_start3A_83 : memref<1x80x125xi32, #tpu.memory_space<hbm>> -> memref<80x125xi32, #tpu.memory_space<hbm>>
      %dma_start3A_85 = arith.constant 0 : i32
      %dma_start3A_86 = arith.constant 0 : i32
      %dma_start3A_87 = tpu.memref_slice %arg2[%add3A, %dma_start3A_85, %dma_start3A_86] : memref<32x80x125xi32, #tpu.memory_space<hbm>> -> memref<1x80x125xi32, #tpu.memory_space<hbm>>
      %dma_start3A_88 = tpu.memref_squeeze %dma_start3A_87 : memref<1x80x125xi32, #tpu.memory_space<hbm>> -> memref<80x125xi32, #tpu.memory_space<hbm>>
      tpu.enqueue_dma source(%dma_start3A_88 : memref<80x125xi32, #tpu.memory_space<hbm>>) target(%arg6 : memref<80x125xi32, #tpu.memory_space<vmem>>) target_semaphore(%run_scoped3A : memref<!tpu.dma_semaphore, #tpu.memory_space<semaphore_mem>>)
      %dma_wait3A_89 = arith.constant 0 : i32
      %dma_wait3A_90 = arith.constant 0 : i32
      %dma_wait3A_91 = tpu.memref_slice %arg2[%add3A, %dma_wait3A_89, %dma_wait3A_90] : memref<32x80x125xi32, #tpu.memory_space<hbm>> -> memref<1x80x125xi32, #tpu.memory_space<hbm>>
      %dma_wait3A_92 = tpu.memref_squeeze %dma_wait3A_91 : memref<1x80x125xi32, #tpu.memory_space<hbm>> -> memref<80x125xi32, #tpu.memory_space<hbm>>
      %dma_wait3A_93 = arith.constant 0 : i32
      %dma_wait3A_94 = arith.constant 0 : i32
      %dma_wait3A_95 = tpu.memref_slice %arg2[%add3A, %dma_wait3A_93, %dma_wait3A_94] : memref<32x80x125xi32, #tpu.memory_space<hbm>> -> memref<1x80x125xi32, #tpu.memory_space<hbm>>
      %dma_wait3A_96 = tpu.memref_squeeze %dma_wait3A_95 : memref<1x80x125xi32, #tpu.memory_space<hbm>> -> memref<80x125xi32, #tpu.memory_space<hbm>>
      tpu.wait_dma2 semaphore(%run_scoped3A : memref<!tpu.dma_semaphore, #tpu.memory_space<semaphore_mem>>) src(%dma_wait3A_96 : memref<80x125xi32, #tpu.memory_space<hbm>>) dst(%arg6 : memref<80x125xi32, #tpu.memory_space<vmem>>)
      tpu.yield
    }) : () -> ()
    "tpu.region"() ({
      %run_scoped3A = tpu.sem_alloc : memref<!tpu.dma_semaphore, #tpu.memory_space<semaphore_mem>>
      tpu.enqueue_dma source(%arg3 : memref<125x8xf32, #tpu.memory_space<hbm>>) target(%arg7 : memref<125x8xf32, #tpu.memory_space<vmem>>) target_semaphore(%run_scoped3A : memref<!tpu.dma_semaphore, #tpu.memory_space<semaphore_mem>>)
      tpu.wait_dma2 semaphore(%run_scoped3A : memref<!tpu.dma_semaphore, #tpu.memory_space<semaphore_mem>>) src(%arg3 : memref<125x8xf32, #tpu.memory_space<hbm>>) dst(%arg7 : memref<125x8xf32, #tpu.memory_space<vmem>>)
      tpu.yield
    }) : () -> ()
    "tpu.region"() ({
      %run_scoped3A = tpu.sem_alloc : memref<!tpu.dma_semaphore, #tpu.memory_space<semaphore_mem>>
      tpu.enqueue_dma source(%arg4 : memref<80x8xf32, #tpu.memory_space<hbm>>) target(%arg8 : memref<80x8xf32, #tpu.memory_space<vmem>>) target_semaphore(%run_scoped3A : memref<!tpu.dma_semaphore, #tpu.memory_space<semaphore_mem>>)
      tpu.wait_dma2 semaphore(%run_scoped3A : memref<!tpu.dma_semaphore, #tpu.memory_space<semaphore_mem>>) src(%arg4 : memref<80x8xf32, #tpu.memory_space<hbm>>) dst(%arg8 : memref<80x8xf32, #tpu.memory_space<vmem>>)
      tpu.yield
    }) : () -> ()
    %mul3A_1 = arith.constant 640 : i32
    %mul3A_2 = arith.muli %arg1, %mul3A_1 : i32
    %lt3A = arith.constant 15 : i32
    %lt3A_3 = arith.cmpi slt, %arg1, %lt3A : i32
    %convert_element_type3A = arith.extui %lt3A_3 : i1 to i32
    %cond3A = arith.constant 0 : i32
    %cond3A_4 = arith.cmpi ne, %convert_element_type3A, %cond3A : i32
    scf.if %cond3A_4 {
      %add3A_81 = arith.constant 0 : i32
      %add3A_82 = arith.addi %mul3A_2, %add3A_81 : i32
      %dma_start3A_83 = arith.constant 0 : i32
      %dma_start3A_84 = tpu.memref_slice %arg9[%add3A_82, %dma_start3A_83] : memref<10000x8xf32, #tpu.memory_space<vmem_shared>> -> memref<80x8xf32, #tpu.memory_space<vmem_shared>>
      %dma_start3A_85 = arith.constant 0 : i32
      %dma_start3A_86 = tpu.memref_slice %arg9[%add3A_82, %dma_start3A_85] : memref<10000x8xf32, #tpu.memory_space<vmem_shared>> -> memref<80x8xf32, #tpu.memory_space<vmem_shared>>
      tpu.enqueue_dma source(%arg8 : memref<80x8xf32, #tpu.memory_space<vmem>>) target(%dma_start3A_86 : memref<80x8xf32, #tpu.memory_space<vmem_shared>>) target_semaphore(%arg10 : memref<!tpu.dma_semaphore, #tpu.memory_space<semaphore_mem>>)
      %add3A_87 = arith.constant 80 : i32
      %add3A_88 = arith.addi %mul3A_2, %add3A_87 : i32
      %dma_start3A_89 = arith.constant 0 : i32
      %dma_start3A_90 = tpu.memref_slice %arg9[%add3A_88, %dma_start3A_89] : memref<10000x8xf32, #tpu.memory_space<vmem_shared>> -> memref<80x8xf32, #tpu.memory_space<vmem_shared>>
      %dma_start3A_91 = arith.constant 0 : i32
      %dma_start3A_92 = tpu.memref_slice %arg9[%add3A_88, %dma_start3A_91] : memref<10000x8xf32, #tpu.memory_space<vmem_shared>> -> memref<80x8xf32, #tpu.memory_space<vmem_shared>>
      tpu.enqueue_dma source(%arg8 : memref<80x8xf32, #tpu.memory_space<vmem>>) target(%dma_start3A_92 : memref<80x8xf32, #tpu.memory_space<vmem_shared>>) target_semaphore(%arg10 : memref<!tpu.dma_semaphore, #tpu.memory_space<semaphore_mem>>)
      %add3A_93 = arith.constant 160 : i32
      %add3A_94 = arith.addi %mul3A_2, %add3A_93 : i32
      %dma_start3A_95 = arith.constant 0 : i32
      %dma_start3A_96 = tpu.memref_slice %arg9[%add3A_94, %dma_start3A_95] : memref<10000x8xf32, #tpu.memory_space<vmem_shared>> -> memref<80x8xf32, #tpu.memory_space<vmem_shared>>
      %dma_start3A_97 = arith.constant 0 : i32
      %dma_start3A_98 = tpu.memref_slice %arg9[%add3A_94, %dma_start3A_97] : memref<10000x8xf32, #tpu.memory_space<vmem_shared>> -> memref<80x8xf32, #tpu.memory_space<vmem_shared>>
      tpu.enqueue_dma source(%arg8 : memref<80x8xf32, #tpu.memory_space<vmem>>) target(%dma_start3A_98 : memref<80x8xf32, #tpu.memory_space<vmem_shared>>) target_semaphore(%arg10 : memref<!tpu.dma_semaphore, #tpu.memory_space<semaphore_mem>>)
      %add3A_99 = arith.constant 240 : i32
      %add3A_100 = arith.addi %mul3A_2, %add3A_99 : i32
      %dma_start3A_101 = arith.constant 0 : i32
      %dma_start3A_102 = tpu.memref_slice %arg9[%add3A_100, %dma_start3A_101] : memref<10000x8xf32, #tpu.memory_space<vmem_shared>> -> memref<80x8xf32, #tpu.memory_space<vmem_shared>>
      %dma_start3A_103 = arith.constant 0 : i32
      %dma_start3A_104 = tpu.memref_slice %arg9[%add3A_100, %dma_start3A_103] : memref<10000x8xf32, #tpu.memory_space<vmem_shared>> -> memref<80x8xf32, #tpu.memory_space<vmem_shared>>
      tpu.enqueue_dma source(%arg8 : memref<80x8xf32, #tpu.memory_space<vmem>>) target(%dma_start3A_104 : memref<80x8xf32, #tpu.memory_space<vmem_shared>>) target_semaphore(%arg10 : memref<!tpu.dma_semaphore, #tpu.memory_space<semaphore_mem>>)
      %add3A_105 = arith.constant 320 : i32
      %add3A_106 = arith.addi %mul3A_2, %add3A_105 : i32
      %dma_start3A_107 = arith.constant 0 : i32
      %dma_start3A_108 = tpu.memref_slice %arg9[%add3A_106, %dma_start3A_107] : memref<10000x8xf32, #tpu.memory_space<vmem_shared>> -> memref<80x8xf32, #tpu.memory_space<vmem_shared>>
      %dma_start3A_109 = arith.constant 0 : i32
      %dma_start3A_110 = tpu.memref_slice %arg9[%add3A_106, %dma_start3A_109] : memref<10000x8xf32, #tpu.memory_space<vmem_shared>> -> memref<80x8xf32, #tpu.memory_space<vmem_shared>>
      tpu.enqueue_dma source(%arg8 : memref<80x8xf32, #tpu.memory_space<vmem>>) target(%dma_start3A_110 : memref<80x8xf32, #tpu.memory_space<vmem_shared>>) target_semaphore(%arg10 : memref<!tpu.dma_semaphore, #tpu.memory_space<semaphore_mem>>)
      %add3A_111 = arith.constant 400 : i32
      %add3A_112 = arith.addi %mul3A_2, %add3A_111 : i32
      %dma_start3A_113 = arith.constant 0 : i32
      %dma_start3A_114 = tpu.memref_slice %arg9[%add3A_112, %dma_start3A_113] : memref<10000x8xf32, #tpu.memory_space<vmem_shared>> -> memref<80x8xf32, #tpu.memory_space<vmem_shared>>
      %dma_start3A_115 = arith.constant 0 : i32
      %dma_start3A_116 = tpu.memref_slice %arg9[%add3A_112, %dma_start3A_115] : memref<10000x8xf32, #tpu.memory_space<vmem_shared>> -> memref<80x8xf32, #tpu.memory_space<vmem_shared>>
      tpu.enqueue_dma source(%arg8 : memref<80x8xf32, #tpu.memory_space<vmem>>) target(%dma_start3A_116 : memref<80x8xf32, #tpu.memory_space<vmem_shared>>) target_semaphore(%arg10 : memref<!tpu.dma_semaphore, #tpu.memory_space<semaphore_mem>>)
      %add3A_117 = arith.constant 480 : i32
      %add3A_118 = arith.addi %mul3A_2, %add3A_117 : i32
      %dma_start3A_119 = arith.constant 0 : i32
      %dma_start3A_120 = tpu.memref_slice %arg9[%add3A_118, %dma_start3A_119] : memref<10000x8xf32, #tpu.memory_space<vmem_shared>> -> memref<80x8xf32, #tpu.memory_space<vmem_shared>>
      %dma_start3A_121 = arith.constant 0 : i32
      %dma_start3A_122 = tpu.memref_slice %arg9[%add3A_118, %dma_start3A_121] : memref<10000x8xf32, #tpu.memory_space<vmem_shared>> -> memref<80x8xf32, #tpu.memory_space<vmem_shared>>
      tpu.enqueue_dma source(%arg8 : memref<80x8xf32, #tpu.memory_space<vmem>>) target(%dma_start3A_122 : memref<80x8xf32, #tpu.memory_space<vmem_shared>>) target_semaphore(%arg10 : memref<!tpu.dma_semaphore, #tpu.memory_space<semaphore_mem>>)
      %add3A_123 = arith.constant 560 : i32
      %add3A_124 = arith.addi %mul3A_2, %add3A_123 : i32
      %dma_start3A_125 = arith.constant 0 : i32
      %dma_start3A_126 = tpu.memref_slice %arg9[%add3A_124, %dma_start3A_125] : memref<10000x8xf32, #tpu.memory_space<vmem_shared>> -> memref<80x8xf32, #tpu.memory_space<vmem_shared>>
      %dma_start3A_127 = arith.constant 0 : i32
      %dma_start3A_128 = tpu.memref_slice %arg9[%add3A_124, %dma_start3A_127] : memref<10000x8xf32, #tpu.memory_space<vmem_shared>> -> memref<80x8xf32, #tpu.memory_space<vmem_shared>>
      tpu.enqueue_dma source(%arg8 : memref<80x8xf32, #tpu.memory_space<vmem>>) target(%dma_start3A_128 : memref<80x8xf32, #tpu.memory_space<vmem_shared>>) target_semaphore(%arg10 : memref<!tpu.dma_semaphore, #tpu.memory_space<semaphore_mem>>)
      %add3A_129 = arith.constant 0 : i32
      %add3A_130 = arith.addi %mul3A_2, %add3A_129 : i32
      %dma_wait3A_131 = arith.constant 0 : i32
      %dma_wait3A_132 = tpu.memref_slice %arg9[%add3A_130, %dma_wait3A_131] : memref<10000x8xf32, #tpu.memory_space<vmem_shared>> -> memref<80x8xf32, #tpu.memory_space<vmem_shared>>
      %dma_wait3A_133 = arith.constant 0 : i32
      %dma_wait3A_134 = tpu.memref_slice %arg9[%add3A_130, %dma_wait3A_133] : memref<10000x8xf32, #tpu.memory_space<vmem_shared>> -> memref<80x8xf32, #tpu.memory_space<vmem_shared>>
      tpu.wait_dma2 semaphore(%arg10 : memref<!tpu.dma_semaphore, #tpu.memory_space<semaphore_mem>>) src(%arg8 : memref<80x8xf32, #tpu.memory_space<vmem>>) dst(%dma_wait3A_134 : memref<80x8xf32, #tpu.memory_space<vmem_shared>>)
      %add3A_135 = arith.constant 80 : i32
      %add3A_136 = arith.addi %mul3A_2, %add3A_135 : i32
      %dma_wait3A_137 = arith.constant 0 : i32
      %dma_wait3A_138 = tpu.memref_slice %arg9[%add3A_136, %dma_wait3A_137] : memref<10000x8xf32, #tpu.memory_space<vmem_shared>> -> memref<80x8xf32, #tpu.memory_space<vmem_shared>>
      %dma_wait3A_139 = arith.constant 0 : i32
      %dma_wait3A_140 = tpu.memref_slice %arg9[%add3A_136, %dma_wait3A_139] : memref<10000x8xf32, #tpu.memory_space<vmem_shared>> -> memref<80x8xf32, #tpu.memory_space<vmem_shared>>
      tpu.wait_dma2 semaphore(%arg10 : memref<!tpu.dma_semaphore, #tpu.memory_space<semaphore_mem>>) src(%arg8 : memref<80x8xf32, #tpu.memory_space<vmem>>) dst(%dma_wait3A_140 : memref<80x8xf32, #tpu.memory_space<vmem_shared>>)
      %add3A_141 = arith.constant 160 : i32
      %add3A_142 = arith.addi %mul3A_2, %add3A_141 : i32
      %dma_wait3A_143 = arith.constant 0 : i32
      %dma_wait3A_144 = tpu.memref_slice %arg9[%add3A_142, %dma_wait3A_143] : memref<10000x8xf32, #tpu.memory_space<vmem_shared>> -> memref<80x8xf32, #tpu.memory_space<vmem_shared>>
      %dma_wait3A_145 = arith.constant 0 : i32
      %dma_wait3A_146 = tpu.memref_slice %arg9[%add3A_142, %dma_wait3A_145] : memref<10000x8xf32, #tpu.memory_space<vmem_shared>> -> memref<80x8xf32, #tpu.memory_space<vmem_shared>>
      tpu.wait_dma2 semaphore(%arg10 : memref<!tpu.dma_semaphore, #tpu.memory_space<semaphore_mem>>) src(%arg8 : memref<80x8xf32, #tpu.memory_space<vmem>>) dst(%dma_wait3A_146 : memref<80x8xf32, #tpu.memory_space<vmem_shared>>)
      %add3A_147 = arith.constant 240 : i32
      %add3A_148 = arith.addi %mul3A_2, %add3A_147 : i32
      %dma_wait3A_149 = arith.constant 0 : i32
      %dma_wait3A_150 = tpu.memref_slice %arg9[%add3A_148, %dma_wait3A_149] : memref<10000x8xf32, #tpu.memory_space<vmem_shared>> -> memref<80x8xf32, #tpu.memory_space<vmem_shared>>
      %dma_wait3A_151 = arith.constant 0 : i32
      %dma_wait3A_152 = tpu.memref_slice %arg9[%add3A_148, %dma_wait3A_151] : memref<10000x8xf32, #tpu.memory_space<vmem_shared>> -> memref<80x8xf32, #tpu.memory_space<vmem_shared>>
      tpu.wait_dma2 semaphore(%arg10 : memref<!tpu.dma_semaphore, #tpu.memory_space<semaphore_mem>>) src(%arg8 : memref<80x8xf32, #tpu.memory_space<vmem>>) dst(%dma_wait3A_152 : memref<80x8xf32, #tpu.memory_space<vmem_shared>>)
      %add3A_153 = arith.constant 320 : i32
      %add3A_154 = arith.addi %mul3A_2, %add3A_153 : i32
      %dma_wait3A_155 = arith.constant 0 : i32
      %dma_wait3A_156 = tpu.memref_slice %arg9[%add3A_154, %dma_wait3A_155] : memref<10000x8xf32, #tpu.memory_space<vmem_shared>> -> memref<80x8xf32, #tpu.memory_space<vmem_shared>>
      %dma_wait3A_157 = arith.constant 0 : i32
      %dma_wait3A_158 = tpu.memref_slice %arg9[%add3A_154, %dma_wait3A_157] : memref<10000x8xf32, #tpu.memory_space<vmem_shared>> -> memref<80x8xf32, #tpu.memory_space<vmem_shared>>
      tpu.wait_dma2 semaphore(%arg10 : memref<!tpu.dma_semaphore, #tpu.memory_space<semaphore_mem>>) src(%arg8 : memref<80x8xf32, #tpu.memory_space<vmem>>) dst(%dma_wait3A_158 : memref<80x8xf32, #tpu.memory_space<vmem_shared>>)
      %add3A_159 = arith.constant 400 : i32
      %add3A_160 = arith.addi %mul3A_2, %add3A_159 : i32
      %dma_wait3A_161 = arith.constant 0 : i32
      %dma_wait3A_162 = tpu.memref_slice %arg9[%add3A_160, %dma_wait3A_161] : memref<10000x8xf32, #tpu.memory_space<vmem_shared>> -> memref<80x8xf32, #tpu.memory_space<vmem_shared>>
      %dma_wait3A_163 = arith.constant 0 : i32
      %dma_wait3A_164 = tpu.memref_slice %arg9[%add3A_160, %dma_wait3A_163] : memref<10000x8xf32, #tpu.memory_space<vmem_shared>> -> memref<80x8xf32, #tpu.memory_space<vmem_shared>>
      tpu.wait_dma2 semaphore(%arg10 : memref<!tpu.dma_semaphore, #tpu.memory_space<semaphore_mem>>) src(%arg8 : memref<80x8xf32, #tpu.memory_space<vmem>>) dst(%dma_wait3A_164 : memref<80x8xf32, #tpu.memory_space<vmem_shared>>)
      %add3A_165 = arith.constant 480 : i32
      %add3A_166 = arith.addi %mul3A_2, %add3A_165 : i32
      %dma_wait3A_167 = arith.constant 0 : i32
      %dma_wait3A_168 = tpu.memref_slice %arg9[%add3A_166, %dma_wait3A_167] : memref<10000x8xf32, #tpu.memory_space<vmem_shared>> -> memref<80x8xf32, #tpu.memory_space<vmem_shared>>
      %dma_wait3A_169 = arith.constant 0 : i32
      %dma_wait3A_170 = tpu.memref_slice %arg9[%add3A_166, %dma_wait3A_169] : memref<10000x8xf32, #tpu.memory_space<vmem_shared>> -> memref<80x8xf32, #tpu.memory_space<vmem_shared>>
      tpu.wait_dma2 semaphore(%arg10 : memref<!tpu.dma_semaphore, #tpu.memory_space<semaphore_mem>>) src(%arg8 : memref<80x8xf32, #tpu.memory_space<vmem>>) dst(%dma_wait3A_170 : memref<80x8xf32, #tpu.memory_space<vmem_shared>>)
      %add3A_171 = arith.constant 560 : i32
      %add3A_172 = arith.addi %mul3A_2, %add3A_171 : i32
      %dma_wait3A_173 = arith.constant 0 : i32
      %dma_wait3A_174 = tpu.memref_slice %arg9[%add3A_172, %dma_wait3A_173] : memref<10000x8xf32, #tpu.memory_space<vmem_shared>> -> memref<80x8xf32, #tpu.memory_space<vmem_shared>>
      %dma_wait3A_175 = arith.constant 0 : i32
      %dma_wait3A_176 = tpu.memref_slice %arg9[%add3A_172, %dma_wait3A_175] : memref<10000x8xf32, #tpu.memory_space<vmem_shared>> -> memref<80x8xf32, #tpu.memory_space<vmem_shared>>
      tpu.wait_dma2 semaphore(%arg10 : memref<!tpu.dma_semaphore, #tpu.memory_space<semaphore_mem>>) src(%arg8 : memref<80x8xf32, #tpu.memory_space<vmem>>) dst(%dma_wait3A_176 : memref<80x8xf32, #tpu.memory_space<vmem_shared>>)
    } else {
    }
    %eq3A = arith.constant 15 : i32
    %eq3A_5 = arith.cmpi eq, %arg1, %eq3A : i32
    %convert_element_type3A_6 = arith.extui %eq3A_5 : i1 to i32
    %cond3A_7 = arith.constant 0 : i32
    %cond3A_8 = arith.cmpi ne, %convert_element_type3A_6, %cond3A_7 : i32
    scf.if %cond3A_8 {
      %add3A_81 = arith.constant 0 : i32
      %add3A_82 = arith.addi %mul3A_2, %add3A_81 : i32
      %dma_start3A_83 = arith.constant 0 : i32
      %dma_start3A_84 = tpu.memref_slice %arg9[%add3A_82, %dma_start3A_83] : memref<10000x8xf32, #tpu.memory_space<vmem_shared>> -> memref<80x8xf32, #tpu.memory_space<vmem_shared>>
      %dma_start3A_85 = arith.constant 0 : i32
      %dma_start3A_86 = tpu.memref_slice %arg9[%add3A_82, %dma_start3A_85] : memref<10000x8xf32, #tpu.memory_space<vmem_shared>> -> memref<80x8xf32, #tpu.memory_space<vmem_shared>>
      tpu.enqueue_dma source(%arg8 : memref<80x8xf32, #tpu.memory_space<vmem>>) target(%dma_start3A_86 : memref<80x8xf32, #tpu.memory_space<vmem_shared>>) target_semaphore(%arg10 : memref<!tpu.dma_semaphore, #tpu.memory_space<semaphore_mem>>)
      %add3A_87 = arith.constant 80 : i32
      %add3A_88 = arith.addi %mul3A_2, %add3A_87 : i32
      %dma_start3A_89 = arith.constant 0 : i32
      %dma_start3A_90 = tpu.memref_slice %arg9[%add3A_88, %dma_start3A_89] : memref<10000x8xf32, #tpu.memory_space<vmem_shared>> -> memref<80x8xf32, #tpu.memory_space<vmem_shared>>
      %dma_start3A_91 = arith.constant 0 : i32
      %dma_start3A_92 = tpu.memref_slice %arg9[%add3A_88, %dma_start3A_91] : memref<10000x8xf32, #tpu.memory_space<vmem_shared>> -> memref<80x8xf32, #tpu.memory_space<vmem_shared>>
      tpu.enqueue_dma source(%arg8 : memref<80x8xf32, #tpu.memory_space<vmem>>) target(%dma_start3A_92 : memref<80x8xf32, #tpu.memory_space<vmem_shared>>) target_semaphore(%arg10 : memref<!tpu.dma_semaphore, #tpu.memory_space<semaphore_mem>>)
      %add3A_93 = arith.constant 160 : i32
      %add3A_94 = arith.addi %mul3A_2, %add3A_93 : i32
      %dma_start3A_95 = arith.constant 0 : i32
      %dma_start3A_96 = tpu.memref_slice %arg9[%add3A_94, %dma_start3A_95] : memref<10000x8xf32, #tpu.memory_space<vmem_shared>> -> memref<80x8xf32, #tpu.memory_space<vmem_shared>>
      %dma_start3A_97 = arith.constant 0 : i32
      %dma_start3A_98 = tpu.memref_slice %arg9[%add3A_94, %dma_start3A_97] : memref<10000x8xf32, #tpu.memory_space<vmem_shared>> -> memref<80x8xf32, #tpu.memory_space<vmem_shared>>
      tpu.enqueue_dma source(%arg8 : memref<80x8xf32, #tpu.memory_space<vmem>>) target(%dma_start3A_98 : memref<80x8xf32, #tpu.memory_space<vmem_shared>>) target_semaphore(%arg10 : memref<!tpu.dma_semaphore, #tpu.memory_space<semaphore_mem>>)
      %add3A_99 = arith.constant 240 : i32
      %add3A_100 = arith.addi %mul3A_2, %add3A_99 : i32
      %dma_start3A_101 = arith.constant 0 : i32
      %dma_start3A_102 = tpu.memref_slice %arg9[%add3A_100, %dma_start3A_101] : memref<10000x8xf32, #tpu.memory_space<vmem_shared>> -> memref<80x8xf32, #tpu.memory_space<vmem_shared>>
      %dma_start3A_103 = arith.constant 0 : i32
      %dma_start3A_104 = tpu.memref_slice %arg9[%add3A_100, %dma_start3A_103] : memref<10000x8xf32, #tpu.memory_space<vmem_shared>> -> memref<80x8xf32, #tpu.memory_space<vmem_shared>>
      tpu.enqueue_dma source(%arg8 : memref<80x8xf32, #tpu.memory_space<vmem>>) target(%dma_start3A_104 : memref<80x8xf32, #tpu.memory_space<vmem_shared>>) target_semaphore(%arg10 : memref<!tpu.dma_semaphore, #tpu.memory_space<semaphore_mem>>)
      %add3A_105 = arith.constant 320 : i32
      %add3A_106 = arith.addi %mul3A_2, %add3A_105 : i32
      %dma_start3A_107 = arith.constant 0 : i32
      %dma_start3A_108 = tpu.memref_slice %arg9[%add3A_106, %dma_start3A_107] : memref<10000x8xf32, #tpu.memory_space<vmem_shared>> -> memref<80x8xf32, #tpu.memory_space<vmem_shared>>
      %dma_start3A_109 = arith.constant 0 : i32
      %dma_start3A_110 = tpu.memref_slice %arg9[%add3A_106, %dma_start3A_109] : memref<10000x8xf32, #tpu.memory_space<vmem_shared>> -> memref<80x8xf32, #tpu.memory_space<vmem_shared>>
      tpu.enqueue_dma source(%arg8 : memref<80x8xf32, #tpu.memory_space<vmem>>) target(%dma_start3A_110 : memref<80x8xf32, #tpu.memory_space<vmem_shared>>) target_semaphore(%arg10 : memref<!tpu.dma_semaphore, #tpu.memory_space<semaphore_mem>>)
      %add3A_111 = arith.constant 0 : i32
      %add3A_112 = arith.addi %mul3A_2, %add3A_111 : i32
      %dma_wait3A_113 = arith.constant 0 : i32
      %dma_wait3A_114 = tpu.memref_slice %arg9[%add3A_112, %dma_wait3A_113] : memref<10000x8xf32, #tpu.memory_space<vmem_shared>> -> memref<80x8xf32, #tpu.memory_space<vmem_shared>>
      %dma_wait3A_115 = arith.constant 0 : i32
      %dma_wait3A_116 = tpu.memref_slice %arg9[%add3A_112, %dma_wait3A_115] : memref<10000x8xf32, #tpu.memory_space<vmem_shared>> -> memref<80x8xf32, #tpu.memory_space<vmem_shared>>
      tpu.wait_dma2 semaphore(%arg10 : memref<!tpu.dma_semaphore, #tpu.memory_space<semaphore_mem>>) src(%arg8 : memref<80x8xf32, #tpu.memory_space<vmem>>) dst(%dma_wait3A_116 : memref<80x8xf32, #tpu.memory_space<vmem_shared>>)
      %add3A_117 = arith.constant 80 : i32
      %add3A_118 = arith.addi %mul3A_2, %add3A_117 : i32
      %dma_wait3A_119 = arith.constant 0 : i32
      %dma_wait3A_120 = tpu.memref_slice %arg9[%add3A_118, %dma_wait3A_119] : memref<10000x8xf32, #tpu.memory_space<vmem_shared>> -> memref<80x8xf32, #tpu.memory_space<vmem_shared>>
      %dma_wait3A_121 = arith.constant 0 : i32
      %dma_wait3A_122 = tpu.memref_slice %arg9[%add3A_118, %dma_wait3A_121] : memref<10000x8xf32, #tpu.memory_space<vmem_shared>> -> memref<80x8xf32, #tpu.memory_space<vmem_shared>>
      tpu.wait_dma2 semaphore(%arg10 : memref<!tpu.dma_semaphore, #tpu.memory_space<semaphore_mem>>) src(%arg8 : memref<80x8xf32, #tpu.memory_space<vmem>>) dst(%dma_wait3A_122 : memref<80x8xf32, #tpu.memory_space<vmem_shared>>)
      %add3A_123 = arith.constant 160 : i32
      %add3A_124 = arith.addi %mul3A_2, %add3A_123 : i32
      %dma_wait3A_125 = arith.constant 0 : i32
      %dma_wait3A_126 = tpu.memref_slice %arg9[%add3A_124, %dma_wait3A_125] : memref<10000x8xf32, #tpu.memory_space<vmem_shared>> -> memref<80x8xf32, #tpu.memory_space<vmem_shared>>
      %dma_wait3A_127 = arith.constant 0 : i32
      %dma_wait3A_128 = tpu.memref_slice %arg9[%add3A_124, %dma_wait3A_127] : memref<10000x8xf32, #tpu.memory_space<vmem_shared>> -> memref<80x8xf32, #tpu.memory_space<vmem_shared>>
      tpu.wait_dma2 semaphore(%arg10 : memref<!tpu.dma_semaphore, #tpu.memory_space<semaphore_mem>>) src(%arg8 : memref<80x8xf32, #tpu.memory_space<vmem>>) dst(%dma_wait3A_128 : memref<80x8xf32, #tpu.memory_space<vmem_shared>>)
      %add3A_129 = arith.constant 240 : i32
      %add3A_130 = arith.addi %mul3A_2, %add3A_129 : i32
      %dma_wait3A_131 = arith.constant 0 : i32
      %dma_wait3A_132 = tpu.memref_slice %arg9[%add3A_130, %dma_wait3A_131] : memref<10000x8xf32, #tpu.memory_space<vmem_shared>> -> memref<80x8xf32, #tpu.memory_space<vmem_shared>>
      %dma_wait3A_133 = arith.constant 0 : i32
      %dma_wait3A_134 = tpu.memref_slice %arg9[%add3A_130, %dma_wait3A_133] : memref<10000x8xf32, #tpu.memory_space<vmem_shared>> -> memref<80x8xf32, #tpu.memory_space<vmem_shared>>
      tpu.wait_dma2 semaphore(%arg10 : memref<!tpu.dma_semaphore, #tpu.memory_space<semaphore_mem>>) src(%arg8 : memref<80x8xf32, #tpu.memory_space<vmem>>) dst(%dma_wait3A_134 : memref<80x8xf32, #tpu.memory_space<vmem_shared>>)
      %add3A_135 = arith.constant 320 : i32
      %add3A_136 = arith.addi %mul3A_2, %add3A_135 : i32
      %dma_wait3A_137 = arith.constant 0 : i32
      %dma_wait3A_138 = tpu.memref_slice %arg9[%add3A_136, %dma_wait3A_137] : memref<10000x8xf32, #tpu.memory_space<vmem_shared>> -> memref<80x8xf32, #tpu.memory_space<vmem_shared>>
      %dma_wait3A_139 = arith.constant 0 : i32
      %dma_wait3A_140 = tpu.memref_slice %arg9[%add3A_136, %dma_wait3A_139] : memref<10000x8xf32, #tpu.memory_space<vmem_shared>> -> memref<80x8xf32, #tpu.memory_space<vmem_shared>>
      tpu.wait_dma2 semaphore(%arg10 : memref<!tpu.dma_semaphore, #tpu.memory_space<semaphore_mem>>) src(%arg8 : memref<80x8xf32, #tpu.memory_space<vmem>>) dst(%dma_wait3A_140 : memref<80x8xf32, #tpu.memory_space<vmem_shared>>)
    } else {
    }
    %barrier3A = arith.constant 0 : index
    tpu.barrier barrier_id(%barrier3A)
    %dma_start3A = arith.constant 0 : i32
    %dma_start3A_9 = arith.constant 0 : i32
    %dma_start3A_10 = tpu.memref_slice %arg6[%dma_start3A, %dma_start3A_9] : memref<80x125xi32, #tpu.memory_space<vmem>> -> memref<1x125xi32, #tpu.memory_space<vmem>>
    %dma_start3A_11 = tpu.memref_squeeze %dma_start3A_10 : memref<1x125xi32, #tpu.memory_space<vmem>> -> memref<125xi32, #tpu.memory_space<vmem>>
    %dma_start3A_12 = arith.constant 0 : i32
    %dma_start3A_13 = arith.constant 0 : i32
    %dma_start3A_14 = tpu.memref_slice %arg9[%dma_start3A_12, %dma_start3A_13] : memref<10000x8xf32, #tpu.memory_space<vmem_shared>> -> memref<10000x8xf32, #tpu.memory_space<vmem_shared>>
    tpu.enqueue_indirect_dma source(%arg7 : memref<125x8xf32, #tpu.memory_space<vmem>>) target(%dma_start3A_14 : memref<10000x8xf32, #tpu.memory_space<vmem_shared>>) offsets(%dma_start3A_11 : memref<125xi32, #tpu.memory_space<vmem>>) semaphore(%arg10 : memref<!tpu.dma_semaphore, #tpu.memory_space<semaphore_mem>>) {add = true}
    %dma_start3A_15 = arith.constant 1 : i32
    %dma_start3A_16 = arith.constant 0 : i32
    %dma_start3A_17 = tpu.memref_slice %arg6[%dma_start3A_15, %dma_start3A_16] : memref<80x125xi32, #tpu.memory_space<vmem>> -> memref<1x125xi32, #tpu.memory_space<vmem>>
    %dma_start3A_18 = tpu.memref_squeeze %dma_start3A_17 : memref<1x125xi32, #tpu.memory_space<vmem>> -> memref<125xi32, #tpu.memory_space<vmem>>
    %dma_start3A_19 = arith.constant 0 : i32
    %dma_start3A_20 = arith.constant 0 : i32
    %dma_start3A_21 = tpu.memref_slice %arg9[%dma_start3A_19, %dma_start3A_20] : memref<10000x8xf32, #tpu.memory_space<vmem_shared>> -> memref<10000x8xf32, #tpu.memory_space<vmem_shared>>
    tpu.enqueue_indirect_dma source(%arg7 : memref<125x8xf32, #tpu.memory_space<vmem>>) target(%dma_start3A_21 : memref<10000x8xf32, #tpu.memory_space<vmem_shared>>) offsets(%dma_start3A_18 : memref<125xi32, #tpu.memory_space<vmem>>) semaphore(%arg11 : memref<!tpu.dma_semaphore, #tpu.memory_space<semaphore_mem>>) {add = true}
    %dma_start3A_22 = arith.constant 2 : i32
    %dma_start3A_23 = arith.constant 0 : i32
    %dma_start3A_24 = tpu.memref_slice %arg6[%dma_start3A_22, %dma_start3A_23] : memref<80x125xi32, #tpu.memory_space<vmem>> -> memref<1x125xi32, #tpu.memory_space<vmem>>
    %dma_start3A_25 = tpu.memref_squeeze %dma_start3A_24 : memref<1x125xi32, #tpu.memory_space<vmem>> -> memref<125xi32, #tpu.memory_space<vmem>>
    %dma_start3A_26 = arith.constant 0 : i32
    %dma_start3A_27 = arith.constant 0 : i32
    %dma_start3A_28 = tpu.memref_slice %arg9[%dma_start3A_26, %dma_start3A_27] : memref<10000x8xf32, #tpu.memory_space<vmem_shared>> -> memref<10000x8xf32, #tpu.memory_space<vmem_shared>>
    tpu.enqueue_indirect_dma source(%arg7 : memref<125x8xf32, #tpu.memory_space<vmem>>) target(%dma_start3A_28 : memref<10000x8xf32, #tpu.memory_space<vmem_shared>>) offsets(%dma_start3A_25 : memref<125xi32, #tpu.memory_space<vmem>>) semaphore(%arg12 : memref<!tpu.dma_semaphore, #tpu.memory_space<semaphore_mem>>) {add = true}
    %dma_start3A_29 = arith.constant 3 : i32
    %dma_start3A_30 = arith.constant 0 : i32
    %dma_start3A_31 = tpu.memref_slice %arg6[%dma_start3A_29, %dma_start3A_30] : memref<80x125xi32, #tpu.memory_space<vmem>> -> memref<1x125xi32, #tpu.memory_space<vmem>>
    %dma_start3A_32 = tpu.memref_squeeze %dma_start3A_31 : memref<1x125xi32, #tpu.memory_space<vmem>> -> memref<125xi32, #tpu.memory_space<vmem>>
    %dma_start3A_33 = arith.constant 0 : i32
    %dma_start3A_34 = arith.constant 0 : i32
    %dma_start3A_35 = tpu.memref_slice %arg9[%dma_start3A_33, %dma_start3A_34] : memref<10000x8xf32, #tpu.memory_space<vmem_shared>> -> memref<10000x8xf32, #tpu.memory_space<vmem_shared>>
    tpu.enqueue_indirect_dma source(%arg7 : memref<125x8xf32, #tpu.memory_space<vmem>>) target(%dma_start3A_35 : memref<10000x8xf32, #tpu.memory_space<vmem_shared>>) offsets(%dma_start3A_32 : memref<125xi32, #tpu.memory_space<vmem>>) semaphore(%arg13 : memref<!tpu.dma_semaphore, #tpu.memory_space<semaphore_mem>>) {add = true}
    %scan3A = arith.constant 0 : i32
    %scan3A_36 = arith.constant 1 : i32
    %scan3A_37 = arith.constant 19 : i32
    %scan3A_38 = arith.addi %scan3A_36, %scan3A_37 : i32
    %scan3A_39 = arith.constant 1 : i32
    scf.for %scan3A_81 = %scan3A_36 to %scan3A_38 step %scan3A_39  : i32 {
      %mul3A_82 = arith.constant 4 : i32
      %mul3A_83 = arith.muli %scan3A_81, %mul3A_82 : i32
      %add3A_84 = arith.constant 0 : i32
      %add3A_85 = arith.addi %mul3A_83, %add3A_84 : i32
      %sub3A = arith.constant 4 : i32
      %sub3A_86 = arith.subi %add3A_85, %sub3A : i32
      %dma_wait3A_87 = arith.constant 0 : i32
      %dma_wait3A_88 = tpu.memref_slice %arg6[%sub3A_86, %dma_wait3A_87] : memref<80x125xi32, #tpu.memory_space<vmem>> -> memref<1x125xi32, #tpu.memory_space<vmem>>
      %dma_wait3A_89 = tpu.memref_squeeze %dma_wait3A_88 : memref<1x125xi32, #tpu.memory_space<vmem>> -> memref<125xi32, #tpu.memory_space<vmem>>
      %dma_wait3A_90 = arith.constant 0 : i32
      %dma_wait3A_91 = arith.constant 0 : i32
      %dma_wait3A_92 = tpu.memref_slice %arg9[%dma_wait3A_90, %dma_wait3A_91] : memref<10000x8xf32, #tpu.memory_space<vmem_shared>> -> memref<10000x8xf32, #tpu.memory_space<vmem_shared>>
      tpu.wait_indirect_dma semaphore(%arg10 : memref<!tpu.dma_semaphore, #tpu.memory_space<semaphore_mem>>) src(%arg7 : memref<125x8xf32, #tpu.memory_space<vmem>>) dst(%dma_wait3A_92 : memref<10000x8xf32, #tpu.memory_space<vmem_shared>>)
      %dma_start3A_93 = arith.constant 0 : i32
      %dma_start3A_94 = tpu.memref_slice %arg6[%add3A_85, %dma_start3A_93] : memref<80x125xi32, #tpu.memory_space<vmem>> -> memref<1x125xi32, #tpu.memory_space<vmem>>
      %dma_start3A_95 = tpu.memref_squeeze %dma_start3A_94 : memref<1x125xi32, #tpu.memory_space<vmem>> -> memref<125xi32, #tpu.memory_space<vmem>>
      %dma_start3A_96 = arith.constant 0 : i32
      %dma_start3A_97 = arith.constant 0 : i32
      %dma_start3A_98 = tpu.memref_slice %arg9[%dma_start3A_96, %dma_start3A_97] : memref<10000x8xf32, #tpu.memory_space<vmem_shared>> -> memref<10000x8xf32, #tpu.memory_space<vmem_shared>>
      tpu.enqueue_indirect_dma source(%arg7 : memref<125x8xf32, #tpu.memory_space<vmem>>) target(%dma_start3A_98 : memref<10000x8xf32, #tpu.memory_space<vmem_shared>>) offsets(%dma_start3A_95 : memref<125xi32, #tpu.memory_space<vmem>>) semaphore(%arg10 : memref<!tpu.dma_semaphore, #tpu.memory_space<semaphore_mem>>) {add = true}
      %add3A_99 = arith.constant 1 : i32
      %add3A_100 = arith.addi %mul3A_83, %add3A_99 : i32
      %sub3A_101 = arith.constant 4 : i32
      %sub3A_102 = arith.subi %add3A_100, %sub3A_101 : i32
      %dma_wait3A_103 = arith.constant 0 : i32
      %dma_wait3A_104 = tpu.memref_slice %arg6[%sub3A_102, %dma_wait3A_103] : memref<80x125xi32, #tpu.memory_space<vmem>> -> memref<1x125xi32, #tpu.memory_space<vmem>>
      %dma_wait3A_105 = tpu.memref_squeeze %dma_wait3A_104 : memref<1x125xi32, #tpu.memory_space<vmem>> -> memref<125xi32, #tpu.memory_space<vmem>>
      %dma_wait3A_106 = arith.constant 0 : i32
      %dma_wait3A_107 = arith.constant 0 : i32
      %dma_wait3A_108 = tpu.memref_slice %arg9[%dma_wait3A_106, %dma_wait3A_107] : memref<10000x8xf32, #tpu.memory_space<vmem_shared>> -> memref<10000x8xf32, #tpu.memory_space<vmem_shared>>
      tpu.wait_indirect_dma semaphore(%arg11 : memref<!tpu.dma_semaphore, #tpu.memory_space<semaphore_mem>>) src(%arg7 : memref<125x8xf32, #tpu.memory_space<vmem>>) dst(%dma_wait3A_108 : memref<10000x8xf32, #tpu.memory_space<vmem_shared>>)
      %dma_start3A_109 = arith.constant 0 : i32
      %dma_start3A_110 = tpu.memref_slice %arg6[%add3A_100, %dma_start3A_109] : memref<80x125xi32, #tpu.memory_space<vmem>> -> memref<1x125xi32, #tpu.memory_space<vmem>>
      %dma_start3A_111 = tpu.memref_squeeze %dma_start3A_110 : memref<1x125xi32, #tpu.memory_space<vmem>> -> memref<125xi32, #tpu.memory_space<vmem>>
      %dma_start3A_112 = arith.constant 0 : i32
      %dma_start3A_113 = arith.constant 0 : i32
      %dma_start3A_114 = tpu.memref_slice %arg9[%dma_start3A_112, %dma_start3A_113] : memref<10000x8xf32, #tpu.memory_space<vmem_shared>> -> memref<10000x8xf32, #tpu.memory_space<vmem_shared>>
      tpu.enqueue_indirect_dma source(%arg7 : memref<125x8xf32, #tpu.memory_space<vmem>>) target(%dma_start3A_114 : memref<10000x8xf32, #tpu.memory_space<vmem_shared>>) offsets(%dma_start3A_111 : memref<125xi32, #tpu.memory_space<vmem>>) semaphore(%arg11 : memref<!tpu.dma_semaphore, #tpu.memory_space<semaphore_mem>>) {add = true}
      %add3A_115 = arith.constant 2 : i32
      %add3A_116 = arith.addi %mul3A_83, %add3A_115 : i32
      %sub3A_117 = arith.constant 4 : i32
      %sub3A_118 = arith.subi %add3A_116, %sub3A_117 : i32
      %dma_wait3A_119 = arith.constant 0 : i32
      %dma_wait3A_120 = tpu.memref_slice %arg6[%sub3A_118, %dma_wait3A_119] : memref<80x125xi32, #tpu.memory_space<vmem>> -> memref<1x125xi32, #tpu.memory_space<vmem>>
      %dma_wait3A_121 = tpu.memref_squeeze %dma_wait3A_120 : memref<1x125xi32, #tpu.memory_space<vmem>> -> memref<125xi32, #tpu.memory_space<vmem>>
      %dma_wait3A_122 = arith.constant 0 : i32
      %dma_wait3A_123 = arith.constant 0 : i32
      %dma_wait3A_124 = tpu.memref_slice %arg9[%dma_wait3A_122, %dma_wait3A_123] : memref<10000x8xf32, #tpu.memory_space<vmem_shared>> -> memref<10000x8xf32, #tpu.memory_space<vmem_shared>>
      tpu.wait_indirect_dma semaphore(%arg12 : memref<!tpu.dma_semaphore, #tpu.memory_space<semaphore_mem>>) src(%arg7 : memref<125x8xf32, #tpu.memory_space<vmem>>) dst(%dma_wait3A_124 : memref<10000x8xf32, #tpu.memory_space<vmem_shared>>)
      %dma_start3A_125 = arith.constant 0 : i32
      %dma_start3A_126 = tpu.memref_slice %arg6[%add3A_116, %dma_start3A_125] : memref<80x125xi32, #tpu.memory_space<vmem>> -> memref<1x125xi32, #tpu.memory_space<vmem>>
      %dma_start3A_127 = tpu.memref_squeeze %dma_start3A_126 : memref<1x125xi32, #tpu.memory_space<vmem>> -> memref<125xi32, #tpu.memory_space<vmem>>
      %dma_start3A_128 = arith.constant 0 : i32
      %dma_start3A_129 = arith.constant 0 : i32
      %dma_start3A_130 = tpu.memref_slice %arg9[%dma_start3A_128, %dma_start3A_129] : memref<10000x8xf32, #tpu.memory_space<vmem_shared>> -> memref<10000x8xf32, #tpu.memory_space<vmem_shared>>
      tpu.enqueue_indirect_dma source(%arg7 : memref<125x8xf32, #tpu.memory_space<vmem>>) target(%dma_start3A_130 : memref<10000x8xf32, #tpu.memory_space<vmem_shared>>) offsets(%dma_start3A_127 : memref<125xi32, #tpu.memory_space<vmem>>) semaphore(%arg12 : memref<!tpu.dma_semaphore, #tpu.memory_space<semaphore_mem>>) {add = true}
      %add3A_131 = arith.constant 3 : i32
      %add3A_132 = arith.addi %mul3A_83, %add3A_131 : i32
      %sub3A_133 = arith.constant 4 : i32
      %sub3A_134 = arith.subi %add3A_132, %sub3A_133 : i32
      %dma_wait3A_135 = arith.constant 0 : i32
      %dma_wait3A_136 = tpu.memref_slice %arg6[%sub3A_134, %dma_wait3A_135] : memref<80x125xi32, #tpu.memory_space<vmem>> -> memref<1x125xi32, #tpu.memory_space<vmem>>
      %dma_wait3A_137 = tpu.memref_squeeze %dma_wait3A_136 : memref<1x125xi32, #tpu.memory_space<vmem>> -> memref<125xi32, #tpu.memory_space<vmem>>
      %dma_wait3A_138 = arith.constant 0 : i32
      %dma_wait3A_139 = arith.constant 0 : i32
      %dma_wait3A_140 = tpu.memref_slice %arg9[%dma_wait3A_138, %dma_wait3A_139] : memref<10000x8xf32, #tpu.memory_space<vmem_shared>> -> memref<10000x8xf32, #tpu.memory_space<vmem_shared>>
      tpu.wait_indirect_dma semaphore(%arg13 : memref<!tpu.dma_semaphore, #tpu.memory_space<semaphore_mem>>) src(%arg7 : memref<125x8xf32, #tpu.memory_space<vmem>>) dst(%dma_wait3A_140 : memref<10000x8xf32, #tpu.memory_space<vmem_shared>>)
      %dma_start3A_141 = arith.constant 0 : i32
      %dma_start3A_142 = tpu.memref_slice %arg6[%add3A_132, %dma_start3A_141] : memref<80x125xi32, #tpu.memory_space<vmem>> -> memref<1x125xi32, #tpu.memory_space<vmem>>
      %dma_start3A_143 = tpu.memref_squeeze %dma_start3A_142 : memref<1x125xi32, #tpu.memory_space<vmem>> -> memref<125xi32, #tpu.memory_space<vmem>>
      %dma_start3A_144 = arith.constant 0 : i32
      %dma_start3A_145 = arith.constant 0 : i32
      %dma_start3A_146 = tpu.memref_slice %arg9[%dma_start3A_144, %dma_start3A_145] : memref<10000x8xf32, #tpu.memory_space<vmem_shared>> -> memref<10000x8xf32, #tpu.memory_space<vmem_shared>>
      tpu.enqueue_indirect_dma source(%arg7 : memref<125x8xf32, #tpu.memory_space<vmem>>) target(%dma_start3A_146 : memref<10000x8xf32, #tpu.memory_space<vmem_shared>>) offsets(%dma_start3A_143 : memref<125xi32, #tpu.memory_space<vmem>>) semaphore(%arg13 : memref<!tpu.dma_semaphore, #tpu.memory_space<semaphore_mem>>) {add = true}
    }
    %scan3A_40 = arith.constant 19 : i32
    %dma_wait3A = arith.constant 76 : i32
    %dma_wait3A_41 = arith.constant 0 : i32
    %dma_wait3A_42 = tpu.memref_slice %arg6[%dma_wait3A, %dma_wait3A_41] : memref<80x125xi32, #tpu.memory_space<vmem>> -> memref<1x125xi32, #tpu.memory_space<vmem>>
    %dma_wait3A_43 = tpu.memref_squeeze %dma_wait3A_42 : memref<1x125xi32, #tpu.memory_space<vmem>> -> memref<125xi32, #tpu.memory_space<vmem>>
    %dma_wait3A_44 = arith.constant 0 : i32
    %dma_wait3A_45 = arith.constant 0 : i32
    %dma_wait3A_46 = tpu.memref_slice %arg9[%dma_wait3A_44, %dma_wait3A_45] : memref<10000x8xf32, #tpu.memory_space<vmem_shared>> -> memref<10000x8xf32, #tpu.memory_space<vmem_shared>>
    tpu.wait_indirect_dma semaphore(%arg10 : memref<!tpu.dma_semaphore, #tpu.memory_space<semaphore_mem>>) src(%arg7 : memref<125x8xf32, #tpu.memory_space<vmem>>) dst(%dma_wait3A_46 : memref<10000x8xf32, #tpu.memory_space<vmem_shared>>)
    %dma_wait3A_47 = arith.constant 77 : i32
    %dma_wait3A_48 = arith.constant 0 : i32
    %dma_wait3A_49 = tpu.memref_slice %arg6[%dma_wait3A_47, %dma_wait3A_48] : memref<80x125xi32, #tpu.memory_space<vmem>> -> memref<1x125xi32, #tpu.memory_space<vmem>>
    %dma_wait3A_50 = tpu.memref_squeeze %dma_wait3A_49 : memref<1x125xi32, #tpu.memory_space<vmem>> -> memref<125xi32, #tpu.memory_space<vmem>>
    %dma_wait3A_51 = arith.constant 0 : i32
    %dma_wait3A_52 = arith.constant 0 : i32
    %dma_wait3A_53 = tpu.memref_slice %arg9[%dma_wait3A_51, %dma_wait3A_52] : memref<10000x8xf32, #tpu.memory_space<vmem_shared>> -> memref<10000x8xf32, #tpu.memory_space<vmem_shared>>
    tpu.wait_indirect_dma semaphore(%arg11 : memref<!tpu.dma_semaphore, #tpu.memory_space<semaphore_mem>>) src(%arg7 : memref<125x8xf32, #tpu.memory_space<vmem>>) dst(%dma_wait3A_53 : memref<10000x8xf32, #tpu.memory_space<vmem_shared>>)
    %dma_wait3A_54 = arith.constant 78 : i32
    %dma_wait3A_55 = arith.constant 0 : i32
    %dma_wait3A_56 = tpu.memref_slice %arg6[%dma_wait3A_54, %dma_wait3A_55] : memref<80x125xi32, #tpu.memory_space<vmem>> -> memref<1x125xi32, #tpu.memory_space<vmem>>
    %dma_wait3A_57 = tpu.memref_squeeze %dma_wait3A_56 : memref<1x125xi32, #tpu.memory_space<vmem>> -> memref<125xi32, #tpu.memory_space<vmem>>
    %dma_wait3A_58 = arith.constant 0 : i32
    %dma_wait3A_59 = arith.constant 0 : i32
    %dma_wait3A_60 = tpu.memref_slice %arg9[%dma_wait3A_58, %dma_wait3A_59] : memref<10000x8xf32, #tpu.memory_space<vmem_shared>> -> memref<10000x8xf32, #tpu.memory_space<vmem_shared>>
    tpu.wait_indirect_dma semaphore(%arg12 : memref<!tpu.dma_semaphore, #tpu.memory_space<semaphore_mem>>) src(%arg7 : memref<125x8xf32, #tpu.memory_space<vmem>>) dst(%dma_wait3A_60 : memref<10000x8xf32, #tpu.memory_space<vmem_shared>>)
    %dma_wait3A_61 = arith.constant 79 : i32
    %dma_wait3A_62 = arith.constant 0 : i32
    %dma_wait3A_63 = tpu.memref_slice %arg6[%dma_wait3A_61, %dma_wait3A_62] : memref<80x125xi32, #tpu.memory_space<vmem>> -> memref<1x125xi32, #tpu.memory_space<vmem>>
    %dma_wait3A_64 = tpu.memref_squeeze %dma_wait3A_63 : memref<1x125xi32, #tpu.memory_space<vmem>> -> memref<125xi32, #tpu.memory_space<vmem>>
    %dma_wait3A_65 = arith.constant 0 : i32
    %dma_wait3A_66 = arith.constant 0 : i32
    %dma_wait3A_67 = tpu.memref_slice %arg9[%dma_wait3A_65, %dma_wait3A_66] : memref<10000x8xf32, #tpu.memory_space<vmem_shared>> -> memref<10000x8xf32, #tpu.memory_space<vmem_shared>>
    tpu.wait_indirect_dma semaphore(%arg13 : memref<!tpu.dma_semaphore, #tpu.memory_space<semaphore_mem>>) src(%arg7 : memref<125x8xf32, #tpu.memory_space<vmem>>) dst(%dma_wait3A_67 : memref<10000x8xf32, #tpu.memory_space<vmem_shared>>)
    %barrier3A_68 = arith.constant 0 : index
    tpu.barrier barrier_id(%barrier3A_68)
    %mul3A_69 = arith.constant 640 : i32
    %mul3A_70 = arith.muli %arg1, %mul3A_69 : i32
    %lt3A_71 = arith.constant 15 : i32
    %lt3A_72 = arith.cmpi slt, %arg1, %lt3A_71 : i32
    %convert_element_type3A_73 = arith.extui %lt3A_72 : i1 to i32
    %cond3A_74 = arith.constant 0 : i32
    %cond3A_75 = arith.cmpi ne, %convert_element_type3A_73, %cond3A_74 : i32
    scf.if %cond3A_75 {
      %mul3A_81 = arith.constant 64 : i32
      %mul3A_82 = arith.muli %arg0, %mul3A_81 : i32
      "tpu.region"() ({
        %run_scoped3A = tpu.sem_alloc : memref<!tpu.dma_semaphore, #tpu.memory_space<semaphore_mem>>
        %dma_start3A_83 = tpu.memref_slice %arg5[%mul3A_70, %mul3A_82] : memref<10000x128xf32, #tpu.memory_space<hbm>> -> memref<640x8xf32, #tpu.memory_space<hbm>>
        %dma_start3A_84 = arith.constant 0 : i32
        %dma_start3A_85 = tpu.memref_slice %arg9[%mul3A_70, %dma_start3A_84] : memref<10000x8xf32, #tpu.memory_space<vmem_shared>> -> memref<640x8xf32, #tpu.memory_space<vmem_shared>>
        tpu.enqueue_dma source(%dma_start3A_85 : memref<640x8xf32, #tpu.memory_space<vmem_shared>>) target(%dma_start3A_83 : memref<640x8xf32, #tpu.memory_space<hbm>>) target_semaphore(%run_scoped3A : memref<!tpu.dma_semaphore, #tpu.memory_space<semaphore_mem>>)
        %dma_wait3A_86 = tpu.memref_slice %arg5[%mul3A_70, %mul3A_82] : memref<10000x128xf32, #tpu.memory_space<hbm>> -> memref<640x8xf32, #tpu.memory_space<hbm>>
        %dma_wait3A_87 = arith.constant 0 : i32
        %dma_wait3A_88 = tpu.memref_slice %arg9[%mul3A_70, %dma_wait3A_87] : memref<10000x8xf32, #tpu.memory_space<vmem_shared>> -> memref<640x8xf32, #tpu.memory_space<vmem_shared>>
        tpu.wait_dma2 semaphore(%run_scoped3A : memref<!tpu.dma_semaphore, #tpu.memory_space<semaphore_mem>>) src(%dma_wait3A_88 : memref<640x8xf32, #tpu.memory_space<vmem_shared>>) dst(%dma_wait3A_86 : memref<640x8xf32, #tpu.memory_space<hbm>>)
        tpu.yield
      }) : () -> ()
    } else {
    }
    %eq3A_76 = arith.constant 15 : i32
    %eq3A_77 = arith.cmpi eq, %arg1, %eq3A_76 : i32
    %convert_element_type3A_78 = arith.extui %eq3A_77 : i1 to i32
    %cond3A_79 = arith.constant 0 : i32
    %cond3A_80 = arith.cmpi ne, %convert_element_type3A_78, %cond3A_79 : i32
    scf.if %cond3A_80 {
      %mul3A_81 = arith.constant 64 : i32
      %mul3A_82 = arith.muli %arg0, %mul3A_81 : i32
      "tpu.region"() ({
        %run_scoped3A = tpu.sem_alloc : memref<!tpu.dma_semaphore, #tpu.memory_space<semaphore_mem>>
        %dma_start3A_83 = tpu.memref_slice %arg5[%mul3A_70, %mul3A_82] : memref<10000x128xf32, #tpu.memory_space<hbm>> -> memref<400x8xf32, #tpu.memory_space<hbm>>
        %dma_start3A_84 = arith.constant 0 : i32
        %dma_start3A_85 = tpu.memref_slice %arg9[%mul3A_70, %dma_start3A_84] : memref<10000x8xf32, #tpu.memory_space<vmem_shared>> -> memref<400x8xf32, #tpu.memory_space<vmem_shared>>
        tpu.enqueue_dma source(%dma_start3A_85 : memref<400x8xf32, #tpu.memory_space<vmem_shared>>) target(%dma_start3A_83 : memref<400x8xf32, #tpu.memory_space<hbm>>) target_semaphore(%run_scoped3A : memref<!tpu.dma_semaphore, #tpu.memory_space<semaphore_mem>>)
        %dma_wait3A_86 = tpu.memref_slice %arg5[%mul3A_70, %mul3A_82] : memref<10000x128xf32, #tpu.memory_space<hbm>> -> memref<400x8xf32, #tpu.memory_space<hbm>>
        %dma_wait3A_87 = arith.constant 0 : i32
        %dma_wait3A_88 = tpu.memref_slice %arg9[%mul3A_70, %dma_wait3A_87] : memref<10000x8xf32, #tpu.memory_space<vmem_shared>> -> memref<400x8xf32, #tpu.memory_space<vmem_shared>>
        tpu.wait_dma2 semaphore(%run_scoped3A : memref<!tpu.dma_semaphore, #tpu.memory_space<semaphore_mem>>) src(%dma_wait3A_88 : memref<400x8xf32, #tpu.memory_space<vmem_shared>>) dst(%dma_wait3A_86 : memref<400x8xf32, #tpu.memory_space<hbm>>)
        tpu.yield
      }) : () -> ()
    } else {
    }
    return
  }
}

#map = affine_map<(d0, d1) -> (0, 0)>
#map1 = affine_map<(d0, d1) -> (0, 0, 0)>
module attributes {stable_mosaic.version = 14 : i64} {
  func.func @body(%arg0: i32, %arg1: i32, %arg2: memref<10000x64xf32, #tpu.memory_space<hbm>>, %arg3: memref<32x80x125xi32, #tpu.memory_space<hbm>>, %arg4: memref<32x80x125xi32, #tpu.memory_space<hbm>>, %arg5: memref<80x64xf32, #tpu.memory_space<hbm>>, %arg6: memref<10000x128xf32, #tpu.memory_space<hbm>>, %arg7: memref<80x125xi32, #tpu.memory_space<vmem>>, %arg8: memref<80x125xi32, #tpu.memory_space<vmem>>, %arg9: memref<8x125x64xf32, #tpu.memory_space<vmem>>, %arg10: memref<80x64xf32, #tpu.memory_space<vmem>>, %arg11: memref<10000x64xf32, #tpu.memory_space<vmem_shared>>, %arg12: memref<!tpu.dma_semaphore, #tpu.memory_space<semaphore_mem>>, %arg13: memref<!tpu.dma_semaphore, #tpu.memory_space<semaphore_mem>>, %arg14: memref<!tpu.dma_semaphore, #tpu.memory_space<semaphore_mem>>, %arg15: memref<!tpu.dma_semaphore, #tpu.memory_space<semaphore_mem>>, %arg16: memref<!tpu.dma_semaphore, #tpu.memory_space<semaphore_mem>>, %arg17: memref<!tpu.dma_semaphore, #tpu.memory_space<semaphore_mem>>, %arg18: memref<!tpu.dma_semaphore, #tpu.memory_space<semaphore_mem>>, %arg19: memref<!tpu.dma_semaphore, #tpu.memory_space<semaphore_mem>>, %arg20: memref<!tpu.dma_semaphore, #tpu.memory_space<semaphore_mem>>, %arg21: memref<!tpu.dma_semaphore, #tpu.memory_space<semaphore_mem>>, %arg22: memref<!tpu.dma_semaphore, #tpu.memory_space<semaphore_mem>>, %arg23: memref<!tpu.dma_semaphore, #tpu.memory_space<semaphore_mem>>, %arg24: memref<!tpu.dma_semaphore, #tpu.memory_space<semaphore_mem>>, %arg25: memref<!tpu.dma_semaphore, #tpu.memory_space<semaphore_mem>>, %arg26: memref<!tpu.dma_semaphore, #tpu.memory_space<semaphore_mem>>, %arg27: memref<!tpu.dma_semaphore, #tpu.memory_space<semaphore_mem>>) attributes {dimension_semantics = [#tpu.dimension_semantics<core_parallel>, #tpu.dimension_semantics<subcore_parallel>], iteration_bounds = array<i64: 2, 16>, scalar_prefetch = 0 : i64, scratch_operands = 21 : i64, tpu.core_type = #tpu.core_type<sc_vector_subcore>, window_params = [{transform_indices = #map}, {transform_indices = #map1}, {transform_indices = #map1}, {transform_indices = #map}, {transform_indices = #map}]} {
    %mul3A = arith.constant 16 : i32
    %mul3A_0 = arith.muli %arg0, %mul3A : i32
    %add3A = arith.addi %mul3A_0, %arg1 : i32
    "tpu.region"() ({
      %run_scoped3A = tpu.sem_alloc : memref<!tpu.dma_semaphore, #tpu.memory_space<semaphore_mem>>
      %dma_start3A_793 = arith.constant 0 : i32
      %dma_start3A_794 = arith.constant 0 : i32
      %dma_start3A_795 = tpu.memref_slice %arg3[%add3A, %dma_start3A_793, %dma_start3A_794] : memref<32x80x125xi32, #tpu.memory_space<hbm>> -> memref<1x80x125xi32, #tpu.memory_space<hbm>>
      %dma_start3A_796 = tpu.memref_squeeze %dma_start3A_795 : memref<1x80x125xi32, #tpu.memory_space<hbm>> -> memref<80x125xi32, #tpu.memory_space<hbm>>
      %dma_start3A_797 = arith.constant 0 : i32
      %dma_start3A_798 = arith.constant 0 : i32
      %dma_start3A_799 = tpu.memref_slice %arg3[%add3A, %dma_start3A_797, %dma_start3A_798] : memref<32x80x125xi32, #tpu.memory_space<hbm>> -> memref<1x80x125xi32, #tpu.memory_space<hbm>>
      %dma_start3A_800 = tpu.memref_squeeze %dma_start3A_799 : memref<1x80x125xi32, #tpu.memory_space<hbm>> -> memref<80x125xi32, #tpu.memory_space<hbm>>
      tpu.enqueue_dma source(%dma_start3A_800 : memref<80x125xi32, #tpu.memory_space<hbm>>) target(%arg7 : memref<80x125xi32, #tpu.memory_space<vmem>>) target_semaphore(%run_scoped3A : memref<!tpu.dma_semaphore, #tpu.memory_space<semaphore_mem>>)
      %dma_wait3A_801 = arith.constant 0 : i32
      %dma_wait3A_802 = arith.constant 0 : i32
      %dma_wait3A_803 = tpu.memref_slice %arg3[%add3A, %dma_wait3A_801, %dma_wait3A_802] : memref<32x80x125xi32, #tpu.memory_space<hbm>> -> memref<1x80x125xi32, #tpu.memory_space<hbm>>
      %dma_wait3A_804 = tpu.memref_squeeze %dma_wait3A_803 : memref<1x80x125xi32, #tpu.memory_space<hbm>> -> memref<80x125xi32, #tpu.memory_space<hbm>>
      %dma_wait3A_805 = arith.constant 0 : i32
      %dma_wait3A_806 = arith.constant 0 : i32
      %dma_wait3A_807 = tpu.memref_slice %arg3[%add3A, %dma_wait3A_805, %dma_wait3A_806] : memref<32x80x125xi32, #tpu.memory_space<hbm>> -> memref<1x80x125xi32, #tpu.memory_space<hbm>>
      %dma_wait3A_808 = tpu.memref_squeeze %dma_wait3A_807 : memref<1x80x125xi32, #tpu.memory_space<hbm>> -> memref<80x125xi32, #tpu.memory_space<hbm>>
      tpu.wait_dma2 semaphore(%run_scoped3A : memref<!tpu.dma_semaphore, #tpu.memory_space<semaphore_mem>>) src(%dma_wait3A_808 : memref<80x125xi32, #tpu.memory_space<hbm>>) dst(%arg7 : memref<80x125xi32, #tpu.memory_space<vmem>>)
      tpu.yield
    }) : () -> ()
    "tpu.region"() ({
      %run_scoped3A = tpu.sem_alloc : memref<!tpu.dma_semaphore, #tpu.memory_space<semaphore_mem>>
      %dma_start3A_793 = arith.constant 0 : i32
      %dma_start3A_794 = arith.constant 0 : i32
      %dma_start3A_795 = tpu.memref_slice %arg4[%add3A, %dma_start3A_793, %dma_start3A_794] : memref<32x80x125xi32, #tpu.memory_space<hbm>> -> memref<1x80x125xi32, #tpu.memory_space<hbm>>
      %dma_start3A_796 = tpu.memref_squeeze %dma_start3A_795 : memref<1x80x125xi32, #tpu.memory_space<hbm>> -> memref<80x125xi32, #tpu.memory_space<hbm>>
      %dma_start3A_797 = arith.constant 0 : i32
      %dma_start3A_798 = arith.constant 0 : i32
      %dma_start3A_799 = tpu.memref_slice %arg4[%add3A, %dma_start3A_797, %dma_start3A_798] : memref<32x80x125xi32, #tpu.memory_space<hbm>> -> memref<1x80x125xi32, #tpu.memory_space<hbm>>
      %dma_start3A_800 = tpu.memref_squeeze %dma_start3A_799 : memref<1x80x125xi32, #tpu.memory_space<hbm>> -> memref<80x125xi32, #tpu.memory_space<hbm>>
      tpu.enqueue_dma source(%dma_start3A_800 : memref<80x125xi32, #tpu.memory_space<hbm>>) target(%arg8 : memref<80x125xi32, #tpu.memory_space<vmem>>) target_semaphore(%run_scoped3A : memref<!tpu.dma_semaphore, #tpu.memory_space<semaphore_mem>>)
      %dma_wait3A_801 = arith.constant 0 : i32
      %dma_wait3A_802 = arith.constant 0 : i32
      %dma_wait3A_803 = tpu.memref_slice %arg4[%add3A, %dma_wait3A_801, %dma_wait3A_802] : memref<32x80x125xi32, #tpu.memory_space<hbm>> -> memref<1x80x125xi32, #tpu.memory_space<hbm>>
      %dma_wait3A_804 = tpu.memref_squeeze %dma_wait3A_803 : memref<1x80x125xi32, #tpu.memory_space<hbm>> -> memref<80x125xi32, #tpu.memory_space<hbm>>
      %dma_wait3A_805 = arith.constant 0 : i32
      %dma_wait3A_806 = arith.constant 0 : i32
      %dma_wait3A_807 = tpu.memref_slice %arg4[%add3A, %dma_wait3A_805, %dma_wait3A_806] : memref<32x80x125xi32, #tpu.memory_space<hbm>> -> memref<1x80x125xi32, #tpu.memory_space<hbm>>
      %dma_wait3A_808 = tpu.memref_squeeze %dma_wait3A_807 : memref<1x80x125xi32, #tpu.memory_space<hbm>> -> memref<80x125xi32, #tpu.memory_space<hbm>>
      tpu.wait_dma2 semaphore(%run_scoped3A : memref<!tpu.dma_semaphore, #tpu.memory_space<semaphore_mem>>) src(%dma_wait3A_808 : memref<80x125xi32, #tpu.memory_space<hbm>>) dst(%arg8 : memref<80x125xi32, #tpu.memory_space<vmem>>)
      tpu.yield
    }) : () -> ()
    "tpu.region"() ({
      %run_scoped3A = tpu.sem_alloc : memref<!tpu.dma_semaphore, #tpu.memory_space<semaphore_mem>>
      tpu.enqueue_dma source(%arg5 : memref<80x64xf32, #tpu.memory_space<hbm>>) target(%arg10 : memref<80x64xf32, #tpu.memory_space<vmem>>) target_semaphore(%run_scoped3A : memref<!tpu.dma_semaphore, #tpu.memory_space<semaphore_mem>>)
      tpu.wait_dma2 semaphore(%run_scoped3A : memref<!tpu.dma_semaphore, #tpu.memory_space<semaphore_mem>>) src(%arg5 : memref<80x64xf32, #tpu.memory_space<hbm>>) dst(%arg10 : memref<80x64xf32, #tpu.memory_space<vmem>>)
      tpu.yield
    }) : () -> ()
    %mul3A_1 = arith.constant 640 : i32
    %mul3A_2 = arith.muli %arg1, %mul3A_1 : i32
    %lt3A = arith.constant 15 : i32
    %lt3A_3 = arith.cmpi slt, %arg1, %lt3A : i32
    %convert_element_type3A = arith.extui %lt3A_3 : i1 to i32
    %cond3A = arith.constant 0 : i32
    %cond3A_4 = arith.cmpi ne, %convert_element_type3A, %cond3A : i32
    scf.if %cond3A_4 {
      %add3A_793 = arith.constant 0 : i32
      %add3A_794 = arith.addi %mul3A_2, %add3A_793 : i32
      %dma_start3A_795 = arith.constant 0 : i32
      %dma_start3A_796 = tpu.memref_slice %arg11[%add3A_794, %dma_start3A_795] : memref<10000x64xf32, #tpu.memory_space<vmem_shared>> -> memref<80x64xf32, #tpu.memory_space<vmem_shared>>
      %dma_start3A_797 = arith.constant 0 : i32
      %dma_start3A_798 = tpu.memref_slice %arg11[%add3A_794, %dma_start3A_797] : memref<10000x64xf32, #tpu.memory_space<vmem_shared>> -> memref<80x64xf32, #tpu.memory_space<vmem_shared>>
      tpu.enqueue_dma source(%arg10 : memref<80x64xf32, #tpu.memory_space<vmem>>) target(%dma_start3A_798 : memref<80x64xf32, #tpu.memory_space<vmem_shared>>) target_semaphore(%arg12 : memref<!tpu.dma_semaphore, #tpu.memory_space<semaphore_mem>>)
      %add3A_799 = arith.constant 80 : i32
      %add3A_800 = arith.addi %mul3A_2, %add3A_799 : i32
      %dma_start3A_801 = arith.constant 0 : i32
      %dma_start3A_802 = tpu.memref_slice %arg11[%add3A_800, %dma_start3A_801] : memref<10000x64xf32, #tpu.memory_space<vmem_shared>> -> memref<80x64xf32, #tpu.memory_space<vmem_shared>>
      %dma_start3A_803 = arith.constant 0 : i32
      %dma_start3A_804 = tpu.memref_slice %arg11[%add3A_800, %dma_start3A_803] : memref<10000x64xf32, #tpu.memory_space<vmem_shared>> -> memref<80x64xf32, #tpu.memory_space<vmem_shared>>
      tpu.enqueue_dma source(%arg10 : memref<80x64xf32, #tpu.memory_space<vmem>>) target(%dma_start3A_804 : memref<80x64xf32, #tpu.memory_space<vmem_shared>>) target_semaphore(%arg12 : memref<!tpu.dma_semaphore, #tpu.memory_space<semaphore_mem>>)
      %add3A_805 = arith.constant 160 : i32
      %add3A_806 = arith.addi %mul3A_2, %add3A_805 : i32
      %dma_start3A_807 = arith.constant 0 : i32
      %dma_start3A_808 = tpu.memref_slice %arg11[%add3A_806, %dma_start3A_807] : memref<10000x64xf32, #tpu.memory_space<vmem_shared>> -> memref<80x64xf32, #tpu.memory_space<vmem_shared>>
      %dma_start3A_809 = arith.constant 0 : i32
      %dma_start3A_810 = tpu.memref_slice %arg11[%add3A_806, %dma_start3A_809] : memref<10000x64xf32, #tpu.memory_space<vmem_shared>> -> memref<80x64xf32, #tpu.memory_space<vmem_shared>>
      tpu.enqueue_dma source(%arg10 : memref<80x64xf32, #tpu.memory_space<vmem>>) target(%dma_start3A_810 : memref<80x64xf32, #tpu.memory_space<vmem_shared>>) target_semaphore(%arg12 : memref<!tpu.dma_semaphore, #tpu.memory_space<semaphore_mem>>)
      %add3A_811 = arith.constant 240 : i32
      %add3A_812 = arith.addi %mul3A_2, %add3A_811 : i32
      %dma_start3A_813 = arith.constant 0 : i32
      %dma_start3A_814 = tpu.memref_slice %arg11[%add3A_812, %dma_start3A_813] : memref<10000x64xf32, #tpu.memory_space<vmem_shared>> -> memref<80x64xf32, #tpu.memory_space<vmem_shared>>
      %dma_start3A_815 = arith.constant 0 : i32
      %dma_start3A_816 = tpu.memref_slice %arg11[%add3A_812, %dma_start3A_815] : memref<10000x64xf32, #tpu.memory_space<vmem_shared>> -> memref<80x64xf32, #tpu.memory_space<vmem_shared>>
      tpu.enqueue_dma source(%arg10 : memref<80x64xf32, #tpu.memory_space<vmem>>) target(%dma_start3A_816 : memref<80x64xf32, #tpu.memory_space<vmem_shared>>) target_semaphore(%arg12 : memref<!tpu.dma_semaphore, #tpu.memory_space<semaphore_mem>>)
      %add3A_817 = arith.constant 320 : i32
      %add3A_818 = arith.addi %mul3A_2, %add3A_817 : i32
      %dma_start3A_819 = arith.constant 0 : i32
      %dma_start3A_820 = tpu.memref_slice %arg11[%add3A_818, %dma_start3A_819] : memref<10000x64xf32, #tpu.memory_space<vmem_shared>> -> memref<80x64xf32, #tpu.memory_space<vmem_shared>>
      %dma_start3A_821 = arith.constant 0 : i32
      %dma_start3A_822 = tpu.memref_slice %arg11[%add3A_818, %dma_start3A_821] : memref<10000x64xf32, #tpu.memory_space<vmem_shared>> -> memref<80x64xf32, #tpu.memory_space<vmem_shared>>
      tpu.enqueue_dma source(%arg10 : memref<80x64xf32, #tpu.memory_space<vmem>>) target(%dma_start3A_822 : memref<80x64xf32, #tpu.memory_space<vmem_shared>>) target_semaphore(%arg12 : memref<!tpu.dma_semaphore, #tpu.memory_space<semaphore_mem>>)
      %add3A_823 = arith.constant 400 : i32
      %add3A_824 = arith.addi %mul3A_2, %add3A_823 : i32
      %dma_start3A_825 = arith.constant 0 : i32
      %dma_start3A_826 = tpu.memref_slice %arg11[%add3A_824, %dma_start3A_825] : memref<10000x64xf32, #tpu.memory_space<vmem_shared>> -> memref<80x64xf32, #tpu.memory_space<vmem_shared>>
      %dma_start3A_827 = arith.constant 0 : i32
      %dma_start3A_828 = tpu.memref_slice %arg11[%add3A_824, %dma_start3A_827] : memref<10000x64xf32, #tpu.memory_space<vmem_shared>> -> memref<80x64xf32, #tpu.memory_space<vmem_shared>>
      tpu.enqueue_dma source(%arg10 : memref<80x64xf32, #tpu.memory_space<vmem>>) target(%dma_start3A_828 : memref<80x64xf32, #tpu.memory_space<vmem_shared>>) target_semaphore(%arg12 : memref<!tpu.dma_semaphore, #tpu.memory_space<semaphore_mem>>)
      %add3A_829 = arith.constant 480 : i32
      %add3A_830 = arith.addi %mul3A_2, %add3A_829 : i32
      %dma_start3A_831 = arith.constant 0 : i32
      %dma_start3A_832 = tpu.memref_slice %arg11[%add3A_830, %dma_start3A_831] : memref<10000x64xf32, #tpu.memory_space<vmem_shared>> -> memref<80x64xf32, #tpu.memory_space<vmem_shared>>
      %dma_start3A_833 = arith.constant 0 : i32
      %dma_start3A_834 = tpu.memref_slice %arg11[%add3A_830, %dma_start3A_833] : memref<10000x64xf32, #tpu.memory_space<vmem_shared>> -> memref<80x64xf32, #tpu.memory_space<vmem_shared>>
      tpu.enqueue_dma source(%arg10 : memref<80x64xf32, #tpu.memory_space<vmem>>) target(%dma_start3A_834 : memref<80x64xf32, #tpu.memory_space<vmem_shared>>) target_semaphore(%arg12 : memref<!tpu.dma_semaphore, #tpu.memory_space<semaphore_mem>>)
      %add3A_835 = arith.constant 560 : i32
      %add3A_836 = arith.addi %mul3A_2, %add3A_835 : i32
      %dma_start3A_837 = arith.constant 0 : i32
      %dma_start3A_838 = tpu.memref_slice %arg11[%add3A_836, %dma_start3A_837] : memref<10000x64xf32, #tpu.memory_space<vmem_shared>> -> memref<80x64xf32, #tpu.memory_space<vmem_shared>>
      %dma_start3A_839 = arith.constant 0 : i32
      %dma_start3A_840 = tpu.memref_slice %arg11[%add3A_836, %dma_start3A_839] : memref<10000x64xf32, #tpu.memory_space<vmem_shared>> -> memref<80x64xf32, #tpu.memory_space<vmem_shared>>
      tpu.enqueue_dma source(%arg10 : memref<80x64xf32, #tpu.memory_space<vmem>>) target(%dma_start3A_840 : memref<80x64xf32, #tpu.memory_space<vmem_shared>>) target_semaphore(%arg12 : memref<!tpu.dma_semaphore, #tpu.memory_space<semaphore_mem>>)
      %add3A_841 = arith.constant 0 : i32
      %add3A_842 = arith.addi %mul3A_2, %add3A_841 : i32
      %dma_wait3A_843 = arith.constant 0 : i32
      %dma_wait3A_844 = tpu.memref_slice %arg11[%add3A_842, %dma_wait3A_843] : memref<10000x64xf32, #tpu.memory_space<vmem_shared>> -> memref<80x64xf32, #tpu.memory_space<vmem_shared>>
      %dma_wait3A_845 = arith.constant 0 : i32
      %dma_wait3A_846 = tpu.memref_slice %arg11[%add3A_842, %dma_wait3A_845] : memref<10000x64xf32, #tpu.memory_space<vmem_shared>> -> memref<80x64xf32, #tpu.memory_space<vmem_shared>>
      tpu.wait_dma2 semaphore(%arg12 : memref<!tpu.dma_semaphore, #tpu.memory_space<semaphore_mem>>) src(%arg10 : memref<80x64xf32, #tpu.memory_space<vmem>>) dst(%dma_wait3A_846 : memref<80x64xf32, #tpu.memory_space<vmem_shared>>)
      %add3A_847 = arith.constant 80 : i32
      %add3A_848 = arith.addi %mul3A_2, %add3A_847 : i32
      %dma_wait3A_849 = arith.constant 0 : i32
      %dma_wait3A_850 = tpu.memref_slice %arg11[%add3A_848, %dma_wait3A_849] : memref<10000x64xf32, #tpu.memory_space<vmem_shared>> -> memref<80x64xf32, #tpu.memory_space<vmem_shared>>
      %dma_wait3A_851 = arith.constant 0 : i32
      %dma_wait3A_852 = tpu.memref_slice %arg11[%add3A_848, %dma_wait3A_851] : memref<10000x64xf32, #tpu.memory_space<vmem_shared>> -> memref<80x64xf32, #tpu.memory_space<vmem_shared>>
      tpu.wait_dma2 semaphore(%arg12 : memref<!tpu.dma_semaphore, #tpu.memory_space<semaphore_mem>>) src(%arg10 : memref<80x64xf32, #tpu.memory_space<vmem>>) dst(%dma_wait3A_852 : memref<80x64xf32, #tpu.memory_space<vmem_shared>>)
      %add3A_853 = arith.constant 160 : i32
      %add3A_854 = arith.addi %mul3A_2, %add3A_853 : i32
      %dma_wait3A_855 = arith.constant 0 : i32
      %dma_wait3A_856 = tpu.memref_slice %arg11[%add3A_854, %dma_wait3A_855] : memref<10000x64xf32, #tpu.memory_space<vmem_shared>> -> memref<80x64xf32, #tpu.memory_space<vmem_shared>>
      %dma_wait3A_857 = arith.constant 0 : i32
      %dma_wait3A_858 = tpu.memref_slice %arg11[%add3A_854, %dma_wait3A_857] : memref<10000x64xf32, #tpu.memory_space<vmem_shared>> -> memref<80x64xf32, #tpu.memory_space<vmem_shared>>
      tpu.wait_dma2 semaphore(%arg12 : memref<!tpu.dma_semaphore, #tpu.memory_space<semaphore_mem>>) src(%arg10 : memref<80x64xf32, #tpu.memory_space<vmem>>) dst(%dma_wait3A_858 : memref<80x64xf32, #tpu.memory_space<vmem_shared>>)
      %add3A_859 = arith.constant 240 : i32
      %add3A_860 = arith.addi %mul3A_2, %add3A_859 : i32
      %dma_wait3A_861 = arith.constant 0 : i32
      %dma_wait3A_862 = tpu.memref_slice %arg11[%add3A_860, %dma_wait3A_861] : memref<10000x64xf32, #tpu.memory_space<vmem_shared>> -> memref<80x64xf32, #tpu.memory_space<vmem_shared>>
      %dma_wait3A_863 = arith.constant 0 : i32
      %dma_wait3A_864 = tpu.memref_slice %arg11[%add3A_860, %dma_wait3A_863] : memref<10000x64xf32, #tpu.memory_space<vmem_shared>> -> memref<80x64xf32, #tpu.memory_space<vmem_shared>>
      tpu.wait_dma2 semaphore(%arg12 : memref<!tpu.dma_semaphore, #tpu.memory_space<semaphore_mem>>) src(%arg10 : memref<80x64xf32, #tpu.memory_space<vmem>>) dst(%dma_wait3A_864 : memref<80x64xf32, #tpu.memory_space<vmem_shared>>)
      %add3A_865 = arith.constant 320 : i32
      %add3A_866 = arith.addi %mul3A_2, %add3A_865 : i32
      %dma_wait3A_867 = arith.constant 0 : i32
      %dma_wait3A_868 = tpu.memref_slice %arg11[%add3A_866, %dma_wait3A_867] : memref<10000x64xf32, #tpu.memory_space<vmem_shared>> -> memref<80x64xf32, #tpu.memory_space<vmem_shared>>
      %dma_wait3A_869 = arith.constant 0 : i32
      %dma_wait3A_870 = tpu.memref_slice %arg11[%add3A_866, %dma_wait3A_869] : memref<10000x64xf32, #tpu.memory_space<vmem_shared>> -> memref<80x64xf32, #tpu.memory_space<vmem_shared>>
      tpu.wait_dma2 semaphore(%arg12 : memref<!tpu.dma_semaphore, #tpu.memory_space<semaphore_mem>>) src(%arg10 : memref<80x64xf32, #tpu.memory_space<vmem>>) dst(%dma_wait3A_870 : memref<80x64xf32, #tpu.memory_space<vmem_shared>>)
      %add3A_871 = arith.constant 400 : i32
      %add3A_872 = arith.addi %mul3A_2, %add3A_871 : i32
      %dma_wait3A_873 = arith.constant 0 : i32
      %dma_wait3A_874 = tpu.memref_slice %arg11[%add3A_872, %dma_wait3A_873] : memref<10000x64xf32, #tpu.memory_space<vmem_shared>> -> memref<80x64xf32, #tpu.memory_space<vmem_shared>>
      %dma_wait3A_875 = arith.constant 0 : i32
      %dma_wait3A_876 = tpu.memref_slice %arg11[%add3A_872, %dma_wait3A_875] : memref<10000x64xf32, #tpu.memory_space<vmem_shared>> -> memref<80x64xf32, #tpu.memory_space<vmem_shared>>
      tpu.wait_dma2 semaphore(%arg12 : memref<!tpu.dma_semaphore, #tpu.memory_space<semaphore_mem>>) src(%arg10 : memref<80x64xf32, #tpu.memory_space<vmem>>) dst(%dma_wait3A_876 : memref<80x64xf32, #tpu.memory_space<vmem_shared>>)
      %add3A_877 = arith.constant 480 : i32
      %add3A_878 = arith.addi %mul3A_2, %add3A_877 : i32
      %dma_wait3A_879 = arith.constant 0 : i32
      %dma_wait3A_880 = tpu.memref_slice %arg11[%add3A_878, %dma_wait3A_879] : memref<10000x64xf32, #tpu.memory_space<vmem_shared>> -> memref<80x64xf32, #tpu.memory_space<vmem_shared>>
      %dma_wait3A_881 = arith.constant 0 : i32
      %dma_wait3A_882 = tpu.memref_slice %arg11[%add3A_878, %dma_wait3A_881] : memref<10000x64xf32, #tpu.memory_space<vmem_shared>> -> memref<80x64xf32, #tpu.memory_space<vmem_shared>>
      tpu.wait_dma2 semaphore(%arg12 : memref<!tpu.dma_semaphore, #tpu.memory_space<semaphore_mem>>) src(%arg10 : memref<80x64xf32, #tpu.memory_space<vmem>>) dst(%dma_wait3A_882 : memref<80x64xf32, #tpu.memory_space<vmem_shared>>)
      %add3A_883 = arith.constant 560 : i32
      %add3A_884 = arith.addi %mul3A_2, %add3A_883 : i32
      %dma_wait3A_885 = arith.constant 0 : i32
      %dma_wait3A_886 = tpu.memref_slice %arg11[%add3A_884, %dma_wait3A_885] : memref<10000x64xf32, #tpu.memory_space<vmem_shared>> -> memref<80x64xf32, #tpu.memory_space<vmem_shared>>
      %dma_wait3A_887 = arith.constant 0 : i32
      %dma_wait3A_888 = tpu.memref_slice %arg11[%add3A_884, %dma_wait3A_887] : memref<10000x64xf32, #tpu.memory_space<vmem_shared>> -> memref<80x64xf32, #tpu.memory_space<vmem_shared>>
      tpu.wait_dma2 semaphore(%arg12 : memref<!tpu.dma_semaphore, #tpu.memory_space<semaphore_mem>>) src(%arg10 : memref<80x64xf32, #tpu.memory_space<vmem>>) dst(%dma_wait3A_888 : memref<80x64xf32, #tpu.memory_space<vmem_shared>>)
    } else {
    }
    %eq3A = arith.constant 15 : i32
    %eq3A_5 = arith.cmpi eq, %arg1, %eq3A : i32
    %convert_element_type3A_6 = arith.extui %eq3A_5 : i1 to i32
    %cond3A_7 = arith.constant 0 : i32
    %cond3A_8 = arith.cmpi ne, %convert_element_type3A_6, %cond3A_7 : i32
    scf.if %cond3A_8 {
      %add3A_793 = arith.constant 0 : i32
      %add3A_794 = arith.addi %mul3A_2, %add3A_793 : i32
      %dma_start3A_795 = arith.constant 0 : i32
      %dma_start3A_796 = tpu.memref_slice %arg11[%add3A_794, %dma_start3A_795] : memref<10000x64xf32, #tpu.memory_space<vmem_shared>> -> memref<80x64xf32, #tpu.memory_space<vmem_shared>>
      %dma_start3A_797 = arith.constant 0 : i32
      %dma_start3A_798 = tpu.memref_slice %arg11[%add3A_794, %dma_start3A_797] : memref<10000x64xf32, #tpu.memory_space<vmem_shared>> -> memref<80x64xf32, #tpu.memory_space<vmem_shared>>
      tpu.enqueue_dma source(%arg10 : memref<80x64xf32, #tpu.memory_space<vmem>>) target(%dma_start3A_798 : memref<80x64xf32, #tpu.memory_space<vmem_shared>>) target_semaphore(%arg12 : memref<!tpu.dma_semaphore, #tpu.memory_space<semaphore_mem>>)
      %add3A_799 = arith.constant 80 : i32
      %add3A_800 = arith.addi %mul3A_2, %add3A_799 : i32
      %dma_start3A_801 = arith.constant 0 : i32
      %dma_start3A_802 = tpu.memref_slice %arg11[%add3A_800, %dma_start3A_801] : memref<10000x64xf32, #tpu.memory_space<vmem_shared>> -> memref<80x64xf32, #tpu.memory_space<vmem_shared>>
      %dma_start3A_803 = arith.constant 0 : i32
      %dma_start3A_804 = tpu.memref_slice %arg11[%add3A_800, %dma_start3A_803] : memref<10000x64xf32, #tpu.memory_space<vmem_shared>> -> memref<80x64xf32, #tpu.memory_space<vmem_shared>>
      tpu.enqueue_dma source(%arg10 : memref<80x64xf32, #tpu.memory_space<vmem>>) target(%dma_start3A_804 : memref<80x64xf32, #tpu.memory_space<vmem_shared>>) target_semaphore(%arg12 : memref<!tpu.dma_semaphore, #tpu.memory_space<semaphore_mem>>)
      %add3A_805 = arith.constant 160 : i32
      %add3A_806 = arith.addi %mul3A_2, %add3A_805 : i32
      %dma_start3A_807 = arith.constant 0 : i32
      %dma_start3A_808 = tpu.memref_slice %arg11[%add3A_806, %dma_start3A_807] : memref<10000x64xf32, #tpu.memory_space<vmem_shared>> -> memref<80x64xf32, #tpu.memory_space<vmem_shared>>
      %dma_start3A_809 = arith.constant 0 : i32
      %dma_start3A_810 = tpu.memref_slice %arg11[%add3A_806, %dma_start3A_809] : memref<10000x64xf32, #tpu.memory_space<vmem_shared>> -> memref<80x64xf32, #tpu.memory_space<vmem_shared>>
      tpu.enqueue_dma source(%arg10 : memref<80x64xf32, #tpu.memory_space<vmem>>) target(%dma_start3A_810 : memref<80x64xf32, #tpu.memory_space<vmem_shared>>) target_semaphore(%arg12 : memref<!tpu.dma_semaphore, #tpu.memory_space<semaphore_mem>>)
      %add3A_811 = arith.constant 240 : i32
      %add3A_812 = arith.addi %mul3A_2, %add3A_811 : i32
      %dma_start3A_813 = arith.constant 0 : i32
      %dma_start3A_814 = tpu.memref_slice %arg11[%add3A_812, %dma_start3A_813] : memref<10000x64xf32, #tpu.memory_space<vmem_shared>> -> memref<80x64xf32, #tpu.memory_space<vmem_shared>>
      %dma_start3A_815 = arith.constant 0 : i32
      %dma_start3A_816 = tpu.memref_slice %arg11[%add3A_812, %dma_start3A_815] : memref<10000x64xf32, #tpu.memory_space<vmem_shared>> -> memref<80x64xf32, #tpu.memory_space<vmem_shared>>
      tpu.enqueue_dma source(%arg10 : memref<80x64xf32, #tpu.memory_space<vmem>>) target(%dma_start3A_816 : memref<80x64xf32, #tpu.memory_space<vmem_shared>>) target_semaphore(%arg12 : memref<!tpu.dma_semaphore, #tpu.memory_space<semaphore_mem>>)
      %add3A_817 = arith.constant 320 : i32
      %add3A_818 = arith.addi %mul3A_2, %add3A_817 : i32
      %dma_start3A_819 = arith.constant 0 : i32
      %dma_start3A_820 = tpu.memref_slice %arg11[%add3A_818, %dma_start3A_819] : memref<10000x64xf32, #tpu.memory_space<vmem_shared>> -> memref<80x64xf32, #tpu.memory_space<vmem_shared>>
      %dma_start3A_821 = arith.constant 0 : i32
      %dma_start3A_822 = tpu.memref_slice %arg11[%add3A_818, %dma_start3A_821] : memref<10000x64xf32, #tpu.memory_space<vmem_shared>> -> memref<80x64xf32, #tpu.memory_space<vmem_shared>>
      tpu.enqueue_dma source(%arg10 : memref<80x64xf32, #tpu.memory_space<vmem>>) target(%dma_start3A_822 : memref<80x64xf32, #tpu.memory_space<vmem_shared>>) target_semaphore(%arg12 : memref<!tpu.dma_semaphore, #tpu.memory_space<semaphore_mem>>)
      %add3A_823 = arith.constant 0 : i32
      %add3A_824 = arith.addi %mul3A_2, %add3A_823 : i32
      %dma_wait3A_825 = arith.constant 0 : i32
      %dma_wait3A_826 = tpu.memref_slice %arg11[%add3A_824, %dma_wait3A_825] : memref<10000x64xf32, #tpu.memory_space<vmem_shared>> -> memref<80x64xf32, #tpu.memory_space<vmem_shared>>
      %dma_wait3A_827 = arith.constant 0 : i32
      %dma_wait3A_828 = tpu.memref_slice %arg11[%add3A_824, %dma_wait3A_827] : memref<10000x64xf32, #tpu.memory_space<vmem_shared>> -> memref<80x64xf32, #tpu.memory_space<vmem_shared>>
      tpu.wait_dma2 semaphore(%arg12 : memref<!tpu.dma_semaphore, #tpu.memory_space<semaphore_mem>>) src(%arg10 : memref<80x64xf32, #tpu.memory_space<vmem>>) dst(%dma_wait3A_828 : memref<80x64xf32, #tpu.memory_space<vmem_shared>>)
      %add3A_829 = arith.constant 80 : i32
      %add3A_830 = arith.addi %mul3A_2, %add3A_829 : i32
      %dma_wait3A_831 = arith.constant 0 : i32
      %dma_wait3A_832 = tpu.memref_slice %arg11[%add3A_830, %dma_wait3A_831] : memref<10000x64xf32, #tpu.memory_space<vmem_shared>> -> memref<80x64xf32, #tpu.memory_space<vmem_shared>>
      %dma_wait3A_833 = arith.constant 0 : i32
      %dma_wait3A_834 = tpu.memref_slice %arg11[%add3A_830, %dma_wait3A_833] : memref<10000x64xf32, #tpu.memory_space<vmem_shared>> -> memref<80x64xf32, #tpu.memory_space<vmem_shared>>
      tpu.wait_dma2 semaphore(%arg12 : memref<!tpu.dma_semaphore, #tpu.memory_space<semaphore_mem>>) src(%arg10 : memref<80x64xf32, #tpu.memory_space<vmem>>) dst(%dma_wait3A_834 : memref<80x64xf32, #tpu.memory_space<vmem_shared>>)
      %add3A_835 = arith.constant 160 : i32
      %add3A_836 = arith.addi %mul3A_2, %add3A_835 : i32
      %dma_wait3A_837 = arith.constant 0 : i32
      %dma_wait3A_838 = tpu.memref_slice %arg11[%add3A_836, %dma_wait3A_837] : memref<10000x64xf32, #tpu.memory_space<vmem_shared>> -> memref<80x64xf32, #tpu.memory_space<vmem_shared>>
      %dma_wait3A_839 = arith.constant 0 : i32
      %dma_wait3A_840 = tpu.memref_slice %arg11[%add3A_836, %dma_wait3A_839] : memref<10000x64xf32, #tpu.memory_space<vmem_shared>> -> memref<80x64xf32, #tpu.memory_space<vmem_shared>>
      tpu.wait_dma2 semaphore(%arg12 : memref<!tpu.dma_semaphore, #tpu.memory_space<semaphore_mem>>) src(%arg10 : memref<80x64xf32, #tpu.memory_space<vmem>>) dst(%dma_wait3A_840 : memref<80x64xf32, #tpu.memory_space<vmem_shared>>)
      %add3A_841 = arith.constant 240 : i32
      %add3A_842 = arith.addi %mul3A_2, %add3A_841 : i32
      %dma_wait3A_843 = arith.constant 0 : i32
      %dma_wait3A_844 = tpu.memref_slice %arg11[%add3A_842, %dma_wait3A_843] : memref<10000x64xf32, #tpu.memory_space<vmem_shared>> -> memref<80x64xf32, #tpu.memory_space<vmem_shared>>
      %dma_wait3A_845 = arith.constant 0 : i32
      %dma_wait3A_846 = tpu.memref_slice %arg11[%add3A_842, %dma_wait3A_845] : memref<10000x64xf32, #tpu.memory_space<vmem_shared>> -> memref<80x64xf32, #tpu.memory_space<vmem_shared>>
      tpu.wait_dma2 semaphore(%arg12 : memref<!tpu.dma_semaphore, #tpu.memory_space<semaphore_mem>>) src(%arg10 : memref<80x64xf32, #tpu.memory_space<vmem>>) dst(%dma_wait3A_846 : memref<80x64xf32, #tpu.memory_space<vmem_shared>>)
      %add3A_847 = arith.constant 320 : i32
      %add3A_848 = arith.addi %mul3A_2, %add3A_847 : i32
      %dma_wait3A_849 = arith.constant 0 : i32
      %dma_wait3A_850 = tpu.memref_slice %arg11[%add3A_848, %dma_wait3A_849] : memref<10000x64xf32, #tpu.memory_space<vmem_shared>> -> memref<80x64xf32, #tpu.memory_space<vmem_shared>>
      %dma_wait3A_851 = arith.constant 0 : i32
      %dma_wait3A_852 = tpu.memref_slice %arg11[%add3A_848, %dma_wait3A_851] : memref<10000x64xf32, #tpu.memory_space<vmem_shared>> -> memref<80x64xf32, #tpu.memory_space<vmem_shared>>
      tpu.wait_dma2 semaphore(%arg12 : memref<!tpu.dma_semaphore, #tpu.memory_space<semaphore_mem>>) src(%arg10 : memref<80x64xf32, #tpu.memory_space<vmem>>) dst(%dma_wait3A_852 : memref<80x64xf32, #tpu.memory_space<vmem_shared>>)
    } else {
    }
    %barrier3A = arith.constant 0 : index
    tpu.barrier barrier_id(%barrier3A)
    %dma_start3A = arith.constant 0 : i32
    %dma_start3A_9 = arith.constant 0 : i32
    %dma_start3A_10 = arith.constant 0 : i32
    %dma_start3A_11 = arith.constant 0 : i32
    %dma_start3A_12 = tpu.memref_slice %arg9[%dma_start3A_9, %dma_start3A_10, %dma_start3A_11] : memref<8x125x64xf32, #tpu.memory_space<vmem>> -> memref<1x125x64xf32, #tpu.memory_space<vmem>>
    %dma_start3A_13 = tpu.memref_squeeze %dma_start3A_12 : memref<1x125x64xf32, #tpu.memory_space<vmem>> -> memref<125x64xf32, #tpu.memory_space<vmem>>
    %dma_start3A_14 = arith.constant 0 : i32
    %dma_start3A_15 = tpu.memref_slice %arg7[%dma_start3A, %dma_start3A_14] : memref<80x125xi32, #tpu.memory_space<vmem>> -> memref<1x125xi32, #tpu.memory_space<vmem>>
    %dma_start3A_16 = tpu.memref_squeeze %dma_start3A_15 : memref<1x125xi32, #tpu.memory_space<vmem>> -> memref<125xi32, #tpu.memory_space<vmem>>
    %dma_start3A_17 = arith.constant 0 : i32
    %dma_start3A_18 = arith.constant 0 : i32
    %dma_start3A_19 = tpu.memref_slice %arg2[%dma_start3A_17, %dma_start3A_18] : memref<10000x64xf32, #tpu.memory_space<hbm>> -> memref<10000x64xf32, #tpu.memory_space<hbm>>
    tpu.enqueue_indirect_dma source(%dma_start3A_19 : memref<10000x64xf32, #tpu.memory_space<hbm>>) target(%dma_start3A_13 : memref<125x64xf32, #tpu.memory_space<vmem>>) offsets(%dma_start3A_16 : memref<125xi32, #tpu.memory_space<vmem>>) semaphore(%arg12 : memref<!tpu.dma_semaphore, #tpu.memory_space<semaphore_mem>>)
    %dma_start3A_20 = arith.constant 1 : i32
    %dma_start3A_21 = arith.constant 1 : i32
    %dma_start3A_22 = arith.constant 0 : i32
    %dma_start3A_23 = arith.constant 0 : i32
    %dma_start3A_24 = tpu.memref_slice %arg9[%dma_start3A_21, %dma_start3A_22, %dma_start3A_23] : memref<8x125x64xf32, #tpu.memory_space<vmem>> -> memref<1x125x64xf32, #tpu.memory_space<vmem>>
    %dma_start3A_25 = tpu.memref_squeeze %dma_start3A_24 : memref<1x125x64xf32, #tpu.memory_space<vmem>> -> memref<125x64xf32, #tpu.memory_space<vmem>>
    %dma_start3A_26 = arith.constant 0 : i32
    %dma_start3A_27 = tpu.memref_slice %arg7[%dma_start3A_20, %dma_start3A_26] : memref<80x125xi32, #tpu.memory_space<vmem>> -> memref<1x125xi32, #tpu.memory_space<vmem>>
    %dma_start3A_28 = tpu.memref_squeeze %dma_start3A_27 : memref<1x125xi32, #tpu.memory_space<vmem>> -> memref<125xi32, #tpu.memory_space<vmem>>
    %dma_start3A_29 = arith.constant 0 : i32
    %dma_start3A_30 = arith.constant 0 : i32
    %dma_start3A_31 = tpu.memref_slice %arg2[%dma_start3A_29, %dma_start3A_30] : memref<10000x64xf32, #tpu.memory_space<hbm>> -> memref<10000x64xf32, #tpu.memory_space<hbm>>
    tpu.enqueue_indirect_dma source(%dma_start3A_31 : memref<10000x64xf32, #tpu.memory_space<hbm>>) target(%dma_start3A_25 : memref<125x64xf32, #tpu.memory_space<vmem>>) offsets(%dma_start3A_28 : memref<125xi32, #tpu.memory_space<vmem>>) semaphore(%arg13 : memref<!tpu.dma_semaphore, #tpu.memory_space<semaphore_mem>>)
    %dma_start3A_32 = arith.constant 2 : i32
    %dma_start3A_33 = arith.constant 2 : i32
    %dma_start3A_34 = arith.constant 0 : i32
    %dma_start3A_35 = arith.constant 0 : i32
    %dma_start3A_36 = tpu.memref_slice %arg9[%dma_start3A_33, %dma_start3A_34, %dma_start3A_35] : memref<8x125x64xf32, #tpu.memory_space<vmem>> -> memref<1x125x64xf32, #tpu.memory_space<vmem>>
    %dma_start3A_37 = tpu.memref_squeeze %dma_start3A_36 : memref<1x125x64xf32, #tpu.memory_space<vmem>> -> memref<125x64xf32, #tpu.memory_space<vmem>>
    %dma_start3A_38 = arith.constant 0 : i32
    %dma_start3A_39 = tpu.memref_slice %arg7[%dma_start3A_32, %dma_start3A_38] : memref<80x125xi32, #tpu.memory_space<vmem>> -> memref<1x125xi32, #tpu.memory_space<vmem>>
    %dma_start3A_40 = tpu.memref_squeeze %dma_start3A_39 : memref<1x125xi32, #tpu.memory_space<vmem>> -> memref<125xi32, #tpu.memory_space<vmem>>
    %dma_start3A_41 = arith.constant 0 : i32
    %dma_start3A_42 = arith.constant 0 : i32
    %dma_start3A_43 = tpu.memref_slice %arg2[%dma_start3A_41, %dma_start3A_42] : memref<10000x64xf32, #tpu.memory_space<hbm>> -> memref<10000x64xf32, #tpu.memory_space<hbm>>
    tpu.enqueue_indirect_dma source(%dma_start3A_43 : memref<10000x64xf32, #tpu.memory_space<hbm>>) target(%dma_start3A_37 : memref<125x64xf32, #tpu.memory_space<vmem>>) offsets(%dma_start3A_40 : memref<125xi32, #tpu.memory_space<vmem>>) semaphore(%arg14 : memref<!tpu.dma_semaphore, #tpu.memory_space<semaphore_mem>>)
    %dma_start3A_44 = arith.constant 3 : i32
    %dma_start3A_45 = arith.constant 3 : i32
    %dma_start3A_46 = arith.constant 0 : i32
    %dma_start3A_47 = arith.constant 0 : i32
    %dma_start3A_48 = tpu.memref_slice %arg9[%dma_start3A_45, %dma_start3A_46, %dma_start3A_47] : memref<8x125x64xf32, #tpu.memory_space<vmem>> -> memref<1x125x64xf32, #tpu.memory_space<vmem>>
    %dma_start3A_49 = tpu.memref_squeeze %dma_start3A_48 : memref<1x125x64xf32, #tpu.memory_space<vmem>> -> memref<125x64xf32, #tpu.memory_space<vmem>>
    %dma_start3A_50 = arith.constant 0 : i32
    %dma_start3A_51 = tpu.memref_slice %arg7[%dma_start3A_44, %dma_start3A_50] : memref<80x125xi32, #tpu.memory_space<vmem>> -> memref<1x125xi32, #tpu.memory_space<vmem>>
    %dma_start3A_52 = tpu.memref_squeeze %dma_start3A_51 : memref<1x125xi32, #tpu.memory_space<vmem>> -> memref<125xi32, #tpu.memory_space<vmem>>
    %dma_start3A_53 = arith.constant 0 : i32
    %dma_start3A_54 = arith.constant 0 : i32
    %dma_start3A_55 = tpu.memref_slice %arg2[%dma_start3A_53, %dma_start3A_54] : memref<10000x64xf32, #tpu.memory_space<hbm>> -> memref<10000x64xf32, #tpu.memory_space<hbm>>
    tpu.enqueue_indirect_dma source(%dma_start3A_55 : memref<10000x64xf32, #tpu.memory_space<hbm>>) target(%dma_start3A_49 : memref<125x64xf32, #tpu.memory_space<vmem>>) offsets(%dma_start3A_52 : memref<125xi32, #tpu.memory_space<vmem>>) semaphore(%arg15 : memref<!tpu.dma_semaphore, #tpu.memory_space<semaphore_mem>>)
    %dma_start3A_56 = arith.constant 4 : i32
    %dma_start3A_57 = arith.constant 4 : i32
    %dma_start3A_58 = arith.constant 0 : i32
    %dma_start3A_59 = arith.constant 0 : i32
    %dma_start3A_60 = tpu.memref_slice %arg9[%dma_start3A_57, %dma_start3A_58, %dma_start3A_59] : memref<8x125x64xf32, #tpu.memory_space<vmem>> -> memref<1x125x64xf32, #tpu.memory_space<vmem>>
    %dma_start3A_61 = tpu.memref_squeeze %dma_start3A_60 : memref<1x125x64xf32, #tpu.memory_space<vmem>> -> memref<125x64xf32, #tpu.memory_space<vmem>>
    %dma_start3A_62 = arith.constant 0 : i32
    %dma_start3A_63 = tpu.memref_slice %arg7[%dma_start3A_56, %dma_start3A_62] : memref<80x125xi32, #tpu.memory_space<vmem>> -> memref<1x125xi32, #tpu.memory_space<vmem>>
    %dma_start3A_64 = tpu.memref_squeeze %dma_start3A_63 : memref<1x125xi32, #tpu.memory_space<vmem>> -> memref<125xi32, #tpu.memory_space<vmem>>
    %dma_start3A_65 = arith.constant 0 : i32
    %dma_start3A_66 = arith.constant 0 : i32
    %dma_start3A_67 = tpu.memref_slice %arg2[%dma_start3A_65, %dma_start3A_66] : memref<10000x64xf32, #tpu.memory_space<hbm>> -> memref<10000x64xf32, #tpu.memory_space<hbm>>
    tpu.enqueue_indirect_dma source(%dma_start3A_67 : memref<10000x64xf32, #tpu.memory_space<hbm>>) target(%dma_start3A_61 : memref<125x64xf32, #tpu.memory_space<vmem>>) offsets(%dma_start3A_64 : memref<125xi32, #tpu.memory_space<vmem>>) semaphore(%arg16 : memref<!tpu.dma_semaphore, #tpu.memory_space<semaphore_mem>>)
    %dma_wait3A = arith.constant 0 : i32
    %dma_wait3A_68 = arith.constant 0 : i32
    %dma_wait3A_69 = arith.constant 0 : i32
    %dma_wait3A_70 = arith.constant 0 : i32
    %dma_wait3A_71 = tpu.memref_slice %arg9[%dma_wait3A_68, %dma_wait3A_69, %dma_wait3A_70] : memref<8x125x64xf32, #tpu.memory_space<vmem>> -> memref<1x125x64xf32, #tpu.memory_space<vmem>>
    %dma_wait3A_72 = tpu.memref_squeeze %dma_wait3A_71 : memref<1x125x64xf32, #tpu.memory_space<vmem>> -> memref<125x64xf32, #tpu.memory_space<vmem>>
    %dma_wait3A_73 = arith.constant 0 : i32
    %dma_wait3A_74 = tpu.memref_slice %arg7[%dma_wait3A, %dma_wait3A_73] : memref<80x125xi32, #tpu.memory_space<vmem>> -> memref<1x125xi32, #tpu.memory_space<vmem>>
    %dma_wait3A_75 = tpu.memref_squeeze %dma_wait3A_74 : memref<1x125xi32, #tpu.memory_space<vmem>> -> memref<125xi32, #tpu.memory_space<vmem>>
    %dma_wait3A_76 = arith.constant 0 : i32
    %dma_wait3A_77 = arith.constant 0 : i32
    %dma_wait3A_78 = tpu.memref_slice %arg2[%dma_wait3A_76, %dma_wait3A_77] : memref<10000x64xf32, #tpu.memory_space<hbm>> -> memref<10000x64xf32, #tpu.memory_space<hbm>>
    tpu.wait_indirect_dma semaphore(%arg12 : memref<!tpu.dma_semaphore, #tpu.memory_space<semaphore_mem>>) src(%dma_wait3A_78 : memref<10000x64xf32, #tpu.memory_space<hbm>>) dst(%dma_wait3A_72 : memref<125x64xf32, #tpu.memory_space<vmem>>)
    %dma_start3A_79 = arith.constant 0 : i32
    %dma_start3A_80 = arith.constant 0 : i32
    %dma_start3A_81 = arith.constant 0 : i32
    %dma_start3A_82 = arith.constant 0 : i32
    %dma_start3A_83 = tpu.memref_slice %arg9[%dma_start3A_79, %dma_start3A_81, %dma_start3A_82] : memref<8x125x64xf32, #tpu.memory_space<vmem>> -> memref<1x125x64xf32, #tpu.memory_space<vmem>>
    %dma_start3A_84 = tpu.memref_squeeze %dma_start3A_83 : memref<1x125x64xf32, #tpu.memory_space<vmem>> -> memref<125x64xf32, #tpu.memory_space<vmem>>
    %dma_start3A_85 = arith.constant 0 : i32
    %dma_start3A_86 = tpu.memref_slice %arg8[%dma_start3A_80, %dma_start3A_85] : memref<80x125xi32, #tpu.memory_space<vmem>> -> memref<1x125xi32, #tpu.memory_space<vmem>>
    %dma_start3A_87 = tpu.memref_squeeze %dma_start3A_86 : memref<1x125xi32, #tpu.memory_space<vmem>> -> memref<125xi32, #tpu.memory_space<vmem>>
    %dma_start3A_88 = arith.constant 0 : i32
    %dma_start3A_89 = arith.constant 0 : i32
    %dma_start3A_90 = tpu.memref_slice %arg11[%dma_start3A_88, %dma_start3A_89] : memref<10000x64xf32, #tpu.memory_space<vmem_shared>> -> memref<10000x64xf32, #tpu.memory_space<vmem_shared>>
    tpu.enqueue_indirect_dma source(%dma_start3A_84 : memref<125x64xf32, #tpu.memory_space<vmem>>) target(%dma_start3A_90 : memref<10000x64xf32, #tpu.memory_space<vmem_shared>>) offsets(%dma_start3A_87 : memref<125xi32, #tpu.memory_space<vmem>>) semaphore(%arg20 : memref<!tpu.dma_semaphore, #tpu.memory_space<semaphore_mem>>) {add = true}
    %dma_start3A_91 = arith.constant 5 : i32
    %dma_start3A_92 = arith.constant 5 : i32
    %dma_start3A_93 = arith.constant 0 : i32
    %dma_start3A_94 = arith.constant 0 : i32
    %dma_start3A_95 = tpu.memref_slice %arg9[%dma_start3A_92, %dma_start3A_93, %dma_start3A_94] : memref<8x125x64xf32, #tpu.memory_space<vmem>> -> memref<1x125x64xf32, #tpu.memory_space<vmem>>
    %dma_start3A_96 = tpu.memref_squeeze %dma_start3A_95 : memref<1x125x64xf32, #tpu.memory_space<vmem>> -> memref<125x64xf32, #tpu.memory_space<vmem>>
    %dma_start3A_97 = arith.constant 0 : i32
    %dma_start3A_98 = tpu.memref_slice %arg7[%dma_start3A_91, %dma_start3A_97] : memref<80x125xi32, #tpu.memory_space<vmem>> -> memref<1x125xi32, #tpu.memory_space<vmem>>
    %dma_start3A_99 = tpu.memref_squeeze %dma_start3A_98 : memref<1x125xi32, #tpu.memory_space<vmem>> -> memref<125xi32, #tpu.memory_space<vmem>>
    %dma_start3A_100 = arith.constant 0 : i32
    %dma_start3A_101 = arith.constant 0 : i32
    %dma_start3A_102 = tpu.memref_slice %arg2[%dma_start3A_100, %dma_start3A_101] : memref<10000x64xf32, #tpu.memory_space<hbm>> -> memref<10000x64xf32, #tpu.memory_space<hbm>>
    tpu.enqueue_indirect_dma source(%dma_start3A_102 : memref<10000x64xf32, #tpu.memory_space<hbm>>) target(%dma_start3A_96 : memref<125x64xf32, #tpu.memory_space<vmem>>) offsets(%dma_start3A_99 : memref<125xi32, #tpu.memory_space<vmem>>) semaphore(%arg17 : memref<!tpu.dma_semaphore, #tpu.memory_space<semaphore_mem>>)
    %dma_wait3A_103 = arith.constant 1 : i32
    %dma_wait3A_104 = arith.constant 1 : i32
    %dma_wait3A_105 = arith.constant 0 : i32
    %dma_wait3A_106 = arith.constant 0 : i32
    %dma_wait3A_107 = tpu.memref_slice %arg9[%dma_wait3A_104, %dma_wait3A_105, %dma_wait3A_106] : memref<8x125x64xf32, #tpu.memory_space<vmem>> -> memref<1x125x64xf32, #tpu.memory_space<vmem>>
    %dma_wait3A_108 = tpu.memref_squeeze %dma_wait3A_107 : memref<1x125x64xf32, #tpu.memory_space<vmem>> -> memref<125x64xf32, #tpu.memory_space<vmem>>
    %dma_wait3A_109 = arith.constant 0 : i32
    %dma_wait3A_110 = tpu.memref_slice %arg7[%dma_wait3A_103, %dma_wait3A_109] : memref<80x125xi32, #tpu.memory_space<vmem>> -> memref<1x125xi32, #tpu.memory_space<vmem>>
    %dma_wait3A_111 = tpu.memref_squeeze %dma_wait3A_110 : memref<1x125xi32, #tpu.memory_space<vmem>> -> memref<125xi32, #tpu.memory_space<vmem>>
    %dma_wait3A_112 = arith.constant 0 : i32
    %dma_wait3A_113 = arith.constant 0 : i32
    %dma_wait3A_114 = tpu.memref_slice %arg2[%dma_wait3A_112, %dma_wait3A_113] : memref<10000x64xf32, #tpu.memory_space<hbm>> -> memref<10000x64xf32, #tpu.memory_space<hbm>>
    tpu.wait_indirect_dma semaphore(%arg13 : memref<!tpu.dma_semaphore, #tpu.memory_space<semaphore_mem>>) src(%dma_wait3A_114 : memref<10000x64xf32, #tpu.memory_space<hbm>>) dst(%dma_wait3A_108 : memref<125x64xf32, #tpu.memory_space<vmem>>)
    %dma_start3A_115 = arith.constant 1 : i32
    %dma_start3A_116 = arith.constant 1 : i32
    %dma_start3A_117 = arith.constant 0 : i32
    %dma_start3A_118 = arith.constant 0 : i32
    %dma_start3A_119 = tpu.memref_slice %arg9[%dma_start3A_115, %dma_start3A_117, %dma_start3A_118] : memref<8x125x64xf32, #tpu.memory_space<vmem>> -> memref<1x125x64xf32, #tpu.memory_space<vmem>>
    %dma_start3A_120 = tpu.memref_squeeze %dma_start3A_119 : memref<1x125x64xf32, #tpu.memory_space<vmem>> -> memref<125x64xf32, #tpu.memory_space<vmem>>
    %dma_start3A_121 = arith.constant 0 : i32
    %dma_start3A_122 = tpu.memref_slice %arg8[%dma_start3A_116, %dma_start3A_121] : memref<80x125xi32, #tpu.memory_space<vmem>> -> memref<1x125xi32, #tpu.memory_space<vmem>>
    %dma_start3A_123 = tpu.memref_squeeze %dma_start3A_122 : memref<1x125xi32, #tpu.memory_space<vmem>> -> memref<125xi32, #tpu.memory_space<vmem>>
    %dma_start3A_124 = arith.constant 0 : i32
    %dma_start3A_125 = arith.constant 0 : i32
    %dma_start3A_126 = tpu.memref_slice %arg11[%dma_start3A_124, %dma_start3A_125] : memref<10000x64xf32, #tpu.memory_space<vmem_shared>> -> memref<10000x64xf32, #tpu.memory_space<vmem_shared>>
    tpu.enqueue_indirect_dma source(%dma_start3A_120 : memref<125x64xf32, #tpu.memory_space<vmem>>) target(%dma_start3A_126 : memref<10000x64xf32, #tpu.memory_space<vmem_shared>>) offsets(%dma_start3A_123 : memref<125xi32, #tpu.memory_space<vmem>>) semaphore(%arg21 : memref<!tpu.dma_semaphore, #tpu.memory_space<semaphore_mem>>) {add = true}
    %dma_start3A_127 = arith.constant 6 : i32
    %dma_start3A_128 = arith.constant 6 : i32
    %dma_start3A_129 = arith.constant 0 : i32
    %dma_start3A_130 = arith.constant 0 : i32
    %dma_start3A_131 = tpu.memref_slice %arg9[%dma_start3A_128, %dma_start3A_129, %dma_start3A_130] : memref<8x125x64xf32, #tpu.memory_space<vmem>> -> memref<1x125x64xf32, #tpu.memory_space<vmem>>
    %dma_start3A_132 = tpu.memref_squeeze %dma_start3A_131 : memref<1x125x64xf32, #tpu.memory_space<vmem>> -> memref<125x64xf32, #tpu.memory_space<vmem>>
    %dma_start3A_133 = arith.constant 0 : i32
    %dma_start3A_134 = tpu.memref_slice %arg7[%dma_start3A_127, %dma_start3A_133] : memref<80x125xi32, #tpu.memory_space<vmem>> -> memref<1x125xi32, #tpu.memory_space<vmem>>
    %dma_start3A_135 = tpu.memref_squeeze %dma_start3A_134 : memref<1x125xi32, #tpu.memory_space<vmem>> -> memref<125xi32, #tpu.memory_space<vmem>>
    %dma_start3A_136 = arith.constant 0 : i32
    %dma_start3A_137 = arith.constant 0 : i32
    %dma_start3A_138 = tpu.memref_slice %arg2[%dma_start3A_136, %dma_start3A_137] : memref<10000x64xf32, #tpu.memory_space<hbm>> -> memref<10000x64xf32, #tpu.memory_space<hbm>>
    tpu.enqueue_indirect_dma source(%dma_start3A_138 : memref<10000x64xf32, #tpu.memory_space<hbm>>) target(%dma_start3A_132 : memref<125x64xf32, #tpu.memory_space<vmem>>) offsets(%dma_start3A_135 : memref<125xi32, #tpu.memory_space<vmem>>) semaphore(%arg18 : memref<!tpu.dma_semaphore, #tpu.memory_space<semaphore_mem>>)
    %dma_wait3A_139 = arith.constant 2 : i32
    %dma_wait3A_140 = arith.constant 2 : i32
    %dma_wait3A_141 = arith.constant 0 : i32
    %dma_wait3A_142 = arith.constant 0 : i32
    %dma_wait3A_143 = tpu.memref_slice %arg9[%dma_wait3A_140, %dma_wait3A_141, %dma_wait3A_142] : memref<8x125x64xf32, #tpu.memory_space<vmem>> -> memref<1x125x64xf32, #tpu.memory_space<vmem>>
    %dma_wait3A_144 = tpu.memref_squeeze %dma_wait3A_143 : memref<1x125x64xf32, #tpu.memory_space<vmem>> -> memref<125x64xf32, #tpu.memory_space<vmem>>
    %dma_wait3A_145 = arith.constant 0 : i32
    %dma_wait3A_146 = tpu.memref_slice %arg7[%dma_wait3A_139, %dma_wait3A_145] : memref<80x125xi32, #tpu.memory_space<vmem>> -> memref<1x125xi32, #tpu.memory_space<vmem>>
    %dma_wait3A_147 = tpu.memref_squeeze %dma_wait3A_146 : memref<1x125xi32, #tpu.memory_space<vmem>> -> memref<125xi32, #tpu.memory_space<vmem>>
    %dma_wait3A_148 = arith.constant 0 : i32
    %dma_wait3A_149 = arith.constant 0 : i32
    %dma_wait3A_150 = tpu.memref_slice %arg2[%dma_wait3A_148, %dma_wait3A_149] : memref<10000x64xf32, #tpu.memory_space<hbm>> -> memref<10000x64xf32, #tpu.memory_space<hbm>>
    tpu.wait_indirect_dma semaphore(%arg14 : memref<!tpu.dma_semaphore, #tpu.memory_space<semaphore_mem>>) src(%dma_wait3A_150 : memref<10000x64xf32, #tpu.memory_space<hbm>>) dst(%dma_wait3A_144 : memref<125x64xf32, #tpu.memory_space<vmem>>)
    %dma_start3A_151 = arith.constant 2 : i32
    %dma_start3A_152 = arith.constant 2 : i32
    %dma_start3A_153 = arith.constant 0 : i32
    %dma_start3A_154 = arith.constant 0 : i32
    %dma_start3A_155 = tpu.memref_slice %arg9[%dma_start3A_151, %dma_start3A_153, %dma_start3A_154] : memref<8x125x64xf32, #tpu.memory_space<vmem>> -> memref<1x125x64xf32, #tpu.memory_space<vmem>>
    %dma_start3A_156 = tpu.memref_squeeze %dma_start3A_155 : memref<1x125x64xf32, #tpu.memory_space<vmem>> -> memref<125x64xf32, #tpu.memory_space<vmem>>
    %dma_start3A_157 = arith.constant 0 : i32
    %dma_start3A_158 = tpu.memref_slice %arg8[%dma_start3A_152, %dma_start3A_157] : memref<80x125xi32, #tpu.memory_space<vmem>> -> memref<1x125xi32, #tpu.memory_space<vmem>>
    %dma_start3A_159 = tpu.memref_squeeze %dma_start3A_158 : memref<1x125xi32, #tpu.memory_space<vmem>> -> memref<125xi32, #tpu.memory_space<vmem>>
    %dma_start3A_160 = arith.constant 0 : i32
    %dma_start3A_161 = arith.constant 0 : i32
    %dma_start3A_162 = tpu.memref_slice %arg11[%dma_start3A_160, %dma_start3A_161] : memref<10000x64xf32, #tpu.memory_space<vmem_shared>> -> memref<10000x64xf32, #tpu.memory_space<vmem_shared>>
    tpu.enqueue_indirect_dma source(%dma_start3A_156 : memref<125x64xf32, #tpu.memory_space<vmem>>) target(%dma_start3A_162 : memref<10000x64xf32, #tpu.memory_space<vmem_shared>>) offsets(%dma_start3A_159 : memref<125xi32, #tpu.memory_space<vmem>>) semaphore(%arg22 : memref<!tpu.dma_semaphore, #tpu.memory_space<semaphore_mem>>) {add = true}
    %dma_start3A_163 = arith.constant 7 : i32
    %dma_start3A_164 = arith.constant 7 : i32
    %dma_start3A_165 = arith.constant 0 : i32
    %dma_start3A_166 = arith.constant 0 : i32
    %dma_start3A_167 = tpu.memref_slice %arg9[%dma_start3A_164, %dma_start3A_165, %dma_start3A_166] : memref<8x125x64xf32, #tpu.memory_space<vmem>> -> memref<1x125x64xf32, #tpu.memory_space<vmem>>
    %dma_start3A_168 = tpu.memref_squeeze %dma_start3A_167 : memref<1x125x64xf32, #tpu.memory_space<vmem>> -> memref<125x64xf32, #tpu.memory_space<vmem>>
    %dma_start3A_169 = arith.constant 0 : i32
    %dma_start3A_170 = tpu.memref_slice %arg7[%dma_start3A_163, %dma_start3A_169] : memref<80x125xi32, #tpu.memory_space<vmem>> -> memref<1x125xi32, #tpu.memory_space<vmem>>
    %dma_start3A_171 = tpu.memref_squeeze %dma_start3A_170 : memref<1x125xi32, #tpu.memory_space<vmem>> -> memref<125xi32, #tpu.memory_space<vmem>>
    %dma_start3A_172 = arith.constant 0 : i32
    %dma_start3A_173 = arith.constant 0 : i32
    %dma_start3A_174 = tpu.memref_slice %arg2[%dma_start3A_172, %dma_start3A_173] : memref<10000x64xf32, #tpu.memory_space<hbm>> -> memref<10000x64xf32, #tpu.memory_space<hbm>>
    tpu.enqueue_indirect_dma source(%dma_start3A_174 : memref<10000x64xf32, #tpu.memory_space<hbm>>) target(%dma_start3A_168 : memref<125x64xf32, #tpu.memory_space<vmem>>) offsets(%dma_start3A_171 : memref<125xi32, #tpu.memory_space<vmem>>) semaphore(%arg19 : memref<!tpu.dma_semaphore, #tpu.memory_space<semaphore_mem>>)
    %dma_wait3A_175 = arith.constant 3 : i32
    %dma_wait3A_176 = arith.constant 3 : i32
    %dma_wait3A_177 = arith.constant 0 : i32
    %dma_wait3A_178 = arith.constant 0 : i32
    %dma_wait3A_179 = tpu.memref_slice %arg9[%dma_wait3A_176, %dma_wait3A_177, %dma_wait3A_178] : memref<8x125x64xf32, #tpu.memory_space<vmem>> -> memref<1x125x64xf32, #tpu.memory_space<vmem>>
    %dma_wait3A_180 = tpu.memref_squeeze %dma_wait3A_179 : memref<1x125x64xf32, #tpu.memory_space<vmem>> -> memref<125x64xf32, #tpu.memory_space<vmem>>
    %dma_wait3A_181 = arith.constant 0 : i32
    %dma_wait3A_182 = tpu.memref_slice %arg7[%dma_wait3A_175, %dma_wait3A_181] : memref<80x125xi32, #tpu.memory_space<vmem>> -> memref<1x125xi32, #tpu.memory_space<vmem>>
    %dma_wait3A_183 = tpu.memref_squeeze %dma_wait3A_182 : memref<1x125xi32, #tpu.memory_space<vmem>> -> memref<125xi32, #tpu.memory_space<vmem>>
    %dma_wait3A_184 = arith.constant 0 : i32
    %dma_wait3A_185 = arith.constant 0 : i32
    %dma_wait3A_186 = tpu.memref_slice %arg2[%dma_wait3A_184, %dma_wait3A_185] : memref<10000x64xf32, #tpu.memory_space<hbm>> -> memref<10000x64xf32, #tpu.memory_space<hbm>>
    tpu.wait_indirect_dma semaphore(%arg15 : memref<!tpu.dma_semaphore, #tpu.memory_space<semaphore_mem>>) src(%dma_wait3A_186 : memref<10000x64xf32, #tpu.memory_space<hbm>>) dst(%dma_wait3A_180 : memref<125x64xf32, #tpu.memory_space<vmem>>)
    %dma_start3A_187 = arith.constant 3 : i32
    %dma_start3A_188 = arith.constant 3 : i32
    %dma_start3A_189 = arith.constant 0 : i32
    %dma_start3A_190 = arith.constant 0 : i32
    %dma_start3A_191 = tpu.memref_slice %arg9[%dma_start3A_187, %dma_start3A_189, %dma_start3A_190] : memref<8x125x64xf32, #tpu.memory_space<vmem>> -> memref<1x125x64xf32, #tpu.memory_space<vmem>>
    %dma_start3A_192 = tpu.memref_squeeze %dma_start3A_191 : memref<1x125x64xf32, #tpu.memory_space<vmem>> -> memref<125x64xf32, #tpu.memory_space<vmem>>
    %dma_start3A_193 = arith.constant 0 : i32
    %dma_start3A_194 = tpu.memref_slice %arg8[%dma_start3A_188, %dma_start3A_193] : memref<80x125xi32, #tpu.memory_space<vmem>> -> memref<1x125xi32, #tpu.memory_space<vmem>>
    %dma_start3A_195 = tpu.memref_squeeze %dma_start3A_194 : memref<1x125xi32, #tpu.memory_space<vmem>> -> memref<125xi32, #tpu.memory_space<vmem>>
    %dma_start3A_196 = arith.constant 0 : i32
    %dma_start3A_197 = arith.constant 0 : i32
    %dma_start3A_198 = tpu.memref_slice %arg11[%dma_start3A_196, %dma_start3A_197] : memref<10000x64xf32, #tpu.memory_space<vmem_shared>> -> memref<10000x64xf32, #tpu.memory_space<vmem_shared>>
    tpu.enqueue_indirect_dma source(%dma_start3A_192 : memref<125x64xf32, #tpu.memory_space<vmem>>) target(%dma_start3A_198 : memref<10000x64xf32, #tpu.memory_space<vmem_shared>>) offsets(%dma_start3A_195 : memref<125xi32, #tpu.memory_space<vmem>>) semaphore(%arg23 : memref<!tpu.dma_semaphore, #tpu.memory_space<semaphore_mem>>) {add = true}
    %dma_wait3A_199 = arith.constant 0 : i32
    %dma_wait3A_200 = arith.constant 0 : i32
    %dma_wait3A_201 = arith.constant 0 : i32
    %dma_wait3A_202 = arith.constant 0 : i32
    %dma_wait3A_203 = tpu.memref_slice %arg9[%dma_wait3A_199, %dma_wait3A_201, %dma_wait3A_202] : memref<8x125x64xf32, #tpu.memory_space<vmem>> -> memref<1x125x64xf32, #tpu.memory_space<vmem>>
    %dma_wait3A_204 = tpu.memref_squeeze %dma_wait3A_203 : memref<1x125x64xf32, #tpu.memory_space<vmem>> -> memref<125x64xf32, #tpu.memory_space<vmem>>
    %dma_wait3A_205 = arith.constant 0 : i32
    %dma_wait3A_206 = tpu.memref_slice %arg8[%dma_wait3A_200, %dma_wait3A_205] : memref<80x125xi32, #tpu.memory_space<vmem>> -> memref<1x125xi32, #tpu.memory_space<vmem>>
    %dma_wait3A_207 = tpu.memref_squeeze %dma_wait3A_206 : memref<1x125xi32, #tpu.memory_space<vmem>> -> memref<125xi32, #tpu.memory_space<vmem>>
    %dma_wait3A_208 = arith.constant 0 : i32
    %dma_wait3A_209 = arith.constant 0 : i32
    %dma_wait3A_210 = tpu.memref_slice %arg11[%dma_wait3A_208, %dma_wait3A_209] : memref<10000x64xf32, #tpu.memory_space<vmem_shared>> -> memref<10000x64xf32, #tpu.memory_space<vmem_shared>>
    tpu.wait_indirect_dma semaphore(%arg20 : memref<!tpu.dma_semaphore, #tpu.memory_space<semaphore_mem>>) src(%dma_wait3A_204 : memref<125x64xf32, #tpu.memory_space<vmem>>) dst(%dma_wait3A_210 : memref<10000x64xf32, #tpu.memory_space<vmem_shared>>)
    %dma_start3A_211 = arith.constant 8 : i32
    %dma_start3A_212 = arith.constant 0 : i32
    %dma_start3A_213 = arith.constant 0 : i32
    %dma_start3A_214 = arith.constant 0 : i32
    %dma_start3A_215 = tpu.memref_slice %arg9[%dma_start3A_212, %dma_start3A_213, %dma_start3A_214] : memref<8x125x64xf32, #tpu.memory_space<vmem>> -> memref<1x125x64xf32, #tpu.memory_space<vmem>>
    %dma_start3A_216 = tpu.memref_squeeze %dma_start3A_215 : memref<1x125x64xf32, #tpu.memory_space<vmem>> -> memref<125x64xf32, #tpu.memory_space<vmem>>
    %dma_start3A_217 = arith.constant 0 : i32
    %dma_start3A_218 = tpu.memref_slice %arg7[%dma_start3A_211, %dma_start3A_217] : memref<80x125xi32, #tpu.memory_space<vmem>> -> memref<1x125xi32, #tpu.memory_space<vmem>>
    %dma_start3A_219 = tpu.memref_squeeze %dma_start3A_218 : memref<1x125xi32, #tpu.memory_space<vmem>> -> memref<125xi32, #tpu.memory_space<vmem>>
    %dma_start3A_220 = arith.constant 0 : i32
    %dma_start3A_221 = arith.constant 0 : i32
    %dma_start3A_222 = tpu.memref_slice %arg2[%dma_start3A_220, %dma_start3A_221] : memref<10000x64xf32, #tpu.memory_space<hbm>> -> memref<10000x64xf32, #tpu.memory_space<hbm>>
    tpu.enqueue_indirect_dma source(%dma_start3A_222 : memref<10000x64xf32, #tpu.memory_space<hbm>>) target(%dma_start3A_216 : memref<125x64xf32, #tpu.memory_space<vmem>>) offsets(%dma_start3A_219 : memref<125xi32, #tpu.memory_space<vmem>>) semaphore(%arg12 : memref<!tpu.dma_semaphore, #tpu.memory_space<semaphore_mem>>)
    %dma_wait3A_223 = arith.constant 4 : i32
    %dma_wait3A_224 = arith.constant 4 : i32
    %dma_wait3A_225 = arith.constant 0 : i32
    %dma_wait3A_226 = arith.constant 0 : i32
    %dma_wait3A_227 = tpu.memref_slice %arg9[%dma_wait3A_224, %dma_wait3A_225, %dma_wait3A_226] : memref<8x125x64xf32, #tpu.memory_space<vmem>> -> memref<1x125x64xf32, #tpu.memory_space<vmem>>
    %dma_wait3A_228 = tpu.memref_squeeze %dma_wait3A_227 : memref<1x125x64xf32, #tpu.memory_space<vmem>> -> memref<125x64xf32, #tpu.memory_space<vmem>>
    %dma_wait3A_229 = arith.constant 0 : i32
    %dma_wait3A_230 = tpu.memref_slice %arg7[%dma_wait3A_223, %dma_wait3A_229] : memref<80x125xi32, #tpu.memory_space<vmem>> -> memref<1x125xi32, #tpu.memory_space<vmem>>
    %dma_wait3A_231 = tpu.memref_squeeze %dma_wait3A_230 : memref<1x125xi32, #tpu.memory_space<vmem>> -> memref<125xi32, #tpu.memory_space<vmem>>
    %dma_wait3A_232 = arith.constant 0 : i32
    %dma_wait3A_233 = arith.constant 0 : i32
    %dma_wait3A_234 = tpu.memref_slice %arg2[%dma_wait3A_232, %dma_wait3A_233] : memref<10000x64xf32, #tpu.memory_space<hbm>> -> memref<10000x64xf32, #tpu.memory_space<hbm>>
    tpu.wait_indirect_dma semaphore(%arg16 : memref<!tpu.dma_semaphore, #tpu.memory_space<semaphore_mem>>) src(%dma_wait3A_234 : memref<10000x64xf32, #tpu.memory_space<hbm>>) dst(%dma_wait3A_228 : memref<125x64xf32, #tpu.memory_space<vmem>>)
    %dma_start3A_235 = arith.constant 4 : i32
    %dma_start3A_236 = arith.constant 4 : i32
    %dma_start3A_237 = arith.constant 0 : i32
    %dma_start3A_238 = arith.constant 0 : i32
    %dma_start3A_239 = tpu.memref_slice %arg9[%dma_start3A_235, %dma_start3A_237, %dma_start3A_238] : memref<8x125x64xf32, #tpu.memory_space<vmem>> -> memref<1x125x64xf32, #tpu.memory_space<vmem>>
    %dma_start3A_240 = tpu.memref_squeeze %dma_start3A_239 : memref<1x125x64xf32, #tpu.memory_space<vmem>> -> memref<125x64xf32, #tpu.memory_space<vmem>>
    %dma_start3A_241 = arith.constant 0 : i32
    %dma_start3A_242 = tpu.memref_slice %arg8[%dma_start3A_236, %dma_start3A_241] : memref<80x125xi32, #tpu.memory_space<vmem>> -> memref<1x125xi32, #tpu.memory_space<vmem>>
    %dma_start3A_243 = tpu.memref_squeeze %dma_start3A_242 : memref<1x125xi32, #tpu.memory_space<vmem>> -> memref<125xi32, #tpu.memory_space<vmem>>
    %dma_start3A_244 = arith.constant 0 : i32
    %dma_start3A_245 = arith.constant 0 : i32
    %dma_start3A_246 = tpu.memref_slice %arg11[%dma_start3A_244, %dma_start3A_245] : memref<10000x64xf32, #tpu.memory_space<vmem_shared>> -> memref<10000x64xf32, #tpu.memory_space<vmem_shared>>
    tpu.enqueue_indirect_dma source(%dma_start3A_240 : memref<125x64xf32, #tpu.memory_space<vmem>>) target(%dma_start3A_246 : memref<10000x64xf32, #tpu.memory_space<vmem_shared>>) offsets(%dma_start3A_243 : memref<125xi32, #tpu.memory_space<vmem>>) semaphore(%arg24 : memref<!tpu.dma_semaphore, #tpu.memory_space<semaphore_mem>>) {add = true}
    %dma_wait3A_247 = arith.constant 1 : i32
    %dma_wait3A_248 = arith.constant 1 : i32
    %dma_wait3A_249 = arith.constant 0 : i32
    %dma_wait3A_250 = arith.constant 0 : i32
    %dma_wait3A_251 = tpu.memref_slice %arg9[%dma_wait3A_247, %dma_wait3A_249, %dma_wait3A_250] : memref<8x125x64xf32, #tpu.memory_space<vmem>> -> memref<1x125x64xf32, #tpu.memory_space<vmem>>
    %dma_wait3A_252 = tpu.memref_squeeze %dma_wait3A_251 : memref<1x125x64xf32, #tpu.memory_space<vmem>> -> memref<125x64xf32, #tpu.memory_space<vmem>>
    %dma_wait3A_253 = arith.constant 0 : i32
    %dma_wait3A_254 = tpu.memref_slice %arg8[%dma_wait3A_248, %dma_wait3A_253] : memref<80x125xi32, #tpu.memory_space<vmem>> -> memref<1x125xi32, #tpu.memory_space<vmem>>
    %dma_wait3A_255 = tpu.memref_squeeze %dma_wait3A_254 : memref<1x125xi32, #tpu.memory_space<vmem>> -> memref<125xi32, #tpu.memory_space<vmem>>
    %dma_wait3A_256 = arith.constant 0 : i32
    %dma_wait3A_257 = arith.constant 0 : i32
    %dma_wait3A_258 = tpu.memref_slice %arg11[%dma_wait3A_256, %dma_wait3A_257] : memref<10000x64xf32, #tpu.memory_space<vmem_shared>> -> memref<10000x64xf32, #tpu.memory_space<vmem_shared>>
    tpu.wait_indirect_dma semaphore(%arg21 : memref<!tpu.dma_semaphore, #tpu.memory_space<semaphore_mem>>) src(%dma_wait3A_252 : memref<125x64xf32, #tpu.memory_space<vmem>>) dst(%dma_wait3A_258 : memref<10000x64xf32, #tpu.memory_space<vmem_shared>>)
    %dma_start3A_259 = arith.constant 9 : i32
    %dma_start3A_260 = arith.constant 1 : i32
    %dma_start3A_261 = arith.constant 0 : i32
    %dma_start3A_262 = arith.constant 0 : i32
    %dma_start3A_263 = tpu.memref_slice %arg9[%dma_start3A_260, %dma_start3A_261, %dma_start3A_262] : memref<8x125x64xf32, #tpu.memory_space<vmem>> -> memref<1x125x64xf32, #tpu.memory_space<vmem>>
    %dma_start3A_264 = tpu.memref_squeeze %dma_start3A_263 : memref<1x125x64xf32, #tpu.memory_space<vmem>> -> memref<125x64xf32, #tpu.memory_space<vmem>>
    %dma_start3A_265 = arith.constant 0 : i32
    %dma_start3A_266 = tpu.memref_slice %arg7[%dma_start3A_259, %dma_start3A_265] : memref<80x125xi32, #tpu.memory_space<vmem>> -> memref<1x125xi32, #tpu.memory_space<vmem>>
    %dma_start3A_267 = tpu.memref_squeeze %dma_start3A_266 : memref<1x125xi32, #tpu.memory_space<vmem>> -> memref<125xi32, #tpu.memory_space<vmem>>
    %dma_start3A_268 = arith.constant 0 : i32
    %dma_start3A_269 = arith.constant 0 : i32
    %dma_start3A_270 = tpu.memref_slice %arg2[%dma_start3A_268, %dma_start3A_269] : memref<10000x64xf32, #tpu.memory_space<hbm>> -> memref<10000x64xf32, #tpu.memory_space<hbm>>
    tpu.enqueue_indirect_dma source(%dma_start3A_270 : memref<10000x64xf32, #tpu.memory_space<hbm>>) target(%dma_start3A_264 : memref<125x64xf32, #tpu.memory_space<vmem>>) offsets(%dma_start3A_267 : memref<125xi32, #tpu.memory_space<vmem>>) semaphore(%arg13 : memref<!tpu.dma_semaphore, #tpu.memory_space<semaphore_mem>>)
    %dma_wait3A_271 = arith.constant 5 : i32
    %dma_wait3A_272 = arith.constant 5 : i32
    %dma_wait3A_273 = arith.constant 0 : i32
    %dma_wait3A_274 = arith.constant 0 : i32
    %dma_wait3A_275 = tpu.memref_slice %arg9[%dma_wait3A_272, %dma_wait3A_273, %dma_wait3A_274] : memref<8x125x64xf32, #tpu.memory_space<vmem>> -> memref<1x125x64xf32, #tpu.memory_space<vmem>>
    %dma_wait3A_276 = tpu.memref_squeeze %dma_wait3A_275 : memref<1x125x64xf32, #tpu.memory_space<vmem>> -> memref<125x64xf32, #tpu.memory_space<vmem>>
    %dma_wait3A_277 = arith.constant 0 : i32
    %dma_wait3A_278 = tpu.memref_slice %arg7[%dma_wait3A_271, %dma_wait3A_277] : memref<80x125xi32, #tpu.memory_space<vmem>> -> memref<1x125xi32, #tpu.memory_space<vmem>>
    %dma_wait3A_279 = tpu.memref_squeeze %dma_wait3A_278 : memref<1x125xi32, #tpu.memory_space<vmem>> -> memref<125xi32, #tpu.memory_space<vmem>>
    %dma_wait3A_280 = arith.constant 0 : i32
    %dma_wait3A_281 = arith.constant 0 : i32
    %dma_wait3A_282 = tpu.memref_slice %arg2[%dma_wait3A_280, %dma_wait3A_281] : memref<10000x64xf32, #tpu.memory_space<hbm>> -> memref<10000x64xf32, #tpu.memory_space<hbm>>
    tpu.wait_indirect_dma semaphore(%arg17 : memref<!tpu.dma_semaphore, #tpu.memory_space<semaphore_mem>>) src(%dma_wait3A_282 : memref<10000x64xf32, #tpu.memory_space<hbm>>) dst(%dma_wait3A_276 : memref<125x64xf32, #tpu.memory_space<vmem>>)
    %dma_start3A_283 = arith.constant 5 : i32
    %dma_start3A_284 = arith.constant 5 : i32
    %dma_start3A_285 = arith.constant 0 : i32
    %dma_start3A_286 = arith.constant 0 : i32
    %dma_start3A_287 = tpu.memref_slice %arg9[%dma_start3A_283, %dma_start3A_285, %dma_start3A_286] : memref<8x125x64xf32, #tpu.memory_space<vmem>> -> memref<1x125x64xf32, #tpu.memory_space<vmem>>
    %dma_start3A_288 = tpu.memref_squeeze %dma_start3A_287 : memref<1x125x64xf32, #tpu.memory_space<vmem>> -> memref<125x64xf32, #tpu.memory_space<vmem>>
    %dma_start3A_289 = arith.constant 0 : i32
    %dma_start3A_290 = tpu.memref_slice %arg8[%dma_start3A_284, %dma_start3A_289] : memref<80x125xi32, #tpu.memory_space<vmem>> -> memref<1x125xi32, #tpu.memory_space<vmem>>
    %dma_start3A_291 = tpu.memref_squeeze %dma_start3A_290 : memref<1x125xi32, #tpu.memory_space<vmem>> -> memref<125xi32, #tpu.memory_space<vmem>>
    %dma_start3A_292 = arith.constant 0 : i32
    %dma_start3A_293 = arith.constant 0 : i32
    %dma_start3A_294 = tpu.memref_slice %arg11[%dma_start3A_292, %dma_start3A_293] : memref<10000x64xf32, #tpu.memory_space<vmem_shared>> -> memref<10000x64xf32, #tpu.memory_space<vmem_shared>>
    tpu.enqueue_indirect_dma source(%dma_start3A_288 : memref<125x64xf32, #tpu.memory_space<vmem>>) target(%dma_start3A_294 : memref<10000x64xf32, #tpu.memory_space<vmem_shared>>) offsets(%dma_start3A_291 : memref<125xi32, #tpu.memory_space<vmem>>) semaphore(%arg25 : memref<!tpu.dma_semaphore, #tpu.memory_space<semaphore_mem>>) {add = true}
    %dma_wait3A_295 = arith.constant 2 : i32
    %dma_wait3A_296 = arith.constant 2 : i32
    %dma_wait3A_297 = arith.constant 0 : i32
    %dma_wait3A_298 = arith.constant 0 : i32
    %dma_wait3A_299 = tpu.memref_slice %arg9[%dma_wait3A_295, %dma_wait3A_297, %dma_wait3A_298] : memref<8x125x64xf32, #tpu.memory_space<vmem>> -> memref<1x125x64xf32, #tpu.memory_space<vmem>>
    %dma_wait3A_300 = tpu.memref_squeeze %dma_wait3A_299 : memref<1x125x64xf32, #tpu.memory_space<vmem>> -> memref<125x64xf32, #tpu.memory_space<vmem>>
    %dma_wait3A_301 = arith.constant 0 : i32
    %dma_wait3A_302 = tpu.memref_slice %arg8[%dma_wait3A_296, %dma_wait3A_301] : memref<80x125xi32, #tpu.memory_space<vmem>> -> memref<1x125xi32, #tpu.memory_space<vmem>>
    %dma_wait3A_303 = tpu.memref_squeeze %dma_wait3A_302 : memref<1x125xi32, #tpu.memory_space<vmem>> -> memref<125xi32, #tpu.memory_space<vmem>>
    %dma_wait3A_304 = arith.constant 0 : i32
    %dma_wait3A_305 = arith.constant 0 : i32
    %dma_wait3A_306 = tpu.memref_slice %arg11[%dma_wait3A_304, %dma_wait3A_305] : memref<10000x64xf32, #tpu.memory_space<vmem_shared>> -> memref<10000x64xf32, #tpu.memory_space<vmem_shared>>
    tpu.wait_indirect_dma semaphore(%arg22 : memref<!tpu.dma_semaphore, #tpu.memory_space<semaphore_mem>>) src(%dma_wait3A_300 : memref<125x64xf32, #tpu.memory_space<vmem>>) dst(%dma_wait3A_306 : memref<10000x64xf32, #tpu.memory_space<vmem_shared>>)
    %dma_start3A_307 = arith.constant 10 : i32
    %dma_start3A_308 = arith.constant 2 : i32
    %dma_start3A_309 = arith.constant 0 : i32
    %dma_start3A_310 = arith.constant 0 : i32
    %dma_start3A_311 = tpu.memref_slice %arg9[%dma_start3A_308, %dma_start3A_309, %dma_start3A_310] : memref<8x125x64xf32, #tpu.memory_space<vmem>> -> memref<1x125x64xf32, #tpu.memory_space<vmem>>
    %dma_start3A_312 = tpu.memref_squeeze %dma_start3A_311 : memref<1x125x64xf32, #tpu.memory_space<vmem>> -> memref<125x64xf32, #tpu.memory_space<vmem>>
    %dma_start3A_313 = arith.constant 0 : i32
    %dma_start3A_314 = tpu.memref_slice %arg7[%dma_start3A_307, %dma_start3A_313] : memref<80x125xi32, #tpu.memory_space<vmem>> -> memref<1x125xi32, #tpu.memory_space<vmem>>
    %dma_start3A_315 = tpu.memref_squeeze %dma_start3A_314 : memref<1x125xi32, #tpu.memory_space<vmem>> -> memref<125xi32, #tpu.memory_space<vmem>>
    %dma_start3A_316 = arith.constant 0 : i32
    %dma_start3A_317 = arith.constant 0 : i32
    %dma_start3A_318 = tpu.memref_slice %arg2[%dma_start3A_316, %dma_start3A_317] : memref<10000x64xf32, #tpu.memory_space<hbm>> -> memref<10000x64xf32, #tpu.memory_space<hbm>>
    tpu.enqueue_indirect_dma source(%dma_start3A_318 : memref<10000x64xf32, #tpu.memory_space<hbm>>) target(%dma_start3A_312 : memref<125x64xf32, #tpu.memory_space<vmem>>) offsets(%dma_start3A_315 : memref<125xi32, #tpu.memory_space<vmem>>) semaphore(%arg14 : memref<!tpu.dma_semaphore, #tpu.memory_space<semaphore_mem>>)
    %dma_wait3A_319 = arith.constant 6 : i32
    %dma_wait3A_320 = arith.constant 6 : i32
    %dma_wait3A_321 = arith.constant 0 : i32
    %dma_wait3A_322 = arith.constant 0 : i32
    %dma_wait3A_323 = tpu.memref_slice %arg9[%dma_wait3A_320, %dma_wait3A_321, %dma_wait3A_322] : memref<8x125x64xf32, #tpu.memory_space<vmem>> -> memref<1x125x64xf32, #tpu.memory_space<vmem>>
    %dma_wait3A_324 = tpu.memref_squeeze %dma_wait3A_323 : memref<1x125x64xf32, #tpu.memory_space<vmem>> -> memref<125x64xf32, #tpu.memory_space<vmem>>
    %dma_wait3A_325 = arith.constant 0 : i32
    %dma_wait3A_326 = tpu.memref_slice %arg7[%dma_wait3A_319, %dma_wait3A_325] : memref<80x125xi32, #tpu.memory_space<vmem>> -> memref<1x125xi32, #tpu.memory_space<vmem>>
    %dma_wait3A_327 = tpu.memref_squeeze %dma_wait3A_326 : memref<1x125xi32, #tpu.memory_space<vmem>> -> memref<125xi32, #tpu.memory_space<vmem>>
    %dma_wait3A_328 = arith.constant 0 : i32
    %dma_wait3A_329 = arith.constant 0 : i32
    %dma_wait3A_330 = tpu.memref_slice %arg2[%dma_wait3A_328, %dma_wait3A_329] : memref<10000x64xf32, #tpu.memory_space<hbm>> -> memref<10000x64xf32, #tpu.memory_space<hbm>>
    tpu.wait_indirect_dma semaphore(%arg18 : memref<!tpu.dma_semaphore, #tpu.memory_space<semaphore_mem>>) src(%dma_wait3A_330 : memref<10000x64xf32, #tpu.memory_space<hbm>>) dst(%dma_wait3A_324 : memref<125x64xf32, #tpu.memory_space<vmem>>)
    %dma_start3A_331 = arith.constant 6 : i32
    %dma_start3A_332 = arith.constant 6 : i32
    %dma_start3A_333 = arith.constant 0 : i32
    %dma_start3A_334 = arith.constant 0 : i32
    %dma_start3A_335 = tpu.memref_slice %arg9[%dma_start3A_331, %dma_start3A_333, %dma_start3A_334] : memref<8x125x64xf32, #tpu.memory_space<vmem>> -> memref<1x125x64xf32, #tpu.memory_space<vmem>>
    %dma_start3A_336 = tpu.memref_squeeze %dma_start3A_335 : memref<1x125x64xf32, #tpu.memory_space<vmem>> -> memref<125x64xf32, #tpu.memory_space<vmem>>
    %dma_start3A_337 = arith.constant 0 : i32
    %dma_start3A_338 = tpu.memref_slice %arg8[%dma_start3A_332, %dma_start3A_337] : memref<80x125xi32, #tpu.memory_space<vmem>> -> memref<1x125xi32, #tpu.memory_space<vmem>>
    %dma_start3A_339 = tpu.memref_squeeze %dma_start3A_338 : memref<1x125xi32, #tpu.memory_space<vmem>> -> memref<125xi32, #tpu.memory_space<vmem>>
    %dma_start3A_340 = arith.constant 0 : i32
    %dma_start3A_341 = arith.constant 0 : i32
    %dma_start3A_342 = tpu.memref_slice %arg11[%dma_start3A_340, %dma_start3A_341] : memref<10000x64xf32, #tpu.memory_space<vmem_shared>> -> memref<10000x64xf32, #tpu.memory_space<vmem_shared>>
    tpu.enqueue_indirect_dma source(%dma_start3A_336 : memref<125x64xf32, #tpu.memory_space<vmem>>) target(%dma_start3A_342 : memref<10000x64xf32, #tpu.memory_space<vmem_shared>>) offsets(%dma_start3A_339 : memref<125xi32, #tpu.memory_space<vmem>>) semaphore(%arg26 : memref<!tpu.dma_semaphore, #tpu.memory_space<semaphore_mem>>) {add = true}
    %dma_wait3A_343 = arith.constant 3 : i32
    %dma_wait3A_344 = arith.constant 3 : i32
    %dma_wait3A_345 = arith.constant 0 : i32
    %dma_wait3A_346 = arith.constant 0 : i32
    %dma_wait3A_347 = tpu.memref_slice %arg9[%dma_wait3A_343, %dma_wait3A_345, %dma_wait3A_346] : memref<8x125x64xf32, #tpu.memory_space<vmem>> -> memref<1x125x64xf32, #tpu.memory_space<vmem>>
    %dma_wait3A_348 = tpu.memref_squeeze %dma_wait3A_347 : memref<1x125x64xf32, #tpu.memory_space<vmem>> -> memref<125x64xf32, #tpu.memory_space<vmem>>
    %dma_wait3A_349 = arith.constant 0 : i32
    %dma_wait3A_350 = tpu.memref_slice %arg8[%dma_wait3A_344, %dma_wait3A_349] : memref<80x125xi32, #tpu.memory_space<vmem>> -> memref<1x125xi32, #tpu.memory_space<vmem>>
    %dma_wait3A_351 = tpu.memref_squeeze %dma_wait3A_350 : memref<1x125xi32, #tpu.memory_space<vmem>> -> memref<125xi32, #tpu.memory_space<vmem>>
    %dma_wait3A_352 = arith.constant 0 : i32
    %dma_wait3A_353 = arith.constant 0 : i32
    %dma_wait3A_354 = tpu.memref_slice %arg11[%dma_wait3A_352, %dma_wait3A_353] : memref<10000x64xf32, #tpu.memory_space<vmem_shared>> -> memref<10000x64xf32, #tpu.memory_space<vmem_shared>>
    tpu.wait_indirect_dma semaphore(%arg23 : memref<!tpu.dma_semaphore, #tpu.memory_space<semaphore_mem>>) src(%dma_wait3A_348 : memref<125x64xf32, #tpu.memory_space<vmem>>) dst(%dma_wait3A_354 : memref<10000x64xf32, #tpu.memory_space<vmem_shared>>)
    %dma_start3A_355 = arith.constant 11 : i32
    %dma_start3A_356 = arith.constant 3 : i32
    %dma_start3A_357 = arith.constant 0 : i32
    %dma_start3A_358 = arith.constant 0 : i32
    %dma_start3A_359 = tpu.memref_slice %arg9[%dma_start3A_356, %dma_start3A_357, %dma_start3A_358] : memref<8x125x64xf32, #tpu.memory_space<vmem>> -> memref<1x125x64xf32, #tpu.memory_space<vmem>>
    %dma_start3A_360 = tpu.memref_squeeze %dma_start3A_359 : memref<1x125x64xf32, #tpu.memory_space<vmem>> -> memref<125x64xf32, #tpu.memory_space<vmem>>
    %dma_start3A_361 = arith.constant 0 : i32
    %dma_start3A_362 = tpu.memref_slice %arg7[%dma_start3A_355, %dma_start3A_361] : memref<80x125xi32, #tpu.memory_space<vmem>> -> memref<1x125xi32, #tpu.memory_space<vmem>>
    %dma_start3A_363 = tpu.memref_squeeze %dma_start3A_362 : memref<1x125xi32, #tpu.memory_space<vmem>> -> memref<125xi32, #tpu.memory_space<vmem>>
    %dma_start3A_364 = arith.constant 0 : i32
    %dma_start3A_365 = arith.constant 0 : i32
    %dma_start3A_366 = tpu.memref_slice %arg2[%dma_start3A_364, %dma_start3A_365] : memref<10000x64xf32, #tpu.memory_space<hbm>> -> memref<10000x64xf32, #tpu.memory_space<hbm>>
    tpu.enqueue_indirect_dma source(%dma_start3A_366 : memref<10000x64xf32, #tpu.memory_space<hbm>>) target(%dma_start3A_360 : memref<125x64xf32, #tpu.memory_space<vmem>>) offsets(%dma_start3A_363 : memref<125xi32, #tpu.memory_space<vmem>>) semaphore(%arg15 : memref<!tpu.dma_semaphore, #tpu.memory_space<semaphore_mem>>)
    %dma_wait3A_367 = arith.constant 7 : i32
    %dma_wait3A_368 = arith.constant 7 : i32
    %dma_wait3A_369 = arith.constant 0 : i32
    %dma_wait3A_370 = arith.constant 0 : i32
    %dma_wait3A_371 = tpu.memref_slice %arg9[%dma_wait3A_368, %dma_wait3A_369, %dma_wait3A_370] : memref<8x125x64xf32, #tpu.memory_space<vmem>> -> memref<1x125x64xf32, #tpu.memory_space<vmem>>
    %dma_wait3A_372 = tpu.memref_squeeze %dma_wait3A_371 : memref<1x125x64xf32, #tpu.memory_space<vmem>> -> memref<125x64xf32, #tpu.memory_space<vmem>>
    %dma_wait3A_373 = arith.constant 0 : i32
    %dma_wait3A_374 = tpu.memref_slice %arg7[%dma_wait3A_367, %dma_wait3A_373] : memref<80x125xi32, #tpu.memory_space<vmem>> -> memref<1x125xi32, #tpu.memory_space<vmem>>
    %dma_wait3A_375 = tpu.memref_squeeze %dma_wait3A_374 : memref<1x125xi32, #tpu.memory_space<vmem>> -> memref<125xi32, #tpu.memory_space<vmem>>
    %dma_wait3A_376 = arith.constant 0 : i32
    %dma_wait3A_377 = arith.constant 0 : i32
    %dma_wait3A_378 = tpu.memref_slice %arg2[%dma_wait3A_376, %dma_wait3A_377] : memref<10000x64xf32, #tpu.memory_space<hbm>> -> memref<10000x64xf32, #tpu.memory_space<hbm>>
    tpu.wait_indirect_dma semaphore(%arg19 : memref<!tpu.dma_semaphore, #tpu.memory_space<semaphore_mem>>) src(%dma_wait3A_378 : memref<10000x64xf32, #tpu.memory_space<hbm>>) dst(%dma_wait3A_372 : memref<125x64xf32, #tpu.memory_space<vmem>>)
    %dma_start3A_379 = arith.constant 7 : i32
    %dma_start3A_380 = arith.constant 7 : i32
    %dma_start3A_381 = arith.constant 0 : i32
    %dma_start3A_382 = arith.constant 0 : i32
    %dma_start3A_383 = tpu.memref_slice %arg9[%dma_start3A_379, %dma_start3A_381, %dma_start3A_382] : memref<8x125x64xf32, #tpu.memory_space<vmem>> -> memref<1x125x64xf32, #tpu.memory_space<vmem>>
    %dma_start3A_384 = tpu.memref_squeeze %dma_start3A_383 : memref<1x125x64xf32, #tpu.memory_space<vmem>> -> memref<125x64xf32, #tpu.memory_space<vmem>>
    %dma_start3A_385 = arith.constant 0 : i32
    %dma_start3A_386 = tpu.memref_slice %arg8[%dma_start3A_380, %dma_start3A_385] : memref<80x125xi32, #tpu.memory_space<vmem>> -> memref<1x125xi32, #tpu.memory_space<vmem>>
    %dma_start3A_387 = tpu.memref_squeeze %dma_start3A_386 : memref<1x125xi32, #tpu.memory_space<vmem>> -> memref<125xi32, #tpu.memory_space<vmem>>
    %dma_start3A_388 = arith.constant 0 : i32
    %dma_start3A_389 = arith.constant 0 : i32
    %dma_start3A_390 = tpu.memref_slice %arg11[%dma_start3A_388, %dma_start3A_389] : memref<10000x64xf32, #tpu.memory_space<vmem_shared>> -> memref<10000x64xf32, #tpu.memory_space<vmem_shared>>
    tpu.enqueue_indirect_dma source(%dma_start3A_384 : memref<125x64xf32, #tpu.memory_space<vmem>>) target(%dma_start3A_390 : memref<10000x64xf32, #tpu.memory_space<vmem_shared>>) offsets(%dma_start3A_387 : memref<125xi32, #tpu.memory_space<vmem>>) semaphore(%arg27 : memref<!tpu.dma_semaphore, #tpu.memory_space<semaphore_mem>>) {add = true}
    %scan3A = arith.constant 0 : i32
    %scan3A_391 = arith.constant 1 : i32
    %scan3A_392 = arith.constant 8 : i32
    %scan3A_393 = arith.addi %scan3A_391, %scan3A_392 : i32
    %scan3A_394 = arith.constant 1 : i32
    scf.for %scan3A_793 = %scan3A_391 to %scan3A_393 step %scan3A_394  : i32 {
      %mul3A_794 = arith.constant 8 : i32
      %mul3A_795 = arith.muli %scan3A_793, %mul3A_794 : i32
      %add3A_796 = arith.constant 0 : i32
      %add3A_797 = arith.addi %mul3A_795, %add3A_796 : i32
      %sub3A = arith.constant 4 : i32
      %sub3A_798 = arith.subi %add3A_797, %sub3A : i32
      %dma_wait3A_799 = arith.constant 4 : i32
      %dma_wait3A_800 = arith.constant 0 : i32
      %dma_wait3A_801 = arith.constant 0 : i32
      %dma_wait3A_802 = tpu.memref_slice %arg9[%dma_wait3A_799, %dma_wait3A_800, %dma_wait3A_801] : memref<8x125x64xf32, #tpu.memory_space<vmem>> -> memref<1x125x64xf32, #tpu.memory_space<vmem>>
      %dma_wait3A_803 = tpu.memref_squeeze %dma_wait3A_802 : memref<1x125x64xf32, #tpu.memory_space<vmem>> -> memref<125x64xf32, #tpu.memory_space<vmem>>
      %dma_wait3A_804 = arith.constant 0 : i32
      %dma_wait3A_805 = tpu.memref_slice %arg8[%sub3A_798, %dma_wait3A_804] : memref<80x125xi32, #tpu.memory_space<vmem>> -> memref<1x125xi32, #tpu.memory_space<vmem>>
      %dma_wait3A_806 = tpu.memref_squeeze %dma_wait3A_805 : memref<1x125xi32, #tpu.memory_space<vmem>> -> memref<125xi32, #tpu.memory_space<vmem>>
      %dma_wait3A_807 = arith.constant 0 : i32
      %dma_wait3A_808 = arith.constant 0 : i32
      %dma_wait3A_809 = tpu.memref_slice %arg11[%dma_wait3A_807, %dma_wait3A_808] : memref<10000x64xf32, #tpu.memory_space<vmem_shared>> -> memref<10000x64xf32, #tpu.memory_space<vmem_shared>>
      tpu.wait_indirect_dma semaphore(%arg24 : memref<!tpu.dma_semaphore, #tpu.memory_space<semaphore_mem>>) src(%dma_wait3A_803 : memref<125x64xf32, #tpu.memory_space<vmem>>) dst(%dma_wait3A_809 : memref<10000x64xf32, #tpu.memory_space<vmem_shared>>)
      %add3A_810 = arith.constant 4 : i32
      %add3A_811 = arith.addi %add3A_797, %add3A_810 : i32
      %dma_start3A_812 = arith.constant 4 : i32
      %dma_start3A_813 = arith.constant 0 : i32
      %dma_start3A_814 = arith.constant 0 : i32
      %dma_start3A_815 = tpu.memref_slice %arg9[%dma_start3A_812, %dma_start3A_813, %dma_start3A_814] : memref<8x125x64xf32, #tpu.memory_space<vmem>> -> memref<1x125x64xf32, #tpu.memory_space<vmem>>
      %dma_start3A_816 = tpu.memref_squeeze %dma_start3A_815 : memref<1x125x64xf32, #tpu.memory_space<vmem>> -> memref<125x64xf32, #tpu.memory_space<vmem>>
      %dma_start3A_817 = arith.constant 0 : i32
      %dma_start3A_818 = tpu.memref_slice %arg7[%add3A_811, %dma_start3A_817] : memref<80x125xi32, #tpu.memory_space<vmem>> -> memref<1x125xi32, #tpu.memory_space<vmem>>
      %dma_start3A_819 = tpu.memref_squeeze %dma_start3A_818 : memref<1x125xi32, #tpu.memory_space<vmem>> -> memref<125xi32, #tpu.memory_space<vmem>>
      %dma_start3A_820 = arith.constant 0 : i32
      %dma_start3A_821 = arith.constant 0 : i32
      %dma_start3A_822 = tpu.memref_slice %arg2[%dma_start3A_820, %dma_start3A_821] : memref<10000x64xf32, #tpu.memory_space<hbm>> -> memref<10000x64xf32, #tpu.memory_space<hbm>>
      tpu.enqueue_indirect_dma source(%dma_start3A_822 : memref<10000x64xf32, #tpu.memory_space<hbm>>) target(%dma_start3A_816 : memref<125x64xf32, #tpu.memory_space<vmem>>) offsets(%dma_start3A_819 : memref<125xi32, #tpu.memory_space<vmem>>) semaphore(%arg16 : memref<!tpu.dma_semaphore, #tpu.memory_space<semaphore_mem>>)
      %dma_wait3A_823 = arith.constant 0 : i32
      %dma_wait3A_824 = arith.constant 0 : i32
      %dma_wait3A_825 = arith.constant 0 : i32
      %dma_wait3A_826 = tpu.memref_slice %arg9[%dma_wait3A_823, %dma_wait3A_824, %dma_wait3A_825] : memref<8x125x64xf32, #tpu.memory_space<vmem>> -> memref<1x125x64xf32, #tpu.memory_space<vmem>>
      %dma_wait3A_827 = tpu.memref_squeeze %dma_wait3A_826 : memref<1x125x64xf32, #tpu.memory_space<vmem>> -> memref<125x64xf32, #tpu.memory_space<vmem>>
      %dma_wait3A_828 = arith.constant 0 : i32
      %dma_wait3A_829 = tpu.memref_slice %arg7[%add3A_797, %dma_wait3A_828] : memref<80x125xi32, #tpu.memory_space<vmem>> -> memref<1x125xi32, #tpu.memory_space<vmem>>
      %dma_wait3A_830 = tpu.memref_squeeze %dma_wait3A_829 : memref<1x125xi32, #tpu.memory_space<vmem>> -> memref<125xi32, #tpu.memory_space<vmem>>
      %dma_wait3A_831 = arith.constant 0 : i32
      %dma_wait3A_832 = arith.constant 0 : i32
      %dma_wait3A_833 = tpu.memref_slice %arg2[%dma_wait3A_831, %dma_wait3A_832] : memref<10000x64xf32, #tpu.memory_space<hbm>> -> memref<10000x64xf32, #tpu.memory_space<hbm>>
      tpu.wait_indirect_dma semaphore(%arg12 : memref<!tpu.dma_semaphore, #tpu.memory_space<semaphore_mem>>) src(%dma_wait3A_833 : memref<10000x64xf32, #tpu.memory_space<hbm>>) dst(%dma_wait3A_827 : memref<125x64xf32, #tpu.memory_space<vmem>>)
      %dma_start3A_834 = arith.constant 0 : i32
      %dma_start3A_835 = arith.constant 0 : i32
      %dma_start3A_836 = arith.constant 0 : i32
      %dma_start3A_837 = tpu.memref_slice %arg9[%dma_start3A_834, %dma_start3A_835, %dma_start3A_836] : memref<8x125x64xf32, #tpu.memory_space<vmem>> -> memref<1x125x64xf32, #tpu.memory_space<vmem>>
      %dma_start3A_838 = tpu.memref_squeeze %dma_start3A_837 : memref<1x125x64xf32, #tpu.memory_space<vmem>> -> memref<125x64xf32, #tpu.memory_space<vmem>>
      %dma_start3A_839 = arith.constant 0 : i32
      %dma_start3A_840 = tpu.memref_slice %arg8[%add3A_797, %dma_start3A_839] : memref<80x125xi32, #tpu.memory_space<vmem>> -> memref<1x125xi32, #tpu.memory_space<vmem>>
      %dma_start3A_841 = tpu.memref_squeeze %dma_start3A_840 : memref<1x125xi32, #tpu.memory_space<vmem>> -> memref<125xi32, #tpu.memory_space<vmem>>
      %dma_start3A_842 = arith.constant 0 : i32
      %dma_start3A_843 = arith.constant 0 : i32
      %dma_start3A_844 = tpu.memref_slice %arg11[%dma_start3A_842, %dma_start3A_843] : memref<10000x64xf32, #tpu.memory_space<vmem_shared>> -> memref<10000x64xf32, #tpu.memory_space<vmem_shared>>
      tpu.enqueue_indirect_dma source(%dma_start3A_838 : memref<125x64xf32, #tpu.memory_space<vmem>>) target(%dma_start3A_844 : memref<10000x64xf32, #tpu.memory_space<vmem_shared>>) offsets(%dma_start3A_841 : memref<125xi32, #tpu.memory_space<vmem>>) semaphore(%arg20 : memref<!tpu.dma_semaphore, #tpu.memory_space<semaphore_mem>>) {add = true}
      %add3A_845 = arith.constant 1 : i32
      %add3A_846 = arith.addi %mul3A_795, %add3A_845 : i32
      %sub3A_847 = arith.constant 4 : i32
      %sub3A_848 = arith.subi %add3A_846, %sub3A_847 : i32
      %dma_wait3A_849 = arith.constant 5 : i32
      %dma_wait3A_850 = arith.constant 0 : i32
      %dma_wait3A_851 = arith.constant 0 : i32
      %dma_wait3A_852 = tpu.memref_slice %arg9[%dma_wait3A_849, %dma_wait3A_850, %dma_wait3A_851] : memref<8x125x64xf32, #tpu.memory_space<vmem>> -> memref<1x125x64xf32, #tpu.memory_space<vmem>>
      %dma_wait3A_853 = tpu.memref_squeeze %dma_wait3A_852 : memref<1x125x64xf32, #tpu.memory_space<vmem>> -> memref<125x64xf32, #tpu.memory_space<vmem>>
      %dma_wait3A_854 = arith.constant 0 : i32
      %dma_wait3A_855 = tpu.memref_slice %arg8[%sub3A_848, %dma_wait3A_854] : memref<80x125xi32, #tpu.memory_space<vmem>> -> memref<1x125xi32, #tpu.memory_space<vmem>>
      %dma_wait3A_856 = tpu.memref_squeeze %dma_wait3A_855 : memref<1x125xi32, #tpu.memory_space<vmem>> -> memref<125xi32, #tpu.memory_space<vmem>>
      %dma_wait3A_857 = arith.constant 0 : i32
      %dma_wait3A_858 = arith.constant 0 : i32
      %dma_wait3A_859 = tpu.memref_slice %arg11[%dma_wait3A_857, %dma_wait3A_858] : memref<10000x64xf32, #tpu.memory_space<vmem_shared>> -> memref<10000x64xf32, #tpu.memory_space<vmem_shared>>
      tpu.wait_indirect_dma semaphore(%arg25 : memref<!tpu.dma_semaphore, #tpu.memory_space<semaphore_mem>>) src(%dma_wait3A_853 : memref<125x64xf32, #tpu.memory_space<vmem>>) dst(%dma_wait3A_859 : memref<10000x64xf32, #tpu.memory_space<vmem_shared>>)
      %add3A_860 = arith.constant 4 : i32
      %add3A_861 = arith.addi %add3A_846, %add3A_860 : i32
      %dma_start3A_862 = arith.constant 5 : i32
      %dma_start3A_863 = arith.constant 0 : i32
      %dma_start3A_864 = arith.constant 0 : i32
      %dma_start3A_865 = tpu.memref_slice %arg9[%dma_start3A_862, %dma_start3A_863, %dma_start3A_864] : memref<8x125x64xf32, #tpu.memory_space<vmem>> -> memref<1x125x64xf32, #tpu.memory_space<vmem>>
      %dma_start3A_866 = tpu.memref_squeeze %dma_start3A_865 : memref<1x125x64xf32, #tpu.memory_space<vmem>> -> memref<125x64xf32, #tpu.memory_space<vmem>>
      %dma_start3A_867 = arith.constant 0 : i32
      %dma_start3A_868 = tpu.memref_slice %arg7[%add3A_861, %dma_start3A_867] : memref<80x125xi32, #tpu.memory_space<vmem>> -> memref<1x125xi32, #tpu.memory_space<vmem>>
      %dma_start3A_869 = tpu.memref_squeeze %dma_start3A_868 : memref<1x125xi32, #tpu.memory_space<vmem>> -> memref<125xi32, #tpu.memory_space<vmem>>
      %dma_start3A_870 = arith.constant 0 : i32
      %dma_start3A_871 = arith.constant 0 : i32
      %dma_start3A_872 = tpu.memref_slice %arg2[%dma_start3A_870, %dma_start3A_871] : memref<10000x64xf32, #tpu.memory_space<hbm>> -> memref<10000x64xf32, #tpu.memory_space<hbm>>
      tpu.enqueue_indirect_dma source(%dma_start3A_872 : memref<10000x64xf32, #tpu.memory_space<hbm>>) target(%dma_start3A_866 : memref<125x64xf32, #tpu.memory_space<vmem>>) offsets(%dma_start3A_869 : memref<125xi32, #tpu.memory_space<vmem>>) semaphore(%arg17 : memref<!tpu.dma_semaphore, #tpu.memory_space<semaphore_mem>>)
      %dma_wait3A_873 = arith.constant 1 : i32
      %dma_wait3A_874 = arith.constant 0 : i32
      %dma_wait3A_875 = arith.constant 0 : i32
      %dma_wait3A_876 = tpu.memref_slice %arg9[%dma_wait3A_873, %dma_wait3A_874, %dma_wait3A_875] : memref<8x125x64xf32, #tpu.memory_space<vmem>> -> memref<1x125x64xf32, #tpu.memory_space<vmem>>
      %dma_wait3A_877 = tpu.memref_squeeze %dma_wait3A_876 : memref<1x125x64xf32, #tpu.memory_space<vmem>> -> memref<125x64xf32, #tpu.memory_space<vmem>>
      %dma_wait3A_878 = arith.constant 0 : i32
      %dma_wait3A_879 = tpu.memref_slice %arg7[%add3A_846, %dma_wait3A_878] : memref<80x125xi32, #tpu.memory_space<vmem>> -> memref<1x125xi32, #tpu.memory_space<vmem>>
      %dma_wait3A_880 = tpu.memref_squeeze %dma_wait3A_879 : memref<1x125xi32, #tpu.memory_space<vmem>> -> memref<125xi32, #tpu.memory_space<vmem>>
      %dma_wait3A_881 = arith.constant 0 : i32
      %dma_wait3A_882 = arith.constant 0 : i32
      %dma_wait3A_883 = tpu.memref_slice %arg2[%dma_wait3A_881, %dma_wait3A_882] : memref<10000x64xf32, #tpu.memory_space<hbm>> -> memref<10000x64xf32, #tpu.memory_space<hbm>>
      tpu.wait_indirect_dma semaphore(%arg13 : memref<!tpu.dma_semaphore, #tpu.memory_space<semaphore_mem>>) src(%dma_wait3A_883 : memref<10000x64xf32, #tpu.memory_space<hbm>>) dst(%dma_wait3A_877 : memref<125x64xf32, #tpu.memory_space<vmem>>)
      %dma_start3A_884 = arith.constant 1 : i32
      %dma_start3A_885 = arith.constant 0 : i32
      %dma_start3A_886 = arith.constant 0 : i32
      %dma_start3A_887 = tpu.memref_slice %arg9[%dma_start3A_884, %dma_start3A_885, %dma_start3A_886] : memref<8x125x64xf32, #tpu.memory_space<vmem>> -> memref<1x125x64xf32, #tpu.memory_space<vmem>>
      %dma_start3A_888 = tpu.memref_squeeze %dma_start3A_887 : memref<1x125x64xf32, #tpu.memory_space<vmem>> -> memref<125x64xf32, #tpu.memory_space<vmem>>
      %dma_start3A_889 = arith.constant 0 : i32
      %dma_start3A_890 = tpu.memref_slice %arg8[%add3A_846, %dma_start3A_889] : memref<80x125xi32, #tpu.memory_space<vmem>> -> memref<1x125xi32, #tpu.memory_space<vmem>>
      %dma_start3A_891 = tpu.memref_squeeze %dma_start3A_890 : memref<1x125xi32, #tpu.memory_space<vmem>> -> memref<125xi32, #tpu.memory_space<vmem>>
      %dma_start3A_892 = arith.constant 0 : i32
      %dma_start3A_893 = arith.constant 0 : i32
      %dma_start3A_894 = tpu.memref_slice %arg11[%dma_start3A_892, %dma_start3A_893] : memref<10000x64xf32, #tpu.memory_space<vmem_shared>> -> memref<10000x64xf32, #tpu.memory_space<vmem_shared>>
      tpu.enqueue_indirect_dma source(%dma_start3A_888 : memref<125x64xf32, #tpu.memory_space<vmem>>) target(%dma_start3A_894 : memref<10000x64xf32, #tpu.memory_space<vmem_shared>>) offsets(%dma_start3A_891 : memref<125xi32, #tpu.memory_space<vmem>>) semaphore(%arg21 : memref<!tpu.dma_semaphore, #tpu.memory_space<semaphore_mem>>) {add = true}
      %add3A_895 = arith.constant 2 : i32
      %add3A_896 = arith.addi %mul3A_795, %add3A_895 : i32
      %sub3A_897 = arith.constant 4 : i32
      %sub3A_898 = arith.subi %add3A_896, %sub3A_897 : i32
      %dma_wait3A_899 = arith.constant 6 : i32
      %dma_wait3A_900 = arith.constant 0 : i32
      %dma_wait3A_901 = arith.constant 0 : i32
      %dma_wait3A_902 = tpu.memref_slice %arg9[%dma_wait3A_899, %dma_wait3A_900, %dma_wait3A_901] : memref<8x125x64xf32, #tpu.memory_space<vmem>> -> memref<1x125x64xf32, #tpu.memory_space<vmem>>
      %dma_wait3A_903 = tpu.memref_squeeze %dma_wait3A_902 : memref<1x125x64xf32, #tpu.memory_space<vmem>> -> memref<125x64xf32, #tpu.memory_space<vmem>>
      %dma_wait3A_904 = arith.constant 0 : i32
      %dma_wait3A_905 = tpu.memref_slice %arg8[%sub3A_898, %dma_wait3A_904] : memref<80x125xi32, #tpu.memory_space<vmem>> -> memref<1x125xi32, #tpu.memory_space<vmem>>
      %dma_wait3A_906 = tpu.memref_squeeze %dma_wait3A_905 : memref<1x125xi32, #tpu.memory_space<vmem>> -> memref<125xi32, #tpu.memory_space<vmem>>
      %dma_wait3A_907 = arith.constant 0 : i32
      %dma_wait3A_908 = arith.constant 0 : i32
      %dma_wait3A_909 = tpu.memref_slice %arg11[%dma_wait3A_907, %dma_wait3A_908] : memref<10000x64xf32, #tpu.memory_space<vmem_shared>> -> memref<10000x64xf32, #tpu.memory_space<vmem_shared>>
      tpu.wait_indirect_dma semaphore(%arg26 : memref<!tpu.dma_semaphore, #tpu.memory_space<semaphore_mem>>) src(%dma_wait3A_903 : memref<125x64xf32, #tpu.memory_space<vmem>>) dst(%dma_wait3A_909 : memref<10000x64xf32, #tpu.memory_space<vmem_shared>>)
      %add3A_910 = arith.constant 4 : i32
      %add3A_911 = arith.addi %add3A_896, %add3A_910 : i32
      %dma_start3A_912 = arith.constant 6 : i32
      %dma_start3A_913 = arith.constant 0 : i32
      %dma_start3A_914 = arith.constant 0 : i32
      %dma_start3A_915 = tpu.memref_slice %arg9[%dma_start3A_912, %dma_start3A_913, %dma_start3A_914] : memref<8x125x64xf32, #tpu.memory_space<vmem>> -> memref<1x125x64xf32, #tpu.memory_space<vmem>>
      %dma_start3A_916 = tpu.memref_squeeze %dma_start3A_915 : memref<1x125x64xf32, #tpu.memory_space<vmem>> -> memref<125x64xf32, #tpu.memory_space<vmem>>
      %dma_start3A_917 = arith.constant 0 : i32
      %dma_start3A_918 = tpu.memref_slice %arg7[%add3A_911, %dma_start3A_917] : memref<80x125xi32, #tpu.memory_space<vmem>> -> memref<1x125xi32, #tpu.memory_space<vmem>>
      %dma_start3A_919 = tpu.memref_squeeze %dma_start3A_918 : memref<1x125xi32, #tpu.memory_space<vmem>> -> memref<125xi32, #tpu.memory_space<vmem>>
      %dma_start3A_920 = arith.constant 0 : i32
      %dma_start3A_921 = arith.constant 0 : i32
      %dma_start3A_922 = tpu.memref_slice %arg2[%dma_start3A_920, %dma_start3A_921] : memref<10000x64xf32, #tpu.memory_space<hbm>> -> memref<10000x64xf32, #tpu.memory_space<hbm>>
      tpu.enqueue_indirect_dma source(%dma_start3A_922 : memref<10000x64xf32, #tpu.memory_space<hbm>>) target(%dma_start3A_916 : memref<125x64xf32, #tpu.memory_space<vmem>>) offsets(%dma_start3A_919 : memref<125xi32, #tpu.memory_space<vmem>>) semaphore(%arg18 : memref<!tpu.dma_semaphore, #tpu.memory_space<semaphore_mem>>)
      %dma_wait3A_923 = arith.constant 2 : i32
      %dma_wait3A_924 = arith.constant 0 : i32
      %dma_wait3A_925 = arith.constant 0 : i32
      %dma_wait3A_926 = tpu.memref_slice %arg9[%dma_wait3A_923, %dma_wait3A_924, %dma_wait3A_925] : memref<8x125x64xf32, #tpu.memory_space<vmem>> -> memref<1x125x64xf32, #tpu.memory_space<vmem>>
      %dma_wait3A_927 = tpu.memref_squeeze %dma_wait3A_926 : memref<1x125x64xf32, #tpu.memory_space<vmem>> -> memref<125x64xf32, #tpu.memory_space<vmem>>
      %dma_wait3A_928 = arith.constant 0 : i32
      %dma_wait3A_929 = tpu.memref_slice %arg7[%add3A_896, %dma_wait3A_928] : memref<80x125xi32, #tpu.memory_space<vmem>> -> memref<1x125xi32, #tpu.memory_space<vmem>>
      %dma_wait3A_930 = tpu.memref_squeeze %dma_wait3A_929 : memref<1x125xi32, #tpu.memory_space<vmem>> -> memref<125xi32, #tpu.memory_space<vmem>>
      %dma_wait3A_931 = arith.constant 0 : i32
      %dma_wait3A_932 = arith.constant 0 : i32
      %dma_wait3A_933 = tpu.memref_slice %arg2[%dma_wait3A_931, %dma_wait3A_932] : memref<10000x64xf32, #tpu.memory_space<hbm>> -> memref<10000x64xf32, #tpu.memory_space<hbm>>
      tpu.wait_indirect_dma semaphore(%arg14 : memref<!tpu.dma_semaphore, #tpu.memory_space<semaphore_mem>>) src(%dma_wait3A_933 : memref<10000x64xf32, #tpu.memory_space<hbm>>) dst(%dma_wait3A_927 : memref<125x64xf32, #tpu.memory_space<vmem>>)
      %dma_start3A_934 = arith.constant 2 : i32
      %dma_start3A_935 = arith.constant 0 : i32
      %dma_start3A_936 = arith.constant 0 : i32
      %dma_start3A_937 = tpu.memref_slice %arg9[%dma_start3A_934, %dma_start3A_935, %dma_start3A_936] : memref<8x125x64xf32, #tpu.memory_space<vmem>> -> memref<1x125x64xf32, #tpu.memory_space<vmem>>
      %dma_start3A_938 = tpu.memref_squeeze %dma_start3A_937 : memref<1x125x64xf32, #tpu.memory_space<vmem>> -> memref<125x64xf32, #tpu.memory_space<vmem>>
      %dma_start3A_939 = arith.constant 0 : i32
      %dma_start3A_940 = tpu.memref_slice %arg8[%add3A_896, %dma_start3A_939] : memref<80x125xi32, #tpu.memory_space<vmem>> -> memref<1x125xi32, #tpu.memory_space<vmem>>
      %dma_start3A_941 = tpu.memref_squeeze %dma_start3A_940 : memref<1x125xi32, #tpu.memory_space<vmem>> -> memref<125xi32, #tpu.memory_space<vmem>>
      %dma_start3A_942 = arith.constant 0 : i32
      %dma_start3A_943 = arith.constant 0 : i32
      %dma_start3A_944 = tpu.memref_slice %arg11[%dma_start3A_942, %dma_start3A_943] : memref<10000x64xf32, #tpu.memory_space<vmem_shared>> -> memref<10000x64xf32, #tpu.memory_space<vmem_shared>>
      tpu.enqueue_indirect_dma source(%dma_start3A_938 : memref<125x64xf32, #tpu.memory_space<vmem>>) target(%dma_start3A_944 : memref<10000x64xf32, #tpu.memory_space<vmem_shared>>) offsets(%dma_start3A_941 : memref<125xi32, #tpu.memory_space<vmem>>) semaphore(%arg22 : memref<!tpu.dma_semaphore, #tpu.memory_space<semaphore_mem>>) {add = true}
      %add3A_945 = arith.constant 3 : i32
      %add3A_946 = arith.addi %mul3A_795, %add3A_945 : i32
      %sub3A_947 = arith.constant 4 : i32
      %sub3A_948 = arith.subi %add3A_946, %sub3A_947 : i32
      %dma_wait3A_949 = arith.constant 7 : i32
      %dma_wait3A_950 = arith.constant 0 : i32
      %dma_wait3A_951 = arith.constant 0 : i32
      %dma_wait3A_952 = tpu.memref_slice %arg9[%dma_wait3A_949, %dma_wait3A_950, %dma_wait3A_951] : memref<8x125x64xf32, #tpu.memory_space<vmem>> -> memref<1x125x64xf32, #tpu.memory_space<vmem>>
      %dma_wait3A_953 = tpu.memref_squeeze %dma_wait3A_952 : memref<1x125x64xf32, #tpu.memory_space<vmem>> -> memref<125x64xf32, #tpu.memory_space<vmem>>
      %dma_wait3A_954 = arith.constant 0 : i32
      %dma_wait3A_955 = tpu.memref_slice %arg8[%sub3A_948, %dma_wait3A_954] : memref<80x125xi32, #tpu.memory_space<vmem>> -> memref<1x125xi32, #tpu.memory_space<vmem>>
      %dma_wait3A_956 = tpu.memref_squeeze %dma_wait3A_955 : memref<1x125xi32, #tpu.memory_space<vmem>> -> memref<125xi32, #tpu.memory_space<vmem>>
      %dma_wait3A_957 = arith.constant 0 : i32
      %dma_wait3A_958 = arith.constant 0 : i32
      %dma_wait3A_959 = tpu.memref_slice %arg11[%dma_wait3A_957, %dma_wait3A_958] : memref<10000x64xf32, #tpu.memory_space<vmem_shared>> -> memref<10000x64xf32, #tpu.memory_space<vmem_shared>>
      tpu.wait_indirect_dma semaphore(%arg27 : memref<!tpu.dma_semaphore, #tpu.memory_space<semaphore_mem>>) src(%dma_wait3A_953 : memref<125x64xf32, #tpu.memory_space<vmem>>) dst(%dma_wait3A_959 : memref<10000x64xf32, #tpu.memory_space<vmem_shared>>)
      %add3A_960 = arith.constant 4 : i32
      %add3A_961 = arith.addi %add3A_946, %add3A_960 : i32
      %dma_start3A_962 = arith.constant 7 : i32
      %dma_start3A_963 = arith.constant 0 : i32
      %dma_start3A_964 = arith.constant 0 : i32
      %dma_start3A_965 = tpu.memref_slice %arg9[%dma_start3A_962, %dma_start3A_963, %dma_start3A_964] : memref<8x125x64xf32, #tpu.memory_space<vmem>> -> memref<1x125x64xf32, #tpu.memory_space<vmem>>
      %dma_start3A_966 = tpu.memref_squeeze %dma_start3A_965 : memref<1x125x64xf32, #tpu.memory_space<vmem>> -> memref<125x64xf32, #tpu.memory_space<vmem>>
      %dma_start3A_967 = arith.constant 0 : i32
      %dma_start3A_968 = tpu.memref_slice %arg7[%add3A_961, %dma_start3A_967] : memref<80x125xi32, #tpu.memory_space<vmem>> -> memref<1x125xi32, #tpu.memory_space<vmem>>
      %dma_start3A_969 = tpu.memref_squeeze %dma_start3A_968 : memref<1x125xi32, #tpu.memory_space<vmem>> -> memref<125xi32, #tpu.memory_space<vmem>>
      %dma_start3A_970 = arith.constant 0 : i32
      %dma_start3A_971 = arith.constant 0 : i32
      %dma_start3A_972 = tpu.memref_slice %arg2[%dma_start3A_970, %dma_start3A_971] : memref<10000x64xf32, #tpu.memory_space<hbm>> -> memref<10000x64xf32, #tpu.memory_space<hbm>>
      tpu.enqueue_indirect_dma source(%dma_start3A_972 : memref<10000x64xf32, #tpu.memory_space<hbm>>) target(%dma_start3A_966 : memref<125x64xf32, #tpu.memory_space<vmem>>) offsets(%dma_start3A_969 : memref<125xi32, #tpu.memory_space<vmem>>) semaphore(%arg19 : memref<!tpu.dma_semaphore, #tpu.memory_space<semaphore_mem>>)
      %dma_wait3A_973 = arith.constant 3 : i32
      %dma_wait3A_974 = arith.constant 0 : i32
      %dma_wait3A_975 = arith.constant 0 : i32
      %dma_wait3A_976 = tpu.memref_slice %arg9[%dma_wait3A_973, %dma_wait3A_974, %dma_wait3A_975] : memref<8x125x64xf32, #tpu.memory_space<vmem>> -> memref<1x125x64xf32, #tpu.memory_space<vmem>>
      %dma_wait3A_977 = tpu.memref_squeeze %dma_wait3A_976 : memref<1x125x64xf32, #tpu.memory_space<vmem>> -> memref<125x64xf32, #tpu.memory_space<vmem>>
      %dma_wait3A_978 = arith.constant 0 : i32
      %dma_wait3A_979 = tpu.memref_slice %arg7[%add3A_946, %dma_wait3A_978] : memref<80x125xi32, #tpu.memory_space<vmem>> -> memref<1x125xi32, #tpu.memory_space<vmem>>
      %dma_wait3A_980 = tpu.memref_squeeze %dma_wait3A_979 : memref<1x125xi32, #tpu.memory_space<vmem>> -> memref<125xi32, #tpu.memory_space<vmem>>
      %dma_wait3A_981 = arith.constant 0 : i32
      %dma_wait3A_982 = arith.constant 0 : i32
      %dma_wait3A_983 = tpu.memref_slice %arg2[%dma_wait3A_981, %dma_wait3A_982] : memref<10000x64xf32, #tpu.memory_space<hbm>> -> memref<10000x64xf32, #tpu.memory_space<hbm>>
      tpu.wait_indirect_dma semaphore(%arg15 : memref<!tpu.dma_semaphore, #tpu.memory_space<semaphore_mem>>) src(%dma_wait3A_983 : memref<10000x64xf32, #tpu.memory_space<hbm>>) dst(%dma_wait3A_977 : memref<125x64xf32, #tpu.memory_space<vmem>>)
      %dma_start3A_984 = arith.constant 3 : i32
      %dma_start3A_985 = arith.constant 0 : i32
      %dma_start3A_986 = arith.constant 0 : i32
      %dma_start3A_987 = tpu.memref_slice %arg9[%dma_start3A_984, %dma_start3A_985, %dma_start3A_986] : memref<8x125x64xf32, #tpu.memory_space<vmem>> -> memref<1x125x64xf32, #tpu.memory_space<vmem>>
      %dma_start3A_988 = tpu.memref_squeeze %dma_start3A_987 : memref<1x125x64xf32, #tpu.memory_space<vmem>> -> memref<125x64xf32, #tpu.memory_space<vmem>>
      %dma_start3A_989 = arith.constant 0 : i32
      %dma_start3A_990 = tpu.memref_slice %arg8[%add3A_946, %dma_start3A_989] : memref<80x125xi32, #tpu.memory_space<vmem>> -> memref<1x125xi32, #tpu.memory_space<vmem>>
      %dma_start3A_991 = tpu.memref_squeeze %dma_start3A_990 : memref<1x125xi32, #tpu.memory_space<vmem>> -> memref<125xi32, #tpu.memory_space<vmem>>
      %dma_start3A_992 = arith.constant 0 : i32
      %dma_start3A_993 = arith.constant 0 : i32
      %dma_start3A_994 = tpu.memref_slice %arg11[%dma_start3A_992, %dma_start3A_993] : memref<10000x64xf32, #tpu.memory_space<vmem_shared>> -> memref<10000x64xf32, #tpu.memory_space<vmem_shared>>
      tpu.enqueue_indirect_dma source(%dma_start3A_988 : memref<125x64xf32, #tpu.memory_space<vmem>>) target(%dma_start3A_994 : memref<10000x64xf32, #tpu.memory_space<vmem_shared>>) offsets(%dma_start3A_991 : memref<125xi32, #tpu.memory_space<vmem>>) semaphore(%arg23 : memref<!tpu.dma_semaphore, #tpu.memory_space<semaphore_mem>>) {add = true}
      %add3A_995 = arith.constant 4 : i32
      %add3A_996 = arith.addi %mul3A_795, %add3A_995 : i32
      %sub3A_997 = arith.constant 4 : i32
      %sub3A_998 = arith.subi %add3A_996, %sub3A_997 : i32
      %dma_wait3A_999 = arith.constant 0 : i32
      %dma_wait3A_1000 = arith.constant 0 : i32
      %dma_wait3A_1001 = arith.constant 0 : i32
      %dma_wait3A_1002 = tpu.memref_slice %arg9[%dma_wait3A_999, %dma_wait3A_1000, %dma_wait3A_1001] : memref<8x125x64xf32, #tpu.memory_space<vmem>> -> memref<1x125x64xf32, #tpu.memory_space<vmem>>
      %dma_wait3A_1003 = tpu.memref_squeeze %dma_wait3A_1002 : memref<1x125x64xf32, #tpu.memory_space<vmem>> -> memref<125x64xf32, #tpu.memory_space<vmem>>
      %dma_wait3A_1004 = arith.constant 0 : i32
      %dma_wait3A_1005 = tpu.memref_slice %arg8[%sub3A_998, %dma_wait3A_1004] : memref<80x125xi32, #tpu.memory_space<vmem>> -> memref<1x125xi32, #tpu.memory_space<vmem>>
      %dma_wait3A_1006 = tpu.memref_squeeze %dma_wait3A_1005 : memref<1x125xi32, #tpu.memory_space<vmem>> -> memref<125xi32, #tpu.memory_space<vmem>>
      %dma_wait3A_1007 = arith.constant 0 : i32
      %dma_wait3A_1008 = arith.constant 0 : i32
      %dma_wait3A_1009 = tpu.memref_slice %arg11[%dma_wait3A_1007, %dma_wait3A_1008] : memref<10000x64xf32, #tpu.memory_space<vmem_shared>> -> memref<10000x64xf32, #tpu.memory_space<vmem_shared>>
      tpu.wait_indirect_dma semaphore(%arg20 : memref<!tpu.dma_semaphore, #tpu.memory_space<semaphore_mem>>) src(%dma_wait3A_1003 : memref<125x64xf32, #tpu.memory_space<vmem>>) dst(%dma_wait3A_1009 : memref<10000x64xf32, #tpu.memory_space<vmem_shared>>)
      %add3A_1010 = arith.constant 4 : i32
      %add3A_1011 = arith.addi %add3A_996, %add3A_1010 : i32
      %dma_start3A_1012 = arith.constant 0 : i32
      %dma_start3A_1013 = arith.constant 0 : i32
      %dma_start3A_1014 = arith.constant 0 : i32
      %dma_start3A_1015 = tpu.memref_slice %arg9[%dma_start3A_1012, %dma_start3A_1013, %dma_start3A_1014] : memref<8x125x64xf32, #tpu.memory_space<vmem>> -> memref<1x125x64xf32, #tpu.memory_space<vmem>>
      %dma_start3A_1016 = tpu.memref_squeeze %dma_start3A_1015 : memref<1x125x64xf32, #tpu.memory_space<vmem>> -> memref<125x64xf32, #tpu.memory_space<vmem>>
      %dma_start3A_1017 = arith.constant 0 : i32
      %dma_start3A_1018 = tpu.memref_slice %arg7[%add3A_1011, %dma_start3A_1017] : memref<80x125xi32, #tpu.memory_space<vmem>> -> memref<1x125xi32, #tpu.memory_space<vmem>>
      %dma_start3A_1019 = tpu.memref_squeeze %dma_start3A_1018 : memref<1x125xi32, #tpu.memory_space<vmem>> -> memref<125xi32, #tpu.memory_space<vmem>>
      %dma_start3A_1020 = arith.constant 0 : i32
      %dma_start3A_1021 = arith.constant 0 : i32
      %dma_start3A_1022 = tpu.memref_slice %arg2[%dma_start3A_1020, %dma_start3A_1021] : memref<10000x64xf32, #tpu.memory_space<hbm>> -> memref<10000x64xf32, #tpu.memory_space<hbm>>
      tpu.enqueue_indirect_dma source(%dma_start3A_1022 : memref<10000x64xf32, #tpu.memory_space<hbm>>) target(%dma_start3A_1016 : memref<125x64xf32, #tpu.memory_space<vmem>>) offsets(%dma_start3A_1019 : memref<125xi32, #tpu.memory_space<vmem>>) semaphore(%arg12 : memref<!tpu.dma_semaphore, #tpu.memory_space<semaphore_mem>>)
      %dma_wait3A_1023 = arith.constant 4 : i32
      %dma_wait3A_1024 = arith.constant 0 : i32
      %dma_wait3A_1025 = arith.constant 0 : i32
      %dma_wait3A_1026 = tpu.memref_slice %arg9[%dma_wait3A_1023, %dma_wait3A_1024, %dma_wait3A_1025] : memref<8x125x64xf32, #tpu.memory_space<vmem>> -> memref<1x125x64xf32, #tpu.memory_space<vmem>>
      %dma_wait3A_1027 = tpu.memref_squeeze %dma_wait3A_1026 : memref<1x125x64xf32, #tpu.memory_space<vmem>> -> memref<125x64xf32, #tpu.memory_space<vmem>>
      %dma_wait3A_1028 = arith.constant 0 : i32
      %dma_wait3A_1029 = tpu.memref_slice %arg7[%add3A_996, %dma_wait3A_1028] : memref<80x125xi32, #tpu.memory_space<vmem>> -> memref<1x125xi32, #tpu.memory_space<vmem>>
      %dma_wait3A_1030 = tpu.memref_squeeze %dma_wait3A_1029 : memref<1x125xi32, #tpu.memory_space<vmem>> -> memref<125xi32, #tpu.memory_space<vmem>>
      %dma_wait3A_1031 = arith.constant 0 : i32
      %dma_wait3A_1032 = arith.constant 0 : i32
      %dma_wait3A_1033 = tpu.memref_slice %arg2[%dma_wait3A_1031, %dma_wait3A_1032] : memref<10000x64xf32, #tpu.memory_space<hbm>> -> memref<10000x64xf32, #tpu.memory_space<hbm>>
      tpu.wait_indirect_dma semaphore(%arg16 : memref<!tpu.dma_semaphore, #tpu.memory_space<semaphore_mem>>) src(%dma_wait3A_1033 : memref<10000x64xf32, #tpu.memory_space<hbm>>) dst(%dma_wait3A_1027 : memref<125x64xf32, #tpu.memory_space<vmem>>)
      %dma_start3A_1034 = arith.constant 4 : i32
      %dma_start3A_1035 = arith.constant 0 : i32
      %dma_start3A_1036 = arith.constant 0 : i32
      %dma_start3A_1037 = tpu.memref_slice %arg9[%dma_start3A_1034, %dma_start3A_1035, %dma_start3A_1036] : memref<8x125x64xf32, #tpu.memory_space<vmem>> -> memref<1x125x64xf32, #tpu.memory_space<vmem>>
      %dma_start3A_1038 = tpu.memref_squeeze %dma_start3A_1037 : memref<1x125x64xf32, #tpu.memory_space<vmem>> -> memref<125x64xf32, #tpu.memory_space<vmem>>
      %dma_start3A_1039 = arith.constant 0 : i32
      %dma_start3A_1040 = tpu.memref_slice %arg8[%add3A_996, %dma_start3A_1039] : memref<80x125xi32, #tpu.memory_space<vmem>> -> memref<1x125xi32, #tpu.memory_space<vmem>>
      %dma_start3A_1041 = tpu.memref_squeeze %dma_start3A_1040 : memref<1x125xi32, #tpu.memory_space<vmem>> -> memref<125xi32, #tpu.memory_space<vmem>>
      %dma_start3A_1042 = arith.constant 0 : i32
      %dma_start3A_1043 = arith.constant 0 : i32
      %dma_start3A_1044 = tpu.memref_slice %arg11[%dma_start3A_1042, %dma_start3A_1043] : memref<10000x64xf32, #tpu.memory_space<vmem_shared>> -> memref<10000x64xf32, #tpu.memory_space<vmem_shared>>
      tpu.enqueue_indirect_dma source(%dma_start3A_1038 : memref<125x64xf32, #tpu.memory_space<vmem>>) target(%dma_start3A_1044 : memref<10000x64xf32, #tpu.memory_space<vmem_shared>>) offsets(%dma_start3A_1041 : memref<125xi32, #tpu.memory_space<vmem>>) semaphore(%arg24 : memref<!tpu.dma_semaphore, #tpu.memory_space<semaphore_mem>>) {add = true}
      %add3A_1045 = arith.constant 5 : i32
      %add3A_1046 = arith.addi %mul3A_795, %add3A_1045 : i32
      %sub3A_1047 = arith.constant 4 : i32
      %sub3A_1048 = arith.subi %add3A_1046, %sub3A_1047 : i32
      %dma_wait3A_1049 = arith.constant 1 : i32
      %dma_wait3A_1050 = arith.constant 0 : i32
      %dma_wait3A_1051 = arith.constant 0 : i32
      %dma_wait3A_1052 = tpu.memref_slice %arg9[%dma_wait3A_1049, %dma_wait3A_1050, %dma_wait3A_1051] : memref<8x125x64xf32, #tpu.memory_space<vmem>> -> memref<1x125x64xf32, #tpu.memory_space<vmem>>
      %dma_wait3A_1053 = tpu.memref_squeeze %dma_wait3A_1052 : memref<1x125x64xf32, #tpu.memory_space<vmem>> -> memref<125x64xf32, #tpu.memory_space<vmem>>
      %dma_wait3A_1054 = arith.constant 0 : i32
      %dma_wait3A_1055 = tpu.memref_slice %arg8[%sub3A_1048, %dma_wait3A_1054] : memref<80x125xi32, #tpu.memory_space<vmem>> -> memref<1x125xi32, #tpu.memory_space<vmem>>
      %dma_wait3A_1056 = tpu.memref_squeeze %dma_wait3A_1055 : memref<1x125xi32, #tpu.memory_space<vmem>> -> memref<125xi32, #tpu.memory_space<vmem>>
      %dma_wait3A_1057 = arith.constant 0 : i32
      %dma_wait3A_1058 = arith.constant 0 : i32
      %dma_wait3A_1059 = tpu.memref_slice %arg11[%dma_wait3A_1057, %dma_wait3A_1058] : memref<10000x64xf32, #tpu.memory_space<vmem_shared>> -> memref<10000x64xf32, #tpu.memory_space<vmem_shared>>
      tpu.wait_indirect_dma semaphore(%arg21 : memref<!tpu.dma_semaphore, #tpu.memory_space<semaphore_mem>>) src(%dma_wait3A_1053 : memref<125x64xf32, #tpu.memory_space<vmem>>) dst(%dma_wait3A_1059 : memref<10000x64xf32, #tpu.memory_space<vmem_shared>>)
      %add3A_1060 = arith.constant 4 : i32
      %add3A_1061 = arith.addi %add3A_1046, %add3A_1060 : i32
      %dma_start3A_1062 = arith.constant 1 : i32
      %dma_start3A_1063 = arith.constant 0 : i32
      %dma_start3A_1064 = arith.constant 0 : i32
      %dma_start3A_1065 = tpu.memref_slice %arg9[%dma_start3A_1062, %dma_start3A_1063, %dma_start3A_1064] : memref<8x125x64xf32, #tpu.memory_space<vmem>> -> memref<1x125x64xf32, #tpu.memory_space<vmem>>
      %dma_start3A_1066 = tpu.memref_squeeze %dma_start3A_1065 : memref<1x125x64xf32, #tpu.memory_space<vmem>> -> memref<125x64xf32, #tpu.memory_space<vmem>>
      %dma_start3A_1067 = arith.constant 0 : i32
      %dma_start3A_1068 = tpu.memref_slice %arg7[%add3A_1061, %dma_start3A_1067] : memref<80x125xi32, #tpu.memory_space<vmem>> -> memref<1x125xi32, #tpu.memory_space<vmem>>
      %dma_start3A_1069 = tpu.memref_squeeze %dma_start3A_1068 : memref<1x125xi32, #tpu.memory_space<vmem>> -> memref<125xi32, #tpu.memory_space<vmem>>
      %dma_start3A_1070 = arith.constant 0 : i32
      %dma_start3A_1071 = arith.constant 0 : i32
      %dma_start3A_1072 = tpu.memref_slice %arg2[%dma_start3A_1070, %dma_start3A_1071] : memref<10000x64xf32, #tpu.memory_space<hbm>> -> memref<10000x64xf32, #tpu.memory_space<hbm>>
      tpu.enqueue_indirect_dma source(%dma_start3A_1072 : memref<10000x64xf32, #tpu.memory_space<hbm>>) target(%dma_start3A_1066 : memref<125x64xf32, #tpu.memory_space<vmem>>) offsets(%dma_start3A_1069 : memref<125xi32, #tpu.memory_space<vmem>>) semaphore(%arg13 : memref<!tpu.dma_semaphore, #tpu.memory_space<semaphore_mem>>)
      %dma_wait3A_1073 = arith.constant 5 : i32
      %dma_wait3A_1074 = arith.constant 0 : i32
      %dma_wait3A_1075 = arith.constant 0 : i32
      %dma_wait3A_1076 = tpu.memref_slice %arg9[%dma_wait3A_1073, %dma_wait3A_1074, %dma_wait3A_1075] : memref<8x125x64xf32, #tpu.memory_space<vmem>> -> memref<1x125x64xf32, #tpu.memory_space<vmem>>
      %dma_wait3A_1077 = tpu.memref_squeeze %dma_wait3A_1076 : memref<1x125x64xf32, #tpu.memory_space<vmem>> -> memref<125x64xf32, #tpu.memory_space<vmem>>
      %dma_wait3A_1078 = arith.constant 0 : i32
      %dma_wait3A_1079 = tpu.memref_slice %arg7[%add3A_1046, %dma_wait3A_1078] : memref<80x125xi32, #tpu.memory_space<vmem>> -> memref<1x125xi32, #tpu.memory_space<vmem>>
      %dma_wait3A_1080 = tpu.memref_squeeze %dma_wait3A_1079 : memref<1x125xi32, #tpu.memory_space<vmem>> -> memref<125xi32, #tpu.memory_space<vmem>>
      %dma_wait3A_1081 = arith.constant 0 : i32
      %dma_wait3A_1082 = arith.constant 0 : i32
      %dma_wait3A_1083 = tpu.memref_slice %arg2[%dma_wait3A_1081, %dma_wait3A_1082] : memref<10000x64xf32, #tpu.memory_space<hbm>> -> memref<10000x64xf32, #tpu.memory_space<hbm>>
      tpu.wait_indirect_dma semaphore(%arg17 : memref<!tpu.dma_semaphore, #tpu.memory_space<semaphore_mem>>) src(%dma_wait3A_1083 : memref<10000x64xf32, #tpu.memory_space<hbm>>) dst(%dma_wait3A_1077 : memref<125x64xf32, #tpu.memory_space<vmem>>)
      %dma_start3A_1084 = arith.constant 5 : i32
      %dma_start3A_1085 = arith.constant 0 : i32
      %dma_start3A_1086 = arith.constant 0 : i32
      %dma_start3A_1087 = tpu.memref_slice %arg9[%dma_start3A_1084, %dma_start3A_1085, %dma_start3A_1086] : memref<8x125x64xf32, #tpu.memory_space<vmem>> -> memref<1x125x64xf32, #tpu.memory_space<vmem>>
      %dma_start3A_1088 = tpu.memref_squeeze %dma_start3A_1087 : memref<1x125x64xf32, #tpu.memory_space<vmem>> -> memref<125x64xf32, #tpu.memory_space<vmem>>
      %dma_start3A_1089 = arith.constant 0 : i32
      %dma_start3A_1090 = tpu.memref_slice %arg8[%add3A_1046, %dma_start3A_1089] : memref<80x125xi32, #tpu.memory_space<vmem>> -> memref<1x125xi32, #tpu.memory_space<vmem>>
      %dma_start3A_1091 = tpu.memref_squeeze %dma_start3A_1090 : memref<1x125xi32, #tpu.memory_space<vmem>> -> memref<125xi32, #tpu.memory_space<vmem>>
      %dma_start3A_1092 = arith.constant 0 : i32
      %dma_start3A_1093 = arith.constant 0 : i32
      %dma_start3A_1094 = tpu.memref_slice %arg11[%dma_start3A_1092, %dma_start3A_1093] : memref<10000x64xf32, #tpu.memory_space<vmem_shared>> -> memref<10000x64xf32, #tpu.memory_space<vmem_shared>>
      tpu.enqueue_indirect_dma source(%dma_start3A_1088 : memref<125x64xf32, #tpu.memory_space<vmem>>) target(%dma_start3A_1094 : memref<10000x64xf32, #tpu.memory_space<vmem_shared>>) offsets(%dma_start3A_1091 : memref<125xi32, #tpu.memory_space<vmem>>) semaphore(%arg25 : memref<!tpu.dma_semaphore, #tpu.memory_space<semaphore_mem>>) {add = true}
      %add3A_1095 = arith.constant 6 : i32
      %add3A_1096 = arith.addi %mul3A_795, %add3A_1095 : i32
      %sub3A_1097 = arith.constant 4 : i32
      %sub3A_1098 = arith.subi %add3A_1096, %sub3A_1097 : i32
      %dma_wait3A_1099 = arith.constant 2 : i32
      %dma_wait3A_1100 = arith.constant 0 : i32
      %dma_wait3A_1101 = arith.constant 0 : i32
      %dma_wait3A_1102 = tpu.memref_slice %arg9[%dma_wait3A_1099, %dma_wait3A_1100, %dma_wait3A_1101] : memref<8x125x64xf32, #tpu.memory_space<vmem>> -> memref<1x125x64xf32, #tpu.memory_space<vmem>>
      %dma_wait3A_1103 = tpu.memref_squeeze %dma_wait3A_1102 : memref<1x125x64xf32, #tpu.memory_space<vmem>> -> memref<125x64xf32, #tpu.memory_space<vmem>>
      %dma_wait3A_1104 = arith.constant 0 : i32
      %dma_wait3A_1105 = tpu.memref_slice %arg8[%sub3A_1098, %dma_wait3A_1104] : memref<80x125xi32, #tpu.memory_space<vmem>> -> memref<1x125xi32, #tpu.memory_space<vmem>>
      %dma_wait3A_1106 = tpu.memref_squeeze %dma_wait3A_1105 : memref<1x125xi32, #tpu.memory_space<vmem>> -> memref<125xi32, #tpu.memory_space<vmem>>
      %dma_wait3A_1107 = arith.constant 0 : i32
      %dma_wait3A_1108 = arith.constant 0 : i32
      %dma_wait3A_1109 = tpu.memref_slice %arg11[%dma_wait3A_1107, %dma_wait3A_1108] : memref<10000x64xf32, #tpu.memory_space<vmem_shared>> -> memref<10000x64xf32, #tpu.memory_space<vmem_shared>>
      tpu.wait_indirect_dma semaphore(%arg22 : memref<!tpu.dma_semaphore, #tpu.memory_space<semaphore_mem>>) src(%dma_wait3A_1103 : memref<125x64xf32, #tpu.memory_space<vmem>>) dst(%dma_wait3A_1109 : memref<10000x64xf32, #tpu.memory_space<vmem_shared>>)
      %add3A_1110 = arith.constant 4 : i32
      %add3A_1111 = arith.addi %add3A_1096, %add3A_1110 : i32
      %dma_start3A_1112 = arith.constant 2 : i32
      %dma_start3A_1113 = arith.constant 0 : i32
      %dma_start3A_1114 = arith.constant 0 : i32
      %dma_start3A_1115 = tpu.memref_slice %arg9[%dma_start3A_1112, %dma_start3A_1113, %dma_start3A_1114] : memref<8x125x64xf32, #tpu.memory_space<vmem>> -> memref<1x125x64xf32, #tpu.memory_space<vmem>>
      %dma_start3A_1116 = tpu.memref_squeeze %dma_start3A_1115 : memref<1x125x64xf32, #tpu.memory_space<vmem>> -> memref<125x64xf32, #tpu.memory_space<vmem>>
      %dma_start3A_1117 = arith.constant 0 : i32
      %dma_start3A_1118 = tpu.memref_slice %arg7[%add3A_1111, %dma_start3A_1117] : memref<80x125xi32, #tpu.memory_space<vmem>> -> memref<1x125xi32, #tpu.memory_space<vmem>>
      %dma_start3A_1119 = tpu.memref_squeeze %dma_start3A_1118 : memref<1x125xi32, #tpu.memory_space<vmem>> -> memref<125xi32, #tpu.memory_space<vmem>>
      %dma_start3A_1120 = arith.constant 0 : i32
      %dma_start3A_1121 = arith.constant 0 : i32
      %dma_start3A_1122 = tpu.memref_slice %arg2[%dma_start3A_1120, %dma_start3A_1121] : memref<10000x64xf32, #tpu.memory_space<hbm>> -> memref<10000x64xf32, #tpu.memory_space<hbm>>
      tpu.enqueue_indirect_dma source(%dma_start3A_1122 : memref<10000x64xf32, #tpu.memory_space<hbm>>) target(%dma_start3A_1116 : memref<125x64xf32, #tpu.memory_space<vmem>>) offsets(%dma_start3A_1119 : memref<125xi32, #tpu.memory_space<vmem>>) semaphore(%arg14 : memref<!tpu.dma_semaphore, #tpu.memory_space<semaphore_mem>>)
      %dma_wait3A_1123 = arith.constant 6 : i32
      %dma_wait3A_1124 = arith.constant 0 : i32
      %dma_wait3A_1125 = arith.constant 0 : i32
      %dma_wait3A_1126 = tpu.memref_slice %arg9[%dma_wait3A_1123, %dma_wait3A_1124, %dma_wait3A_1125] : memref<8x125x64xf32, #tpu.memory_space<vmem>> -> memref<1x125x64xf32, #tpu.memory_space<vmem>>
      %dma_wait3A_1127 = tpu.memref_squeeze %dma_wait3A_1126 : memref<1x125x64xf32, #tpu.memory_space<vmem>> -> memref<125x64xf32, #tpu.memory_space<vmem>>
      %dma_wait3A_1128 = arith.constant 0 : i32
      %dma_wait3A_1129 = tpu.memref_slice %arg7[%add3A_1096, %dma_wait3A_1128] : memref<80x125xi32, #tpu.memory_space<vmem>> -> memref<1x125xi32, #tpu.memory_space<vmem>>
      %dma_wait3A_1130 = tpu.memref_squeeze %dma_wait3A_1129 : memref<1x125xi32, #tpu.memory_space<vmem>> -> memref<125xi32, #tpu.memory_space<vmem>>
      %dma_wait3A_1131 = arith.constant 0 : i32
      %dma_wait3A_1132 = arith.constant 0 : i32
      %dma_wait3A_1133 = tpu.memref_slice %arg2[%dma_wait3A_1131, %dma_wait3A_1132] : memref<10000x64xf32, #tpu.memory_space<hbm>> -> memref<10000x64xf32, #tpu.memory_space<hbm>>
      tpu.wait_indirect_dma semaphore(%arg18 : memref<!tpu.dma_semaphore, #tpu.memory_space<semaphore_mem>>) src(%dma_wait3A_1133 : memref<10000x64xf32, #tpu.memory_space<hbm>>) dst(%dma_wait3A_1127 : memref<125x64xf32, #tpu.memory_space<vmem>>)
      %dma_start3A_1134 = arith.constant 6 : i32
      %dma_start3A_1135 = arith.constant 0 : i32
      %dma_start3A_1136 = arith.constant 0 : i32
      %dma_start3A_1137 = tpu.memref_slice %arg9[%dma_start3A_1134, %dma_start3A_1135, %dma_start3A_1136] : memref<8x125x64xf32, #tpu.memory_space<vmem>> -> memref<1x125x64xf32, #tpu.memory_space<vmem>>
      %dma_start3A_1138 = tpu.memref_squeeze %dma_start3A_1137 : memref<1x125x64xf32, #tpu.memory_space<vmem>> -> memref<125x64xf32, #tpu.memory_space<vmem>>
      %dma_start3A_1139 = arith.constant 0 : i32
      %dma_start3A_1140 = tpu.memref_slice %arg8[%add3A_1096, %dma_start3A_1139] : memref<80x125xi32, #tpu.memory_space<vmem>> -> memref<1x125xi32, #tpu.memory_space<vmem>>
      %dma_start3A_1141 = tpu.memref_squeeze %dma_start3A_1140 : memref<1x125xi32, #tpu.memory_space<vmem>> -> memref<125xi32, #tpu.memory_space<vmem>>
      %dma_start3A_1142 = arith.constant 0 : i32
      %dma_start3A_1143 = arith.constant 0 : i32
      %dma_start3A_1144 = tpu.memref_slice %arg11[%dma_start3A_1142, %dma_start3A_1143] : memref<10000x64xf32, #tpu.memory_space<vmem_shared>> -> memref<10000x64xf32, #tpu.memory_space<vmem_shared>>
      tpu.enqueue_indirect_dma source(%dma_start3A_1138 : memref<125x64xf32, #tpu.memory_space<vmem>>) target(%dma_start3A_1144 : memref<10000x64xf32, #tpu.memory_space<vmem_shared>>) offsets(%dma_start3A_1141 : memref<125xi32, #tpu.memory_space<vmem>>) semaphore(%arg26 : memref<!tpu.dma_semaphore, #tpu.memory_space<semaphore_mem>>) {add = true}
      %add3A_1145 = arith.constant 7 : i32
      %add3A_1146 = arith.addi %mul3A_795, %add3A_1145 : i32
      %sub3A_1147 = arith.constant 4 : i32
      %sub3A_1148 = arith.subi %add3A_1146, %sub3A_1147 : i32
      %dma_wait3A_1149 = arith.constant 3 : i32
      %dma_wait3A_1150 = arith.constant 0 : i32
      %dma_wait3A_1151 = arith.constant 0 : i32
      %dma_wait3A_1152 = tpu.memref_slice %arg9[%dma_wait3A_1149, %dma_wait3A_1150, %dma_wait3A_1151] : memref<8x125x64xf32, #tpu.memory_space<vmem>> -> memref<1x125x64xf32, #tpu.memory_space<vmem>>
      %dma_wait3A_1153 = tpu.memref_squeeze %dma_wait3A_1152 : memref<1x125x64xf32, #tpu.memory_space<vmem>> -> memref<125x64xf32, #tpu.memory_space<vmem>>
      %dma_wait3A_1154 = arith.constant 0 : i32
      %dma_wait3A_1155 = tpu.memref_slice %arg8[%sub3A_1148, %dma_wait3A_1154] : memref<80x125xi32, #tpu.memory_space<vmem>> -> memref<1x125xi32, #tpu.memory_space<vmem>>
      %dma_wait3A_1156 = tpu.memref_squeeze %dma_wait3A_1155 : memref<1x125xi32, #tpu.memory_space<vmem>> -> memref<125xi32, #tpu.memory_space<vmem>>
      %dma_wait3A_1157 = arith.constant 0 : i32
      %dma_wait3A_1158 = arith.constant 0 : i32
      %dma_wait3A_1159 = tpu.memref_slice %arg11[%dma_wait3A_1157, %dma_wait3A_1158] : memref<10000x64xf32, #tpu.memory_space<vmem_shared>> -> memref<10000x64xf32, #tpu.memory_space<vmem_shared>>
      tpu.wait_indirect_dma semaphore(%arg23 : memref<!tpu.dma_semaphore, #tpu.memory_space<semaphore_mem>>) src(%dma_wait3A_1153 : memref<125x64xf32, #tpu.memory_space<vmem>>) dst(%dma_wait3A_1159 : memref<10000x64xf32, #tpu.memory_space<vmem_shared>>)
      %add3A_1160 = arith.constant 4 : i32
      %add3A_1161 = arith.addi %add3A_1146, %add3A_1160 : i32
      %dma_start3A_1162 = arith.constant 3 : i32
      %dma_start3A_1163 = arith.constant 0 : i32
      %dma_start3A_1164 = arith.constant 0 : i32
      %dma_start3A_1165 = tpu.memref_slice %arg9[%dma_start3A_1162, %dma_start3A_1163, %dma_start3A_1164] : memref<8x125x64xf32, #tpu.memory_space<vmem>> -> memref<1x125x64xf32, #tpu.memory_space<vmem>>
      %dma_start3A_1166 = tpu.memref_squeeze %dma_start3A_1165 : memref<1x125x64xf32, #tpu.memory_space<vmem>> -> memref<125x64xf32, #tpu.memory_space<vmem>>
      %dma_start3A_1167 = arith.constant 0 : i32
      %dma_start3A_1168 = tpu.memref_slice %arg7[%add3A_1161, %dma_start3A_1167] : memref<80x125xi32, #tpu.memory_space<vmem>> -> memref<1x125xi32, #tpu.memory_space<vmem>>
      %dma_start3A_1169 = tpu.memref_squeeze %dma_start3A_1168 : memref<1x125xi32, #tpu.memory_space<vmem>> -> memref<125xi32, #tpu.memory_space<vmem>>
      %dma_start3A_1170 = arith.constant 0 : i32
      %dma_start3A_1171 = arith.constant 0 : i32
      %dma_start3A_1172 = tpu.memref_slice %arg2[%dma_start3A_1170, %dma_start3A_1171] : memref<10000x64xf32, #tpu.memory_space<hbm>> -> memref<10000x64xf32, #tpu.memory_space<hbm>>
      tpu.enqueue_indirect_dma source(%dma_start3A_1172 : memref<10000x64xf32, #tpu.memory_space<hbm>>) target(%dma_start3A_1166 : memref<125x64xf32, #tpu.memory_space<vmem>>) offsets(%dma_start3A_1169 : memref<125xi32, #tpu.memory_space<vmem>>) semaphore(%arg15 : memref<!tpu.dma_semaphore, #tpu.memory_space<semaphore_mem>>)
      %dma_wait3A_1173 = arith.constant 7 : i32
      %dma_wait3A_1174 = arith.constant 0 : i32
      %dma_wait3A_1175 = arith.constant 0 : i32
      %dma_wait3A_1176 = tpu.memref_slice %arg9[%dma_wait3A_1173, %dma_wait3A_1174, %dma_wait3A_1175] : memref<8x125x64xf32, #tpu.memory_space<vmem>> -> memref<1x125x64xf32, #tpu.memory_space<vmem>>
      %dma_wait3A_1177 = tpu.memref_squeeze %dma_wait3A_1176 : memref<1x125x64xf32, #tpu.memory_space<vmem>> -> memref<125x64xf32, #tpu.memory_space<vmem>>
      %dma_wait3A_1178 = arith.constant 0 : i32
      %dma_wait3A_1179 = tpu.memref_slice %arg7[%add3A_1146, %dma_wait3A_1178] : memref<80x125xi32, #tpu.memory_space<vmem>> -> memref<1x125xi32, #tpu.memory_space<vmem>>
      %dma_wait3A_1180 = tpu.memref_squeeze %dma_wait3A_1179 : memref<1x125xi32, #tpu.memory_space<vmem>> -> memref<125xi32, #tpu.memory_space<vmem>>
      %dma_wait3A_1181 = arith.constant 0 : i32
      %dma_wait3A_1182 = arith.constant 0 : i32
      %dma_wait3A_1183 = tpu.memref_slice %arg2[%dma_wait3A_1181, %dma_wait3A_1182] : memref<10000x64xf32, #tpu.memory_space<hbm>> -> memref<10000x64xf32, #tpu.memory_space<hbm>>
      tpu.wait_indirect_dma semaphore(%arg19 : memref<!tpu.dma_semaphore, #tpu.memory_space<semaphore_mem>>) src(%dma_wait3A_1183 : memref<10000x64xf32, #tpu.memory_space<hbm>>) dst(%dma_wait3A_1177 : memref<125x64xf32, #tpu.memory_space<vmem>>)
      %dma_start3A_1184 = arith.constant 7 : i32
      %dma_start3A_1185 = arith.constant 0 : i32
      %dma_start3A_1186 = arith.constant 0 : i32
      %dma_start3A_1187 = tpu.memref_slice %arg9[%dma_start3A_1184, %dma_start3A_1185, %dma_start3A_1186] : memref<8x125x64xf32, #tpu.memory_space<vmem>> -> memref<1x125x64xf32, #tpu.memory_space<vmem>>
      %dma_start3A_1188 = tpu.memref_squeeze %dma_start3A_1187 : memref<1x125x64xf32, #tpu.memory_space<vmem>> -> memref<125x64xf32, #tpu.memory_space<vmem>>
      %dma_start3A_1189 = arith.constant 0 : i32
      %dma_start3A_1190 = tpu.memref_slice %arg8[%add3A_1146, %dma_start3A_1189] : memref<80x125xi32, #tpu.memory_space<vmem>> -> memref<1x125xi32, #tpu.memory_space<vmem>>
      %dma_start3A_1191 = tpu.memref_squeeze %dma_start3A_1190 : memref<1x125xi32, #tpu.memory_space<vmem>> -> memref<125xi32, #tpu.memory_space<vmem>>
      %dma_start3A_1192 = arith.constant 0 : i32
      %dma_start3A_1193 = arith.constant 0 : i32
      %dma_start3A_1194 = tpu.memref_slice %arg11[%dma_start3A_1192, %dma_start3A_1193] : memref<10000x64xf32, #tpu.memory_space<vmem_shared>> -> memref<10000x64xf32, #tpu.memory_space<vmem_shared>>
      tpu.enqueue_indirect_dma source(%dma_start3A_1188 : memref<125x64xf32, #tpu.memory_space<vmem>>) target(%dma_start3A_1194 : memref<10000x64xf32, #tpu.memory_space<vmem_shared>>) offsets(%dma_start3A_1191 : memref<125xi32, #tpu.memory_space<vmem>>) semaphore(%arg27 : memref<!tpu.dma_semaphore, #tpu.memory_space<semaphore_mem>>) {add = true}
    }
    %scan3A_395 = arith.constant 8 : i32
    %dma_wait3A_396 = arith.constant 4 : i32
    %dma_wait3A_397 = arith.constant 68 : i32
    %dma_wait3A_398 = arith.constant 0 : i32
    %dma_wait3A_399 = arith.constant 0 : i32
    %dma_wait3A_400 = tpu.memref_slice %arg9[%dma_wait3A_396, %dma_wait3A_398, %dma_wait3A_399] : memref<8x125x64xf32, #tpu.memory_space<vmem>> -> memref<1x125x64xf32, #tpu.memory_space<vmem>>
    %dma_wait3A_401 = tpu.memref_squeeze %dma_wait3A_400 : memref<1x125x64xf32, #tpu.memory_space<vmem>> -> memref<125x64xf32, #tpu.memory_space<vmem>>
    %dma_wait3A_402 = arith.constant 0 : i32
    %dma_wait3A_403 = tpu.memref_slice %arg8[%dma_wait3A_397, %dma_wait3A_402] : memref<80x125xi32, #tpu.memory_space<vmem>> -> memref<1x125xi32, #tpu.memory_space<vmem>>
    %dma_wait3A_404 = tpu.memref_squeeze %dma_wait3A_403 : memref<1x125xi32, #tpu.memory_space<vmem>> -> memref<125xi32, #tpu.memory_space<vmem>>
    %dma_wait3A_405 = arith.constant 0 : i32
    %dma_wait3A_406 = arith.constant 0 : i32
    %dma_wait3A_407 = tpu.memref_slice %arg11[%dma_wait3A_405, %dma_wait3A_406] : memref<10000x64xf32, #tpu.memory_space<vmem_shared>> -> memref<10000x64xf32, #tpu.memory_space<vmem_shared>>
    tpu.wait_indirect_dma semaphore(%arg24 : memref<!tpu.dma_semaphore, #tpu.memory_space<semaphore_mem>>) src(%dma_wait3A_401 : memref<125x64xf32, #tpu.memory_space<vmem>>) dst(%dma_wait3A_407 : memref<10000x64xf32, #tpu.memory_space<vmem_shared>>)
    %dma_start3A_408 = arith.constant 76 : i32
    %dma_start3A_409 = arith.constant 4 : i32
    %dma_start3A_410 = arith.constant 0 : i32
    %dma_start3A_411 = arith.constant 0 : i32
    %dma_start3A_412 = tpu.memref_slice %arg9[%dma_start3A_409, %dma_start3A_410, %dma_start3A_411] : memref<8x125x64xf32, #tpu.memory_space<vmem>> -> memref<1x125x64xf32, #tpu.memory_space<vmem>>
    %dma_start3A_413 = tpu.memref_squeeze %dma_start3A_412 : memref<1x125x64xf32, #tpu.memory_space<vmem>> -> memref<125x64xf32, #tpu.memory_space<vmem>>
    %dma_start3A_414 = arith.constant 0 : i32
    %dma_start3A_415 = tpu.memref_slice %arg7[%dma_start3A_408, %dma_start3A_414] : memref<80x125xi32, #tpu.memory_space<vmem>> -> memref<1x125xi32, #tpu.memory_space<vmem>>
    %dma_start3A_416 = tpu.memref_squeeze %dma_start3A_415 : memref<1x125xi32, #tpu.memory_space<vmem>> -> memref<125xi32, #tpu.memory_space<vmem>>
    %dma_start3A_417 = arith.constant 0 : i32
    %dma_start3A_418 = arith.constant 0 : i32
    %dma_start3A_419 = tpu.memref_slice %arg2[%dma_start3A_417, %dma_start3A_418] : memref<10000x64xf32, #tpu.memory_space<hbm>> -> memref<10000x64xf32, #tpu.memory_space<hbm>>
    tpu.enqueue_indirect_dma source(%dma_start3A_419 : memref<10000x64xf32, #tpu.memory_space<hbm>>) target(%dma_start3A_413 : memref<125x64xf32, #tpu.memory_space<vmem>>) offsets(%dma_start3A_416 : memref<125xi32, #tpu.memory_space<vmem>>) semaphore(%arg16 : memref<!tpu.dma_semaphore, #tpu.memory_space<semaphore_mem>>)
    %dma_wait3A_420 = arith.constant 72 : i32
    %dma_wait3A_421 = arith.constant 0 : i32
    %dma_wait3A_422 = arith.constant 0 : i32
    %dma_wait3A_423 = arith.constant 0 : i32
    %dma_wait3A_424 = tpu.memref_slice %arg9[%dma_wait3A_421, %dma_wait3A_422, %dma_wait3A_423] : memref<8x125x64xf32, #tpu.memory_space<vmem>> -> memref<1x125x64xf32, #tpu.memory_space<vmem>>
    %dma_wait3A_425 = tpu.memref_squeeze %dma_wait3A_424 : memref<1x125x64xf32, #tpu.memory_space<vmem>> -> memref<125x64xf32, #tpu.memory_space<vmem>>
    %dma_wait3A_426 = arith.constant 0 : i32
    %dma_wait3A_427 = tpu.memref_slice %arg7[%dma_wait3A_420, %dma_wait3A_426] : memref<80x125xi32, #tpu.memory_space<vmem>> -> memref<1x125xi32, #tpu.memory_space<vmem>>
    %dma_wait3A_428 = tpu.memref_squeeze %dma_wait3A_427 : memref<1x125xi32, #tpu.memory_space<vmem>> -> memref<125xi32, #tpu.memory_space<vmem>>
    %dma_wait3A_429 = arith.constant 0 : i32
    %dma_wait3A_430 = arith.constant 0 : i32
    %dma_wait3A_431 = tpu.memref_slice %arg2[%dma_wait3A_429, %dma_wait3A_430] : memref<10000x64xf32, #tpu.memory_space<hbm>> -> memref<10000x64xf32, #tpu.memory_space<hbm>>
    tpu.wait_indirect_dma semaphore(%arg12 : memref<!tpu.dma_semaphore, #tpu.memory_space<semaphore_mem>>) src(%dma_wait3A_431 : memref<10000x64xf32, #tpu.memory_space<hbm>>) dst(%dma_wait3A_425 : memref<125x64xf32, #tpu.memory_space<vmem>>)
    %dma_start3A_432 = arith.constant 0 : i32
    %dma_start3A_433 = arith.constant 72 : i32
    %dma_start3A_434 = arith.constant 0 : i32
    %dma_start3A_435 = arith.constant 0 : i32
    %dma_start3A_436 = tpu.memref_slice %arg9[%dma_start3A_432, %dma_start3A_434, %dma_start3A_435] : memref<8x125x64xf32, #tpu.memory_space<vmem>> -> memref<1x125x64xf32, #tpu.memory_space<vmem>>
    %dma_start3A_437 = tpu.memref_squeeze %dma_start3A_436 : memref<1x125x64xf32, #tpu.memory_space<vmem>> -> memref<125x64xf32, #tpu.memory_space<vmem>>
    %dma_start3A_438 = arith.constant 0 : i32
    %dma_start3A_439 = tpu.memref_slice %arg8[%dma_start3A_433, %dma_start3A_438] : memref<80x125xi32, #tpu.memory_space<vmem>> -> memref<1x125xi32, #tpu.memory_space<vmem>>
    %dma_start3A_440 = tpu.memref_squeeze %dma_start3A_439 : memref<1x125xi32, #tpu.memory_space<vmem>> -> memref<125xi32, #tpu.memory_space<vmem>>
    %dma_start3A_441 = arith.constant 0 : i32
    %dma_start3A_442 = arith.constant 0 : i32
    %dma_start3A_443 = tpu.memref_slice %arg11[%dma_start3A_441, %dma_start3A_442] : memref<10000x64xf32, #tpu.memory_space<vmem_shared>> -> memref<10000x64xf32, #tpu.memory_space<vmem_shared>>
    tpu.enqueue_indirect_dma source(%dma_start3A_437 : memref<125x64xf32, #tpu.memory_space<vmem>>) target(%dma_start3A_443 : memref<10000x64xf32, #tpu.memory_space<vmem_shared>>) offsets(%dma_start3A_440 : memref<125xi32, #tpu.memory_space<vmem>>) semaphore(%arg20 : memref<!tpu.dma_semaphore, #tpu.memory_space<semaphore_mem>>) {add = true}
    %dma_wait3A_444 = arith.constant 5 : i32
    %dma_wait3A_445 = arith.constant 69 : i32
    %dma_wait3A_446 = arith.constant 0 : i32
    %dma_wait3A_447 = arith.constant 0 : i32
    %dma_wait3A_448 = tpu.memref_slice %arg9[%dma_wait3A_444, %dma_wait3A_446, %dma_wait3A_447] : memref<8x125x64xf32, #tpu.memory_space<vmem>> -> memref<1x125x64xf32, #tpu.memory_space<vmem>>
    %dma_wait3A_449 = tpu.memref_squeeze %dma_wait3A_448 : memref<1x125x64xf32, #tpu.memory_space<vmem>> -> memref<125x64xf32, #tpu.memory_space<vmem>>
    %dma_wait3A_450 = arith.constant 0 : i32
    %dma_wait3A_451 = tpu.memref_slice %arg8[%dma_wait3A_445, %dma_wait3A_450] : memref<80x125xi32, #tpu.memory_space<vmem>> -> memref<1x125xi32, #tpu.memory_space<vmem>>
    %dma_wait3A_452 = tpu.memref_squeeze %dma_wait3A_451 : memref<1x125xi32, #tpu.memory_space<vmem>> -> memref<125xi32, #tpu.memory_space<vmem>>
    %dma_wait3A_453 = arith.constant 0 : i32
    %dma_wait3A_454 = arith.constant 0 : i32
    %dma_wait3A_455 = tpu.memref_slice %arg11[%dma_wait3A_453, %dma_wait3A_454] : memref<10000x64xf32, #tpu.memory_space<vmem_shared>> -> memref<10000x64xf32, #tpu.memory_space<vmem_shared>>
    tpu.wait_indirect_dma semaphore(%arg25 : memref<!tpu.dma_semaphore, #tpu.memory_space<semaphore_mem>>) src(%dma_wait3A_449 : memref<125x64xf32, #tpu.memory_space<vmem>>) dst(%dma_wait3A_455 : memref<10000x64xf32, #tpu.memory_space<vmem_shared>>)
    %dma_start3A_456 = arith.constant 77 : i32
    %dma_start3A_457 = arith.constant 5 : i32
    %dma_start3A_458 = arith.constant 0 : i32
    %dma_start3A_459 = arith.constant 0 : i32
    %dma_start3A_460 = tpu.memref_slice %arg9[%dma_start3A_457, %dma_start3A_458, %dma_start3A_459] : memref<8x125x64xf32, #tpu.memory_space<vmem>> -> memref<1x125x64xf32, #tpu.memory_space<vmem>>
    %dma_start3A_461 = tpu.memref_squeeze %dma_start3A_460 : memref<1x125x64xf32, #tpu.memory_space<vmem>> -> memref<125x64xf32, #tpu.memory_space<vmem>>
    %dma_start3A_462 = arith.constant 0 : i32
    %dma_start3A_463 = tpu.memref_slice %arg7[%dma_start3A_456, %dma_start3A_462] : memref<80x125xi32, #tpu.memory_space<vmem>> -> memref<1x125xi32, #tpu.memory_space<vmem>>
    %dma_start3A_464 = tpu.memref_squeeze %dma_start3A_463 : memref<1x125xi32, #tpu.memory_space<vmem>> -> memref<125xi32, #tpu.memory_space<vmem>>
    %dma_start3A_465 = arith.constant 0 : i32
    %dma_start3A_466 = arith.constant 0 : i32
    %dma_start3A_467 = tpu.memref_slice %arg2[%dma_start3A_465, %dma_start3A_466] : memref<10000x64xf32, #tpu.memory_space<hbm>> -> memref<10000x64xf32, #tpu.memory_space<hbm>>
    tpu.enqueue_indirect_dma source(%dma_start3A_467 : memref<10000x64xf32, #tpu.memory_space<hbm>>) target(%dma_start3A_461 : memref<125x64xf32, #tpu.memory_space<vmem>>) offsets(%dma_start3A_464 : memref<125xi32, #tpu.memory_space<vmem>>) semaphore(%arg17 : memref<!tpu.dma_semaphore, #tpu.memory_space<semaphore_mem>>)
    %dma_wait3A_468 = arith.constant 73 : i32
    %dma_wait3A_469 = arith.constant 1 : i32
    %dma_wait3A_470 = arith.constant 0 : i32
    %dma_wait3A_471 = arith.constant 0 : i32
    %dma_wait3A_472 = tpu.memref_slice %arg9[%dma_wait3A_469, %dma_wait3A_470, %dma_wait3A_471] : memref<8x125x64xf32, #tpu.memory_space<vmem>> -> memref<1x125x64xf32, #tpu.memory_space<vmem>>
    %dma_wait3A_473 = tpu.memref_squeeze %dma_wait3A_472 : memref<1x125x64xf32, #tpu.memory_space<vmem>> -> memref<125x64xf32, #tpu.memory_space<vmem>>
    %dma_wait3A_474 = arith.constant 0 : i32
    %dma_wait3A_475 = tpu.memref_slice %arg7[%dma_wait3A_468, %dma_wait3A_474] : memref<80x125xi32, #tpu.memory_space<vmem>> -> memref<1x125xi32, #tpu.memory_space<vmem>>
    %dma_wait3A_476 = tpu.memref_squeeze %dma_wait3A_475 : memref<1x125xi32, #tpu.memory_space<vmem>> -> memref<125xi32, #tpu.memory_space<vmem>>
    %dma_wait3A_477 = arith.constant 0 : i32
    %dma_wait3A_478 = arith.constant 0 : i32
    %dma_wait3A_479 = tpu.memref_slice %arg2[%dma_wait3A_477, %dma_wait3A_478] : memref<10000x64xf32, #tpu.memory_space<hbm>> -> memref<10000x64xf32, #tpu.memory_space<hbm>>
    tpu.wait_indirect_dma semaphore(%arg13 : memref<!tpu.dma_semaphore, #tpu.memory_space<semaphore_mem>>) src(%dma_wait3A_479 : memref<10000x64xf32, #tpu.memory_space<hbm>>) dst(%dma_wait3A_473 : memref<125x64xf32, #tpu.memory_space<vmem>>)
    %dma_start3A_480 = arith.constant 1 : i32
    %dma_start3A_481 = arith.constant 73 : i32
    %dma_start3A_482 = arith.constant 0 : i32
    %dma_start3A_483 = arith.constant 0 : i32
    %dma_start3A_484 = tpu.memref_slice %arg9[%dma_start3A_480, %dma_start3A_482, %dma_start3A_483] : memref<8x125x64xf32, #tpu.memory_space<vmem>> -> memref<1x125x64xf32, #tpu.memory_space<vmem>>
    %dma_start3A_485 = tpu.memref_squeeze %dma_start3A_484 : memref<1x125x64xf32, #tpu.memory_space<vmem>> -> memref<125x64xf32, #tpu.memory_space<vmem>>
    %dma_start3A_486 = arith.constant 0 : i32
    %dma_start3A_487 = tpu.memref_slice %arg8[%dma_start3A_481, %dma_start3A_486] : memref<80x125xi32, #tpu.memory_space<vmem>> -> memref<1x125xi32, #tpu.memory_space<vmem>>
    %dma_start3A_488 = tpu.memref_squeeze %dma_start3A_487 : memref<1x125xi32, #tpu.memory_space<vmem>> -> memref<125xi32, #tpu.memory_space<vmem>>
    %dma_start3A_489 = arith.constant 0 : i32
    %dma_start3A_490 = arith.constant 0 : i32
    %dma_start3A_491 = tpu.memref_slice %arg11[%dma_start3A_489, %dma_start3A_490] : memref<10000x64xf32, #tpu.memory_space<vmem_shared>> -> memref<10000x64xf32, #tpu.memory_space<vmem_shared>>
    tpu.enqueue_indirect_dma source(%dma_start3A_485 : memref<125x64xf32, #tpu.memory_space<vmem>>) target(%dma_start3A_491 : memref<10000x64xf32, #tpu.memory_space<vmem_shared>>) offsets(%dma_start3A_488 : memref<125xi32, #tpu.memory_space<vmem>>) semaphore(%arg21 : memref<!tpu.dma_semaphore, #tpu.memory_space<semaphore_mem>>) {add = true}
    %dma_wait3A_492 = arith.constant 6 : i32
    %dma_wait3A_493 = arith.constant 70 : i32
    %dma_wait3A_494 = arith.constant 0 : i32
    %dma_wait3A_495 = arith.constant 0 : i32
    %dma_wait3A_496 = tpu.memref_slice %arg9[%dma_wait3A_492, %dma_wait3A_494, %dma_wait3A_495] : memref<8x125x64xf32, #tpu.memory_space<vmem>> -> memref<1x125x64xf32, #tpu.memory_space<vmem>>
    %dma_wait3A_497 = tpu.memref_squeeze %dma_wait3A_496 : memref<1x125x64xf32, #tpu.memory_space<vmem>> -> memref<125x64xf32, #tpu.memory_space<vmem>>
    %dma_wait3A_498 = arith.constant 0 : i32
    %dma_wait3A_499 = tpu.memref_slice %arg8[%dma_wait3A_493, %dma_wait3A_498] : memref<80x125xi32, #tpu.memory_space<vmem>> -> memref<1x125xi32, #tpu.memory_space<vmem>>
    %dma_wait3A_500 = tpu.memref_squeeze %dma_wait3A_499 : memref<1x125xi32, #tpu.memory_space<vmem>> -> memref<125xi32, #tpu.memory_space<vmem>>
    %dma_wait3A_501 = arith.constant 0 : i32
    %dma_wait3A_502 = arith.constant 0 : i32
    %dma_wait3A_503 = tpu.memref_slice %arg11[%dma_wait3A_501, %dma_wait3A_502] : memref<10000x64xf32, #tpu.memory_space<vmem_shared>> -> memref<10000x64xf32, #tpu.memory_space<vmem_shared>>
    tpu.wait_indirect_dma semaphore(%arg26 : memref<!tpu.dma_semaphore, #tpu.memory_space<semaphore_mem>>) src(%dma_wait3A_497 : memref<125x64xf32, #tpu.memory_space<vmem>>) dst(%dma_wait3A_503 : memref<10000x64xf32, #tpu.memory_space<vmem_shared>>)
    %dma_start3A_504 = arith.constant 78 : i32
    %dma_start3A_505 = arith.constant 6 : i32
    %dma_start3A_506 = arith.constant 0 : i32
    %dma_start3A_507 = arith.constant 0 : i32
    %dma_start3A_508 = tpu.memref_slice %arg9[%dma_start3A_505, %dma_start3A_506, %dma_start3A_507] : memref<8x125x64xf32, #tpu.memory_space<vmem>> -> memref<1x125x64xf32, #tpu.memory_space<vmem>>
    %dma_start3A_509 = tpu.memref_squeeze %dma_start3A_508 : memref<1x125x64xf32, #tpu.memory_space<vmem>> -> memref<125x64xf32, #tpu.memory_space<vmem>>
    %dma_start3A_510 = arith.constant 0 : i32
    %dma_start3A_511 = tpu.memref_slice %arg7[%dma_start3A_504, %dma_start3A_510] : memref<80x125xi32, #tpu.memory_space<vmem>> -> memref<1x125xi32, #tpu.memory_space<vmem>>
    %dma_start3A_512 = tpu.memref_squeeze %dma_start3A_511 : memref<1x125xi32, #tpu.memory_space<vmem>> -> memref<125xi32, #tpu.memory_space<vmem>>
    %dma_start3A_513 = arith.constant 0 : i32
    %dma_start3A_514 = arith.constant 0 : i32
    %dma_start3A_515 = tpu.memref_slice %arg2[%dma_start3A_513, %dma_start3A_514] : memref<10000x64xf32, #tpu.memory_space<hbm>> -> memref<10000x64xf32, #tpu.memory_space<hbm>>
    tpu.enqueue_indirect_dma source(%dma_start3A_515 : memref<10000x64xf32, #tpu.memory_space<hbm>>) target(%dma_start3A_509 : memref<125x64xf32, #tpu.memory_space<vmem>>) offsets(%dma_start3A_512 : memref<125xi32, #tpu.memory_space<vmem>>) semaphore(%arg18 : memref<!tpu.dma_semaphore, #tpu.memory_space<semaphore_mem>>)
    %dma_wait3A_516 = arith.constant 74 : i32
    %dma_wait3A_517 = arith.constant 2 : i32
    %dma_wait3A_518 = arith.constant 0 : i32
    %dma_wait3A_519 = arith.constant 0 : i32
    %dma_wait3A_520 = tpu.memref_slice %arg9[%dma_wait3A_517, %dma_wait3A_518, %dma_wait3A_519] : memref<8x125x64xf32, #tpu.memory_space<vmem>> -> memref<1x125x64xf32, #tpu.memory_space<vmem>>
    %dma_wait3A_521 = tpu.memref_squeeze %dma_wait3A_520 : memref<1x125x64xf32, #tpu.memory_space<vmem>> -> memref<125x64xf32, #tpu.memory_space<vmem>>
    %dma_wait3A_522 = arith.constant 0 : i32
    %dma_wait3A_523 = tpu.memref_slice %arg7[%dma_wait3A_516, %dma_wait3A_522] : memref<80x125xi32, #tpu.memory_space<vmem>> -> memref<1x125xi32, #tpu.memory_space<vmem>>
    %dma_wait3A_524 = tpu.memref_squeeze %dma_wait3A_523 : memref<1x125xi32, #tpu.memory_space<vmem>> -> memref<125xi32, #tpu.memory_space<vmem>>
    %dma_wait3A_525 = arith.constant 0 : i32
    %dma_wait3A_526 = arith.constant 0 : i32
    %dma_wait3A_527 = tpu.memref_slice %arg2[%dma_wait3A_525, %dma_wait3A_526] : memref<10000x64xf32, #tpu.memory_space<hbm>> -> memref<10000x64xf32, #tpu.memory_space<hbm>>
    tpu.wait_indirect_dma semaphore(%arg14 : memref<!tpu.dma_semaphore, #tpu.memory_space<semaphore_mem>>) src(%dma_wait3A_527 : memref<10000x64xf32, #tpu.memory_space<hbm>>) dst(%dma_wait3A_521 : memref<125x64xf32, #tpu.memory_space<vmem>>)
    %dma_start3A_528 = arith.constant 2 : i32
    %dma_start3A_529 = arith.constant 74 : i32
    %dma_start3A_530 = arith.constant 0 : i32
    %dma_start3A_531 = arith.constant 0 : i32
    %dma_start3A_532 = tpu.memref_slice %arg9[%dma_start3A_528, %dma_start3A_530, %dma_start3A_531] : memref<8x125x64xf32, #tpu.memory_space<vmem>> -> memref<1x125x64xf32, #tpu.memory_space<vmem>>
    %dma_start3A_533 = tpu.memref_squeeze %dma_start3A_532 : memref<1x125x64xf32, #tpu.memory_space<vmem>> -> memref<125x64xf32, #tpu.memory_space<vmem>>
    %dma_start3A_534 = arith.constant 0 : i32
    %dma_start3A_535 = tpu.memref_slice %arg8[%dma_start3A_529, %dma_start3A_534] : memref<80x125xi32, #tpu.memory_space<vmem>> -> memref<1x125xi32, #tpu.memory_space<vmem>>
    %dma_start3A_536 = tpu.memref_squeeze %dma_start3A_535 : memref<1x125xi32, #tpu.memory_space<vmem>> -> memref<125xi32, #tpu.memory_space<vmem>>
    %dma_start3A_537 = arith.constant 0 : i32
    %dma_start3A_538 = arith.constant 0 : i32
    %dma_start3A_539 = tpu.memref_slice %arg11[%dma_start3A_537, %dma_start3A_538] : memref<10000x64xf32, #tpu.memory_space<vmem_shared>> -> memref<10000x64xf32, #tpu.memory_space<vmem_shared>>
    tpu.enqueue_indirect_dma source(%dma_start3A_533 : memref<125x64xf32, #tpu.memory_space<vmem>>) target(%dma_start3A_539 : memref<10000x64xf32, #tpu.memory_space<vmem_shared>>) offsets(%dma_start3A_536 : memref<125xi32, #tpu.memory_space<vmem>>) semaphore(%arg22 : memref<!tpu.dma_semaphore, #tpu.memory_space<semaphore_mem>>) {add = true}
    %dma_wait3A_540 = arith.constant 7 : i32
    %dma_wait3A_541 = arith.constant 71 : i32
    %dma_wait3A_542 = arith.constant 0 : i32
    %dma_wait3A_543 = arith.constant 0 : i32
    %dma_wait3A_544 = tpu.memref_slice %arg9[%dma_wait3A_540, %dma_wait3A_542, %dma_wait3A_543] : memref<8x125x64xf32, #tpu.memory_space<vmem>> -> memref<1x125x64xf32, #tpu.memory_space<vmem>>
    %dma_wait3A_545 = tpu.memref_squeeze %dma_wait3A_544 : memref<1x125x64xf32, #tpu.memory_space<vmem>> -> memref<125x64xf32, #tpu.memory_space<vmem>>
    %dma_wait3A_546 = arith.constant 0 : i32
    %dma_wait3A_547 = tpu.memref_slice %arg8[%dma_wait3A_541, %dma_wait3A_546] : memref<80x125xi32, #tpu.memory_space<vmem>> -> memref<1x125xi32, #tpu.memory_space<vmem>>
    %dma_wait3A_548 = tpu.memref_squeeze %dma_wait3A_547 : memref<1x125xi32, #tpu.memory_space<vmem>> -> memref<125xi32, #tpu.memory_space<vmem>>
    %dma_wait3A_549 = arith.constant 0 : i32
    %dma_wait3A_550 = arith.constant 0 : i32
    %dma_wait3A_551 = tpu.memref_slice %arg11[%dma_wait3A_549, %dma_wait3A_550] : memref<10000x64xf32, #tpu.memory_space<vmem_shared>> -> memref<10000x64xf32, #tpu.memory_space<vmem_shared>>
    tpu.wait_indirect_dma semaphore(%arg27 : memref<!tpu.dma_semaphore, #tpu.memory_space<semaphore_mem>>) src(%dma_wait3A_545 : memref<125x64xf32, #tpu.memory_space<vmem>>) dst(%dma_wait3A_551 : memref<10000x64xf32, #tpu.memory_space<vmem_shared>>)
    %dma_start3A_552 = arith.constant 79 : i32
    %dma_start3A_553 = arith.constant 7 : i32
    %dma_start3A_554 = arith.constant 0 : i32
    %dma_start3A_555 = arith.constant 0 : i32
    %dma_start3A_556 = tpu.memref_slice %arg9[%dma_start3A_553, %dma_start3A_554, %dma_start3A_555] : memref<8x125x64xf32, #tpu.memory_space<vmem>> -> memref<1x125x64xf32, #tpu.memory_space<vmem>>
    %dma_start3A_557 = tpu.memref_squeeze %dma_start3A_556 : memref<1x125x64xf32, #tpu.memory_space<vmem>> -> memref<125x64xf32, #tpu.memory_space<vmem>>
    %dma_start3A_558 = arith.constant 0 : i32
    %dma_start3A_559 = tpu.memref_slice %arg7[%dma_start3A_552, %dma_start3A_558] : memref<80x125xi32, #tpu.memory_space<vmem>> -> memref<1x125xi32, #tpu.memory_space<vmem>>
    %dma_start3A_560 = tpu.memref_squeeze %dma_start3A_559 : memref<1x125xi32, #tpu.memory_space<vmem>> -> memref<125xi32, #tpu.memory_space<vmem>>
    %dma_start3A_561 = arith.constant 0 : i32
    %dma_start3A_562 = arith.constant 0 : i32
    %dma_start3A_563 = tpu.memref_slice %arg2[%dma_start3A_561, %dma_start3A_562] : memref<10000x64xf32, #tpu.memory_space<hbm>> -> memref<10000x64xf32, #tpu.memory_space<hbm>>
    tpu.enqueue_indirect_dma source(%dma_start3A_563 : memref<10000x64xf32, #tpu.memory_space<hbm>>) target(%dma_start3A_557 : memref<125x64xf32, #tpu.memory_space<vmem>>) offsets(%dma_start3A_560 : memref<125xi32, #tpu.memory_space<vmem>>) semaphore(%arg19 : memref<!tpu.dma_semaphore, #tpu.memory_space<semaphore_mem>>)
    %dma_wait3A_564 = arith.constant 75 : i32
    %dma_wait3A_565 = arith.constant 3 : i32
    %dma_wait3A_566 = arith.constant 0 : i32
    %dma_wait3A_567 = arith.constant 0 : i32
    %dma_wait3A_568 = tpu.memref_slice %arg9[%dma_wait3A_565, %dma_wait3A_566, %dma_wait3A_567] : memref<8x125x64xf32, #tpu.memory_space<vmem>> -> memref<1x125x64xf32, #tpu.memory_space<vmem>>
    %dma_wait3A_569 = tpu.memref_squeeze %dma_wait3A_568 : memref<1x125x64xf32, #tpu.memory_space<vmem>> -> memref<125x64xf32, #tpu.memory_space<vmem>>
    %dma_wait3A_570 = arith.constant 0 : i32
    %dma_wait3A_571 = tpu.memref_slice %arg7[%dma_wait3A_564, %dma_wait3A_570] : memref<80x125xi32, #tpu.memory_space<vmem>> -> memref<1x125xi32, #tpu.memory_space<vmem>>
    %dma_wait3A_572 = tpu.memref_squeeze %dma_wait3A_571 : memref<1x125xi32, #tpu.memory_space<vmem>> -> memref<125xi32, #tpu.memory_space<vmem>>
    %dma_wait3A_573 = arith.constant 0 : i32
    %dma_wait3A_574 = arith.constant 0 : i32
    %dma_wait3A_575 = tpu.memref_slice %arg2[%dma_wait3A_573, %dma_wait3A_574] : memref<10000x64xf32, #tpu.memory_space<hbm>> -> memref<10000x64xf32, #tpu.memory_space<hbm>>
    tpu.wait_indirect_dma semaphore(%arg15 : memref<!tpu.dma_semaphore, #tpu.memory_space<semaphore_mem>>) src(%dma_wait3A_575 : memref<10000x64xf32, #tpu.memory_space<hbm>>) dst(%dma_wait3A_569 : memref<125x64xf32, #tpu.memory_space<vmem>>)
    %dma_start3A_576 = arith.constant 3 : i32
    %dma_start3A_577 = arith.constant 75 : i32
    %dma_start3A_578 = arith.constant 0 : i32
    %dma_start3A_579 = arith.constant 0 : i32
    %dma_start3A_580 = tpu.memref_slice %arg9[%dma_start3A_576, %dma_start3A_578, %dma_start3A_579] : memref<8x125x64xf32, #tpu.memory_space<vmem>> -> memref<1x125x64xf32, #tpu.memory_space<vmem>>
    %dma_start3A_581 = tpu.memref_squeeze %dma_start3A_580 : memref<1x125x64xf32, #tpu.memory_space<vmem>> -> memref<125x64xf32, #tpu.memory_space<vmem>>
    %dma_start3A_582 = arith.constant 0 : i32
    %dma_start3A_583 = tpu.memref_slice %arg8[%dma_start3A_577, %dma_start3A_582] : memref<80x125xi32, #tpu.memory_space<vmem>> -> memref<1x125xi32, #tpu.memory_space<vmem>>
    %dma_start3A_584 = tpu.memref_squeeze %dma_start3A_583 : memref<1x125xi32, #tpu.memory_space<vmem>> -> memref<125xi32, #tpu.memory_space<vmem>>
    %dma_start3A_585 = arith.constant 0 : i32
    %dma_start3A_586 = arith.constant 0 : i32
    %dma_start3A_587 = tpu.memref_slice %arg11[%dma_start3A_585, %dma_start3A_586] : memref<10000x64xf32, #tpu.memory_space<vmem_shared>> -> memref<10000x64xf32, #tpu.memory_space<vmem_shared>>
    tpu.enqueue_indirect_dma source(%dma_start3A_581 : memref<125x64xf32, #tpu.memory_space<vmem>>) target(%dma_start3A_587 : memref<10000x64xf32, #tpu.memory_space<vmem_shared>>) offsets(%dma_start3A_584 : memref<125xi32, #tpu.memory_space<vmem>>) semaphore(%arg23 : memref<!tpu.dma_semaphore, #tpu.memory_space<semaphore_mem>>) {add = true}
    %dma_wait3A_588 = arith.constant 76 : i32
    %dma_wait3A_589 = arith.constant 4 : i32
    %dma_wait3A_590 = arith.constant 0 : i32
    %dma_wait3A_591 = arith.constant 0 : i32
    %dma_wait3A_592 = tpu.memref_slice %arg9[%dma_wait3A_589, %dma_wait3A_590, %dma_wait3A_591] : memref<8x125x64xf32, #tpu.memory_space<vmem>> -> memref<1x125x64xf32, #tpu.memory_space<vmem>>
    %dma_wait3A_593 = tpu.memref_squeeze %dma_wait3A_592 : memref<1x125x64xf32, #tpu.memory_space<vmem>> -> memref<125x64xf32, #tpu.memory_space<vmem>>
    %dma_wait3A_594 = arith.constant 0 : i32
    %dma_wait3A_595 = tpu.memref_slice %arg7[%dma_wait3A_588, %dma_wait3A_594] : memref<80x125xi32, #tpu.memory_space<vmem>> -> memref<1x125xi32, #tpu.memory_space<vmem>>
    %dma_wait3A_596 = tpu.memref_squeeze %dma_wait3A_595 : memref<1x125xi32, #tpu.memory_space<vmem>> -> memref<125xi32, #tpu.memory_space<vmem>>
    %dma_wait3A_597 = arith.constant 0 : i32
    %dma_wait3A_598 = arith.constant 0 : i32
    %dma_wait3A_599 = tpu.memref_slice %arg2[%dma_wait3A_597, %dma_wait3A_598] : memref<10000x64xf32, #tpu.memory_space<hbm>> -> memref<10000x64xf32, #tpu.memory_space<hbm>>
    tpu.wait_indirect_dma semaphore(%arg16 : memref<!tpu.dma_semaphore, #tpu.memory_space<semaphore_mem>>) src(%dma_wait3A_599 : memref<10000x64xf32, #tpu.memory_space<hbm>>) dst(%dma_wait3A_593 : memref<125x64xf32, #tpu.memory_space<vmem>>)
    %dma_start3A_600 = arith.constant 4 : i32
    %dma_start3A_601 = arith.constant 76 : i32
    %dma_start3A_602 = arith.constant 0 : i32
    %dma_start3A_603 = arith.constant 0 : i32
    %dma_start3A_604 = tpu.memref_slice %arg9[%dma_start3A_600, %dma_start3A_602, %dma_start3A_603] : memref<8x125x64xf32, #tpu.memory_space<vmem>> -> memref<1x125x64xf32, #tpu.memory_space<vmem>>
    %dma_start3A_605 = tpu.memref_squeeze %dma_start3A_604 : memref<1x125x64xf32, #tpu.memory_space<vmem>> -> memref<125x64xf32, #tpu.memory_space<vmem>>
    %dma_start3A_606 = arith.constant 0 : i32
    %dma_start3A_607 = tpu.memref_slice %arg8[%dma_start3A_601, %dma_start3A_606] : memref<80x125xi32, #tpu.memory_space<vmem>> -> memref<1x125xi32, #tpu.memory_space<vmem>>
    %dma_start3A_608 = tpu.memref_squeeze %dma_start3A_607 : memref<1x125xi32, #tpu.memory_space<vmem>> -> memref<125xi32, #tpu.memory_space<vmem>>
    %dma_start3A_609 = arith.constant 0 : i32
    %dma_start3A_610 = arith.constant 0 : i32
    %dma_start3A_611 = tpu.memref_slice %arg11[%dma_start3A_609, %dma_start3A_610] : memref<10000x64xf32, #tpu.memory_space<vmem_shared>> -> memref<10000x64xf32, #tpu.memory_space<vmem_shared>>
    tpu.enqueue_indirect_dma source(%dma_start3A_605 : memref<125x64xf32, #tpu.memory_space<vmem>>) target(%dma_start3A_611 : memref<10000x64xf32, #tpu.memory_space<vmem_shared>>) offsets(%dma_start3A_608 : memref<125xi32, #tpu.memory_space<vmem>>) semaphore(%arg24 : memref<!tpu.dma_semaphore, #tpu.memory_space<semaphore_mem>>) {add = true}
    %dma_wait3A_612 = arith.constant 77 : i32
    %dma_wait3A_613 = arith.constant 5 : i32
    %dma_wait3A_614 = arith.constant 0 : i32
    %dma_wait3A_615 = arith.constant 0 : i32
    %dma_wait3A_616 = tpu.memref_slice %arg9[%dma_wait3A_613, %dma_wait3A_614, %dma_wait3A_615] : memref<8x125x64xf32, #tpu.memory_space<vmem>> -> memref<1x125x64xf32, #tpu.memory_space<vmem>>
    %dma_wait3A_617 = tpu.memref_squeeze %dma_wait3A_616 : memref<1x125x64xf32, #tpu.memory_space<vmem>> -> memref<125x64xf32, #tpu.memory_space<vmem>>
    %dma_wait3A_618 = arith.constant 0 : i32
    %dma_wait3A_619 = tpu.memref_slice %arg7[%dma_wait3A_612, %dma_wait3A_618] : memref<80x125xi32, #tpu.memory_space<vmem>> -> memref<1x125xi32, #tpu.memory_space<vmem>>
    %dma_wait3A_620 = tpu.memref_squeeze %dma_wait3A_619 : memref<1x125xi32, #tpu.memory_space<vmem>> -> memref<125xi32, #tpu.memory_space<vmem>>
    %dma_wait3A_621 = arith.constant 0 : i32
    %dma_wait3A_622 = arith.constant 0 : i32
    %dma_wait3A_623 = tpu.memref_slice %arg2[%dma_wait3A_621, %dma_wait3A_622] : memref<10000x64xf32, #tpu.memory_space<hbm>> -> memref<10000x64xf32, #tpu.memory_space<hbm>>
    tpu.wait_indirect_dma semaphore(%arg17 : memref<!tpu.dma_semaphore, #tpu.memory_space<semaphore_mem>>) src(%dma_wait3A_623 : memref<10000x64xf32, #tpu.memory_space<hbm>>) dst(%dma_wait3A_617 : memref<125x64xf32, #tpu.memory_space<vmem>>)
    %dma_start3A_624 = arith.constant 5 : i32
    %dma_start3A_625 = arith.constant 77 : i32
    %dma_start3A_626 = arith.constant 0 : i32
    %dma_start3A_627 = arith.constant 0 : i32
    %dma_start3A_628 = tpu.memref_slice %arg9[%dma_start3A_624, %dma_start3A_626, %dma_start3A_627] : memref<8x125x64xf32, #tpu.memory_space<vmem>> -> memref<1x125x64xf32, #tpu.memory_space<vmem>>
    %dma_start3A_629 = tpu.memref_squeeze %dma_start3A_628 : memref<1x125x64xf32, #tpu.memory_space<vmem>> -> memref<125x64xf32, #tpu.memory_space<vmem>>
    %dma_start3A_630 = arith.constant 0 : i32
    %dma_start3A_631 = tpu.memref_slice %arg8[%dma_start3A_625, %dma_start3A_630] : memref<80x125xi32, #tpu.memory_space<vmem>> -> memref<1x125xi32, #tpu.memory_space<vmem>>
    %dma_start3A_632 = tpu.memref_squeeze %dma_start3A_631 : memref<1x125xi32, #tpu.memory_space<vmem>> -> memref<125xi32, #tpu.memory_space<vmem>>
    %dma_start3A_633 = arith.constant 0 : i32
    %dma_start3A_634 = arith.constant 0 : i32
    %dma_start3A_635 = tpu.memref_slice %arg11[%dma_start3A_633, %dma_start3A_634] : memref<10000x64xf32, #tpu.memory_space<vmem_shared>> -> memref<10000x64xf32, #tpu.memory_space<vmem_shared>>
    tpu.enqueue_indirect_dma source(%dma_start3A_629 : memref<125x64xf32, #tpu.memory_space<vmem>>) target(%dma_start3A_635 : memref<10000x64xf32, #tpu.memory_space<vmem_shared>>) offsets(%dma_start3A_632 : memref<125xi32, #tpu.memory_space<vmem>>) semaphore(%arg25 : memref<!tpu.dma_semaphore, #tpu.memory_space<semaphore_mem>>) {add = true}
    %dma_wait3A_636 = arith.constant 78 : i32
    %dma_wait3A_637 = arith.constant 6 : i32
    %dma_wait3A_638 = arith.constant 0 : i32
    %dma_wait3A_639 = arith.constant 0 : i32
    %dma_wait3A_640 = tpu.memref_slice %arg9[%dma_wait3A_637, %dma_wait3A_638, %dma_wait3A_639] : memref<8x125x64xf32, #tpu.memory_space<vmem>> -> memref<1x125x64xf32, #tpu.memory_space<vmem>>
    %dma_wait3A_641 = tpu.memref_squeeze %dma_wait3A_640 : memref<1x125x64xf32, #tpu.memory_space<vmem>> -> memref<125x64xf32, #tpu.memory_space<vmem>>
    %dma_wait3A_642 = arith.constant 0 : i32
    %dma_wait3A_643 = tpu.memref_slice %arg7[%dma_wait3A_636, %dma_wait3A_642] : memref<80x125xi32, #tpu.memory_space<vmem>> -> memref<1x125xi32, #tpu.memory_space<vmem>>
    %dma_wait3A_644 = tpu.memref_squeeze %dma_wait3A_643 : memref<1x125xi32, #tpu.memory_space<vmem>> -> memref<125xi32, #tpu.memory_space<vmem>>
    %dma_wait3A_645 = arith.constant 0 : i32
    %dma_wait3A_646 = arith.constant 0 : i32
    %dma_wait3A_647 = tpu.memref_slice %arg2[%dma_wait3A_645, %dma_wait3A_646] : memref<10000x64xf32, #tpu.memory_space<hbm>> -> memref<10000x64xf32, #tpu.memory_space<hbm>>
    tpu.wait_indirect_dma semaphore(%arg18 : memref<!tpu.dma_semaphore, #tpu.memory_space<semaphore_mem>>) src(%dma_wait3A_647 : memref<10000x64xf32, #tpu.memory_space<hbm>>) dst(%dma_wait3A_641 : memref<125x64xf32, #tpu.memory_space<vmem>>)
    %dma_start3A_648 = arith.constant 6 : i32
    %dma_start3A_649 = arith.constant 78 : i32
    %dma_start3A_650 = arith.constant 0 : i32
    %dma_start3A_651 = arith.constant 0 : i32
    %dma_start3A_652 = tpu.memref_slice %arg9[%dma_start3A_648, %dma_start3A_650, %dma_start3A_651] : memref<8x125x64xf32, #tpu.memory_space<vmem>> -> memref<1x125x64xf32, #tpu.memory_space<vmem>>
    %dma_start3A_653 = tpu.memref_squeeze %dma_start3A_652 : memref<1x125x64xf32, #tpu.memory_space<vmem>> -> memref<125x64xf32, #tpu.memory_space<vmem>>
    %dma_start3A_654 = arith.constant 0 : i32
    %dma_start3A_655 = tpu.memref_slice %arg8[%dma_start3A_649, %dma_start3A_654] : memref<80x125xi32, #tpu.memory_space<vmem>> -> memref<1x125xi32, #tpu.memory_space<vmem>>
    %dma_start3A_656 = tpu.memref_squeeze %dma_start3A_655 : memref<1x125xi32, #tpu.memory_space<vmem>> -> memref<125xi32, #tpu.memory_space<vmem>>
    %dma_start3A_657 = arith.constant 0 : i32
    %dma_start3A_658 = arith.constant 0 : i32
    %dma_start3A_659 = tpu.memref_slice %arg11[%dma_start3A_657, %dma_start3A_658] : memref<10000x64xf32, #tpu.memory_space<vmem_shared>> -> memref<10000x64xf32, #tpu.memory_space<vmem_shared>>
    tpu.enqueue_indirect_dma source(%dma_start3A_653 : memref<125x64xf32, #tpu.memory_space<vmem>>) target(%dma_start3A_659 : memref<10000x64xf32, #tpu.memory_space<vmem_shared>>) offsets(%dma_start3A_656 : memref<125xi32, #tpu.memory_space<vmem>>) semaphore(%arg26 : memref<!tpu.dma_semaphore, #tpu.memory_space<semaphore_mem>>) {add = true}
    %dma_wait3A_660 = arith.constant 79 : i32
    %dma_wait3A_661 = arith.constant 7 : i32
    %dma_wait3A_662 = arith.constant 0 : i32
    %dma_wait3A_663 = arith.constant 0 : i32
    %dma_wait3A_664 = tpu.memref_slice %arg9[%dma_wait3A_661, %dma_wait3A_662, %dma_wait3A_663] : memref<8x125x64xf32, #tpu.memory_space<vmem>> -> memref<1x125x64xf32, #tpu.memory_space<vmem>>
    %dma_wait3A_665 = tpu.memref_squeeze %dma_wait3A_664 : memref<1x125x64xf32, #tpu.memory_space<vmem>> -> memref<125x64xf32, #tpu.memory_space<vmem>>
    %dma_wait3A_666 = arith.constant 0 : i32
    %dma_wait3A_667 = tpu.memref_slice %arg7[%dma_wait3A_660, %dma_wait3A_666] : memref<80x125xi32, #tpu.memory_space<vmem>> -> memref<1x125xi32, #tpu.memory_space<vmem>>
    %dma_wait3A_668 = tpu.memref_squeeze %dma_wait3A_667 : memref<1x125xi32, #tpu.memory_space<vmem>> -> memref<125xi32, #tpu.memory_space<vmem>>
    %dma_wait3A_669 = arith.constant 0 : i32
    %dma_wait3A_670 = arith.constant 0 : i32
    %dma_wait3A_671 = tpu.memref_slice %arg2[%dma_wait3A_669, %dma_wait3A_670] : memref<10000x64xf32, #tpu.memory_space<hbm>> -> memref<10000x64xf32, #tpu.memory_space<hbm>>
    tpu.wait_indirect_dma semaphore(%arg19 : memref<!tpu.dma_semaphore, #tpu.memory_space<semaphore_mem>>) src(%dma_wait3A_671 : memref<10000x64xf32, #tpu.memory_space<hbm>>) dst(%dma_wait3A_665 : memref<125x64xf32, #tpu.memory_space<vmem>>)
    %dma_start3A_672 = arith.constant 7 : i32
    %dma_start3A_673 = arith.constant 79 : i32
    %dma_start3A_674 = arith.constant 0 : i32
    %dma_start3A_675 = arith.constant 0 : i32
    %dma_start3A_676 = tpu.memref_slice %arg9[%dma_start3A_672, %dma_start3A_674, %dma_start3A_675] : memref<8x125x64xf32, #tpu.memory_space<vmem>> -> memref<1x125x64xf32, #tpu.memory_space<vmem>>
    %dma_start3A_677 = tpu.memref_squeeze %dma_start3A_676 : memref<1x125x64xf32, #tpu.memory_space<vmem>> -> memref<125x64xf32, #tpu.memory_space<vmem>>
    %dma_start3A_678 = arith.constant 0 : i32
    %dma_start3A_679 = tpu.memref_slice %arg8[%dma_start3A_673, %dma_start3A_678] : memref<80x125xi32, #tpu.memory_space<vmem>> -> memref<1x125xi32, #tpu.memory_space<vmem>>
    %dma_start3A_680 = tpu.memref_squeeze %dma_start3A_679 : memref<1x125xi32, #tpu.memory_space<vmem>> -> memref<125xi32, #tpu.memory_space<vmem>>
    %dma_start3A_681 = arith.constant 0 : i32
    %dma_start3A_682 = arith.constant 0 : i32
    %dma_start3A_683 = tpu.memref_slice %arg11[%dma_start3A_681, %dma_start3A_682] : memref<10000x64xf32, #tpu.memory_space<vmem_shared>> -> memref<10000x64xf32, #tpu.memory_space<vmem_shared>>
    tpu.enqueue_indirect_dma source(%dma_start3A_677 : memref<125x64xf32, #tpu.memory_space<vmem>>) target(%dma_start3A_683 : memref<10000x64xf32, #tpu.memory_space<vmem_shared>>) offsets(%dma_start3A_680 : memref<125xi32, #tpu.memory_space<vmem>>) semaphore(%arg27 : memref<!tpu.dma_semaphore, #tpu.memory_space<semaphore_mem>>) {add = true}
    %dma_wait3A_684 = arith.constant 0 : i32
    %dma_wait3A_685 = arith.constant 72 : i32
    %dma_wait3A_686 = arith.constant 0 : i32
    %dma_wait3A_687 = arith.constant 0 : i32
    %dma_wait3A_688 = tpu.memref_slice %arg9[%dma_wait3A_684, %dma_wait3A_686, %dma_wait3A_687] : memref<8x125x64xf32, #tpu.memory_space<vmem>> -> memref<1x125x64xf32, #tpu.memory_space<vmem>>
    %dma_wait3A_689 = tpu.memref_squeeze %dma_wait3A_688 : memref<1x125x64xf32, #tpu.memory_space<vmem>> -> memref<125x64xf32, #tpu.memory_space<vmem>>
    %dma_wait3A_690 = arith.constant 0 : i32
    %dma_wait3A_691 = tpu.memref_slice %arg8[%dma_wait3A_685, %dma_wait3A_690] : memref<80x125xi32, #tpu.memory_space<vmem>> -> memref<1x125xi32, #tpu.memory_space<vmem>>
    %dma_wait3A_692 = tpu.memref_squeeze %dma_wait3A_691 : memref<1x125xi32, #tpu.memory_space<vmem>> -> memref<125xi32, #tpu.memory_space<vmem>>
    %dma_wait3A_693 = arith.constant 0 : i32
    %dma_wait3A_694 = arith.constant 0 : i32
    %dma_wait3A_695 = tpu.memref_slice %arg11[%dma_wait3A_693, %dma_wait3A_694] : memref<10000x64xf32, #tpu.memory_space<vmem_shared>> -> memref<10000x64xf32, #tpu.memory_space<vmem_shared>>
    tpu.wait_indirect_dma semaphore(%arg20 : memref<!tpu.dma_semaphore, #tpu.memory_space<semaphore_mem>>) src(%dma_wait3A_689 : memref<125x64xf32, #tpu.memory_space<vmem>>) dst(%dma_wait3A_695 : memref<10000x64xf32, #tpu.memory_space<vmem_shared>>)
    %dma_wait3A_696 = arith.constant 1 : i32
    %dma_wait3A_697 = arith.constant 73 : i32
    %dma_wait3A_698 = arith.constant 0 : i32
    %dma_wait3A_699 = arith.constant 0 : i32
    %dma_wait3A_700 = tpu.memref_slice %arg9[%dma_wait3A_696, %dma_wait3A_698, %dma_wait3A_699] : memref<8x125x64xf32, #tpu.memory_space<vmem>> -> memref<1x125x64xf32, #tpu.memory_space<vmem>>
    %dma_wait3A_701 = tpu.memref_squeeze %dma_wait3A_700 : memref<1x125x64xf32, #tpu.memory_space<vmem>> -> memref<125x64xf32, #tpu.memory_space<vmem>>
    %dma_wait3A_702 = arith.constant 0 : i32
    %dma_wait3A_703 = tpu.memref_slice %arg8[%dma_wait3A_697, %dma_wait3A_702] : memref<80x125xi32, #tpu.memory_space<vmem>> -> memref<1x125xi32, #tpu.memory_space<vmem>>
    %dma_wait3A_704 = tpu.memref_squeeze %dma_wait3A_703 : memref<1x125xi32, #tpu.memory_space<vmem>> -> memref<125xi32, #tpu.memory_space<vmem>>
    %dma_wait3A_705 = arith.constant 0 : i32
    %dma_wait3A_706 = arith.constant 0 : i32
    %dma_wait3A_707 = tpu.memref_slice %arg11[%dma_wait3A_705, %dma_wait3A_706] : memref<10000x64xf32, #tpu.memory_space<vmem_shared>> -> memref<10000x64xf32, #tpu.memory_space<vmem_shared>>
    tpu.wait_indirect_dma semaphore(%arg21 : memref<!tpu.dma_semaphore, #tpu.memory_space<semaphore_mem>>) src(%dma_wait3A_701 : memref<125x64xf32, #tpu.memory_space<vmem>>) dst(%dma_wait3A_707 : memref<10000x64xf32, #tpu.memory_space<vmem_shared>>)
    %dma_wait3A_708 = arith.constant 2 : i32
    %dma_wait3A_709 = arith.constant 74 : i32
    %dma_wait3A_710 = arith.constant 0 : i32
    %dma_wait3A_711 = arith.constant 0 : i32
    %dma_wait3A_712 = tpu.memref_slice %arg9[%dma_wait3A_708, %dma_wait3A_710, %dma_wait3A_711] : memref<8x125x64xf32, #tpu.memory_space<vmem>> -> memref<1x125x64xf32, #tpu.memory_space<vmem>>
    %dma_wait3A_713 = tpu.memref_squeeze %dma_wait3A_712 : memref<1x125x64xf32, #tpu.memory_space<vmem>> -> memref<125x64xf32, #tpu.memory_space<vmem>>
    %dma_wait3A_714 = arith.constant 0 : i32
    %dma_wait3A_715 = tpu.memref_slice %arg8[%dma_wait3A_709, %dma_wait3A_714] : memref<80x125xi32, #tpu.memory_space<vmem>> -> memref<1x125xi32, #tpu.memory_space<vmem>>
    %dma_wait3A_716 = tpu.memref_squeeze %dma_wait3A_715 : memref<1x125xi32, #tpu.memory_space<vmem>> -> memref<125xi32, #tpu.memory_space<vmem>>
    %dma_wait3A_717 = arith.constant 0 : i32
    %dma_wait3A_718 = arith.constant 0 : i32
    %dma_wait3A_719 = tpu.memref_slice %arg11[%dma_wait3A_717, %dma_wait3A_718] : memref<10000x64xf32, #tpu.memory_space<vmem_shared>> -> memref<10000x64xf32, #tpu.memory_space<vmem_shared>>
    tpu.wait_indirect_dma semaphore(%arg22 : memref<!tpu.dma_semaphore, #tpu.memory_space<semaphore_mem>>) src(%dma_wait3A_713 : memref<125x64xf32, #tpu.memory_space<vmem>>) dst(%dma_wait3A_719 : memref<10000x64xf32, #tpu.memory_space<vmem_shared>>)
    %dma_wait3A_720 = arith.constant 3 : i32
    %dma_wait3A_721 = arith.constant 75 : i32
    %dma_wait3A_722 = arith.constant 0 : i32
    %dma_wait3A_723 = arith.constant 0 : i32
    %dma_wait3A_724 = tpu.memref_slice %arg9[%dma_wait3A_720, %dma_wait3A_722, %dma_wait3A_723] : memref<8x125x64xf32, #tpu.memory_space<vmem>> -> memref<1x125x64xf32, #tpu.memory_space<vmem>>
    %dma_wait3A_725 = tpu.memref_squeeze %dma_wait3A_724 : memref<1x125x64xf32, #tpu.memory_space<vmem>> -> memref<125x64xf32, #tpu.memory_space<vmem>>
    %dma_wait3A_726 = arith.constant 0 : i32
    %dma_wait3A_727 = tpu.memref_slice %arg8[%dma_wait3A_721, %dma_wait3A_726] : memref<80x125xi32, #tpu.memory_space<vmem>> -> memref<1x125xi32, #tpu.memory_space<vmem>>
    %dma_wait3A_728 = tpu.memref_squeeze %dma_wait3A_727 : memref<1x125xi32, #tpu.memory_space<vmem>> -> memref<125xi32, #tpu.memory_space<vmem>>
    %dma_wait3A_729 = arith.constant 0 : i32
    %dma_wait3A_730 = arith.constant 0 : i32
    %dma_wait3A_731 = tpu.memref_slice %arg11[%dma_wait3A_729, %dma_wait3A_730] : memref<10000x64xf32, #tpu.memory_space<vmem_shared>> -> memref<10000x64xf32, #tpu.memory_space<vmem_shared>>
    tpu.wait_indirect_dma semaphore(%arg23 : memref<!tpu.dma_semaphore, #tpu.memory_space<semaphore_mem>>) src(%dma_wait3A_725 : memref<125x64xf32, #tpu.memory_space<vmem>>) dst(%dma_wait3A_731 : memref<10000x64xf32, #tpu.memory_space<vmem_shared>>)
    %dma_wait3A_732 = arith.constant 4 : i32
    %dma_wait3A_733 = arith.constant 76 : i32
    %dma_wait3A_734 = arith.constant 0 : i32
    %dma_wait3A_735 = arith.constant 0 : i32
    %dma_wait3A_736 = tpu.memref_slice %arg9[%dma_wait3A_732, %dma_wait3A_734, %dma_wait3A_735] : memref<8x125x64xf32, #tpu.memory_space<vmem>> -> memref<1x125x64xf32, #tpu.memory_space<vmem>>
    %dma_wait3A_737 = tpu.memref_squeeze %dma_wait3A_736 : memref<1x125x64xf32, #tpu.memory_space<vmem>> -> memref<125x64xf32, #tpu.memory_space<vmem>>
    %dma_wait3A_738 = arith.constant 0 : i32
    %dma_wait3A_739 = tpu.memref_slice %arg8[%dma_wait3A_733, %dma_wait3A_738] : memref<80x125xi32, #tpu.memory_space<vmem>> -> memref<1x125xi32, #tpu.memory_space<vmem>>
    %dma_wait3A_740 = tpu.memref_squeeze %dma_wait3A_739 : memref<1x125xi32, #tpu.memory_space<vmem>> -> memref<125xi32, #tpu.memory_space<vmem>>
    %dma_wait3A_741 = arith.constant 0 : i32
    %dma_wait3A_742 = arith.constant 0 : i32
    %dma_wait3A_743 = tpu.memref_slice %arg11[%dma_wait3A_741, %dma_wait3A_742] : memref<10000x64xf32, #tpu.memory_space<vmem_shared>> -> memref<10000x64xf32, #tpu.memory_space<vmem_shared>>
    tpu.wait_indirect_dma semaphore(%arg24 : memref<!tpu.dma_semaphore, #tpu.memory_space<semaphore_mem>>) src(%dma_wait3A_737 : memref<125x64xf32, #tpu.memory_space<vmem>>) dst(%dma_wait3A_743 : memref<10000x64xf32, #tpu.memory_space<vmem_shared>>)
    %dma_wait3A_744 = arith.constant 5 : i32
    %dma_wait3A_745 = arith.constant 77 : i32
    %dma_wait3A_746 = arith.constant 0 : i32
    %dma_wait3A_747 = arith.constant 0 : i32
    %dma_wait3A_748 = tpu.memref_slice %arg9[%dma_wait3A_744, %dma_wait3A_746, %dma_wait3A_747] : memref<8x125x64xf32, #tpu.memory_space<vmem>> -> memref<1x125x64xf32, #tpu.memory_space<vmem>>
    %dma_wait3A_749 = tpu.memref_squeeze %dma_wait3A_748 : memref<1x125x64xf32, #tpu.memory_space<vmem>> -> memref<125x64xf32, #tpu.memory_space<vmem>>
    %dma_wait3A_750 = arith.constant 0 : i32
    %dma_wait3A_751 = tpu.memref_slice %arg8[%dma_wait3A_745, %dma_wait3A_750] : memref<80x125xi32, #tpu.memory_space<vmem>> -> memref<1x125xi32, #tpu.memory_space<vmem>>
    %dma_wait3A_752 = tpu.memref_squeeze %dma_wait3A_751 : memref<1x125xi32, #tpu.memory_space<vmem>> -> memref<125xi32, #tpu.memory_space<vmem>>
    %dma_wait3A_753 = arith.constant 0 : i32
    %dma_wait3A_754 = arith.constant 0 : i32
    %dma_wait3A_755 = tpu.memref_slice %arg11[%dma_wait3A_753, %dma_wait3A_754] : memref<10000x64xf32, #tpu.memory_space<vmem_shared>> -> memref<10000x64xf32, #tpu.memory_space<vmem_shared>>
    tpu.wait_indirect_dma semaphore(%arg25 : memref<!tpu.dma_semaphore, #tpu.memory_space<semaphore_mem>>) src(%dma_wait3A_749 : memref<125x64xf32, #tpu.memory_space<vmem>>) dst(%dma_wait3A_755 : memref<10000x64xf32, #tpu.memory_space<vmem_shared>>)
    %dma_wait3A_756 = arith.constant 6 : i32
    %dma_wait3A_757 = arith.constant 78 : i32
    %dma_wait3A_758 = arith.constant 0 : i32
    %dma_wait3A_759 = arith.constant 0 : i32
    %dma_wait3A_760 = tpu.memref_slice %arg9[%dma_wait3A_756, %dma_wait3A_758, %dma_wait3A_759] : memref<8x125x64xf32, #tpu.memory_space<vmem>> -> memref<1x125x64xf32, #tpu.memory_space<vmem>>
    %dma_wait3A_761 = tpu.memref_squeeze %dma_wait3A_760 : memref<1x125x64xf32, #tpu.memory_space<vmem>> -> memref<125x64xf32, #tpu.memory_space<vmem>>
    %dma_wait3A_762 = arith.constant 0 : i32
    %dma_wait3A_763 = tpu.memref_slice %arg8[%dma_wait3A_757, %dma_wait3A_762] : memref<80x125xi32, #tpu.memory_space<vmem>> -> memref<1x125xi32, #tpu.memory_space<vmem>>
    %dma_wait3A_764 = tpu.memref_squeeze %dma_wait3A_763 : memref<1x125xi32, #tpu.memory_space<vmem>> -> memref<125xi32, #tpu.memory_space<vmem>>
    %dma_wait3A_765 = arith.constant 0 : i32
    %dma_wait3A_766 = arith.constant 0 : i32
    %dma_wait3A_767 = tpu.memref_slice %arg11[%dma_wait3A_765, %dma_wait3A_766] : memref<10000x64xf32, #tpu.memory_space<vmem_shared>> -> memref<10000x64xf32, #tpu.memory_space<vmem_shared>>
    tpu.wait_indirect_dma semaphore(%arg26 : memref<!tpu.dma_semaphore, #tpu.memory_space<semaphore_mem>>) src(%dma_wait3A_761 : memref<125x64xf32, #tpu.memory_space<vmem>>) dst(%dma_wait3A_767 : memref<10000x64xf32, #tpu.memory_space<vmem_shared>>)
    %dma_wait3A_768 = arith.constant 7 : i32
    %dma_wait3A_769 = arith.constant 79 : i32
    %dma_wait3A_770 = arith.constant 0 : i32
    %dma_wait3A_771 = arith.constant 0 : i32
    %dma_wait3A_772 = tpu.memref_slice %arg9[%dma_wait3A_768, %dma_wait3A_770, %dma_wait3A_771] : memref<8x125x64xf32, #tpu.memory_space<vmem>> -> memref<1x125x64xf32, #tpu.memory_space<vmem>>
    %dma_wait3A_773 = tpu.memref_squeeze %dma_wait3A_772 : memref<1x125x64xf32, #tpu.memory_space<vmem>> -> memref<125x64xf32, #tpu.memory_space<vmem>>
    %dma_wait3A_774 = arith.constant 0 : i32
    %dma_wait3A_775 = tpu.memref_slice %arg8[%dma_wait3A_769, %dma_wait3A_774] : memref<80x125xi32, #tpu.memory_space<vmem>> -> memref<1x125xi32, #tpu.memory_space<vmem>>
    %dma_wait3A_776 = tpu.memref_squeeze %dma_wait3A_775 : memref<1x125xi32, #tpu.memory_space<vmem>> -> memref<125xi32, #tpu.memory_space<vmem>>
    %dma_wait3A_777 = arith.constant 0 : i32
    %dma_wait3A_778 = arith.constant 0 : i32
    %dma_wait3A_779 = tpu.memref_slice %arg11[%dma_wait3A_777, %dma_wait3A_778] : memref<10000x64xf32, #tpu.memory_space<vmem_shared>> -> memref<10000x64xf32, #tpu.memory_space<vmem_shared>>
    tpu.wait_indirect_dma semaphore(%arg27 : memref<!tpu.dma_semaphore, #tpu.memory_space<semaphore_mem>>) src(%dma_wait3A_773 : memref<125x64xf32, #tpu.memory_space<vmem>>) dst(%dma_wait3A_779 : memref<10000x64xf32, #tpu.memory_space<vmem_shared>>)
    %barrier3A_780 = arith.constant 0 : index
    tpu.barrier barrier_id(%barrier3A_780)
    %mul3A_781 = arith.constant 640 : i32
    %mul3A_782 = arith.muli %arg1, %mul3A_781 : i32
    %lt3A_783 = arith.constant 15 : i32
    %lt3A_784 = arith.cmpi slt, %arg1, %lt3A_783 : i32
    %convert_element_type3A_785 = arith.extui %lt3A_784 : i1 to i32
    %cond3A_786 = arith.constant 0 : i32
    %cond3A_787 = arith.cmpi ne, %convert_element_type3A_785, %cond3A_786 : i32
    scf.if %cond3A_787 {
      %mul3A_793 = arith.constant 64 : i32
      %mul3A_794 = arith.muli %arg0, %mul3A_793 : i32
      "tpu.region"() ({
        %run_scoped3A = tpu.sem_alloc : memref<!tpu.dma_semaphore, #tpu.memory_space<semaphore_mem>>
        %dma_start3A_795 = tpu.memref_slice %arg6[%mul3A_782, %mul3A_794] : memref<10000x128xf32, #tpu.memory_space<hbm>> -> memref<640x64xf32, #tpu.memory_space<hbm>>
        %dma_start3A_796 = arith.constant 0 : i32
        %dma_start3A_797 = tpu.memref_slice %arg11[%mul3A_782, %dma_start3A_796] : memref<10000x64xf32, #tpu.memory_space<vmem_shared>> -> memref<640x64xf32, #tpu.memory_space<vmem_shared>>
        tpu.enqueue_dma source(%dma_start3A_797 : memref<640x64xf32, #tpu.memory_space<vmem_shared>>) target(%dma_start3A_795 : memref<640x64xf32, #tpu.memory_space<hbm>>) target_semaphore(%run_scoped3A : memref<!tpu.dma_semaphore, #tpu.memory_space<semaphore_mem>>)
        %dma_wait3A_798 = tpu.memref_slice %arg6[%mul3A_782, %mul3A_794] : memref<10000x128xf32, #tpu.memory_space<hbm>> -> memref<640x64xf32, #tpu.memory_space<hbm>>
        %dma_wait3A_799 = arith.constant 0 : i32
        %dma_wait3A_800 = tpu.memref_slice %arg11[%mul3A_782, %dma_wait3A_799] : memref<10000x64xf32, #tpu.memory_space<vmem_shared>> -> memref<640x64xf32, #tpu.memory_space<vmem_shared>>
        tpu.wait_dma2 semaphore(%run_scoped3A : memref<!tpu.dma_semaphore, #tpu.memory_space<semaphore_mem>>) src(%dma_wait3A_800 : memref<640x64xf32, #tpu.memory_space<vmem_shared>>) dst(%dma_wait3A_798 : memref<640x64xf32, #tpu.memory_space<hbm>>)
        tpu.yield
      }) : () -> ()
    } else {
    }
    %eq3A_788 = arith.constant 15 : i32
    %eq3A_789 = arith.cmpi eq, %arg1, %eq3A_788 : i32
    %convert_element_type3A_790 = arith.extui %eq3A_789 : i1 to i32
    %cond3A_791 = arith.constant 0 : i32
    %cond3A_792 = arith.cmpi ne, %convert_element_type3A_790, %cond3A_791 : i32
    scf.if %cond3A_792 {
      %mul3A_793 = arith.constant 64 : i32
      %mul3A_794 = arith.muli %arg0, %mul3A_793 : i32
      "tpu.region"() ({
        %run_scoped3A = tpu.sem_alloc : memref<!tpu.dma_semaphore, #tpu.memory_space<semaphore_mem>>
        %dma_start3A_795 = tpu.memref_slice %arg6[%mul3A_782, %mul3A_794] : memref<10000x128xf32, #tpu.memory_space<hbm>> -> memref<400x64xf32, #tpu.memory_space<hbm>>
        %dma_start3A_796 = arith.constant 0 : i32
        %dma_start3A_797 = tpu.memref_slice %arg11[%mul3A_782, %dma_start3A_796] : memref<10000x64xf32, #tpu.memory_space<vmem_shared>> -> memref<400x64xf32, #tpu.memory_space<vmem_shared>>
        tpu.enqueue_dma source(%dma_start3A_797 : memref<400x64xf32, #tpu.memory_space<vmem_shared>>) target(%dma_start3A_795 : memref<400x64xf32, #tpu.memory_space<hbm>>) target_semaphore(%run_scoped3A : memref<!tpu.dma_semaphore, #tpu.memory_space<semaphore_mem>>)
        %dma_wait3A_798 = tpu.memref_slice %arg6[%mul3A_782, %mul3A_794] : memref<10000x128xf32, #tpu.memory_space<hbm>> -> memref<400x64xf32, #tpu.memory_space<hbm>>
        %dma_wait3A_799 = arith.constant 0 : i32
        %dma_wait3A_800 = tpu.memref_slice %arg11[%mul3A_782, %dma_wait3A_799] : memref<10000x64xf32, #tpu.memory_space<vmem_shared>> -> memref<400x64xf32, #tpu.memory_space<vmem_shared>>
        tpu.wait_dma2 semaphore(%run_scoped3A : memref<!tpu.dma_semaphore, #tpu.memory_space<semaphore_mem>>) src(%dma_wait3A_800 : memref<400x64xf32, #tpu.memory_space<vmem_shared>>) dst(%dma_wait3A_798 : memref<400x64xf32, #tpu.memory_space<hbm>>)
        tpu.yield
      }) : () -> ()
    } else {
    }
    return
  }
}

module attributes {stable_mosaic.version = 14 : i64} {
  func.func @_scale_body(%arg0: memref<10000x128xf32, #tpu.memory_space<vmem>>, %arg1: memref<10000x128xf32, #tpu.memory_space<vmem>>, %arg2: memref<128x64xf32, #tpu.memory_space<vmem>>, %arg3: memref<10000x1xf32, #tpu.memory_space<vmem>>, %arg4: memref<10000x64xf32, #tpu.memory_space<vmem>>) attributes {dimension_semantics = [], scalar_prefetch = 0 : i64, scratch_operands = 0 : i64, tpu.core_type = #tpu.core_type<tc>} {
    %get3A = arith.constant 0 : index
    %get3A_0 = arith.constant 0 : index
    %get3A_1 = vector.load %arg0[%get3A, %get3A_0] : memref<10000x128xf32, #tpu.memory_space<vmem>>, vector<10000x1xf32>
    %add3A = arith.constant 1.000000e+00 : f32
    %add3A_2 = vector.broadcast %add3A : f32 to vector<10000x1xf32>
    %add3A_3 = arith.addf %add3A_2, %get3A_1 : vector<10000x1xf32>
    %get3A_4 = arith.constant 0 : index
    %get3A_5 = arith.constant 64 : index
    %get3A_6 = vector.load %arg0[%get3A_4, %get3A_5] : memref<10000x128xf32, #tpu.memory_space<vmem>>, vector<10000x1xf32>
    %add3A_7 = arith.addf %add3A_3, %get3A_6 : vector<10000x1xf32>
    %rsqrt3A = math.rsqrt %add3A_7 : vector<10000x1xf32>
    %swap3A = arith.constant 0 : index
    %swap3A_8 = arith.constant 0 : index
    %swap3A_9 = vector.load %arg3[%swap3A, %swap3A_8] : memref<10000x1xf32, #tpu.memory_space<vmem>>, vector<10000x1xf32>
    tpu.vector_store %arg3[%swap3A, %swap3A_8], %rsqrt3A {strides = array<i32>} : memref<10000x1xf32, #tpu.memory_space<vmem>>, vector<10000x1xf32>,
    %get3A_10 = arith.constant 0 : index
    %get3A_11 = arith.constant 0 : index
    %get3A_12 = vector.load %arg1[%get3A_10, %get3A_11] : memref<10000x128xf32, #tpu.memory_space<vmem>>, vector<10000x128xf32>
    %get3A_13 = arith.constant 0 : index
    %get3A_14 = arith.constant 0 : index
    %get3A_15 = vector.load %arg2[%get3A_13, %get3A_14] : memref<128x64xf32, #tpu.memory_space<vmem>>, vector<128x64xf32>
    %dot_general3A = arith.constant dense<0.000000e+00> : vector<10000x64xf32>
    %dot_general3A_16 = tpu.matmul %get3A_12, %get3A_15, %dot_general3A {dimension_numbers = #tpu.dot_dimension_numbers<[1], [0], [0], [1], [0, 0, 1, 1], [], []>, transpose_lhs_hint = false} : vector<10000x128xf32>, vector<128x64xf32>, vector<10000x64xf32> -> vector<10000x64xf32>
    %mul3A = vector.broadcast %rsqrt3A : vector<10000x1xf32> to vector<10000x64xf32>
    %mul3A_17 = arith.mulf %mul3A, %dot_general3A_16 : vector<10000x64xf32>
    %swap3A_18 = arith.constant 0 : index
    %swap3A_19 = arith.constant 0 : index
    %swap3A_20 = vector.load %arg4[%swap3A_18, %swap3A_19] : memref<10000x64xf32, #tpu.memory_space<vmem>>, vector<10000x64xf32>
    tpu.vector_store %arg4[%swap3A_18, %swap3A_19], %mul3A_17 {strides = array<i32>} : memref<10000x64xf32, #tpu.memory_space<vmem>>, vector<10000x64xf32>,
    return
  }
}

module attributes {stable_mosaic.version = 14 : i64} {
  func.func @_layer_body(%arg0: memref<10000x128xf32, #tpu.memory_space<vmem>>, %arg1: memref<10000x64xf32, #tpu.memory_space<vmem>>, %arg2: memref<10000x1xf32, #tpu.memory_space<vmem>>, %arg3: memref<1x64xf32, #tpu.memory_space<vmem>>, %arg4: memref<64x32xf32, #tpu.memory_space<vmem>>, %arg5: memref<10000x32xf32, #tpu.memory_space<vmem>>) attributes {dimension_semantics = [], scalar_prefetch = 0 : i64, scratch_operands = 0 : i64, tpu.core_type = #tpu.core_type<tc>} {
    %get3A = arith.constant 0 : index
    %get3A_0 = arith.constant 0 : index
    %get3A_1 = vector.load %arg0[%get3A, %get3A_0] : memref<10000x128xf32, #tpu.memory_space<vmem>>, vector<10000x64xf32>
    %get3A_2 = arith.constant 0 : index
    %get3A_3 = arith.constant 64 : index
    %get3A_4 = vector.load %arg0[%get3A_2, %get3A_3] : memref<10000x128xf32, #tpu.memory_space<vmem>>, vector<10000x64xf32>
    %add3A = arith.addf %get3A_1, %get3A_4 : vector<10000x64xf32>
    %get3A_5 = arith.constant 0 : index
    %get3A_6 = arith.constant 0 : index
    %get3A_7 = vector.load %arg1[%get3A_5, %get3A_6] : memref<10000x64xf32, #tpu.memory_space<vmem>>, vector<10000x64xf32>
    %add3A_8 = arith.addf %add3A, %get3A_7 : vector<10000x64xf32>
    %get3A_9 = arith.constant 0 : index
    %get3A_10 = arith.constant 0 : index
    %get3A_11 = vector.load %arg2[%get3A_9, %get3A_10] : memref<10000x1xf32, #tpu.memory_space<vmem>>, vector<10000x1xf32>
    %mul3A = vector.broadcast %get3A_11 : vector<10000x1xf32> to vector<10000x64xf32>
    %mul3A_12 = arith.mulf %mul3A, %add3A_8 : vector<10000x64xf32>
    %get3A_13 = arith.constant 0 : index
    %get3A_14 = arith.constant 0 : index
    %get3A_15 = vector.load %arg3[%get3A_13, %get3A_14] : memref<1x64xf32, #tpu.memory_space<vmem>>, vector<1x64xf32>
    %add3A_16 = vector.broadcast %get3A_15 : vector<1x64xf32> to vector<10000x64xf32>
    %add3A_17 = arith.addf %mul3A_12, %add3A_16 : vector<10000x64xf32>
    %max3A = arith.constant 0.000000e+00 : f32
    %max3A_18 = vector.broadcast %max3A : f32 to vector<10000x64xf32>
    %max3A_19 = arith.maximumf %add3A_17, %max3A_18 : vector<10000x64xf32>
    %get3A_20 = arith.constant 0 : index
    %get3A_21 = arith.constant 0 : index
    %get3A_22 = vector.load %arg2[%get3A_20, %get3A_21] : memref<10000x1xf32, #tpu.memory_space<vmem>>, vector<10000x1xf32>
    %get3A_23 = arith.constant 0 : index
    %get3A_24 = arith.constant 0 : index
    %get3A_25 = vector.load %arg4[%get3A_23, %get3A_24] : memref<64x32xf32, #tpu.memory_space<vmem>>, vector<64x32xf32>
    %dot_general3A = arith.constant dense<0.000000e+00> : vector<10000x32xf32>
    %dot_general3A_26 = tpu.matmul %max3A_19, %get3A_25, %dot_general3A {dimension_numbers = #tpu.dot_dimension_numbers<[1], [0], [0], [1], [0, 0, 1, 1], [], []>, transpose_lhs_hint = false} : vector<10000x64xf32>, vector<64x32xf32>, vector<10000x32xf32> -> vector<10000x32xf32>
    %mul3A_27 = vector.broadcast %get3A_22 : vector<10000x1xf32> to vector<10000x32xf32>
    %mul3A_28 = arith.mulf %mul3A_27, %dot_general3A_26 : vector<10000x32xf32>
    %swap3A = arith.constant 0 : index
    %swap3A_29 = arith.constant 0 : index
    %swap3A_30 = vector.load %arg5[%swap3A, %swap3A_29] : memref<10000x32xf32, #tpu.memory_space<vmem>>, vector<10000x32xf32>
    tpu.vector_store %arg5[%swap3A, %swap3A_29], %mul3A_28 {strides = array<i32>} : memref<10000x32xf32, #tpu.memory_space<vmem>>, vector<10000x32xf32>,
    return
  }
}

module attributes {stable_mosaic.version = 14 : i64} {
  func.func @_combine_body(%arg0: memref<10000x128xf32, #tpu.memory_space<vmem>>, %arg1: memref<10000x32xf32, #tpu.memory_space<vmem>>, %arg2: memref<10000x1xf32, #tpu.memory_space<vmem>>, %arg3: memref<1x32xf32, #tpu.memory_space<vmem>>, %arg4: memref<10000x32xf32, #tpu.memory_space<vmem>>) attributes {dimension_semantics = [], scalar_prefetch = 0 : i64, scratch_operands = 0 : i64, tpu.core_type = #tpu.core_type<tc>} {
    %get3A = arith.constant 0 : index
    %get3A_0 = arith.constant 0 : index
    %get3A_1 = vector.load %arg0[%get3A, %get3A_0] : memref<10000x128xf32, #tpu.memory_space<vmem>>, vector<10000x32xf32>
    %get3A_2 = arith.constant 0 : index
    %get3A_3 = arith.constant 32 : index
    %get3A_4 = vector.load %arg0[%get3A_2, %get3A_3] : memref<10000x128xf32, #tpu.memory_space<vmem>>, vector<10000x32xf32>
    %add3A = arith.addf %get3A_1, %get3A_4 : vector<10000x32xf32>
    %get3A_5 = arith.constant 0 : index
    %get3A_6 = arith.constant 0 : index
    %get3A_7 = vector.load %arg1[%get3A_5, %get3A_6] : memref<10000x32xf32, #tpu.memory_space<vmem>>, vector<10000x32xf32>
    %add3A_8 = arith.addf %add3A, %get3A_7 : vector<10000x32xf32>
    %get3A_9 = arith.constant 0 : index
    %get3A_10 = arith.constant 0 : index
    %get3A_11 = vector.load %arg2[%get3A_9, %get3A_10] : memref<10000x1xf32, #tpu.memory_space<vmem>>, vector<10000x1xf32>
    %mul3A = vector.broadcast %get3A_11 : vector<10000x1xf32> to vector<10000x32xf32>
    %mul3A_12 = arith.mulf %mul3A, %add3A_8 : vector<10000x32xf32>
    %get3A_13 = arith.constant 0 : index
    %get3A_14 = arith.constant 0 : index
    %get3A_15 = vector.load %arg3[%get3A_13, %get3A_14] : memref<1x32xf32, #tpu.memory_space<vmem>>, vector<1x32xf32>
    %add3A_16 = vector.broadcast %get3A_15 : vector<1x32xf32> to vector<10000x32xf32>
    %add3A_17 = arith.addf %mul3A_12, %add3A_16 : vector<10000x32xf32>
    %swap3A = arith.constant 0 : index
    %swap3A_18 = arith.constant 0 : index
    %swap3A_19 = vector.load %arg4[%swap3A, %swap3A_18] : memref<10000x32xf32, #tpu.memory_space<vmem>>, vector<10000x32xf32>
    tpu.vector_store %arg4[%swap3A, %swap3A_18], %add3A_17 {strides = array<i32>} : memref<10000x32xf32, #tpu.memory_space<vmem>>, vector<10000x32xf32>,
    return
  }
}

</mosaic_0001>

<sc_bundles>
// kernel: kernel.11.cloned.1.call-start
scs
__scs_entry_jumppad:
0x0: {  	(pc) =	sbr.rel $0x88, $3  }
0x1: {  	(tag) =	ssettag $0x0;
	lr =	simm.s32 $0x1  }
0x2: {  	[smem:$0x3F9B] =	sst lr;
	_ =	strace $0xD0000000  }
0x3: {  	_ = 	snop  }
0x4: {  	_ = 	snop  }
0x5: {  	_ = 	snop  }
0x6: {  	_ = 	snop  }
0x7: {  	_ = 	snop  }
__scs_overlays_trampoline_lowered:
0x8: {  	[smem:$0x3FAA] =	sst s0  }
0x9: {  	[smem:$0x3FAB] =	sst s1  }
0xa: {  	[smem:$0x3FAC] =	sst s2  }
0xb: {  	[smem:$0x3FAD] =	sst s3  }
0xc: {  	[smem:$0x3FAE] =	sst s4  }
0xd: {  	[smem:$0x3FAF] =	sst s5  }
0xe: {  	[smem:$0x3FB0] =	sst s6  }
0xf: {  	[smem:$0x3FB1] =	sst s7  }
0x10: {  	[smem:$0x3FB2] =	sst s8  }
0x11: {  	[smem:$0x3FB3] =	sst s9;
	s0 =	simm.s32 @!p0 $0x0  }
0x12: {  	s1 =	sld [smem:$0x3F99];
	s0 =	simm.s32 @p0 $0x1  }
0x13: {  	[smem:$0x3FB4] =	sst s0;
	s0 =	simm.s32 @!p1 $0x0  }
0x14: {  	s2 =	sld [smem:$0x3F98];
	s0 =	simm.s32 @p1 $0x1  }
0x15: {  	[smem:$0x3FB5] =	sst s0;
	s0 =	simm.s32 @!p2 $0x0  }
0x16: {  	s3 =	sld [smem:$0x3FDB];
	s0 =	simm.s32 @p2 $0x1  }
0x17: {  	s4 =	simm.s32 $0x1BF5;
	[smem:$0x3FB7] =	sst s0  }
0x18: {  	s0 =	sld [smem:$0x3F9A];
	_ =	swait.ge [sflag:s4], $0x0  }
0x19: {  	s7 =	sld [smem:$0x3F9B]  }
0x1a: {  	s8 =	sadd.s32 $0xFFFFE003, lr  }
0x1b: {  	s9 =	sadd.s32 $0xFFFFFEF7, lr;
	s5 =	simm.s32 $0xFFFFFFFF;
	p2 =	slt.u32 s8, $0xFFFFF086  }
0x1c: {  	p1 =	slt.u32 s9, $0xF7A;
	s5 =	simm.s32 @!p2 $0x0  }
0x1d: {  	s5 =	simm.s32 @p1 $0x1;
	p0 =	seq.s32 s7, s2  }
0x1e: {  	s7 =	smul.u32 @!p0 $0xF7A, s2;
	p2 =	seq.s32 @!p0 s5, $0x0  }
0x1f: {  	s9 =	smul.u32 $0xF7A, s1;
	s8 =	simm.s32 @!p0 $0x1BF5;
	p2 =	por !p2, p0  }
0x20: {  	[sflag:s8] =	ssyncset.s32 @!p0 $0xFFFFF086;
	s6 =	sadd.s32 @!p0 s3, s7;
	s7 =	simm.s32 @!p0 $0x108  }
0x21: {  	s3 =	sadd.s32 s3, s9;
	s6 =	sadd.s32 @!p0 $0x88, s6;
	s7 =	simm.s32 @p2 $0x1082  }
0x22: {  	[simem:s7], [sflag:s8] =	dma.local @!p0 [hbm:s6], $0xF7A  }
0x23: {  	s9 =	sor.u32 $0xD0000000, s2;
	s6 =	simm.s32 $0x108;
	_ =	swait.ge @!p0 [sflag:s8], $0x0  }
0x24: {  	s3 =	sadd.s32 $0x88, s3;
	s6 =	simm.s32 @!p1 $0x1082;
	[sflag:s4] =	ssyncset.s32 $0xFFFFF086  }
0x25: {  	[simem:s6], [sflag:s4] =	dma.local [hbm:s3], $0xF7A  }
0x26: {  	[smem:$0x3F9B] =	sst s1;
	(tag) =	ssettag s2;
	_ =	strace s9  }
0x27: {  	s1 =	sld [smem:$0x3FAB]  }
0x28: {  	s2 =	sld [smem:$0x3FAC]  }
0x29: {  	s4 =	sld [smem:$0x3FAE]  }
0x2a: {  	p0 =	seq.s32 s5, $0x0;
	s5 =	sld [smem:$0x3FAF]  }
0x2b: {  	s6 =	sld [smem:$0x3FB0]  }
0x2c: {  	s7 =	sld [smem:$0x3FB1]  }
0x2d: {  	s3 =	simm.s32 $0x108;
	s8 =	sld [smem:$0x3FB2]  }
0x2e: {  	s3 =	simm.s32 @!p0 $0x1082;
	s9 =	sld [smem:$0x3FB3]  }
0x2f: {  	lr =	sadd.s32 s0, s3;
	s0 =	sld [smem:$0x3FAA]  }
0x30: {  	s3 =	sld [smem:$0x3FAD]  }
0x31: {  	[smem:$0x3FB6] =	sst s10  }
0x32: {  	s10 =	sld [smem:$0x3FB4];
	_ =	sdelay $0x3  }
0x33: {  	p0 =	seq.s32 s10, $0x1;
	s10 =	sld [smem:$0x3FB6];
	_ =	sdelay $0x3  }
0x34: {  	[smem:$0x3FB6] =	sst s10  }
0x35: {  	s10 =	sld [smem:$0x3FB5];
	_ =	sdelay $0x3  }
0x36: {  	p1 =	seq.s32 s10, $0x1;
	s10 =	sld [smem:$0x3FB6];
	_ =	sdelay $0x3  }
0x37: {  	[smem:$0x3FB6] =	sst s10  }
0x38: {  	s10 =	sld [smem:$0x3FB7]  }
0x39: {  	_ = 	snop;
	(pc) =	sbr.ind lr, $3  }
0x3a: {  	_ = 	snop  }
0x3b: {  	_ = 	snop  }
0x3c: {  	p2 =	seq.s32 s10, $0x1;
	s10 =	sld [smem:$0x3FB6]  }
0x3d: {  	_ =	shalt  }
0x3e: {  	_ =	shalt  }
0x3f: {  	_ =	shalt  }
0x40: {  	_ =	shalt  }
0x41: {  	_ =	shalt  }
0x42: {  	_ =	shalt  }
0x43: {  	_ =	shalt  }
0x44: {  	_ =	shalt  }
0x45: {  	_ =	shalt  }
0x46: {  	_ =	shalt  }
0x47: {  	_ =	shalt  }
0x48: {  	_ =	shalt  }
0x49: {  	_ =	shalt  }
0x4a: {  	_ =	shalt  }
0x4b: {  	_ =	shalt  }
0x4c: {  	_ =	shalt  }
0x4d: {  	_ =	shalt  }
0x4e: {  	_ =	shalt  }
0x4f: {  	_ =	shalt  }
0x50: {  	_ =	shalt  }
0x51: {  	_ =	shalt  }
0x52: {  	_ =	shalt  }
0x53: {  	_ =	shalt  }
0x54: {  	_ =	shalt  }
0x55: {  	_ =	shalt  }
0x56: {  	_ =	shalt  }
0x57: {  	_ =	shalt  }
0x58: {  	_ =	shalt  }
0x59: {  	_ =	shalt  }
0x5a: {  	_ =	shalt  }
0x5b: {  	_ =	shalt  }
0x5c: {  	_ =	shalt  }
0x5d: {  	_ =	shalt  }
0x5e: {  	_ =	shalt  }
0x5f: {  	_ =	shalt  }
0x60: {  	_ =	shalt  }
0x61: {  	_ =	shalt  }
0x62: {  	_ =	shalt  }
0x63: {  	_ =	shalt  }
0x64: {  	_ =	shalt  }
0x65: {  	_ =	shalt  }
0x66: {  	_ =	shalt  }
0x67: {  	_ =	shalt  }
0x68: {  	_ =	shalt  }
0x69: {  	_ =	shalt  }
0x6a: {  	_ =	shalt  }
0x6b: {  	_ =	shalt  }
0x6c: {  	_ =	shalt  }
0x6d: {  	_ =	shalt  }
0x6e: {  	_ =	shalt  }
0x6f: {  	_ =	shalt  }
0x70: {  	_ =	shalt  }
0x71: {  	_ =	shalt  }
0x72: {  	_ =	shalt  }
0x73: {  	_ =	shalt  }
0x74: {  	_ =	shalt  }
0x75: {  	_ =	shalt  }
0x76: {  	_ =	shalt  }
0x77: {  	_ =	shalt  }
0x78: {  	_ =	shalt  }
0x79: {  	_ =	shalt  }
0x7a: {  	_ =	shalt  }
0x7b: {  	_ =	shalt  }
0x7c: {  	_ =	shalt  }
0x7d: {  	_ =	shalt  }
0x7e: {  	_ =	shalt  }
0x7f: {  	_ =	shalt  }
0x80: {  	_ =	shalt  }
0x81: {  	_ =	shalt  }
0x82: {  	_ =	shalt  }
0x83: {  	_ =	shalt  }
0x84: {  	_ =	shalt  }
0x85: {  	_ =	shalt  }
0x86: {  	_ =	shalt  }
0x87: {  	_ =	shalt  }
.Lfunc_end0:
.L_simem_size_0:
called_computation.1_lowered:
.L_overlay_start_0:
0x88: {  	s2 =	sld [smem:$0x3FD9]  }
0x89: {  	s3 =	sld [smem:$0x3FFE];
	_ =	sdelay $0x1  }
0x8a: {  	s1 =	srdreg.scid  }
0x8b: {  	s0 =	sand.u32 $0x1, s1  }
0x8c: {  	s17 =	sshll.u32 s0, $0xA;
	s2 =	sadd.s32 s3, s2  }
0x8d: {  	s2 =	sadd.s32 s2, s17  }
0x8e: {  	[smem:$0x3FC2] =	sst s2  }
0x8f: {  	_ = 	snop  }
0x90: {  	s2 =	sld [smem:$0x3FD0];
	(tm) =	ssettm $0x1  }
0x91: {  	s18 =	sld [smem:$0x3FFB];
	_ =	sdelay $0x3  }
0x92: {  	_ =	strace s18  }
0x93: {  	s3 =	sld [smem:$0x3FFC];
	_ =	sdelay $0x3  }
0x94: {  	_ =	strace s3  }
0x95: {  	s3 =	sld [smem:$0x3FFD];
	_ =	sdelay $0x3  }
0x96: {  	_ =	strace s3  }
0x97: {  	_ =	strace $0x8FFFFFFF  }
0x98: {  	s19 =	sld [smem:$0x3FDB];
	_ =	sdelay $0x1  }
0x99: {  	s4 =	simm.s32 $_scs_section_size  }
0x9a: {  	s5 =	simm.s32 $_size__tile_overlayer_lowered;
	s6 =	simm.s32 $_tile_overlayer_lowered  }
0x9b: {  	s22 =	simm.s32 $0x1BFF;
	s21 =	sshll.u32 s6, $0x1;
	s3 =	sadd.s32 s4, s19  }
0x9c: {  	s7 =	simm.s32 $0x0;
	s20 =	sshll.u32 s5, $0x1;
	s5 =	sadd.s32 s21, s3  }
0x9d: {  	[timem:s7], [sflag:s22] =	dma.local [hbm:s5], s20  }
0x9e: {  	_ =	swait.ge [sflag:s22], s20  }
0x9f: {  	s4 =	ssub.s32 $0x0, s20;
	[sflag:s22] =	ssyncset.done $0x0  }
0xa0: {  	[sflag:s22] =	ssyncadd.s32 s4;
	_ =	sdelay $0x1  }
0xa1: {  	s23 =	simm.s32 $0x1B8B  }
0xa2: {  	_ =	swait.ge [sflag:s23], $0x1  }
0xa3: {  	[sflag:s23] =	ssyncset.done $0x0  }
0xa4: {  	s25 =	simm.s32 $0x1B8E;
	s24 =	sld [smem:$0x3FFE];
	[sflag:s23] =	ssyncadd.s32 $0xFFFFFFFF  }
0xa5: {  	s26 =	simm.s32 $execute0_lowered;
	[smem:$0x3FD2] =	sst s25  }
0xa6: {  	s5 =	sshll.u32 s26, $0x1;
	_ =	strace $0x80000049;
	[dreg:$0x1] =	wrdreg $0xFFFFFFFF  }
0xa7: {  	s28 =	simm.s32 $_size_execute0_lowered;
	s3 =	sadd.s32 s3, s5;
	[dreg:$0x0] =	wrdreg $0x0  }
0xa8: {  	s5 =	sshll.u32 s28, $0x1;
	[dreg:$0x2] =	wrdreg s3  }
0xa9: {  	[dreg:$0x3] =	wrdreg s5  }
0xaa: {  	[dreg:$0x4] =	wrdreg $0xC0  }
0xab: {  	_ =	task [dreg:s7], $0x5FFFF  }
0xac: {  	[dreg:$0x1] =	wrdreg $0xFFFFFFFF  }
0xad: {  	[dreg:$0x0] =	wrdreg $0x60  }
0xae: {  	[dreg:$0x2] =	wrdreg s24  }
0xaf: {  	[dreg:$0x3] =	wrdreg s2  }
0xb0: {  	[dreg:$0x4] =	wrdreg $0x15E000  }
0xb1: {  	[dreg:$0x5] =	wrdreg $0x9  }
0xb2: {  	_ =	task.clear_ibuf [dreg:s7], $0x6FFFF;
	_ =	strace $0x90000049  }
0xb3: {  	s29 =	simm.s32 $0x9;
	_ =	strace $0x8000004B  }
0xb4: {  	_ =	swait.ge [sflag:s29], $0x1  }
0xb5: {  	[sflag:s29] =	ssyncadd.s32 $0xFFFFFFFF  }
0xb6: {  	_ =	strace $0x9000004B  }
0xb7: {  	_ =	sfence  }
0xb8: {  	s30 =	sld [smem:$0x0];
	_ =	sdelay $0x2  }
0xb9: {  	s31 =	sshll.u32 s1, $0xD;
	s1 =	sshrl.u32 s1, $0x2  }
0xba: {  	s3 =	sand.u32 $0x4000, s31;
	s1 =	sadd.s32 s1, s30  }
0xbb: {  	s0 =	sor.u32 s3, s0;
	s1 =	sshll.u32 s1, $0x11  }
0xbc: {  	s0 =	sor.u32 s1, s0  }
0xbd: {  	s0 =	sadd.s32 $0x8F2B, s0  }
0xbe: {  	[sflag:s0] =	ssyncadd.remote.s32 $0x1  }
0xbf: {  	_ =	sfence.sel $0xFFFF  }
0xc0: {  	[dreg:$0x0] =	wrdreg $0xFFFFFFFF;
	(pc) =	sbr.abs _section_cstart, $3  }
0xc1: {  	[dreg:$0x1] =	wrdreg $0xFFFFFFFF  }
0xc2: {  	_ =	task.clear_ibuf [dreg:s7], $0x2FFFF;
	_ =	strace $0x9FFFFFFF  }
0xc3: {  	(tm) =	ssettm $0x7FFFFFFF  }
tec
execute0_lowered:
.L_overlay_start_1:
0x0: {  	(tag) =	ssettag $0x1  }
0x1: {  	s0 =	rddreg [dreg:$0x0];
	s1 =	srdreg.scid  }
0x2: {  	s3 =	rddreg [dreg:$0x2];
	s8 =	stileid.u32  }
0x3: {  	s4 =	simm.s32 $0x0;
	s28 =	simm.s32 $0x1;
	s29 =	simm.s32 $0x7D  }
0x4: {  	s30 =	simm.s32 $0x5000;
	s31 =	simm.s32 $0xCD00;
	s1 =	sand.u32 $0x1, s1  }
0x5: {  	[smem:$0x7FF] =	sst s4;
	s6 =	smul.u32 $0x28000, s8;
	s5 =	sadd.s32 $0x3DA00, s0  }
0x6: {  	s17 =	sadd.s32 $0x96000, s3;
	s18 =	smul.u32 $0x14000, s8;
	s19 =	sadd.s32 $0x97400, s3  }
0x7: {  	s20 =	sadd.s32 $0x98800, s3;
	_ =	strace $0x8000004A;
	[dreg:$0xe] =	wrdreg s17  }
0x8: {  	s22 =	sadd.s32 $0x99C00, s3;
	s23 =	sadd.s32 $0x9B000, s3;
	[dreg:$0xf] =	wrdreg s19  }
0x9: {  	p0 =	seq.s32 s8, $0xF;
	s2 =	sshll.u32 s1, $0x4;
	[dreg:$0x10] =	wrdreg s20  }
0xa: {  	s26 =	ssub.s32 $0x2, s1;
	s21 =	sshll.u32 s1, $0x6;
	[dreg:$0x11] =	wrdreg s22  }
0xb: {  	s1 =	sshll.u32 s1, $0x3;
	[dreg:$0x12] =	wrdreg s23;
	s17 =	simm.s32 $0xB  }
0xc: {  	s19 =	simm.s32 $0xC;
	s20 =	simm.s32 $0xD;
	s6 =	sshrl.u32 s6, $0x2  }
0xd: {  	s22 =	simm.s32 $0xF;
	s23 =	simm.s32 $0x10;
	s24 =	sadd.s32 s6, s3  }
0xe: {  	s2 =	sor.u32 s8, s2;
	s10 =	sadd.s32 $0x1400, s24;
	[dreg:$0x6] =	wrdreg s24  }
0xf: {  	s7 =	sshrl.u32 s26, $0x1;
	s11 =	sadd.s32 $0x2800, s24;
	[dreg:$0x7] =	wrdreg s10  }
0x10: {  	s2 =	smul.u32 $0x500, s2;
	s12 =	sadd.s32 $0x3C00, s24;
	[dreg:$0x8] =	wrdreg s11  }
0x11: {  	s4 =	ssub.s32 s26, s7;
	s13 =	sadd.s32 $0x5000, s24;
	[dreg:$0x9] =	wrdreg s12  }
0x12: {  	s6 =	simm.s32 $0x2;
	s14 =	sadd.s32 $0x6400, s24;
	[dreg:$0xa] =	wrdreg s13  }
0x13: {  	s7 =	simm.s32 $0x10B80;
	s15 =	sadd.s32 $0x7800, s24;
	[dreg:$0xb] =	wrdreg s14  }
0x14: {  	s16 =	sadd.s32 $0x8C00, s24;
	s26 =	smax.u32 s4, $0x1;
	[dreg:$0xc] =	wrdreg s15  }
0x15: {  	s2 =	sadd.s32 s2, s0;
	s0 =	sadd.s32 $0x51400, s0;
	[dreg:$0xd] =	wrdreg s16  }
0x16: {  	[dreg:$0x15] =	wrdreg s26;
	s26 =	simm.s32 $0x8E80;
	s10 =	simm.s32 $0x12AC0  }
0x17: {  	s11 =	simm.s32 $0x4;
	s12 =	simm.s32 $0x9;
	s13 =	simm.s32 $0x5  }
0x18: {  	s14 =	simm.s32 $0xA;
	s15 =	simm.s32 $0x6;
	s9 =	sadd.s32 $0x33A00, s2  }
0x19: {  	s16 =	simm.s32 $0x0;
	s2 =	sadd.s32 $0x2600, s2;
	[dreg:$0x4] =	wrdreg s9  }
0x1a: {  	s1 =	sadd.s32 s1, s0;
	[dreg:$0x5] =	wrdreg s2;
	s2 =	sor.u32 s21, s18  }
0x1b: {  	s25 =	sadd.s32 $0x25800, s1;
	s1 =	simm.s32 $0xEC40;
	s9 =	simm.s32 $0x3  }
0x1c: {  	s18 =	simm.s32 $0x7;
	s21 =	simm.s32 $0xE;
	s2 =	sshrl.u32 s2, $0x3  }
0x1d: {  	[dreg:$0x14] =	wrdreg s25;
	s25 =	simm.s32 $0x8;
	s0 =	sadd.s32 s0, s2  }
0x1e: {  	s2 =	simm.s32 $0xADC0;
	[dreg:$0x13] =	wrdreg s0;
	s0 =	simm.s32 $0x6F40  }
.LBB2_1:
0x1f: {  	[dreg:$0x16] =	wrdreg s16  }
0x20: {  	s8 =	simm.s32 $0x0;
	s4 =	rddreg [dreg:$0x4];
	s24 =	simm.s32 $0x11  }
0x21: {  	[tilespmem:s8], [sflag:$0x11] =	stream.linear.gather [hbm4b:s4+s8], $0x2800, $0x38;
	[tilespmem:$0x1FA40] =	vst v63  }
0x22: {  	_ =	swait.ge [sflag:s24], $0x2800  }
0x23: {  	s16 =	simm.s32 $0x2800;
	[sflag:s24] =	ssyncset.done $0x0  }
0x24: {  	s8 =	simm.s32 $0x0;
	s4 =	rddreg [dreg:$0x5];
	[sflag:s24] =	ssyncadd.s32 $0xFFFFD800  }
0x25: {  	[tilespmem:s16], [sflag:$0x11] =	stream.linear.gather [hbm4b:s4+s8], $0x2800, $0x38;
	[tilespmem:$0x1FA40] =	vst v63  }
0x26: {  	_ =	swait.ge [sflag:s24], $0x2800  }
0x27: {  	[sflag:s24] =	ssyncset.done $0x0  }
0x28: {  	[sflag:s24] =	ssyncadd.s32 $0xFFFFD800  }
0x29: {  	s8 =	simm.s32 $0x0;
	s16 =	simm.s32 $0x14A00;
	s4 =	rddreg [dreg:$0x1]  }
0x2a: {  	[tilespmem:s16], [sflag:$0x11] =	stream.linear.gather [hbm4b:s4+s8], $0x1400, $0x38;
	[tilespmem:$0x1FA40] =	vst v63  }
0x2b: {  	_ =	swait.ge [sflag:s24], $0x1400  }
0x2c: {  	[sflag:s24] =	ssyncset.done $0x0  }
0x2d: {  	s8 =	simm.s32 @p0 $0x14A00;
	s4 =	rddreg [dreg:$0xe];
	[sflag:s24] =	ssyncadd.s32 $0xFFFFEC00  }
0x2e: {  	[spmem:s4] =	stream.linear.scatter @p0 [tilespmem:s8], [sflag:$0x1], $0x1400, $0x38;
	[tilespmem:$0x1FA40] =	vst v63  }
0x2f: {  	s4 =	rddreg [dreg:$0xf]  }
0x30: {  	[spmem:s4] =	stream.linear.scatter @p0 [tilespmem:s8], [sflag:$0x1], $0x1400, $0x38;
	[tilespmem:$0x1FA40] =	vst v63  }
0x31: {  	s4 =	rddreg [dreg:$0x10]  }
0x32: {  	[spmem:s4] =	stream.linear.scatter @p0 [tilespmem:s8], [sflag:$0x1], $0x1400, $0x38;
	[tilespmem:$0x1FA40] =	vst v63  }
0x33: {  	s4 =	rddreg [dreg:$0x11]  }
0x34: {  	[spmem:s4] =	stream.linear.scatter @p0 [tilespmem:s8], [sflag:$0x1], $0x1400, $0x38;
	[tilespmem:$0x1FA40] =	vst v63  }
0x35: {  	s4 =	rddreg [dreg:$0x12]  }
0x36: {  	[spmem:s4] =	stream.linear.scatter @p0 [tilespmem:s8], [sflag:$0x1], $0x1400, $0x38;
	[tilespmem:$0x1FA40] =	vst v63  }
0x37: {  	s8 =	simm.s32 @!p0 $0x14A00;
	s4 =	rddreg [dreg:$0x6]  }
0x38: {  	[spmem:s4] =	stream.linear.scatter @!p0 [tilespmem:s8], [sflag:$0x1], $0x1400, $0x38;
	[tilespmem:$0x1FA40] =	vst v63  }
0x39: {  	s4 =	rddreg [dreg:$0x7]  }
0x3a: {  	[spmem:s4] =	stream.linear.scatter @!p0 [tilespmem:s8], [sflag:$0x1], $0x1400, $0x38;
	[tilespmem:$0x1FA40] =	vst v63  }
0x3b: {  	s4 =	rddreg [dreg:$0x8]  }
0x3c: {  	[spmem:s4] =	stream.linear.scatter @!p0 [tilespmem:s8], [sflag:$0x1], $0x1400, $0x38;
	[tilespmem:$0x1FA40] =	vst v63  }
0x3d: {  	s4 =	rddreg [dreg:$0x9]  }
0x3e: {  	[spmem:s4] =	stream.linear.scatter @!p0 [tilespmem:s8], [sflag:$0x1], $0x1400, $0x38;
	[tilespmem:$0x1FA40] =	vst v63  }
0x3f: {  	s4 =	rddreg [dreg:$0xa]  }
0x40: {  	[spmem:s4] =	stream.linear.scatter @!p0 [tilespmem:s8], [sflag:$0x1], $0x1400, $0x38;
	[tilespmem:$0x1FA40] =	vst v63  }
0x41: {  	s4 =	rddreg [dreg:$0xb]  }
0x42: {  	[spmem:s4] =	stream.linear.scatter @!p0 [tilespmem:s8], [sflag:$0x1], $0x1400, $0x38;
	[tilespmem:$0x1FA40] =	vst v63  }
0x43: {  	s4 =	rddreg [dreg:$0xc]  }
0x44: {  	[spmem:s4] =	stream.linear.scatter @!p0 [tilespmem:s8], [sflag:$0x1], $0x1400, $0x38;
	[tilespmem:$0x1FA40] =	vst v63  }
0x45: {  	s4 =	rddreg [dreg:$0xd]  }
0x46: {  	[spmem:s4] =	stream.linear.scatter @!p0 [tilespmem:s8], [sflag:$0x1], $0x1400, $0x38;
	[tilespmem:$0x1FA40] =	vst v63  }
0x47: {  	s8 =	simm.s32 @!p0 $0x1  }
0x48: {  	_ =	swait.ge @!p0 [sflag:s8], $0x1400  }
0x49: {  	[sflag:s8] =	ssyncset.done @!p0 $0x0  }
0x4a: {  	[sflag:s8] =	ssyncadd.s32 @!p0 $0xFFFFEC00  }
0x4b: {  	_ =	swait.ge @!p0 [sflag:s8], $0x1400  }
0x4c: {  	[sflag:s8] =	ssyncset.done @!p0 $0x0  }
0x4d: {  	[sflag:s8] =	ssyncadd.s32 @!p0 $0xFFFFEC00  }
0x4e: {  	_ =	swait.ge @!p0 [sflag:s8], $0x1400  }
0x4f: {  	[sflag:s8] =	ssyncset.done @!p0 $0x0  }
0x50: {  	[sflag:s8] =	ssyncadd.s32 @!p0 $0xFFFFEC00  }
0x51: {  	_ =	swait.ge [sflag:s28], $0x1400  }
0x52: {  	[sflag:s28] =	ssyncset.done $0x0  }
0x53: {  	[sflag:s28] =	ssyncadd.s32 $0xFFFFEC00  }
0x54: {  	_ =	swait.ge [sflag:s28], $0x1400  }
0x55: {  	[sflag:s28] =	ssyncset.done $0x0  }
0x56: {  	[sflag:s28] =	ssyncadd.s32 $0xFFFFEC00  }
0x57: {  	_ =	swait.ge [sflag:s28], $0x1400  }
0x58: {  	[sflag:s28] =	ssyncset.done $0x0  }
0x59: {  	[sflag:s28] =	ssyncadd.s32 $0xFFFFEC00  }
0x5a: {  	_ =	swait.ge [sflag:s28], $0x1400  }
0x5b: {  	[sflag:s28] =	ssyncset.done $0x0  }
0x5c: {  	[sflag:s28] =	ssyncadd.s32 $0xFFFFEC00  }
0x5d: {  	_ =	swait.ge [sflag:s28], $0x1400  }
0x5e: {  	[sflag:s28] =	ssyncset.done $0x0  }
0x5f: {  	[sflag:s28] =	ssyncadd.s32 $0xFFFFEC00  }
0x60: {  	s16 =	simm.s32 $0x0;
	[bflag:$0x0] =	sbarrier.arrive $0xFFFF  }
0x61: {  	[tilespmem:s30], [sflag:$0x1] =	stream.indirect.gather [hbm4b:s5+s29], $0x40, s16, s29, $0xb8;
	[tilespmem:$0x1FA40] =	vst v63  }
0x62: {  	s24 =	simm.s32 $0x80  }
0x63: {  	[tilespmem:s0], [sflag:$0x2] =	stream.indirect.gather [hbm4b:s5+s29], $0x40, s24, s29, $0xb8;
	[tilespmem:$0x1FA40] =	vst v63  }
0x64: {  	s8 =	simm.s32 $0x100  }
0x65: {  	[tilespmem:s26], [sflag:$0x3] =	stream.indirect.gather [hbm4b:s5+s29], $0x40, s8, s29, $0xb8;
	[tilespmem:$0x1FA40] =	vst v63  }
0x66: {  	s16 =	simm.s32 $0x180  }
0x67: {  	[tilespmem:s2], [sflag:$0x4] =	stream.indirect.gather [hbm4b:s5+s29], $0x40, s16, s29, $0xb8;
	[tilespmem:$0x1FA40] =	vst v63  }
0x68: {  	s24 =	simm.s32 $0x200  }
0x69: {  	[tilespmem:s31], [sflag:$0x5] =	stream.indirect.gather [hbm4b:s5+s29], $0x40, s24, s29, $0xb8;
	[tilespmem:$0x1FA40] =	vst v63  }
0x6a: {  	_ =	swait.ge [sflag:s28], $0x1F40  }
0x6b: {  	[sflag:s28] =	ssyncset.done $0x0  }
0x6c: {  	s8 =	simm.s32 $0x2800;
	[sflag:s28] =	ssyncadd.s32 $0xFFFFE0C0  }
0x6d: {  	[spmem:s3] =	stream.indirect.scatter.add.f32 [tilespmem:s30], [sflag:$0x9], $0x40, s8, s29, $0xb8;
	[tilespmem:$0x1FA40] =	vst v63  }
0x6e: {  	s16 =	simm.s32 $0x280  }
0x6f: {  	[tilespmem:s1], [sflag:$0x6] =	stream.indirect.gather [hbm4b:s5+s29], $0x40, s16, s29, $0xb8;
	[tilespmem:$0x1FA40] =	vst v63  }
0x70: {  	_ =	swait.ge [sflag:s6], $0x1F40  }
0x71: {  	[sflag:s6] =	ssyncset.done $0x0  }
0x72: {  	s24 =	simm.s32 $0x2880;
	[sflag:s6] =	ssyncadd.s32 $0xFFFFE0C0  }
0x73: {  	[spmem:s3] =	stream.indirect.scatter.add.f32 [tilespmem:s0], [sflag:$0xA], $0x40, s24, s29, $0xb8;
	[tilespmem:$0x1FA40] =	vst v63  }
0x74: {  	s8 =	simm.s32 $0x300  }
0x75: {  	[tilespmem:s7], [sflag:$0x7] =	stream.indirect.gather [hbm4b:s5+s29], $0x40, s8, s29, $0xb8;
	[tilespmem:$0x1FA40] =	vst v63  }
0x76: {  	_ =	swait.ge [sflag:s9], $0x1F40  }
0x77: {  	[sflag:s9] =	ssyncset.done $0x0  }
0x78: {  	s16 =	simm.s32 $0x2900;
	[sflag:s9] =	ssyncadd.s32 $0xFFFFE0C0  }
0x79: {  	[spmem:s3] =	stream.indirect.scatter.add.f32 [tilespmem:s26], [sflag:$0xB], $0x40, s16, s29, $0xb8;
	[tilespmem:$0x1FA40] =	vst v63  }
0x7a: {  	s24 =	simm.s32 $0x380  }
0x7b: {  	[tilespmem:s10], [sflag:$0x8] =	stream.indirect.gather [hbm4b:s5+s29], $0x40, s24, s29, $0xb8;
	[tilespmem:$0x1FA40] =	vst v63  }
0x7c: {  	_ =	swait.ge [sflag:s11], $0x1F40  }
0x7d: {  	[sflag:s11] =	ssyncset.done $0x0  }
0x7e: {  	s8 =	simm.s32 $0x2980;
	[sflag:s11] =	ssyncadd.s32 $0xFFFFE0C0  }
0x7f: {  	[spmem:s3] =	stream.indirect.scatter.add.f32 [tilespmem:s2], [sflag:$0xC], $0x40, s8, s29, $0xb8;
	[tilespmem:$0x1FA40] =	vst v63  }
0x80: {  	_ =	swait.ge [sflag:s12], $0x1F40  }
0x81: {  	[sflag:s12] =	ssyncset.done $0x0  }
0x82: {  	s16 =	simm.s32 $0x400;
	[sflag:s12] =	ssyncadd.s32 $0xFFFFE0C0  }
0x83: {  	[tilespmem:s30], [sflag:$0x1] =	stream.indirect.gather [hbm4b:s5+s29], $0x40, s16, s29, $0xb8;
	[tilespmem:$0x1FA40] =	vst v63  }
0x84: {  	_ =	swait.ge [sflag:s13], $0x1F40  }
0x85: {  	[sflag:s13] =	ssyncset.done $0x0  }
0x86: {  	s24 =	simm.s32 $0x2A00;
	[sflag:s13] =	ssyncadd.s32 $0xFFFFE0C0  }
0x87: {  	[spmem:s3] =	stream.indirect.scatter.add.f32 [tilespmem:s31], [sflag:$0xD], $0x40, s24, s29, $0xb8;
	[tilespmem:$0x1FA40] =	vst v63  }
0x88: {  	_ =	swait.ge [sflag:s14], $0x1F40  }
0x89: {  	[sflag:s14] =	ssyncset.done $0x0  }
0x8a: {  	s8 =	simm.s32 $0x480;
	[sflag:s14] =	ssyncadd.s32 $0xFFFFE0C0  }
0x8b: {  	[tilespmem:s0], [sflag:$0x2] =	stream.indirect.gather [hbm4b:s5+s29], $0x40, s8, s29, $0xb8;
	[tilespmem:$0x1FA40] =	vst v63  }
0x8c: {  	_ =	swait.ge [sflag:s15], $0x1F40  }
0x8d: {  	[sflag:s15] =	ssyncset.done $0x0  }
0x8e: {  	s16 =	simm.s32 $0x2A80;
	[sflag:s15] =	ssyncadd.s32 $0xFFFFE0C0  }
0x8f: {  	[spmem:s3] =	stream.indirect.scatter.add.f32 [tilespmem:s1], [sflag:$0xE], $0x40, s16, s29, $0xb8;
	[tilespmem:$0x1FA40] =	vst v63  }
0x90: {  	_ =	swait.ge [sflag:s17], $0x1F40  }
0x91: {  	[sflag:s17] =	ssyncset.done $0x0  }
0x92: {  	s24 =	simm.s32 $0x500;
	[sflag:s17] =	ssyncadd.s32 $0xFFFFE0C0  }
0x93: {  	[tilespmem:s26], [sflag:$0x3] =	stream.indirect.gather [hbm4b:s5+s29], $0x40, s24, s29, $0xb8;
	[tilespmem:$0x1FA40] =	vst v63  }
0x94: {  	_ =	swait.ge [sflag:s18], $0x1F40  }
0x95: {  	[sflag:s18] =	ssyncset.done $0x0  }
0x96: {  	s8 =	simm.s32 $0x2B00;
	[sflag:s18] =	ssyncadd.s32 $0xFFFFE0C0  }
0x97: {  	[spmem:s3] =	stream.indirect.scatter.add.f32 [tilespmem:s7], [sflag:$0xF], $0x40, s8, s29, $0xb8;
	[tilespmem:$0x1FA40] =	vst v63  }
0x98: {  	_ =	swait.ge [sflag:s19], $0x1F40  }
0x99: {  	[sflag:s19] =	ssyncset.done $0x0  }
0x9a: {  	s16 =	simm.s32 $0x580;
	[sflag:s19] =	ssyncadd.s32 $0xFFFFE0C0  }
0x9b: {  	[tilespmem:s2], [sflag:$0x4] =	stream.indirect.gather [hbm4b:s5+s29], $0x40, s16, s29, $0xb8;
	[tilespmem:$0x1FA40] =	vst v63  }
0x9c: {  	_ =	swait.ge [sflag:s25], $0x1F40  }
0x9d: {  	[sflag:s25] =	ssyncset.done $0x0  }
0x9e: {  	s24 =	simm.s32 $0x2B80;
	[sflag:s25] =	ssyncadd.s32 $0xFFFFE0C0  }
0x9f: {  	[spmem:s3] =	stream.indirect.scatter.add.f32 [tilespmem:s10], [sflag:$0x10], $0x40, s24, s29, $0xb8;
	[tilespmem:$0x1FA40] =	vst v63  }
0xa0: {  	_ =	swait.ge [sflag:s20], $0x1F40  }
0xa1: {  	[sflag:s20] =	ssyncset.done $0x0  }
0xa2: {  	s4 =	simm.s32 $0x600;
	[sflag:s20] =	ssyncadd.s32 $0xFFFFE0C0  }
0xa3: {  	[tilespmem:s31], [sflag:$0x5] =	stream.indirect.gather [hbm4b:s5+s29], $0x40, s4, s29, $0xb8;
	[tilespmem:$0x1FA40] =	vst v63  }
0xa4: {  	_ =	swait.ge [sflag:s28], $0x1F40  }
0xa5: {  	[sflag:s28] =	ssyncset.done $0x0  }
0xa6: {  	s16 =	simm.s32 $0x2C00;
	[sflag:s28] =	ssyncadd.s32 $0xFFFFE0C0  }
0xa7: {  	[spmem:s3] =	stream.indirect.scatter.add.f32 [tilespmem:s30], [sflag:$0x9], $0x40, s16, s29, $0xb8;
	[tilespmem:$0x1FA40] =	vst v63  }
0xa8: {  	_ =	swait.ge [sflag:s21], $0x1F40  }
0xa9: {  	[sflag:s21] =	ssyncset.done $0x0  }
0xaa: {  	s24 =	simm.s32 $0x680;
	[sflag:s21] =	ssyncadd.s32 $0xFFFFE0C0  }
0xab: {  	[tilespmem:s1], [sflag:$0x6] =	stream.indirect.gather [hbm4b:s5+s29], $0x40, s24, s29, $0xb8;
	[tilespmem:$0x1FA40] =	vst v63  }
0xac: {  	_ =	swait.ge [sflag:s6], $0x1F40  }
0xad: {  	[sflag:s6] =	ssyncset.done $0x0  }
0xae: {  	s4 =	simm.s32 $0x2C80;
	[sflag:s6] =	ssyncadd.s32 $0xFFFFE0C0  }
0xaf: {  	[spmem:s3] =	stream.indirect.scatter.add.f32 [tilespmem:s0], [sflag:$0xA], $0x40, s4, s29, $0xb8;
	[tilespmem:$0x1FA40] =	vst v63  }
0xb0: {  	_ =	swait.ge [sflag:s22], $0x1F40  }
0xb1: {  	[sflag:s22] =	ssyncset.done $0x0  }
0xb2: {  	s16 =	simm.s32 $0x700;
	[sflag:s22] =	ssyncadd.s32 $0xFFFFE0C0  }
0xb3: {  	[tilespmem:s7], [sflag:$0x7] =	stream.indirect.gather [hbm4b:s5+s29], $0x40, s16, s29, $0xb8;
	[tilespmem:$0x1FA40] =	vst v63  }
0xb4: {  	_ =	swait.ge [sflag:s9], $0x1F40  }
0xb5: {  	[sflag:s9] =	ssyncset.done $0x0  }
0xb6: {  	s24 =	simm.s32 $0x2D00;
	[sflag:s9] =	ssyncadd.s32 $0xFFFFE0C0  }
0xb7: {  	[spmem:s3] =	stream.indirect.scatter.add.f32 [tilespmem:s26], [sflag:$0xB], $0x40, s24, s29, $0xb8;
	[tilespmem:$0x1FA40] =	vst v63  }
0xb8: {  	_ =	swait.ge [sflag:s23], $0x1F40  }
0xb9: {  	[sflag:s23] =	ssyncset.done $0x0  }
0xba: {  	s4 =	simm.s32 $0x780;
	[sflag:s23] =	ssyncadd.s32 $0xFFFFE0C0  }
0xbb: {  	[tilespmem:s10], [sflag:$0x8] =	stream.indirect.gather [hbm4b:s5+s29], $0x40, s4, s29, $0xb8;
	[tilespmem:$0x1FA40] =	vst v63  }
0xbc: {  	_ =	swait.ge [sflag:s11], $0x1F40  }
0xbd: {  	[sflag:s11] =	ssyncset.done $0x0  }
0xbe: {  	s16 =	simm.s32 $0x2D80;
	[sflag:s11] =	ssyncadd.s32 $0xFFFFE0C0  }
0xbf: {  	[spmem:s3] =	stream.indirect.scatter.add.f32 [tilespmem:s2], [sflag:$0xC], $0x40, s16, s29, $0xb8;
	[tilespmem:$0x1FA40] =	vst v63  }
0xc0: {  	_ =	swait.ge [sflag:s12], $0x1F40  }
0xc1: {  	[sflag:s12] =	ssyncset.done $0x0  }
0xc2: {  	s24 =	simm.s32 $0x800;
	[sflag:s12] =	ssyncadd.s32 $0xFFFFE0C0  }
0xc3: {  	[tilespmem:s30], [sflag:$0x1] =	stream.indirect.gather [hbm4b:s5+s29], $0x40, s24, s29, $0xb8;
	[tilespmem:$0x1FA40] =	vst v63  }
0xc4: {  	_ =	swait.ge [sflag:s13], $0x1F40  }
0xc5: {  	[sflag:s13] =	ssyncset.done $0x0  }
0xc6: {  	s4 =	simm.s32 $0x2E00;
	[sflag:s13] =	ssyncadd.s32 $0xFFFFE0C0  }
0xc7: {  	[spmem:s3] =	stream.indirect.scatter.add.f32 [tilespmem:s31], [sflag:$0xD], $0x40, s4, s29, $0xb8;
	[tilespmem:$0x1FA40] =	vst v63  }
0xc8: {  	_ =	swait.ge [sflag:s14], $0x1F40  }
0xc9: {  	[sflag:s14] =	ssyncset.done $0x0  }
0xca: {  	s16 =	simm.s32 $0x880;
	[sflag:s14] =	ssyncadd.s32 $0xFFFFE0C0  }
0xcb: {  	[tilespmem:s0], [sflag:$0x2] =	stream.indirect.gather [hbm4b:s5+s29], $0x40, s16, s29, $0xb8;
	[tilespmem:$0x1FA40] =	vst v63  }
0xcc: {  	_ =	swait.ge [sflag:s15], $0x1F40  }
0xcd: {  	[sflag:s15] =	ssyncset.done $0x0  }
0xce: {  	s24 =	simm.s32 $0x2E80;
	[sflag:s15] =	ssyncadd.s32 $0xFFFFE0C0  }
0xcf: {  	[spmem:s3] =	stream.indirect.scatter.add.f32 [tilespmem:s1], [sflag:$0xE], $0x40, s24, s29, $0xb8;
	[tilespmem:$0x1FA40] =	vst v63  }
0xd0: {  	_ =	swait.ge [sflag:s17], $0x1F40  }
0xd1: {  	[sflag:s17] =	ssyncset.done $0x0  }
0xd2: {  	s4 =	simm.s32 $0x900;
	[sflag:s17] =	ssyncadd.s32 $0xFFFFE0C0  }
0xd3: {  	[tilespmem:s26], [sflag:$0x3] =	stream.indirect.gather [hbm4b:s5+s29], $0x40, s4, s29, $0xb8;
	[tilespmem:$0x1FA40] =	vst v63  }
0xd4: {  	_ =	swait.ge [sflag:s18], $0x1F40  }
0xd5: {  	[sflag:s18] =	ssyncset.done $0x0  }
0xd6: {  	s16 =	simm.s32 $0x2F00;
	[sflag:s18] =	ssyncadd.s32 $0xFFFFE0C0  }
0xd7: {  	[spmem:s3] =	stream.indirect.scatter.add.f32 [tilespmem:s7], [sflag:$0xF], $0x40, s16, s29, $0xb8;
	[tilespmem:$0x1FA40] =	vst v63  }
0xd8: {  	_ =	swait.ge [sflag:s19], $0x1F40  }
0xd9: {  	[sflag:s19] =	ssyncset.done $0x0  }
0xda: {  	s24 =	simm.s32 $0x980;
	[sflag:s19] =	ssyncadd.s32 $0xFFFFE0C0  }
0xdb: {  	[tilespmem:s2], [sflag:$0x4] =	stream.indirect.gather [hbm4b:s5+s29], $0x40, s24, s29, $0xb8;
	[tilespmem:$0x1FA40] =	vst v63  }
0xdc: {  	_ =	swait.ge [sflag:s25], $0x1F40  }
0xdd: {  	[sflag:s25] =	ssyncset.done $0x0  }
0xde: {  	s8 =	simm.s32 $0x2F80;
	s16 =	simm.s32 $0x1000;
	[sflag:s25] =	ssyncadd.s32 $0xFFFFE0C0  }
.LBB2_2:
0xdf: {  	[spmem:s3] =	stream.indirect.scatter.add.f32 [tilespmem:s10], [sflag:$0x10], $0x40, s8, s29, $0xb8;
	[tilespmem:$0x1FA40] =	vst v63  }
0xe0: {  	s8 =	smov.u32 s16  }
0xe1: {  	p1 =	sne.s32 s16, $0x7000;
	s16 =	sadd.s32 $0x1000, s16;
	_ =	swait.ge [sflag:s20], $0x1F40  }
0xe2: {  	s8 =	sshra.s32 s8, $0x2;
	[sflag:s20] =	ssyncset.done $0x0  }
0xe3: {  	s24 =	sadd.s32 $0x600, s8;
	[sflag:s20] =	ssyncadd.s32 $0xFFFFE0C0  }
0xe4: {  	[tilespmem:s31], [sflag:$0x5] =	stream.indirect.gather [hbm4b:s5+s29], $0x40, s24, s29, $0xb8;
	[tilespmem:$0x1FA40] =	vst v63  }
0xe5: {  	_ =	swait.ge [sflag:s28], $0x1F40  }
0xe6: {  	[sflag:s28] =	ssyncset.done $0x0  }
0xe7: {  	s24 =	sadd.s32 $0x2C00, s8;
	[sflag:s28] =	ssyncadd.s32 $0xFFFFE0C0  }
0xe8: {  	[spmem:s3] =	stream.indirect.scatter.add.f32 [tilespmem:s30], [sflag:$0x9], $0x40, s24, s29, $0xb8;
	[tilespmem:$0x1FA40] =	vst v63  }
0xe9: {  	_ =	swait.ge [sflag:s21], $0x1F40  }
0xea: {  	[sflag:s21] =	ssyncset.done $0x0  }
0xeb: {  	s24 =	sadd.s32 $0x680, s8;
	[sflag:s21] =	ssyncadd.s32 $0xFFFFE0C0  }
0xec: {  	[tilespmem:s1], [sflag:$0x6] =	stream.indirect.gather [hbm4b:s5+s29], $0x40, s24, s29, $0xb8;
	[tilespmem:$0x1FA40] =	vst v63  }
0xed: {  	_ =	swait.ge [sflag:s6], $0x1F40  }
0xee: {  	[sflag:s6] =	ssyncset.done $0x0  }
0xef: {  	s24 =	sadd.s32 $0x2C80, s8;
	[sflag:s6] =	ssyncadd.s32 $0xFFFFE0C0  }
0xf0: {  	[spmem:s3] =	stream.indirect.scatter.add.f32 [tilespmem:s0], [sflag:$0xA], $0x40, s24, s29, $0xb8;
	[tilespmem:$0x1FA40] =	vst v63  }
0xf1: {  	_ =	swait.ge [sflag:s22], $0x1F40  }
0xf2: {  	[sflag:s22] =	ssyncset.done $0x0  }
0xf3: {  	s24 =	sadd.s32 $0x700, s8;
	[sflag:s22] =	ssyncadd.s32 $0xFFFFE0C0  }
0xf4: {  	[tilespmem:s7], [sflag:$0x7] =	stream.indirect.gather [hbm4b:s5+s29], $0x40, s24, s29, $0xb8;
	[tilespmem:$0x1FA40] =	vst v63  }
0xf5: {  	_ =	swait.ge [sflag:s9], $0x1F40  }
0xf6: {  	[sflag:s9] =	ssyncset.done $0x0  }
0xf7: {  	s24 =	sadd.s32 $0x2D00, s8;
	[sflag:s9] =	ssyncadd.s32 $0xFFFFE0C0  }
0xf8: {  	[spmem:s3] =	stream.indirect.scatter.add.f32 [tilespmem:s26], [sflag:$0xB], $0x40, s24, s29, $0xb8;
	[tilespmem:$0x1FA40] =	vst v63  }
0xf9: {  	_ =	swait.ge [sflag:s23], $0x1F40  }
0xfa: {  	[sflag:s23] =	ssyncset.done $0x0  }
0xfb: {  	s24 =	sadd.s32 $0x780, s8;
	[sflag:s23] =	ssyncadd.s32 $0xFFFFE0C0  }
0xfc: {  	[tilespmem:s10], [sflag:$0x8] =	stream.indirect.gather [hbm4b:s5+s29], $0x40, s24, s29, $0xb8;
	[tilespmem:$0x1FA40] =	vst v63  }
0xfd: {  	_ =	swait.ge [sflag:s11], $0x1F40  }
0xfe: {  	[sflag:s11] =	ssyncset.done $0x0  }
0xff: {  	s24 =	sadd.s32 $0x2D80, s8;
	[sflag:s11] =	ssyncadd.s32 $0xFFFFE0C0  }
0x100: {  	[spmem:s3] =	stream.indirect.scatter.add.f32 [tilespmem:s2], [sflag:$0xC], $0x40, s24, s29, $0xb8;
	[tilespmem:$0x1FA40] =	vst v63  }
0x101: {  	_ =	swait.ge [sflag:s12], $0x1F40  }
0x102: {  	[sflag:s12] =	ssyncset.done $0x0  }
0x103: {  	s24 =	sadd.s32 $0x800, s8;
	[sflag:s12] =	ssyncadd.s32 $0xFFFFE0C0  }
0x104: {  	[tilespmem:s30], [sflag:$0x1] =	stream.indirect.gather [hbm4b:s5+s29], $0x40, s24, s29, $0xb8;
	[tilespmem:$0x1FA40] =	vst v63  }
0x105: {  	_ =	swait.ge [sflag:s13], $0x1F40  }
0x106: {  	[sflag:s13] =	ssyncset.done $0x0  }
0x107: {  	s24 =	sadd.s32 $0x2E00, s8;
	[sflag:s13] =	ssyncadd.s32 $0xFFFFE0C0  }
0x108: {  	[spmem:s3] =	stream.indirect.scatter.add.f32 [tilespmem:s31], [sflag:$0xD], $0x40, s24, s29, $0xb8;
	[tilespmem:$0x1FA40] =	vst v63  }
0x109: {  	_ =	swait.ge [sflag:s14], $0x1F40  }
0x10a: {  	[sflag:s14] =	ssyncset.done $0x0  }
0x10b: {  	s24 =	sadd.s32 $0x880, s8;
	[sflag:s14] =	ssyncadd.s32 $0xFFFFE0C0  }
0x10c: {  	[tilespmem:s0], [sflag:$0x2] =	stream.indirect.gather [hbm4b:s5+s29], $0x40, s24, s29, $0xb8;
	[tilespmem:$0x1FA40] =	vst v63  }
0x10d: {  	_ =	swait.ge [sflag:s15], $0x1F40  }
0x10e: {  	[sflag:s15] =	ssyncset.done $0x0  }
0x10f: {  	s24 =	sadd.s32 $0x2E80, s8;
	[sflag:s15] =	ssyncadd.s32 $0xFFFFE0C0  }
0x110: {  	[spmem:s3] =	stream.indirect.scatter.add.f32 [tilespmem:s1], [sflag:$0xE], $0x40, s24, s29, $0xb8;
	[tilespmem:$0x1FA40] =	vst v63  }
0x111: {  	_ =	swait.ge [sflag:s17], $0x1F40  }
0x112: {  	[sflag:s17] =	ssyncset.done $0x0  }
0x113: {  	s24 =	sadd.s32 $0x900, s8;
	[sflag:s17] =	ssyncadd.s32 $0xFFFFE0C0  }
0x114: {  	[tilespmem:s26], [sflag:$0x3] =	stream.indirect.gather [hbm4b:s5+s29], $0x40, s24, s29, $0xb8;
	[tilespmem:$0x1FA40] =	vst v63  }
0x115: {  	_ =	swait.ge [sflag:s18], $0x1F40  }
0x116: {  	[sflag:s18] =	ssyncset.done $0x0  }
0x117: {  	s24 =	sadd.s32 $0x2F00, s8;
	[sflag:s18] =	ssyncadd.s32 $0xFFFFE0C0  }
0x118: {  	[spmem:s3] =	stream.indirect.scatter.add.f32 [tilespmem:s7], [sflag:$0xF], $0x40, s24, s29, $0xb8;
	[tilespmem:$0x1FA40] =	vst v63  }
0x119: {  	_ =	swait.ge [sflag:s19], $0x1F40  }
0x11a: {  	[sflag:s19] =	ssyncset.done $0x0  }
.Ltmp0:
0x11b: {  	s24 =	sadd.s32 $0x980, s8;
	[sflag:s19] =	ssyncadd.s32 $0xFFFFE0C0;
	(pc) =	sbr.rel @p1 .LBB2_2-.Ltmp0, $4  }
0x11c: {  	[tilespmem:s2], [sflag:$0x4] =	stream.indirect.gather [hbm4b:s5+s29], $0x40, s24, s29, $0xb8;
	[tilespmem:$0x1FA40] =	vst v63  }
0x11d: {  	_ =	swait.ge [sflag:s25], $0x1F40  }
0x11e: {  	[sflag:s25] =	ssyncset.done $0x0  }
0x11f: {  	s8 =	sadd.s32 $0x2F80, s8;
	[sflag:s25] =	ssyncadd.s32 $0xFFFFE0C0  }
0x120: {  	[spmem:s3] =	stream.indirect.scatter.add.f32 [tilespmem:s10], [sflag:$0x10], $0x40, s8, s29, $0xb8;
	[tilespmem:$0x1FA40] =	vst v63  }
0x121: {  	_ =	swait.ge [sflag:s20], $0x1F40  }
0x122: {  	[sflag:s20] =	ssyncset.done $0x0  }
0x123: {  	s4 =	simm.s32 $0x2600;
	[sflag:s20] =	ssyncadd.s32 $0xFFFFE0C0  }
0x124: {  	[tilespmem:s31], [sflag:$0x5] =	stream.indirect.gather [hbm4b:s5+s29], $0x40, s4, s29, $0xb8;
	[tilespmem:$0x1FA40] =	vst v63  }
0x125: {  	_ =	swait.ge [sflag:s28], $0x1F40  }
0x126: {  	[sflag:s28] =	ssyncset.done $0x0  }
0x127: {  	s8 =	simm.s32 $0x4C00;
	[sflag:s28] =	ssyncadd.s32 $0xFFFFE0C0  }
0x128: {  	[spmem:s3] =	stream.indirect.scatter.add.f32 [tilespmem:s30], [sflag:$0x9], $0x40, s8, s29, $0xb8;
	[tilespmem:$0x1FA40] =	vst v63  }
0x129: {  	_ =	swait.ge [sflag:s21], $0x1F40  }
0x12a: {  	[sflag:s21] =	ssyncset.done $0x0  }
0x12b: {  	s16 =	simm.s32 $0x2680;
	[sflag:s21] =	ssyncadd.s32 $0xFFFFE0C0  }
0x12c: {  	[tilespmem:s1], [sflag:$0x6] =	stream.indirect.gather [hbm4b:s5+s29], $0x40, s16, s29, $0xb8;
	[tilespmem:$0x1FA40] =	vst v63  }
0x12d: {  	_ =	swait.ge [sflag:s6], $0x1F40  }
0x12e: {  	[sflag:s6] =	ssyncset.done $0x0  }
0x12f: {  	s24 =	simm.s32 $0x4C80;
	[sflag:s6] =	ssyncadd.s32 $0xFFFFE0C0  }
0x130: {  	[spmem:s3] =	stream.indirect.scatter.add.f32 [tilespmem:s0], [sflag:$0xA], $0x40, s24, s29, $0xb8;
	[tilespmem:$0x1FA40] =	vst v63  }
0x131: {  	_ =	swait.ge [sflag:s22], $0x1F40  }
0x132: {  	[sflag:s22] =	ssyncset.done $0x0  }
0x133: {  	s8 =	simm.s32 $0x2700;
	[sflag:s22] =	ssyncadd.s32 $0xFFFFE0C0  }
0x134: {  	[tilespmem:s7], [sflag:$0x7] =	stream.indirect.gather [hbm4b:s5+s29], $0x40, s8, s29, $0xb8;
	[tilespmem:$0x1FA40] =	vst v63  }
0x135: {  	_ =	swait.ge [sflag:s9], $0x1F40  }
0x136: {  	[sflag:s9] =	ssyncset.done $0x0  }
0x137: {  	s16 =	simm.s32 $0x4D00;
	[sflag:s9] =	ssyncadd.s32 $0xFFFFE0C0  }
0x138: {  	[spmem:s3] =	stream.indirect.scatter.add.f32 [tilespmem:s26], [sflag:$0xB], $0x40, s16, s29, $0xb8;
	[tilespmem:$0x1FA40] =	vst v63  }
0x139: {  	_ =	swait.ge [sflag:s23], $0x1F40  }
0x13a: {  	[sflag:s23] =	ssyncset.done $0x0  }
0x13b: {  	s24 =	simm.s32 $0x2780;
	[sflag:s23] =	ssyncadd.s32 $0xFFFFE0C0  }
0x13c: {  	[tilespmem:s10], [sflag:$0x8] =	stream.indirect.gather [hbm4b:s5+s29], $0x40, s24, s29, $0xb8;
	[tilespmem:$0x1FA40] =	vst v63  }
0x13d: {  	_ =	swait.ge [sflag:s11], $0x1F40  }
0x13e: {  	[sflag:s11] =	ssyncset.done $0x0  }
0x13f: {  	s0 =	simm.s32 $0x4D80;
	[sflag:s11] =	ssyncadd.s32 $0xFFFFE0C0  }
0x140: {  	[spmem:s3] =	stream.indirect.scatter.add.f32 [tilespmem:s2], [sflag:$0xC], $0x40, s0, s29, $0xb8;
	[tilespmem:$0x1FA40] =	vst v63  }
0x141: {  	_ =	swait.ge [sflag:s13], $0x1F40  }
0x142: {  	[sflag:s13] =	ssyncset.done $0x0  }
0x143: {  	s8 =	simm.s32 $0x4E00;
	[sflag:s13] =	ssyncadd.s32 $0xFFFFE0C0  }
0x144: {  	[spmem:s3] =	stream.indirect.scatter.add.f32 [tilespmem:s31], [sflag:$0xD], $0x40, s8, s29, $0xb8;
	[tilespmem:$0x1FA40] =	vst v63  }
0x145: {  	_ =	swait.ge [sflag:s15], $0x1F40  }
0x146: {  	[sflag:s15] =	ssyncset.done $0x0  }
0x147: {  	s16 =	simm.s32 $0x4E80;
	[sflag:s15] =	ssyncadd.s32 $0xFFFFE0C0  }
0x148: {  	[spmem:s3] =	stream.indirect.scatter.add.f32 [tilespmem:s1], [sflag:$0xE], $0x40, s16, s29, $0xb8;
	[tilespmem:$0x1FA40] =	vst v63  }
0x149: {  	_ =	swait.ge [sflag:s18], $0x1F40  }
0x14a: {  	[sflag:s18] =	ssyncset.done $0x0  }
0x14b: {  	s24 =	simm.s32 $0x4F00;
	[sflag:s18] =	ssyncadd.s32 $0xFFFFE0C0  }
0x14c: {  	[spmem:s3] =	stream.indirect.scatter.add.f32 [tilespmem:s7], [sflag:$0xF], $0x40, s24, s29, $0xb8;
	[tilespmem:$0x1FA40] =	vst v63  }
0x14d: {  	_ =	swait.ge [sflag:s25], $0x1F40  }
0x14e: {  	[sflag:s25] =	ssyncset.done $0x0  }
0x14f: {  	s0 =	simm.s32 $0x4F80;
	[sflag:s25] =	ssyncadd.s32 $0xFFFFE0C0  }
0x150: {  	[spmem:s3] =	stream.indirect.scatter.add.f32 [tilespmem:s10], [sflag:$0x10], $0x40, s0, s29, $0xb8;
	[tilespmem:$0x1FA40] =	vst v63  }
0x151: {  	_ =	swait.ge [sflag:s12], $0x1F40  }
0x152: {  	[sflag:s12] =	ssyncset.done $0x0  }
0x153: {  	[sflag:s12] =	ssyncadd.s32 $0xFFFFE0C0  }
0x154: {  	_ =	swait.ge [sflag:s14], $0x1F40  }
0x155: {  	[sflag:s14] =	ssyncset.done $0x0  }
0x156: {  	[sflag:s14] =	ssyncadd.s32 $0xFFFFE0C0  }
0x157: {  	_ =	swait.ge [sflag:s17], $0x1F40  }
0x158: {  	[sflag:s17] =	ssyncset.done $0x0  }
0x159: {  	[sflag:s17] =	ssyncadd.s32 $0xFFFFE0C0  }
0x15a: {  	_ =	swait.ge [sflag:s19], $0x1F40  }
0x15b: {  	[sflag:s19] =	ssyncset.done $0x0  }
0x15c: {  	[sflag:s19] =	ssyncadd.s32 $0xFFFFE0C0  }
0x15d: {  	_ =	swait.ge [sflag:s20], $0x1F40  }
0x15e: {  	[sflag:s20] =	ssyncset.done $0x0  }
0x15f: {  	[sflag:s20] =	ssyncadd.s32 $0xFFFFE0C0  }
0x160: {  	_ =	swait.ge [sflag:s21], $0x1F40  }
0x161: {  	[sflag:s21] =	ssyncset.done $0x0  }
0x162: {  	[sflag:s21] =	ssyncadd.s32 $0xFFFFE0C0  }
0x163: {  	_ =	swait.ge [sflag:s22], $0x1F40  }
0x164: {  	[sflag:s22] =	ssyncset.done $0x0  }
0x165: {  	[sflag:s22] =	ssyncadd.s32 $0xFFFFE0C0  }
0x166: {  	_ =	swait.ge [sflag:s23], $0x1F40  }
0x167: {  	[sflag:s23] =	ssyncset.done $0x0  }
0x168: {  	[sflag:s23] =	ssyncadd.s32 $0xFFFFE0C0  }
0x169: {  	s30 =	simm.s32 @p0 $0x10;
	[bflag:$0x0] =	sbarrier.arrive $0xFFFF  }
0x16a: {  	s16 =	simm.s32 @p0 $0x1FD1;
	s0 =	simm.s32 @p0 $0x8;
	s4 =	rddreg [dreg:$0xe]  }
0x16b: {  	s24 =	rddreg [dreg:$0x14];
	s8 =	sshrl.u32 @p0 s4, $0x3;
	s4 =	simm.s32 @p0 $0x1  }
0x16c: {  	[hbm:s24@s30], [sflag:s16] =	dma.strided @p0 [spmem:s8@s0], $0xC80, s4, $0x8   }
0x16d: {  	s4 =	simm.s32 @p0 $0x11  }
0x16e: {  	s8 =	stileid.u32;
	_ =	swait.ge @p0 [sflag:s4], $0xC80  }
0x16f: {  	s8 =	sshll.u32 @!p0 s8, $0x6;
	[sflag:s4] =	ssyncset.done @p0 $0x0  }
0x170: {  	[sflag:s4] =	ssyncadd.s32 @p0 $0xFFFFF380;
	s4 =	sor.u32 @!p0 $0x1C11, s8  }
0x171: {  	[dreg:$0x17] =	wrdreg s4  }
0x172: {  	s4 =	rddreg [dreg:$0x6]  }
0x173: {  	s4 =	sshrl.u32 @!p0 s4, $0x3;
	s8 =	rddreg [dreg:$0x17]  }
0x174: {  	[dreg:$0x18] =	wrdreg s4  }
0x175: {  	s16 =	simm.s32 @!p0 $0x8;
	s4 =	rddreg [dreg:$0x13]  }
0x176: {  	s30 =	simm.s32 @!p0 $0x1;
	s0 =	simm.s32 @!p0 $0x10;
	s24 =	rddreg [dreg:$0x18]  }
0x177: {  	[hbm:s4@s0], [sflag:s8] =	dma.strided @!p0 [spmem:s24@s16], $0x1400, s30, $0x8   }
0x178: {  	s4 =	simm.s32 @!p0 $0x11  }
0x179: {  	_ =	swait.ge @!p0 [sflag:s4], $0x1400  }
0x17a: {  	s8 =	rddreg [dreg:$0x16]  }
0x17b: {  	s24 =	rddreg [dreg:$0x15];
	s16 =	sadd.s32 $0x1, s8  }
0x17c: {  	p1 =	sne.s32 s16, s24  }
.Ltmp1:
0x17d: {  	_ = 	snop;
	(pc) =	sbr.rel @p1 .LBB2_1-.Ltmp1, $3  }
0x17e: {  	_ =	sdelay $0x1  }
0x17f: {  	[sflag:s4] =	ssyncset.done @!p0 $0x0  }
0x180: {  	s0 =	simm.s32 $0x6F40;
	s30 =	simm.s32 $0x5000;
	[sflag:s4] =	ssyncadd.s32 @!p0 $0xFFFFEC00  }
0x181: {  	_ =	sfence.sel $0x180000  }
0x182: {  	[bflag:$0x0] =	sbarrier.arrive $0xFFFF  }
0x183: {  	_ =	strace $0x9000004A  }
0x184: {  	s0 =	stileid.u32;
	[bflag:$0x2] =	sbarrier.arrive $0xFFFF  }
0x185: {  	p0 =	sne.s32 s0, $0x0;
	s0 =	rddreg [dreg:$0x3]  }
0x186: {  	s0 =	sadd.s32 @!p0 $0x100000, s0  }
0x187: {  	[sflag:s0] =	ssyncadd.tile.s32 @!p0 $0x1;
	_ =	shalt  }
.Lfunc_end2:
_tile_overlayer_lowered:
.L_overlay_start_2:
0x188: {  	(tag) =	ssettag $0x2  }
0x189: {  	s0 =	rddreg [dreg:$0x0];
	s2 =	stileid.u32  }
0x18a: {  	s1 =	rddreg [dreg:$0x1];
	p0 =	sne.s32 s2, $0x0  }
0x18b: {  	s3 =	rddreg [dreg:$0x2];
	[bflag:$0x3] =	sbarrier.arrive $0xFFFF;
	s2 =	simm.s32 @!p0 $0x1C11  }
0x18c: {  	[timem:s3], [sflag:s2] =	dma.local @!p0 [hbm:s0], s1  }
0x18d: {  	s0 =	simm.s32 @!p0 $0x11  }
0x18e: {  	_ =	swait.ge @!p0 [sflag:s0], s1  }
0x18f: {  	s1 =	ssub.s32 @!p0 $0x0, s1;
	[sflag:s0] =	ssyncset.done @!p0 $0x0  }
0x190: {  	[sflag:s0] =	ssyncadd.s32 @!p0 s1  }
0x191: {  	[bflag:$0x3] =	sbarrier.arrive $0xFFFF  }
0x192: {  	_ =	shalt  }

// kernel: kernel.14.cloned.1.call-start
scs
__scs_entry_jumppad:
0x0: {  	(pc) =	sbr.rel $0x88, $3  }
0x1: {  	(tag) =	ssettag $0x0;
	lr =	simm.s32 $0x1  }
0x2: {  	[smem:$0x3F9B] =	sst lr;
	_ =	strace $0xD0000000  }
0x3: {  	_ = 	snop  }
0x4: {  	_ = 	snop  }
0x5: {  	_ = 	snop  }
0x6: {  	_ = 	snop  }
0x7: {  	_ = 	snop  }
__scs_overlays_trampoline_lowered:
0x8: {  	[smem:$0x3FAA] =	sst s0  }
0x9: {  	[smem:$0x3FAB] =	sst s1  }
0xa: {  	[smem:$0x3FAC] =	sst s2  }
0xb: {  	[smem:$0x3FAD] =	sst s3  }
0xc: {  	[smem:$0x3FAE] =	sst s4  }
0xd: {  	[smem:$0x3FAF] =	sst s5  }
0xe: {  	[smem:$0x3FB0] =	sst s6  }
0xf: {  	[smem:$0x3FB1] =	sst s7  }
0x10: {  	[smem:$0x3FB2] =	sst s8  }
0x11: {  	[smem:$0x3FB3] =	sst s9;
	s0 =	simm.s32 @!p0 $0x0  }
0x12: {  	s1 =	sld [smem:$0x3F99];
	s0 =	simm.s32 @p0 $0x1  }
0x13: {  	[smem:$0x3FB4] =	sst s0;
	s0 =	simm.s32 @!p1 $0x0  }
0x14: {  	s2 =	sld [smem:$0x3F98];
	s0 =	simm.s32 @p1 $0x1  }
0x15: {  	[smem:$0x3FB5] =	sst s0;
	s0 =	simm.s32 @!p2 $0x0  }
0x16: {  	s3 =	sld [smem:$0x3FDB];
	s0 =	simm.s32 @p2 $0x1  }
0x17: {  	s4 =	simm.s32 $0x1BF5;
	[smem:$0x3FB7] =	sst s0  }
0x18: {  	s0 =	sld [smem:$0x3F9A];
	_ =	swait.ge [sflag:s4], $0x0  }
0x19: {  	s7 =	sld [smem:$0x3F9B]  }
0x1a: {  	s8 =	sadd.s32 $0xFFFFE003, lr  }
0x1b: {  	s9 =	sadd.s32 $0xFFFFFEF7, lr;
	s5 =	simm.s32 $0xFFFFFFFF;
	p2 =	slt.u32 s8, $0xFFFFF086  }
0x1c: {  	p1 =	slt.u32 s9, $0xF7A;
	s5 =	simm.s32 @!p2 $0x0  }
0x1d: {  	s5 =	simm.s32 @p1 $0x1;
	p0 =	seq.s32 s7, s2  }
0x1e: {  	s7 =	smul.u32 @!p0 $0xF7A, s2;
	p2 =	seq.s32 @!p0 s5, $0x0  }
0x1f: {  	s9 =	smul.u32 $0xF7A, s1;
	s8 =	simm.s32 @!p0 $0x1BF5;
	p2 =	por !p2, p0  }
0x20: {  	[sflag:s8] =	ssyncset.s32 @!p0 $0xFFFFF086;
	s6 =	sadd.s32 @!p0 s3, s7;
	s7 =	simm.s32 @!p0 $0x108  }
0x21: {  	s3 =	sadd.s32 s3, s9;
	s6 =	sadd.s32 @!p0 $0x88, s6;
	s7 =	simm.s32 @p2 $0x1082  }
0x22: {  	[simem:s7], [sflag:s8] =	dma.local @!p0 [hbm:s6], $0xF7A  }
0x23: {  	s9 =	sor.u32 $0xD0000000, s2;
	s6 =	simm.s32 $0x108;
	_ =	swait.ge @!p0 [sflag:s8], $0x0  }
0x24: {  	s3 =	sadd.s32 $0x88, s3;
	s6 =	simm.s32 @!p1 $0x1082;
	[sflag:s4] =	ssyncset.s32 $0xFFFFF086  }
0x25: {  	[simem:s6], [sflag:s4] =	dma.local [hbm:s3], $0xF7A  }
0x26: {  	[smem:$0x3F9B] =	sst s1;
	(tag) =	ssettag s2;
	_ =	strace s9  }
0x27: {  	s1 =	sld [smem:$0x3FAB]  }
0x28: {  	s2 =	sld [smem:$0x3FAC]  }
0x29: {  	s4 =	sld [smem:$0x3FAE]  }
0x2a: {  	p0 =	seq.s32 s5, $0x0;
	s5 =	sld [smem:$0x3FAF]  }
0x2b: {  	s6 =	sld [smem:$0x3FB0]  }
0x2c: {  	s7 =	sld [smem:$0x3FB1]  }
0x2d: {  	s3 =	simm.s32 $0x108;
	s8 =	sld [smem:$0x3FB2]  }
0x2e: {  	s3 =	simm.s32 @!p0 $0x1082;
	s9 =	sld [smem:$0x3FB3]  }
0x2f: {  	lr =	sadd.s32 s0, s3;
	s0 =	sld [smem:$0x3FAA]  }
0x30: {  	s3 =	sld [smem:$0x3FAD]  }
0x31: {  	[smem:$0x3FB6] =	sst s10  }
0x32: {  	s10 =	sld [smem:$0x3FB4];
	_ =	sdelay $0x3  }
0x33: {  	p0 =	seq.s32 s10, $0x1;
	s10 =	sld [smem:$0x3FB6];
	_ =	sdelay $0x3  }
0x34: {  	[smem:$0x3FB6] =	sst s10  }
0x35: {  	s10 =	sld [smem:$0x3FB5];
	_ =	sdelay $0x3  }
0x36: {  	p1 =	seq.s32 s10, $0x1;
	s10 =	sld [smem:$0x3FB6];
	_ =	sdelay $0x3  }
0x37: {  	[smem:$0x3FB6] =	sst s10  }
0x38: {  	s10 =	sld [smem:$0x3FB7]  }
0x39: {  	_ = 	snop;
	(pc) =	sbr.ind lr, $3  }
0x3a: {  	_ = 	snop  }
0x3b: {  	_ = 	snop  }
0x3c: {  	p2 =	seq.s32 s10, $0x1;
	s10 =	sld [smem:$0x3FB6]  }
0x3d: {  	_ =	shalt  }
0x3e: {  	_ =	shalt  }
0x3f: {  	_ =	shalt  }
0x40: {  	_ =	shalt  }
0x41: {  	_ =	shalt  }
0x42: {  	_ =	shalt  }
0x43: {  	_ =	shalt  }
0x44: {  	_ =	shalt  }
0x45: {  	_ =	shalt  }
0x46: {  	_ =	shalt  }
0x47: {  	_ =	shalt  }
0x48: {  	_ =	shalt  }
0x49: {  	_ =	shalt  }
0x4a: {  	_ =	shalt  }
0x4b: {  	_ =	shalt  }
0x4c: {  	_ =	shalt  }
0x4d: {  	_ =	shalt  }
0x4e: {  	_ =	shalt  }
0x4f: {  	_ =	shalt  }
0x50: {  	_ =	shalt  }
0x51: {  	_ =	shalt  }
0x52: {  	_ =	shalt  }
0x53: {  	_ =	shalt  }
0x54: {  	_ =	shalt  }
0x55: {  	_ =	shalt  }
0x56: {  	_ =	shalt  }
0x57: {  	_ =	shalt  }
0x58: {  	_ =	shalt  }
0x59: {  	_ =	shalt  }
0x5a: {  	_ =	shalt  }
0x5b: {  	_ =	shalt  }
0x5c: {  	_ =	shalt  }
0x5d: {  	_ =	shalt  }
0x5e: {  	_ =	shalt  }
0x5f: {  	_ =	shalt  }
0x60: {  	_ =	shalt  }
0x61: {  	_ =	shalt  }
0x62: {  	_ =	shalt  }
0x63: {  	_ =	shalt  }
0x64: {  	_ =	shalt  }
0x65: {  	_ =	shalt  }
0x66: {  	_ =	shalt  }
0x67: {  	_ =	shalt  }
0x68: {  	_ =	shalt  }
0x69: {  	_ =	shalt  }
0x6a: {  	_ =	shalt  }
0x6b: {  	_ =	shalt  }
0x6c: {  	_ =	shalt  }
0x6d: {  	_ =	shalt  }
0x6e: {  	_ =	shalt  }
0x6f: {  	_ =	shalt  }
0x70: {  	_ =	shalt  }
0x71: {  	_ =	shalt  }
0x72: {  	_ =	shalt  }
0x73: {  	_ =	shalt  }
0x74: {  	_ =	shalt  }
0x75: {  	_ =	shalt  }
0x76: {  	_ =	shalt  }
0x77: {  	_ =	shalt  }
0x78: {  	_ =	shalt  }
0x79: {  	_ =	shalt  }
0x7a: {  	_ =	shalt  }
0x7b: {  	_ =	shalt  }
0x7c: {  	_ =	shalt  }
0x7d: {  	_ =	shalt  }
0x7e: {  	_ =	shalt  }
0x7f: {  	_ =	shalt  }
0x80: {  	_ =	shalt  }
0x81: {  	_ =	shalt  }
0x82: {  	_ =	shalt  }
0x83: {  	_ =	shalt  }
0x84: {  	_ =	shalt  }
0x85: {  	_ =	shalt  }
0x86: {  	_ =	shalt  }
0x87: {  	_ =	shalt  }
.Lfunc_end0:
.L_simem_size_0:
called_computation.2_lowered:
.L_overlay_start_0:
0x88: {  	s2 =	sld [smem:$0x3FD9]  }
0x89: {  	s3 =	sld [smem:$0x3FFE];
	_ =	sdelay $0x1  }
0x8a: {  	s1 =	srdreg.scid  }
0x8b: {  	s0 =	sand.u32 $0x1, s1  }
0x8c: {  	s17 =	sshll.u32 s0, $0xA;
	s2 =	sadd.s32 s3, s2  }
0x8d: {  	s2 =	sadd.s32 s2, s17  }
0x8e: {  	[smem:$0x3FC2] =	sst s2  }
0x8f: {  	_ = 	snop  }
0x90: {  	s2 =	sld [smem:$0x3FD0];
	(tm) =	ssettm $0x1  }
0x91: {  	s18 =	sld [smem:$0x3FFB];
	_ =	sdelay $0x3  }
0x92: {  	_ =	strace s18  }
0x93: {  	s3 =	sld [smem:$0x3FFC];
	_ =	sdelay $0x3  }
0x94: {  	_ =	strace s3  }
0x95: {  	s3 =	sld [smem:$0x3FFD];
	_ =	sdelay $0x3  }
0x96: {  	_ =	strace s3  }
0x97: {  	_ =	strace $0x8FFFFFFF  }
0x98: {  	s19 =	sld [smem:$0x3FDB];
	_ =	sdelay $0x1  }
0x99: {  	s4 =	simm.s32 $_scs_section_size  }
0x9a: {  	s5 =	simm.s32 $_size__tile_overlayer_lowered;
	s6 =	simm.s32 $_tile_overlayer_lowered  }
0x9b: {  	s22 =	simm.s32 $0x1BFF;
	s21 =	sshll.u32 s6, $0x1;
	s3 =	sadd.s32 s4, s19  }
0x9c: {  	s7 =	simm.s32 $0x0;
	s20 =	sshll.u32 s5, $0x1;
	s5 =	sadd.s32 s21, s3  }
0x9d: {  	[timem:s7], [sflag:s22] =	dma.local [hbm:s5], s20  }
0x9e: {  	_ =	swait.ge [sflag:s22], s20  }
0x9f: {  	s4 =	ssub.s32 $0x0, s20;
	[sflag:s22] =	ssyncset.done $0x0  }
0xa0: {  	[sflag:s22] =	ssyncadd.s32 s4;
	_ =	sdelay $0x1  }
0xa1: {  	s23 =	simm.s32 $0x1B8B  }
0xa2: {  	_ =	swait.ge [sflag:s23], $0x1  }
0xa3: {  	[sflag:s23] =	ssyncset.done $0x0  }
0xa4: {  	s25 =	simm.s32 $0x1B8E;
	s24 =	sld [smem:$0x3FFE];
	[sflag:s23] =	ssyncadd.s32 $0xFFFFFFFF  }
0xa5: {  	s26 =	simm.s32 $execute0_lowered;
	[smem:$0x3FD2] =	sst s25  }
0xa6: {  	s5 =	sshll.u32 s26, $0x1;
	_ =	strace $0x8000004C;
	[dreg:$0x1] =	wrdreg $0xFFFFFFFF  }
0xa7: {  	s28 =	simm.s32 $_size_execute0_lowered;
	s3 =	sadd.s32 s3, s5;
	[dreg:$0x0] =	wrdreg $0x0  }
0xa8: {  	s5 =	sshll.u32 s28, $0x1;
	[dreg:$0x2] =	wrdreg s3  }
0xa9: {  	[dreg:$0x3] =	wrdreg s5  }
0xaa: {  	[dreg:$0x4] =	wrdreg $0xC0  }
0xab: {  	_ =	task [dreg:s7], $0x5FFFF  }
0xac: {  	[dreg:$0x1] =	wrdreg $0xFFFFFFFF  }
0xad: {  	[dreg:$0x0] =	wrdreg $0x60  }
0xae: {  	[dreg:$0x2] =	wrdreg s2  }
0xaf: {  	[dreg:$0x3] =	wrdreg s24  }
0xb0: {  	[dreg:$0x4] =	wrdreg $0xD7000  }
0xb1: {  	[dreg:$0x5] =	wrdreg $0x9  }
0xb2: {  	_ =	task.clear_ibuf [dreg:s7], $0x6FFFF;
	_ =	strace $0x9000004C  }
0xb3: {  	s29 =	simm.s32 $0x9;
	_ =	strace $0x8000004E  }
0xb4: {  	_ =	swait.ge [sflag:s29], $0x1  }
0xb5: {  	[sflag:s29] =	ssyncadd.s32 $0xFFFFFFFF  }
0xb6: {  	_ =	strace $0x9000004E  }
0xb7: {  	_ =	sfence  }
0xb8: {  	s30 =	sld [smem:$0x0];
	_ =	sdelay $0x2  }
0xb9: {  	s31 =	sshll.u32 s1, $0xD;
	s1 =	sshrl.u32 s1, $0x2  }
0xba: {  	s3 =	sand.u32 $0x4000, s31;
	s1 =	sadd.s32 s1, s30  }
0xbb: {  	s0 =	sor.u32 s3, s0;
	s1 =	sshll.u32 s1, $0x11  }
0xbc: {  	s0 =	sor.u32 s1, s0  }
0xbd: {  	s0 =	sadd.s32 $0x8F2B, s0  }
0xbe: {  	[sflag:s0] =	ssyncadd.remote.s32 $0x1  }
0xbf: {  	_ =	sfence.sel $0xFFFF  }
0xc0: {  	[dreg:$0x0] =	wrdreg $0xFFFFFFFF;
	(pc) =	sbr.abs _section_cstart, $3  }
0xc1: {  	[dreg:$0x1] =	wrdreg $0xFFFFFFFF  }
0xc2: {  	_ =	task.clear_ibuf [dreg:s7], $0x2FFFF;
	_ =	strace $0x9FFFFFFF  }
0xc3: {  	(tm) =	ssettm $0x7FFFFFFF  }
tec
execute0_lowered:
.L_overlay_start_1:
0x0: {  	(tag) =	ssettag $0x1  }
0x1: {  	s0 =	rddreg [dreg:$0x0]  }
0x2: {  	s1 =	srdreg.scid;
	s2 =	rddreg [dreg:$0x1]  }
0x3: {  	s3 =	rddreg [dreg:$0x2];
	s9 =	stileid.u32  }
0x4: {  	s5 =	simm.s32 $0x0;
	s28 =	simm.s32 $0x1;
	s29 =	simm.s32 $0x7D  }
0x5: {  	s30 =	simm.s32 $0x5000;
	s31 =	simm.s32 $0x6F40;
	s1 =	sand.u32 $0x1, s1  }
0x6: {  	[smem:$0x7FF] =	sst s5;
	s26 =	smul.u32 $0x14000, s9;
	s6 =	sadd.s32 $0xC600, s2  }
0x7: {  	s24 =	sadd.s32 $0x4B000, s3;
	s20 =	sadd.s32 $0x4BA00, s3;
	s21 =	sadd.s32 $0x4C400, s3  }
0x8: {  	s23 =	sadd.s32 $0x4CE00, s3;
	_ =	strace $0x8000004D;
	[dreg:$0x4] =	wrdreg s6  }
0x9: {  	s25 =	sadd.s32 $0x4D800, s3;
	p0 =	seq.s32 s9, $0xF;
	[dreg:$0x10] =	wrdreg s20  }
0xa: {  	s5 =	simm.s32 $0x9E20;
	s4 =	sshll.u32 s1, $0x4;
	[dreg:$0x11] =	wrdreg s21  }
0xb: {  	s10 =	ssub.s32 $0x2, s1;
	s22 =	sshll.u32 s1, $0x5;
	[dreg:$0x12] =	wrdreg s23  }
0xc: {  	s1 =	sshll.u32 s1, $0x2;
	[dreg:$0x13] =	wrdreg s25;
	s25 =	simm.s32 $0x8  }
0xd: {  	s20 =	simm.s32 $0xD;
	s21 =	simm.s32 $0xE;
	s23 =	simm.s32 $0x10  }
0xe: {  	[dreg:$0xf] =	wrdreg s24;
	s4 =	sor.u32 s9, s4;
	s8 =	sshrl.u32 s26, $0x2  }
0xf: {  	s7 =	sshrl.u32 s10, $0x1;
	s9 =	simm.s32 $0x3;
	s12 =	sadd.s32 s8, s3  }
0x10: {  	s4 =	smul.u32 $0x500, s4;
	s13 =	sadd.s32 $0xA00, s12;
	[dreg:$0x6] =	wrdreg s12  }
0x11: {  	s6 =	ssub.s32 s10, s7;
	s14 =	sadd.s32 $0x1400, s12;
	[dreg:$0x8] =	wrdreg s13  }
0x12: {  	s8 =	simm.s32 $0xADC0;
	s15 =	sadd.s32 $0x1E00, s12;
	[dreg:$0x9] =	wrdreg s14  }
0x13: {  	s10 =	simm.s32 $0xBD60;
	s16 =	sadd.s32 $0x2800, s12;
	[dreg:$0xa] =	wrdreg s15  }
0x14: {  	s17 =	sadd.s32 $0x3200, s12;
	s18 =	sadd.s32 $0x3C00, s12;
	[dreg:$0xb] =	wrdreg s16  }
0x15: {  	s19 =	sadd.s32 $0x4600, s12;
	s12 =	simm.s32 $0x9;
	[dreg:$0xc] =	wrdreg s17  }
0x16: {  	s4 =	sadd.s32 s4, s2;
	s2 =	sadd.s32 $0xC800, s2;
	[dreg:$0xd] =	wrdreg s18  }
0x17: {  	[dreg:$0xe] =	wrdreg s19;
	s13 =	simm.s32 $0x5;
	s14 =	simm.s32 $0xA  }
0x18: {  	s15 =	simm.s32 $0x6;
	s17 =	simm.s32 $0xB;
	s18 =	simm.s32 $0x7  }
0x19: {  	s19 =	simm.s32 $0xC;
	s16 =	simm.s32 $0x0;
	s11 =	sadd.s32 $0x33A00, s4  }
0x1a: {  	s4 =	sadd.s32 $0x2600, s4;
	s1 =	sadd.s32 s1, s2;
	[dreg:$0x5] =	wrdreg s11  }
0x1b: {  	[dreg:$0x7] =	wrdreg s4;
	s4 =	sor.u32 s22, s26;
	s1 =	sadd.s32 $0x25800, s1  }
0x1c: {  	s26 =	smax.u32 s6, $0x1;
	s6 =	simm.s32 $0x2;
	s11 =	simm.s32 $0x4  }
0x1d: {  	s22 =	simm.s32 $0xF;
	s4 =	sshrl.u32 s4, $0x3;
	[dreg:$0x15] =	wrdreg s1  }
0x1e: {  	[dreg:$0x16] =	wrdreg s26;
	s1 =	simm.s32 $0x5FA0;
	s2 =	sadd.s32 s2, s4  }
0x1f: {  	s26 =	simm.s32 $0x7EE0;
	[dreg:$0x14] =	wrdreg s2;
	s2 =	simm.s32 $0x8E80  }
.LBB2_1:
0x20: {  	[dreg:$0x17] =	wrdreg s16  }
0x21: {  	s4 =	simm.s32 $0x0;
	s7 =	rddreg [dreg:$0x5];
	s24 =	simm.s32 $0x11  }
0x22: {  	[tilespmem:s4], [sflag:$0x11] =	stream.linear.gather [hbm4b:s7+s4], $0x2800, $0x38;
	[tilespmem:$0x12520] =	vst v63  }
0x23: {  	_ =	swait.ge [sflag:s24], $0x2800  }
0x24: {  	s16 =	simm.s32 $0x2800;
	[sflag:s24] =	ssyncset.done $0x0  }
0x25: {  	s4 =	simm.s32 $0x0;
	s7 =	rddreg [dreg:$0x7];
	[sflag:s24] =	ssyncadd.s32 $0xFFFFD800  }
0x26: {  	[tilespmem:s16], [sflag:$0x11] =	stream.linear.gather [hbm4b:s7+s4], $0x2800, $0x38;
	[tilespmem:$0x12520] =	vst v63  }
0x27: {  	_ =	swait.ge [sflag:s24], $0x2800  }
0x28: {  	s16 =	simm.s32 $0xCD00;
	[sflag:s24] =	ssyncset.done $0x0  }
0x29: {  	s4 =	simm.s32 $0x0;
	s7 =	rddreg [dreg:$0x4];
	[sflag:s24] =	ssyncadd.s32 $0xFFFFD800  }
0x2a: {  	[tilespmem:s16], [sflag:$0x11] =	stream.linear.gather [hbm4b:s7+s4], $0xA00, $0x38;
	[tilespmem:$0x12520] =	vst v63  }
0x2b: {  	_ =	swait.ge [sflag:s24], $0xA00  }
0x2c: {  	[sflag:s24] =	ssyncset.done $0x0  }
0x2d: {  	s7 =	simm.s32 @p0 $0xCD00;
	s4 =	rddreg [dreg:$0xf];
	[sflag:s24] =	ssyncadd.s32 $0xFFFFF600  }
0x2e: {  	[spmem:s4] =	stream.linear.scatter @p0 [tilespmem:s7], [sflag:$0x1], $0xA00, $0x38;
	[tilespmem:$0x12520] =	vst v63  }
0x2f: {  	s24 =	rddreg [dreg:$0x10]  }
0x30: {  	[spmem:s24] =	stream.linear.scatter @p0 [tilespmem:s7], [sflag:$0x1], $0xA00, $0x38;
	[tilespmem:$0x12520] =	vst v63  }
0x31: {  	s24 =	rddreg [dreg:$0x11]  }
0x32: {  	[spmem:s24] =	stream.linear.scatter @p0 [tilespmem:s7], [sflag:$0x1], $0xA00, $0x38;
	[tilespmem:$0x12520] =	vst v63  }
0x33: {  	s24 =	rddreg [dreg:$0x12]  }
0x34: {  	[spmem:s24] =	stream.linear.scatter @p0 [tilespmem:s7], [sflag:$0x1], $0xA00, $0x38;
	[tilespmem:$0x12520] =	vst v63  }
0x35: {  	s24 =	rddreg [dreg:$0x13]  }
0x36: {  	[spmem:s24] =	stream.linear.scatter @p0 [tilespmem:s7], [sflag:$0x1], $0xA00, $0x38;
	[tilespmem:$0x12520] =	vst v63  }
0x37: {  	s4 =	rddreg [dreg:$0x6];
	s7 =	simm.s32 @!p0 $0xCD00  }
0x38: {  	[spmem:s4] =	stream.linear.scatter @!p0 [tilespmem:s7], [sflag:$0x1], $0xA00, $0x38;
	[tilespmem:$0x12520] =	vst v63  }
0x39: {  	s16 =	rddreg [dreg:$0x8]  }
0x3a: {  	[spmem:s16] =	stream.linear.scatter @!p0 [tilespmem:s7], [sflag:$0x1], $0xA00, $0x38;
	[tilespmem:$0x12520] =	vst v63  }
0x3b: {  	s16 =	rddreg [dreg:$0x9]  }
0x3c: {  	[spmem:s16] =	stream.linear.scatter @!p0 [tilespmem:s7], [sflag:$0x1], $0xA00, $0x38;
	[tilespmem:$0x12520] =	vst v63  }
0x3d: {  	s16 =	rddreg [dreg:$0xa]  }
0x3e: {  	[spmem:s16] =	stream.linear.scatter @!p0 [tilespmem:s7], [sflag:$0x1], $0xA00, $0x38;
	[tilespmem:$0x12520] =	vst v63  }
0x3f: {  	s16 =	rddreg [dreg:$0xb]  }
0x40: {  	[spmem:s16] =	stream.linear.scatter @!p0 [tilespmem:s7], [sflag:$0x1], $0xA00, $0x38;
	[tilespmem:$0x12520] =	vst v63  }
0x41: {  	s16 =	rddreg [dreg:$0xc]  }
0x42: {  	[spmem:s16] =	stream.linear.scatter @!p0 [tilespmem:s7], [sflag:$0x1], $0xA00, $0x38;
	[tilespmem:$0x12520] =	vst v63  }
0x43: {  	s16 =	rddreg [dreg:$0xd]  }
0x44: {  	[spmem:s16] =	stream.linear.scatter @!p0 [tilespmem:s7], [sflag:$0x1], $0xA00, $0x38;
	[tilespmem:$0x12520] =	vst v63  }
0x45: {  	s16 =	rddreg [dreg:$0xe]  }
0x46: {  	[spmem:s16] =	stream.linear.scatter @!p0 [tilespmem:s7], [sflag:$0x1], $0xA00, $0x38;
	[tilespmem:$0x12520] =	vst v63  }
0x47: {  	s7 =	simm.s32 @!p0 $0x1  }
0x48: {  	_ =	swait.ge @!p0 [sflag:s7], $0xA00  }
0x49: {  	[sflag:s7] =	ssyncset.done @!p0 $0x0  }
0x4a: {  	[sflag:s7] =	ssyncadd.s32 @!p0 $0xFFFFF600  }
0x4b: {  	_ =	swait.ge @!p0 [sflag:s7], $0xA00  }
0x4c: {  	[sflag:s7] =	ssyncset.done @!p0 $0x0  }
0x4d: {  	[sflag:s7] =	ssyncadd.s32 @!p0 $0xFFFFF600  }
0x4e: {  	_ =	swait.ge @!p0 [sflag:s7], $0xA00  }
0x4f: {  	[sflag:s7] =	ssyncset.done @!p0 $0x0  }
0x50: {  	[sflag:s7] =	ssyncadd.s32 @!p0 $0xFFFFF600  }
0x51: {  	_ =	swait.ge [sflag:s28], $0xA00  }
0x52: {  	[sflag:s28] =	ssyncset.done $0x0  }
0x53: {  	[sflag:s28] =	ssyncadd.s32 $0xFFFFF600  }
0x54: {  	_ =	swait.ge [sflag:s28], $0xA00  }
0x55: {  	[sflag:s28] =	ssyncset.done $0x0  }
0x56: {  	[sflag:s28] =	ssyncadd.s32 $0xFFFFF600  }
0x57: {  	_ =	swait.ge [sflag:s28], $0xA00  }
0x58: {  	[sflag:s28] =	ssyncset.done $0x0  }
0x59: {  	[sflag:s28] =	ssyncadd.s32 $0xFFFFF600  }
0x5a: {  	_ =	swait.ge [sflag:s28], $0xA00  }
0x5b: {  	[sflag:s28] =	ssyncset.done $0x0  }
0x5c: {  	[sflag:s28] =	ssyncadd.s32 $0xFFFFF600  }
0x5d: {  	_ =	swait.ge [sflag:s28], $0xA00  }
0x5e: {  	[sflag:s28] =	ssyncset.done $0x0  }
0x5f: {  	[sflag:s28] =	ssyncadd.s32 $0xFFFFF600  }
0x60: {  	s16 =	simm.s32 $0x0;
	[bflag:$0x0] =	sbarrier.arrive $0xFFFF  }
0x61: {  	[tilespmem:s30], [sflag:$0x1] =	stream.indirect.gather [hbm4b:s0+s29], $0x20, s16, s29, $0xb8;
	[tilespmem:$0x12520] =	vst v63  }
0x62: {  	s24 =	simm.s32 $0x80  }
0x63: {  	[tilespmem:s1], [sflag:$0x2] =	stream.indirect.gather [hbm4b:s0+s29], $0x20, s24, s29, $0xb8;
	[tilespmem:$0x12520] =	vst v63  }
0x64: {  	s7 =	simm.s32 $0x100  }
0x65: {  	[tilespmem:s31], [sflag:$0x3] =	stream.indirect.gather [hbm4b:s0+s29], $0x20, s7, s29, $0xb8;
	[tilespmem:$0x12520] =	vst v63  }
0x66: {  	s16 =	simm.s32 $0x180  }
0x67: {  	[tilespmem:s26], [sflag:$0x4] =	stream.indirect.gather [hbm4b:s0+s29], $0x20, s16, s29, $0xb8;
	[tilespmem:$0x12520] =	vst v63  }
0x68: {  	s24 =	simm.s32 $0x200  }
0x69: {  	[tilespmem:s2], [sflag:$0x5] =	stream.indirect.gather [hbm4b:s0+s29], $0x20, s24, s29, $0xb8;
	[tilespmem:$0x12520] =	vst v63  }
0x6a: {  	_ =	swait.ge [sflag:s28], $0xFA0  }
0x6b: {  	[sflag:s28] =	ssyncset.done $0x0  }
0x6c: {  	s7 =	simm.s32 $0x2800;
	[sflag:s28] =	ssyncadd.s32 $0xFFFFF060  }
0x6d: {  	[spmem:s3] =	stream.indirect.scatter.add.f32 [tilespmem:s30], [sflag:$0x9], $0x20, s7, s29, $0xb8;
	[tilespmem:$0x12520] =	vst v63  }
0x6e: {  	s16 =	simm.s32 $0x280  }
0x6f: {  	[tilespmem:s5], [sflag:$0x6] =	stream.indirect.gather [hbm4b:s0+s29], $0x20, s16, s29, $0xb8;
	[tilespmem:$0x12520] =	vst v63  }
0x70: {  	_ =	swait.ge [sflag:s6], $0xFA0  }
0x71: {  	[sflag:s6] =	ssyncset.done $0x0  }
0x72: {  	s24 =	simm.s32 $0x2880;
	[sflag:s6] =	ssyncadd.s32 $0xFFFFF060  }
0x73: {  	[spmem:s3] =	stream.indirect.scatter.add.f32 [tilespmem:s1], [sflag:$0xA], $0x20, s24, s29, $0xb8;
	[tilespmem:$0x12520] =	vst v63  }
0x74: {  	s7 =	simm.s32 $0x300  }
0x75: {  	[tilespmem:s8], [sflag:$0x7] =	stream.indirect.gather [hbm4b:s0+s29], $0x20, s7, s29, $0xb8;
	[tilespmem:$0x12520] =	vst v63  }
0x76: {  	_ =	swait.ge [sflag:s9], $0xFA0  }
0x77: {  	[sflag:s9] =	ssyncset.done $0x0  }
0x78: {  	s16 =	simm.s32 $0x2900;
	[sflag:s9] =	ssyncadd.s32 $0xFFFFF060  }
0x79: {  	[spmem:s3] =	stream.indirect.scatter.add.f32 [tilespmem:s31], [sflag:$0xB], $0x20, s16, s29, $0xb8;
	[tilespmem:$0x12520] =	vst v63  }
0x7a: {  	s24 =	simm.s32 $0x380  }
0x7b: {  	[tilespmem:s10], [sflag:$0x8] =	stream.indirect.gather [hbm4b:s0+s29], $0x20, s24, s29, $0xb8;
	[tilespmem:$0x12520] =	vst v63  }
0x7c: {  	_ =	swait.ge [sflag:s11], $0xFA0  }
0x7d: {  	[sflag:s11] =	ssyncset.done $0x0  }
0x7e: {  	s7 =	simm.s32 $0x2980;
	[sflag:s11] =	ssyncadd.s32 $0xFFFFF060  }
0x7f: {  	[spmem:s3] =	stream.indirect.scatter.add.f32 [tilespmem:s26], [sflag:$0xC], $0x20, s7, s29, $0xb8;
	[tilespmem:$0x12520] =	vst v63  }
0x80: {  	_ =	swait.ge [sflag:s12], $0xFA0  }
0x81: {  	[sflag:s12] =	ssyncset.done $0x0  }
0x82: {  	s16 =	simm.s32 $0x400;
	[sflag:s12] =	ssyncadd.s32 $0xFFFFF060  }
0x83: {  	[tilespmem:s30], [sflag:$0x1] =	stream.indirect.gather [hbm4b:s0+s29], $0x20, s16, s29, $0xb8;
	[tilespmem:$0x12520] =	vst v63  }
0x84: {  	_ =	swait.ge [sflag:s13], $0xFA0  }
0x85: {  	[sflag:s13] =	ssyncset.done $0x0  }
0x86: {  	s24 =	simm.s32 $0x2A00;
	[sflag:s13] =	ssyncadd.s32 $0xFFFFF060  }
0x87: {  	[spmem:s3] =	stream.indirect.scatter.add.f32 [tilespmem:s2], [sflag:$0xD], $0x20, s24, s29, $0xb8;
	[tilespmem:$0x12520] =	vst v63  }
0x88: {  	_ =	swait.ge [sflag:s14], $0xFA0  }
0x89: {  	[sflag:s14] =	ssyncset.done $0x0  }
0x8a: {  	s7 =	simm.s32 $0x480;
	[sflag:s14] =	ssyncadd.s32 $0xFFFFF060  }
0x8b: {  	[tilespmem:s1], [sflag:$0x2] =	stream.indirect.gather [hbm4b:s0+s29], $0x20, s7, s29, $0xb8;
	[tilespmem:$0x12520] =	vst v63  }
0x8c: {  	_ =	swait.ge [sflag:s15], $0xFA0  }
0x8d: {  	[sflag:s15] =	ssyncset.done $0x0  }
0x8e: {  	s16 =	simm.s32 $0x2A80;
	[sflag:s15] =	ssyncadd.s32 $0xFFFFF060  }
0x8f: {  	[spmem:s3] =	stream.indirect.scatter.add.f32 [tilespmem:s5], [sflag:$0xE], $0x20, s16, s29, $0xb8;
	[tilespmem:$0x12520] =	vst v63  }
0x90: {  	_ =	swait.ge [sflag:s17], $0xFA0  }
0x91: {  	[sflag:s17] =	ssyncset.done $0x0  }
0x92: {  	s24 =	simm.s32 $0x500;
	[sflag:s17] =	ssyncadd.s32 $0xFFFFF060  }
0x93: {  	[tilespmem:s31], [sflag:$0x3] =	stream.indirect.gather [hbm4b:s0+s29], $0x20, s24, s29, $0xb8;
	[tilespmem:$0x12520] =	vst v63  }
0x94: {  	_ =	swait.ge [sflag:s18], $0xFA0  }
0x95: {  	[sflag:s18] =	ssyncset.done $0x0  }
0x96: {  	s7 =	simm.s32 $0x2B00;
	[sflag:s18] =	ssyncadd.s32 $0xFFFFF060  }
0x97: {  	[spmem:s3] =	stream.indirect.scatter.add.f32 [tilespmem:s8], [sflag:$0xF], $0x20, s7, s29, $0xb8;
	[tilespmem:$0x12520] =	vst v63  }
0x98: {  	_ =	swait.ge [sflag:s19], $0xFA0  }
0x99: {  	[sflag:s19] =	ssyncset.done $0x0  }
0x9a: {  	s16 =	simm.s32 $0x580;
	[sflag:s19] =	ssyncadd.s32 $0xFFFFF060  }
0x9b: {  	[tilespmem:s26], [sflag:$0x4] =	stream.indirect.gather [hbm4b:s0+s29], $0x20, s16, s29, $0xb8;
	[tilespmem:$0x12520] =	vst v63  }
0x9c: {  	_ =	swait.ge [sflag:s25], $0xFA0  }
0x9d: {  	[sflag:s25] =	ssyncset.done $0x0  }
0x9e: {  	s24 =	simm.s32 $0x2B80;
	[sflag:s25] =	ssyncadd.s32 $0xFFFFF060  }
0x9f: {  	[spmem:s3] =	stream.indirect.scatter.add.f32 [tilespmem:s10], [sflag:$0x10], $0x20, s24, s29, $0xb8;
	[tilespmem:$0x12520] =	vst v63  }
0xa0: {  	_ =	swait.ge [sflag:s20], $0xFA0  }
0xa1: {  	[sflag:s20] =	ssyncset.done $0x0  }
0xa2: {  	s4 =	simm.s32 $0x600;
	[sflag:s20] =	ssyncadd.s32 $0xFFFFF060  }
0xa3: {  	[tilespmem:s2], [sflag:$0x5] =	stream.indirect.gather [hbm4b:s0+s29], $0x20, s4, s29, $0xb8;
	[tilespmem:$0x12520] =	vst v63  }
0xa4: {  	_ =	swait.ge [sflag:s28], $0xFA0  }
0xa5: {  	[sflag:s28] =	ssyncset.done $0x0  }
0xa6: {  	s16 =	simm.s32 $0x2C00;
	[sflag:s28] =	ssyncadd.s32 $0xFFFFF060  }
0xa7: {  	[spmem:s3] =	stream.indirect.scatter.add.f32 [tilespmem:s30], [sflag:$0x9], $0x20, s16, s29, $0xb8;
	[tilespmem:$0x12520] =	vst v63  }
0xa8: {  	_ =	swait.ge [sflag:s21], $0xFA0  }
0xa9: {  	[sflag:s21] =	ssyncset.done $0x0  }
0xaa: {  	s24 =	simm.s32 $0x680;
	[sflag:s21] =	ssyncadd.s32 $0xFFFFF060  }
0xab: {  	[tilespmem:s5], [sflag:$0x6] =	stream.indirect.gather [hbm4b:s0+s29], $0x20, s24, s29, $0xb8;
	[tilespmem:$0x12520] =	vst v63  }
0xac: {  	_ =	swait.ge [sflag:s6], $0xFA0  }
0xad: {  	[sflag:s6] =	ssyncset.done $0x0  }
0xae: {  	s4 =	simm.s32 $0x2C80;
	[sflag:s6] =	ssyncadd.s32 $0xFFFFF060  }
0xaf: {  	[spmem:s3] =	stream.indirect.scatter.add.f32 [tilespmem:s1], [sflag:$0xA], $0x20, s4, s29, $0xb8;
	[tilespmem:$0x12520] =	vst v63  }
0xb0: {  	_ =	swait.ge [sflag:s22], $0xFA0  }
0xb1: {  	[sflag:s22] =	ssyncset.done $0x0  }
0xb2: {  	s16 =	simm.s32 $0x700;
	[sflag:s22] =	ssyncadd.s32 $0xFFFFF060  }
0xb3: {  	[tilespmem:s8], [sflag:$0x7] =	stream.indirect.gather [hbm4b:s0+s29], $0x20, s16, s29, $0xb8;
	[tilespmem:$0x12520] =	vst v63  }
0xb4: {  	_ =	swait.ge [sflag:s9], $0xFA0  }
0xb5: {  	[sflag:s9] =	ssyncset.done $0x0  }
0xb6: {  	s24 =	simm.s32 $0x2D00;
	[sflag:s9] =	ssyncadd.s32 $0xFFFFF060  }
0xb7: {  	[spmem:s3] =	stream.indirect.scatter.add.f32 [tilespmem:s31], [sflag:$0xB], $0x20, s24, s29, $0xb8;
	[tilespmem:$0x12520] =	vst v63  }
0xb8: {  	_ =	swait.ge [sflag:s23], $0xFA0  }
0xb9: {  	[sflag:s23] =	ssyncset.done $0x0  }
0xba: {  	s4 =	simm.s32 $0x780;
	[sflag:s23] =	ssyncadd.s32 $0xFFFFF060  }
0xbb: {  	[tilespmem:s10], [sflag:$0x8] =	stream.indirect.gather [hbm4b:s0+s29], $0x20, s4, s29, $0xb8;
	[tilespmem:$0x12520] =	vst v63  }
0xbc: {  	_ =	swait.ge [sflag:s11], $0xFA0  }
0xbd: {  	[sflag:s11] =	ssyncset.done $0x0  }
0xbe: {  	s16 =	simm.s32 $0x2D80;
	[sflag:s11] =	ssyncadd.s32 $0xFFFFF060  }
0xbf: {  	[spmem:s3] =	stream.indirect.scatter.add.f32 [tilespmem:s26], [sflag:$0xC], $0x20, s16, s29, $0xb8;
	[tilespmem:$0x12520] =	vst v63  }
0xc0: {  	_ =	swait.ge [sflag:s12], $0xFA0  }
0xc1: {  	[sflag:s12] =	ssyncset.done $0x0  }
0xc2: {  	s24 =	simm.s32 $0x800;
	[sflag:s12] =	ssyncadd.s32 $0xFFFFF060  }
0xc3: {  	[tilespmem:s30], [sflag:$0x1] =	stream.indirect.gather [hbm4b:s0+s29], $0x20, s24, s29, $0xb8;
	[tilespmem:$0x12520] =	vst v63  }
0xc4: {  	_ =	swait.ge [sflag:s13], $0xFA0  }
0xc5: {  	[sflag:s13] =	ssyncset.done $0x0  }
0xc6: {  	s4 =	simm.s32 $0x2E00;
	[sflag:s13] =	ssyncadd.s32 $0xFFFFF060  }
0xc7: {  	[spmem:s3] =	stream.indirect.scatter.add.f32 [tilespmem:s2], [sflag:$0xD], $0x20, s4, s29, $0xb8;
	[tilespmem:$0x12520] =	vst v63  }
0xc8: {  	_ =	swait.ge [sflag:s14], $0xFA0  }
0xc9: {  	[sflag:s14] =	ssyncset.done $0x0  }
0xca: {  	s16 =	simm.s32 $0x880;
	[sflag:s14] =	ssyncadd.s32 $0xFFFFF060  }
0xcb: {  	[tilespmem:s1], [sflag:$0x2] =	stream.indirect.gather [hbm4b:s0+s29], $0x20, s16, s29, $0xb8;
	[tilespmem:$0x12520] =	vst v63  }
0xcc: {  	_ =	swait.ge [sflag:s15], $0xFA0  }
0xcd: {  	[sflag:s15] =	ssyncset.done $0x0  }
0xce: {  	s24 =	simm.s32 $0x2E80;
	[sflag:s15] =	ssyncadd.s32 $0xFFFFF060  }
0xcf: {  	[spmem:s3] =	stream.indirect.scatter.add.f32 [tilespmem:s5], [sflag:$0xE], $0x20, s24, s29, $0xb8;
	[tilespmem:$0x12520] =	vst v63  }
0xd0: {  	_ =	swait.ge [sflag:s17], $0xFA0  }
0xd1: {  	[sflag:s17] =	ssyncset.done $0x0  }
0xd2: {  	s4 =	simm.s32 $0x900;
	[sflag:s17] =	ssyncadd.s32 $0xFFFFF060  }
0xd3: {  	[tilespmem:s31], [sflag:$0x3] =	stream.indirect.gather [hbm4b:s0+s29], $0x20, s4, s29, $0xb8;
	[tilespmem:$0x12520] =	vst v63  }
0xd4: {  	_ =	swait.ge [sflag:s18], $0xFA0  }
0xd5: {  	[sflag:s18] =	ssyncset.done $0x0  }
0xd6: {  	s16 =	simm.s32 $0x2F00;
	[sflag:s18] =	ssyncadd.s32 $0xFFFFF060  }
0xd7: {  	[spmem:s3] =	stream.indirect.scatter.add.f32 [tilespmem:s8], [sflag:$0xF], $0x20, s16, s29, $0xb8;
	[tilespmem:$0x12520] =	vst v63  }
0xd8: {  	_ =	swait.ge [sflag:s19], $0xFA0  }
0xd9: {  	[sflag:s19] =	ssyncset.done $0x0  }
0xda: {  	s24 =	simm.s32 $0x980;
	[sflag:s19] =	ssyncadd.s32 $0xFFFFF060  }
0xdb: {  	[tilespmem:s26], [sflag:$0x4] =	stream.indirect.gather [hbm4b:s0+s29], $0x20, s24, s29, $0xb8;
	[tilespmem:$0x12520] =	vst v63  }
0xdc: {  	_ =	swait.ge [sflag:s25], $0xFA0  }
0xdd: {  	[sflag:s25] =	ssyncset.done $0x0  }
0xde: {  	s7 =	simm.s32 $0x2F80;
	s16 =	simm.s32 $0x1000;
	[sflag:s25] =	ssyncadd.s32 $0xFFFFF060  }
.LBB2_2:
0xdf: {  	[spmem:s3] =	stream.indirect.scatter.add.f32 [tilespmem:s10], [sflag:$0x10], $0x20, s7, s29, $0xb8;
	[tilespmem:$0x12520] =	vst v63  }
0xe0: {  	s7 =	smov.u32 s16  }
0xe1: {  	p1 =	sne.s32 s16, $0x7000;
	s16 =	sadd.s32 $0x1000, s16;
	_ =	swait.ge [sflag:s20], $0xFA0  }
0xe2: {  	s7 =	sshra.s32 s7, $0x2;
	[sflag:s20] =	ssyncset.done $0x0  }
0xe3: {  	s24 =	sadd.s32 $0x600, s7;
	[sflag:s20] =	ssyncadd.s32 $0xFFFFF060  }
0xe4: {  	[tilespmem:s2], [sflag:$0x5] =	stream.indirect.gather [hbm4b:s0+s29], $0x20, s24, s29, $0xb8;
	[tilespmem:$0x12520] =	vst v63  }
0xe5: {  	_ =	swait.ge [sflag:s28], $0xFA0  }
0xe6: {  	[sflag:s28] =	ssyncset.done $0x0  }
0xe7: {  	s24 =	sadd.s32 $0x2C00, s7;
	[sflag:s28] =	ssyncadd.s32 $0xFFFFF060  }
0xe8: {  	[spmem:s3] =	stream.indirect.scatter.add.f32 [tilespmem:s30], [sflag:$0x9], $0x20, s24, s29, $0xb8;
	[tilespmem:$0x12520] =	vst v63  }
0xe9: {  	_ =	swait.ge [sflag:s21], $0xFA0  }
0xea: {  	[sflag:s21] =	ssyncset.done $0x0  }
0xeb: {  	s24 =	sadd.s32 $0x680, s7;
	[sflag:s21] =	ssyncadd.s32 $0xFFFFF060  }
0xec: {  	[tilespmem:s5], [sflag:$0x6] =	stream.indirect.gather [hbm4b:s0+s29], $0x20, s24, s29, $0xb8;
	[tilespmem:$0x12520] =	vst v63  }
0xed: {  	_ =	swait.ge [sflag:s6], $0xFA0  }
0xee: {  	[sflag:s6] =	ssyncset.done $0x0  }
0xef: {  	s24 =	sadd.s32 $0x2C80, s7;
	[sflag:s6] =	ssyncadd.s32 $0xFFFFF060  }
0xf0: {  	[spmem:s3] =	stream.indirect.scatter.add.f32 [tilespmem:s1], [sflag:$0xA], $0x20, s24, s29, $0xb8;
	[tilespmem:$0x12520] =	vst v63  }
0xf1: {  	_ =	swait.ge [sflag:s22], $0xFA0  }
0xf2: {  	[sflag:s22] =	ssyncset.done $0x0  }
0xf3: {  	s24 =	sadd.s32 $0x700, s7;
	[sflag:s22] =	ssyncadd.s32 $0xFFFFF060  }
0xf4: {  	[tilespmem:s8], [sflag:$0x7] =	stream.indirect.gather [hbm4b:s0+s29], $0x20, s24, s29, $0xb8;
	[tilespmem:$0x12520] =	vst v63  }
0xf5: {  	_ =	swait.ge [sflag:s9], $0xFA0  }
0xf6: {  	[sflag:s9] =	ssyncset.done $0x0  }
0xf7: {  	s24 =	sadd.s32 $0x2D00, s7;
	[sflag:s9] =	ssyncadd.s32 $0xFFFFF060  }
0xf8: {  	[spmem:s3] =	stream.indirect.scatter.add.f32 [tilespmem:s31], [sflag:$0xB], $0x20, s24, s29, $0xb8;
	[tilespmem:$0x12520] =	vst v63  }
0xf9: {  	_ =	swait.ge [sflag:s23], $0xFA0  }
0xfa: {  	[sflag:s23] =	ssyncset.done $0x0  }
0xfb: {  	s24 =	sadd.s32 $0x780, s7;
	[sflag:s23] =	ssyncadd.s32 $0xFFFFF060  }
0xfc: {  	[tilespmem:s10], [sflag:$0x8] =	stream.indirect.gather [hbm4b:s0+s29], $0x20, s24, s29, $0xb8;
	[tilespmem:$0x12520] =	vst v63  }
0xfd: {  	_ =	swait.ge [sflag:s11], $0xFA0  }
0xfe: {  	[sflag:s11] =	ssyncset.done $0x0  }
0xff: {  	s24 =	sadd.s32 $0x2D80, s7;
	[sflag:s11] =	ssyncadd.s32 $0xFFFFF060  }
0x100: {  	[spmem:s3] =	stream.indirect.scatter.add.f32 [tilespmem:s26], [sflag:$0xC], $0x20, s24, s29, $0xb8;
	[tilespmem:$0x12520] =	vst v63  }
0x101: {  	_ =	swait.ge [sflag:s12], $0xFA0  }
0x102: {  	[sflag:s12] =	ssyncset.done $0x0  }
0x103: {  	s24 =	sadd.s32 $0x800, s7;
	[sflag:s12] =	ssyncadd.s32 $0xFFFFF060  }
0x104: {  	[tilespmem:s30], [sflag:$0x1] =	stream.indirect.gather [hbm4b:s0+s29], $0x20, s24, s29, $0xb8;
	[tilespmem:$0x12520] =	vst v63  }
0x105: {  	_ =	swait.ge [sflag:s13], $0xFA0  }
0x106: {  	[sflag:s13] =	ssyncset.done $0x0  }
0x107: {  	s24 =	sadd.s32 $0x2E00, s7;
	[sflag:s13] =	ssyncadd.s32 $0xFFFFF060  }
0x108: {  	[spmem:s3] =	stream.indirect.scatter.add.f32 [tilespmem:s2], [sflag:$0xD], $0x20, s24, s29, $0xb8;
	[tilespmem:$0x12520] =	vst v63  }
0x109: {  	_ =	swait.ge [sflag:s14], $0xFA0  }
0x10a: {  	[sflag:s14] =	ssyncset.done $0x0  }
0x10b: {  	s24 =	sadd.s32 $0x880, s7;
	[sflag:s14] =	ssyncadd.s32 $0xFFFFF060  }
0x10c: {  	[tilespmem:s1], [sflag:$0x2] =	stream.indirect.gather [hbm4b:s0+s29], $0x20, s24, s29, $0xb8;
	[tilespmem:$0x12520] =	vst v63  }
0x10d: {  	_ =	swait.ge [sflag:s15], $0xFA0  }
0x10e: {  	[sflag:s15] =	ssyncset.done $0x0  }
0x10f: {  	s24 =	sadd.s32 $0x2E80, s7;
	[sflag:s15] =	ssyncadd.s32 $0xFFFFF060  }
0x110: {  	[spmem:s3] =	stream.indirect.scatter.add.f32 [tilespmem:s5], [sflag:$0xE], $0x20, s24, s29, $0xb8;
	[tilespmem:$0x12520] =	vst v63  }
0x111: {  	_ =	swait.ge [sflag:s17], $0xFA0  }
0x112: {  	[sflag:s17] =	ssyncset.done $0x0  }
0x113: {  	s24 =	sadd.s32 $0x900, s7;
	[sflag:s17] =	ssyncadd.s32 $0xFFFFF060  }
0x114: {  	[tilespmem:s31], [sflag:$0x3] =	stream.indirect.gather [hbm4b:s0+s29], $0x20, s24, s29, $0xb8;
	[tilespmem:$0x12520] =	vst v63  }
0x115: {  	_ =	swait.ge [sflag:s18], $0xFA0  }
0x116: {  	[sflag:s18] =	ssyncset.done $0x0  }
0x117: {  	s24 =	sadd.s32 $0x2F00, s7;
	[sflag:s18] =	ssyncadd.s32 $0xFFFFF060  }
0x118: {  	[spmem:s3] =	stream.indirect.scatter.add.f32 [tilespmem:s8], [sflag:$0xF], $0x20, s24, s29, $0xb8;
	[tilespmem:$0x12520] =	vst v63  }
0x119: {  	_ =	swait.ge [sflag:s19], $0xFA0  }
0x11a: {  	[sflag:s19] =	ssyncset.done $0x0  }
.Ltmp0:
0x11b: {  	s24 =	sadd.s32 $0x980, s7;
	[sflag:s19] =	ssyncadd.s32 $0xFFFFF060;
	(pc) =	sbr.rel @p1 .LBB2_2-.Ltmp0, $4  }
0x11c: {  	[tilespmem:s26], [sflag:$0x4] =	stream.indirect.gather [hbm4b:s0+s29], $0x20, s24, s29, $0xb8;
	[tilespmem:$0x12520] =	vst v63  }
0x11d: {  	_ =	swait.ge [sflag:s25], $0xFA0  }
0x11e: {  	[sflag:s25] =	ssyncset.done $0x0  }
0x11f: {  	s7 =	sadd.s32 $0x2F80, s7;
	[sflag:s25] =	ssyncadd.s32 $0xFFFFF060  }
0x120: {  	[spmem:s3] =	stream.indirect.scatter.add.f32 [tilespmem:s10], [sflag:$0x10], $0x20, s7, s29, $0xb8;
	[tilespmem:$0x12520] =	vst v63  }
0x121: {  	_ =	swait.ge [sflag:s20], $0xFA0  }
0x122: {  	[sflag:s20] =	ssyncset.done $0x0  }
0x123: {  	s4 =	simm.s32 $0x2600;
	[sflag:s20] =	ssyncadd.s32 $0xFFFFF060  }
0x124: {  	[tilespmem:s2], [sflag:$0x5] =	stream.indirect.gather [hbm4b:s0+s29], $0x20, s4, s29, $0xb8;
	[tilespmem:$0x12520] =	vst v63  }
0x125: {  	_ =	swait.ge [sflag:s28], $0xFA0  }
0x126: {  	[sflag:s28] =	ssyncset.done $0x0  }
0x127: {  	s7 =	simm.s32 $0x4C00;
	[sflag:s28] =	ssyncadd.s32 $0xFFFFF060  }
0x128: {  	[spmem:s3] =	stream.indirect.scatter.add.f32 [tilespmem:s30], [sflag:$0x9], $0x20, s7, s29, $0xb8;
	[tilespmem:$0x12520] =	vst v63  }
0x129: {  	_ =	swait.ge [sflag:s21], $0xFA0  }
0x12a: {  	[sflag:s21] =	ssyncset.done $0x0  }
0x12b: {  	s16 =	simm.s32 $0x2680;
	[sflag:s21] =	ssyncadd.s32 $0xFFFFF060  }
0x12c: {  	[tilespmem:s5], [sflag:$0x6] =	stream.indirect.gather [hbm4b:s0+s29], $0x20, s16, s29, $0xb8;
	[tilespmem:$0x12520] =	vst v63  }
0x12d: {  	_ =	swait.ge [sflag:s6], $0xFA0  }
0x12e: {  	[sflag:s6] =	ssyncset.done $0x0  }
0x12f: {  	s24 =	simm.s32 $0x4C80;
	[sflag:s6] =	ssyncadd.s32 $0xFFFFF060  }
0x130: {  	[spmem:s3] =	stream.indirect.scatter.add.f32 [tilespmem:s1], [sflag:$0xA], $0x20, s24, s29, $0xb8;
	[tilespmem:$0x12520] =	vst v63  }
0x131: {  	_ =	swait.ge [sflag:s22], $0xFA0  }
0x132: {  	[sflag:s22] =	ssyncset.done $0x0  }
0x133: {  	s7 =	simm.s32 $0x2700;
	[sflag:s22] =	ssyncadd.s32 $0xFFFFF060  }
0x134: {  	[tilespmem:s8], [sflag:$0x7] =	stream.indirect.gather [hbm4b:s0+s29], $0x20, s7, s29, $0xb8;
	[tilespmem:$0x12520] =	vst v63  }
0x135: {  	_ =	swait.ge [sflag:s9], $0xFA0  }
0x136: {  	[sflag:s9] =	ssyncset.done $0x0  }
0x137: {  	s16 =	simm.s32 $0x4D00;
	[sflag:s9] =	ssyncadd.s32 $0xFFFFF060  }
0x138: {  	[spmem:s3] =	stream.indirect.scatter.add.f32 [tilespmem:s31], [sflag:$0xB], $0x20, s16, s29, $0xb8;
	[tilespmem:$0x12520] =	vst v63  }
0x139: {  	_ =	swait.ge [sflag:s23], $0xFA0  }
0x13a: {  	[sflag:s23] =	ssyncset.done $0x0  }
0x13b: {  	s24 =	simm.s32 $0x2780;
	[sflag:s23] =	ssyncadd.s32 $0xFFFFF060  }
0x13c: {  	[tilespmem:s10], [sflag:$0x8] =	stream.indirect.gather [hbm4b:s0+s29], $0x20, s24, s29, $0xb8;
	[tilespmem:$0x12520] =	vst v63  }
0x13d: {  	_ =	swait.ge [sflag:s11], $0xFA0  }
0x13e: {  	[sflag:s11] =	ssyncset.done $0x0  }
0x13f: {  	s1 =	simm.s32 $0x4D80;
	[sflag:s11] =	ssyncadd.s32 $0xFFFFF060  }
0x140: {  	[spmem:s3] =	stream.indirect.scatter.add.f32 [tilespmem:s26], [sflag:$0xC], $0x20, s1, s29, $0xb8;
	[tilespmem:$0x12520] =	vst v63  }
0x141: {  	_ =	swait.ge [sflag:s13], $0xFA0  }
0x142: {  	[sflag:s13] =	ssyncset.done $0x0  }
0x143: {  	s7 =	simm.s32 $0x4E00;
	[sflag:s13] =	ssyncadd.s32 $0xFFFFF060  }
0x144: {  	[spmem:s3] =	stream.indirect.scatter.add.f32 [tilespmem:s2], [sflag:$0xD], $0x20, s7, s29, $0xb8;
	[tilespmem:$0x12520] =	vst v63  }
0x145: {  	_ =	swait.ge [sflag:s15], $0xFA0  }
0x146: {  	[sflag:s15] =	ssyncset.done $0x0  }
0x147: {  	s16 =	simm.s32 $0x4E80;
	[sflag:s15] =	ssyncadd.s32 $0xFFFFF060  }
0x148: {  	[spmem:s3] =	stream.indirect.scatter.add.f32 [tilespmem:s5], [sflag:$0xE], $0x20, s16, s29, $0xb8;
	[tilespmem:$0x12520] =	vst v63  }
0x149: {  	_ =	swait.ge [sflag:s18], $0xFA0  }
0x14a: {  	[sflag:s18] =	ssyncset.done $0x0  }
0x14b: {  	s24 =	simm.s32 $0x4F00;
	[sflag:s18] =	ssyncadd.s32 $0xFFFFF060  }
0x14c: {  	[spmem:s3] =	stream.indirect.scatter.add.f32 [tilespmem:s8], [sflag:$0xF], $0x20, s24, s29, $0xb8;
	[tilespmem:$0x12520] =	vst v63  }
0x14d: {  	_ =	swait.ge [sflag:s25], $0xFA0  }
0x14e: {  	[sflag:s25] =	ssyncset.done $0x0  }
0x14f: {  	s1 =	simm.s32 $0x4F80;
	[sflag:s25] =	ssyncadd.s32 $0xFFFFF060  }
0x150: {  	[spmem:s3] =	stream.indirect.scatter.add.f32 [tilespmem:s10], [sflag:$0x10], $0x20, s1, s29, $0xb8;
	[tilespmem:$0x12520] =	vst v63  }
0x151: {  	_ =	swait.ge [sflag:s12], $0xFA0  }
0x152: {  	[sflag:s12] =	ssyncset.done $0x0  }
0x153: {  	[sflag:s12] =	ssyncadd.s32 $0xFFFFF060  }
0x154: {  	_ =	swait.ge [sflag:s14], $0xFA0  }
0x155: {  	[sflag:s14] =	ssyncset.done $0x0  }
0x156: {  	[sflag:s14] =	ssyncadd.s32 $0xFFFFF060  }
0x157: {  	_ =	swait.ge [sflag:s17], $0xFA0  }
0x158: {  	[sflag:s17] =	ssyncset.done $0x0  }
0x159: {  	[sflag:s17] =	ssyncadd.s32 $0xFFFFF060  }
0x15a: {  	_ =	swait.ge [sflag:s19], $0xFA0  }
0x15b: {  	[sflag:s19] =	ssyncset.done $0x0  }
0x15c: {  	[sflag:s19] =	ssyncadd.s32 $0xFFFFF060  }
0x15d: {  	_ =	swait.ge [sflag:s20], $0xFA0  }
0x15e: {  	[sflag:s20] =	ssyncset.done $0x0  }
0x15f: {  	[sflag:s20] =	ssyncadd.s32 $0xFFFFF060  }
0x160: {  	_ =	swait.ge [sflag:s21], $0xFA0  }
0x161: {  	[sflag:s21] =	ssyncset.done $0x0  }
0x162: {  	[sflag:s21] =	ssyncadd.s32 $0xFFFFF060  }
0x163: {  	_ =	swait.ge [sflag:s22], $0xFA0  }
0x164: {  	[sflag:s22] =	ssyncset.done $0x0  }
0x165: {  	[sflag:s22] =	ssyncadd.s32 $0xFFFFF060  }
0x166: {  	_ =	swait.ge [sflag:s23], $0xFA0  }
0x167: {  	[sflag:s23] =	ssyncset.done $0x0  }
0x168: {  	[sflag:s23] =	ssyncadd.s32 $0xFFFFF060  }
0x169: {  	s30 =	simm.s32 @p0 $0x10;
	[bflag:$0x0] =	sbarrier.arrive $0xFFFF  }
0x16a: {  	s16 =	simm.s32 @p0 $0x1FD1;
	s24 =	simm.s32 @p0 $0x1;
	s4 =	rddreg [dreg:$0xf]  }
0x16b: {  	s1 =	simm.s32 @p0 $0x4;
	s7 =	sshrl.u32 @p0 s4, $0x3;
	s4 =	rddreg [dreg:$0x15]  }
0x16c: {  	[hbm:s4@s30], [sflag:s16] =	dma.strided @p0 [spmem:s7@s1], $0x640, s24, $0x4   }
0x16d: {  	s4 =	simm.s32 @p0 $0x11  }
0x16e: {  	s7 =	stileid.u32;
	_ =	swait.ge @p0 [sflag:s4], $0x640  }
0x16f: {  	s7 =	sshll.u32 @!p0 s7, $0x6;
	[sflag:s4] =	ssyncset.done @p0 $0x0  }
0x170: {  	[sflag:s4] =	ssyncadd.s32 @p0 $0xFFFFF9C0;
	s4 =	sor.u32 @!p0 $0x1C11, s7  }
0x171: {  	[dreg:$0x18] =	wrdreg s4  }
0x172: {  	s4 =	rddreg [dreg:$0x6]  }
0x173: {  	s7 =	rddreg [dreg:$0x14];
	s4 =	sshrl.u32 @!p0 s4, $0x3  }
0x174: {  	[dreg:$0x19] =	wrdreg s4  }
0x175: {  	s16 =	simm.s32 @!p0 $0x4;
	s4 =	rddreg [dreg:$0x18]  }
0x176: {  	s30 =	simm.s32 @!p0 $0x1;
	s1 =	simm.s32 @!p0 $0x10;
	s24 =	rddreg [dreg:$0x19]  }
0x177: {  	[hbm:s7@s1], [sflag:s4] =	dma.strided @!p0 [spmem:s24@s16], $0xA00, s30, $0x4   }
0x178: {  	s4 =	simm.s32 @!p0 $0x11  }
0x179: {  	_ =	swait.ge @!p0 [sflag:s4], $0xA00  }
0x17a: {  	s7 =	rddreg [dreg:$0x17]  }
0x17b: {  	s24 =	rddreg [dreg:$0x16];
	s16 =	sadd.s32 $0x1, s7  }
0x17c: {  	p1 =	sne.s32 s16, s24  }
.Ltmp1:
0x17d: {  	_ = 	snop;
	(pc) =	sbr.rel @p1 .LBB2_1-.Ltmp1, $3  }
0x17e: {  	_ =	sdelay $0x1  }
0x17f: {  	[sflag:s4] =	ssyncset.done @!p0 $0x0  }
0x180: {  	s1 =	simm.s32 $0x5FA0;
	s30 =	simm.s32 $0x5000;
	[sflag:s4] =	ssyncadd.s32 @!p0 $0xFFFFF600  }
0x181: {  	_ =	sfence.sel $0x180000  }
0x182: {  	[bflag:$0x0] =	sbarrier.arrive $0xFFFF  }
0x183: {  	_ =	strace $0x9000004D  }
0x184: {  	s0 =	stileid.u32;
	[bflag:$0x2] =	sbarrier.arrive $0xFFFF  }
0x185: {  	p0 =	sne.s32 s0, $0x0;
	s0 =	rddreg [dreg:$0x3]  }
0x186: {  	s0 =	sadd.s32 @!p0 $0x100000, s0  }
0x187: {  	[sflag:s0] =	ssyncadd.tile.s32 @!p0 $0x1;
	_ =	shalt  }
.Lfunc_end2:
_tile_overlayer_lowered:
.L_overlay_start_2:
0x188: {  	(tag) =	ssettag $0x2  }
0x189: {  	s0 =	rddreg [dreg:$0x0];
	s2 =	stileid.u32  }
0x18a: {  	s1 =	rddreg [dreg:$0x1];
	p0 =	sne.s32 s2, $0x0  }
0x18b: {  	s3 =	rddreg [dreg:$0x2];
	[bflag:$0x3] =	sbarrier.arrive $0xFFFF;
	s2 =	simm.s32 @!p0 $0x1C11  }
0x18c: {  	[timem:s3], [sflag:s2] =	dma.local @!p0 [hbm:s0], s1  }
0x18d: {  	s0 =	simm.s32 @!p0 $0x11  }
0x18e: {  	_ =	swait.ge @!p0 [sflag:s0], s1  }
0x18f: {  	s1 =	ssub.s32 @!p0 $0x0, s1;
	[sflag:s0] =	ssyncset.done @!p0 $0x0  }
0x190: {  	[sflag:s0] =	ssyncadd.s32 @!p0 s1  }
0x191: {  	[bflag:$0x3] =	sbarrier.arrive $0xFFFF  }
0x192: {  	_ =	shalt  }

// kernel: kernel.8.cloned.1.call-start
scs
__scs_entry_jumppad:
0x0: {  	(pc) =	sbr.rel $0x88, $3  }
0x1: {  	(tag) =	ssettag $0x0;
	lr =	simm.s32 $0x1  }
0x2: {  	[smem:$0x3F9B] =	sst lr;
	_ =	strace $0xD0000000  }
0x3: {  	_ = 	snop  }
0x4: {  	_ = 	snop  }
0x5: {  	_ = 	snop  }
0x6: {  	_ = 	snop  }
0x7: {  	_ = 	snop  }
__scs_overlays_trampoline_lowered:
0x8: {  	[smem:$0x3FAA] =	sst s0  }
0x9: {  	[smem:$0x3FAB] =	sst s1  }
0xa: {  	[smem:$0x3FAC] =	sst s2  }
0xb: {  	[smem:$0x3FAD] =	sst s3  }
0xc: {  	[smem:$0x3FAE] =	sst s4  }
0xd: {  	[smem:$0x3FAF] =	sst s5  }
0xe: {  	[smem:$0x3FB0] =	sst s6  }
0xf: {  	[smem:$0x3FB1] =	sst s7  }
0x10: {  	[smem:$0x3FB2] =	sst s8  }
0x11: {  	[smem:$0x3FB3] =	sst s9;
	s0 =	simm.s32 @!p0 $0x0  }
0x12: {  	s1 =	sld [smem:$0x3F99];
	s0 =	simm.s32 @p0 $0x1  }
0x13: {  	[smem:$0x3FB4] =	sst s0;
	s0 =	simm.s32 @!p1 $0x0  }
0x14: {  	s2 =	sld [smem:$0x3F98];
	s0 =	simm.s32 @p1 $0x1  }
0x15: {  	[smem:$0x3FB5] =	sst s0;
	s0 =	simm.s32 @!p2 $0x0  }
0x16: {  	s3 =	sld [smem:$0x3FDB];
	s0 =	simm.s32 @p2 $0x1  }
0x17: {  	s4 =	simm.s32 $0x1BF5;
	[smem:$0x3FB7] =	sst s0  }
0x18: {  	s0 =	sld [smem:$0x3F9A];
	_ =	swait.ge [sflag:s4], $0x0  }
0x19: {  	s7 =	sld [smem:$0x3F9B]  }
0x1a: {  	s8 =	sadd.s32 $0xFFFFE003, lr  }
0x1b: {  	s9 =	sadd.s32 $0xFFFFFEF7, lr;
	s5 =	simm.s32 $0xFFFFFFFF;
	p2 =	slt.u32 s8, $0xFFFFF086  }
0x1c: {  	p1 =	slt.u32 s9, $0xF7A;
	s5 =	simm.s32 @!p2 $0x0  }
0x1d: {  	s5 =	simm.s32 @p1 $0x1;
	p0 =	seq.s32 s7, s2  }
0x1e: {  	s7 =	smul.u32 @!p0 $0xF7A, s2;
	p2 =	seq.s32 @!p0 s5, $0x0  }
0x1f: {  	s9 =	smul.u32 $0xF7A, s1;
	s8 =	simm.s32 @!p0 $0x1BF5;
	p2 =	por !p2, p0  }
0x20: {  	[sflag:s8] =	ssyncset.s32 @!p0 $0xFFFFF086;
	s6 =	sadd.s32 @!p0 s3, s7;
	s7 =	simm.s32 @!p0 $0x108  }
0x21: {  	s3 =	sadd.s32 s3, s9;
	s6 =	sadd.s32 @!p0 $0x88, s6;
	s7 =	simm.s32 @p2 $0x1082  }
0x22: {  	[simem:s7], [sflag:s8] =	dma.local @!p0 [hbm:s6], $0xF7A  }
0x23: {  	s9 =	sor.u32 $0xD0000000, s2;
	s6 =	simm.s32 $0x108;
	_ =	swait.ge @!p0 [sflag:s8], $0x0  }
0x24: {  	s3 =	sadd.s32 $0x88, s3;
	s6 =	simm.s32 @!p1 $0x1082;
	[sflag:s4] =	ssyncset.s32 $0xFFFFF086  }
0x25: {  	[simem:s6], [sflag:s4] =	dma.local [hbm:s3], $0xF7A  }
0x26: {  	[smem:$0x3F9B] =	sst s1;
	(tag) =	ssettag s2;
	_ =	strace s9  }
0x27: {  	s1 =	sld [smem:$0x3FAB]  }
0x28: {  	s2 =	sld [smem:$0x3FAC]  }
0x29: {  	s4 =	sld [smem:$0x3FAE]  }
0x2a: {  	p0 =	seq.s32 s5, $0x0;
	s5 =	sld [smem:$0x3FAF]  }
0x2b: {  	s6 =	sld [smem:$0x3FB0]  }
0x2c: {  	s7 =	sld [smem:$0x3FB1]  }
0x2d: {  	s3 =	simm.s32 $0x108;
	s8 =	sld [smem:$0x3FB2]  }
0x2e: {  	s3 =	simm.s32 @!p0 $0x1082;
	s9 =	sld [smem:$0x3FB3]  }
0x2f: {  	lr =	sadd.s32 s0, s3;
	s0 =	sld [smem:$0x3FAA]  }
0x30: {  	s3 =	sld [smem:$0x3FAD]  }
0x31: {  	[smem:$0x3FB6] =	sst s10  }
0x32: {  	s10 =	sld [smem:$0x3FB4];
	_ =	sdelay $0x3  }
0x33: {  	p0 =	seq.s32 s10, $0x1;
	s10 =	sld [smem:$0x3FB6];
	_ =	sdelay $0x3  }
0x34: {  	[smem:$0x3FB6] =	sst s10  }
0x35: {  	s10 =	sld [smem:$0x3FB5];
	_ =	sdelay $0x3  }
0x36: {  	p1 =	seq.s32 s10, $0x1;
	s10 =	sld [smem:$0x3FB6];
	_ =	sdelay $0x3  }
0x37: {  	[smem:$0x3FB6] =	sst s10  }
0x38: {  	s10 =	sld [smem:$0x3FB7]  }
0x39: {  	_ = 	snop;
	(pc) =	sbr.ind lr, $3  }
0x3a: {  	_ = 	snop  }
0x3b: {  	_ = 	snop  }
0x3c: {  	p2 =	seq.s32 s10, $0x1;
	s10 =	sld [smem:$0x3FB6]  }
0x3d: {  	_ =	shalt  }
0x3e: {  	_ =	shalt  }
0x3f: {  	_ =	shalt  }
0x40: {  	_ =	shalt  }
0x41: {  	_ =	shalt  }
0x42: {  	_ =	shalt  }
0x43: {  	_ =	shalt  }
0x44: {  	_ =	shalt  }
0x45: {  	_ =	shalt  }
0x46: {  	_ =	shalt  }
0x47: {  	_ =	shalt  }
0x48: {  	_ =	shalt  }
0x49: {  	_ =	shalt  }
0x4a: {  	_ =	shalt  }
0x4b: {  	_ =	shalt  }
0x4c: {  	_ =	shalt  }
0x4d: {  	_ =	shalt  }
0x4e: {  	_ =	shalt  }
0x4f: {  	_ =	shalt  }
0x50: {  	_ =	shalt  }
0x51: {  	_ =	shalt  }
0x52: {  	_ =	shalt  }
0x53: {  	_ =	shalt  }
0x54: {  	_ =	shalt  }
0x55: {  	_ =	shalt  }
0x56: {  	_ =	shalt  }
0x57: {  	_ =	shalt  }
0x58: {  	_ =	shalt  }
0x59: {  	_ =	shalt  }
0x5a: {  	_ =	shalt  }
0x5b: {  	_ =	shalt  }
0x5c: {  	_ =	shalt  }
0x5d: {  	_ =	shalt  }
0x5e: {  	_ =	shalt  }
0x5f: {  	_ =	shalt  }
0x60: {  	_ =	shalt  }
0x61: {  	_ =	shalt  }
0x62: {  	_ =	shalt  }
0x63: {  	_ =	shalt  }
0x64: {  	_ =	shalt  }
0x65: {  	_ =	shalt  }
0x66: {  	_ =	shalt  }
0x67: {  	_ =	shalt  }
0x68: {  	_ =	shalt  }
0x69: {  	_ =	shalt  }
0x6a: {  	_ =	shalt  }
0x6b: {  	_ =	shalt  }
0x6c: {  	_ =	shalt  }
0x6d: {  	_ =	shalt  }
0x6e: {  	_ =	shalt  }
0x6f: {  	_ =	shalt  }
0x70: {  	_ =	shalt  }
0x71: {  	_ =	shalt  }
0x72: {  	_ =	shalt  }
0x73: {  	_ =	shalt  }
0x74: {  	_ =	shalt  }
0x75: {  	_ =	shalt  }
0x76: {  	_ =	shalt  }
0x77: {  	_ =	shalt  }
0x78: {  	_ =	shalt  }
0x79: {  	_ =	shalt  }
0x7a: {  	_ =	shalt  }
0x7b: {  	_ =	shalt  }
0x7c: {  	_ =	shalt  }
0x7d: {  	_ =	shalt  }
0x7e: {  	_ =	shalt  }
0x7f: {  	_ =	shalt  }
0x80: {  	_ =	shalt  }
0x81: {  	_ =	shalt  }
0x82: {  	_ =	shalt  }
0x83: {  	_ =	shalt  }
0x84: {  	_ =	shalt  }
0x85: {  	_ =	shalt  }
0x86: {  	_ =	shalt  }
0x87: {  	_ =	shalt  }
.Lfunc_end0:
.L_simem_size_0:
called_computation_lowered:
.L_overlay_start_0:
0x88: {  	s2 =	sld [smem:$0x3FD9]  }
0x89: {  	s3 =	sld [smem:$0x3FFE];
	_ =	sdelay $0x1  }
0x8a: {  	s1 =	srdreg.scid  }
0x8b: {  	s0 =	sand.u32 $0x1, s1  }
0x8c: {  	s17 =	sshll.u32 s0, $0xA;
	s2 =	sadd.s32 s3, s2  }
0x8d: {  	s2 =	sadd.s32 s2, s17  }
0x8e: {  	[smem:$0x3FC2] =	sst s2  }
0x8f: {  	_ = 	snop  }
0x90: {  	s2 =	sld [smem:$0x3FD0];
	(tm) =	ssettm $0x1  }
0x91: {  	s18 =	sld [smem:$0x3FFB];
	_ =	sdelay $0x3  }
0x92: {  	_ =	strace s18  }
0x93: {  	s3 =	sld [smem:$0x3FFC];
	_ =	sdelay $0x3  }
0x94: {  	_ =	strace s3  }
0x95: {  	s3 =	sld [smem:$0x3FFD];
	_ =	sdelay $0x3  }
0x96: {  	_ =	strace s3  }
0x97: {  	_ =	strace $0x8FFFFFFF  }
0x98: {  	s19 =	sld [smem:$0x3FDB];
	_ =	sdelay $0x1  }
0x99: {  	s4 =	simm.s32 $_scs_section_size  }
0x9a: {  	s5 =	simm.s32 $_size__tile_overlayer_lowered;
	s6 =	simm.s32 $_tile_overlayer_lowered  }
0x9b: {  	s22 =	simm.s32 $0x1BFF;
	s21 =	sshll.u32 s6, $0x1;
	s3 =	sadd.s32 s4, s19  }
0x9c: {  	s7 =	simm.s32 $0x0;
	s20 =	sshll.u32 s5, $0x1;
	s5 =	sadd.s32 s21, s3  }
0x9d: {  	[timem:s7], [sflag:s22] =	dma.local [hbm:s5], s20  }
0x9e: {  	_ =	swait.ge [sflag:s22], s20  }
0x9f: {  	s4 =	ssub.s32 $0x0, s20;
	[sflag:s22] =	ssyncset.done $0x0  }
0xa0: {  	[sflag:s22] =	ssyncadd.s32 s4;
	_ =	sdelay $0x1  }
0xa1: {  	s23 =	simm.s32 $0x1B8B  }
0xa2: {  	_ =	swait.ge [sflag:s23], $0x1  }
0xa3: {  	[sflag:s23] =	ssyncset.done $0x0  }
0xa4: {  	s25 =	simm.s32 $0x1B8E;
	s24 =	sld [smem:$0x3FFE];
	[sflag:s23] =	ssyncadd.s32 $0xFFFFFFFF  }
0xa5: {  	s26 =	simm.s32 $execute0_lowered;
	[smem:$0x3FD2] =	sst s25  }
0xa6: {  	s5 =	sshll.u32 s26, $0x1;
	_ =	strace $0x80000046;
	[dreg:$0x1] =	wrdreg $0xFFFFFFFF  }
0xa7: {  	s28 =	simm.s32 $_size_execute0_lowered;
	s3 =	sadd.s32 s3, s5;
	[dreg:$0x0] =	wrdreg $0x0  }
0xa8: {  	s5 =	sshll.u32 s28, $0x1;
	[dreg:$0x2] =	wrdreg s3  }
0xa9: {  	[dreg:$0x3] =	wrdreg s5  }
0xaa: {  	[dreg:$0x4] =	wrdreg $0xC0  }
0xab: {  	_ =	task [dreg:s7], $0x5FFFF  }
0xac: {  	[dreg:$0x1] =	wrdreg $0xFFFFFFFF  }
0xad: {  	[dreg:$0x0] =	wrdreg $0x60  }
0xae: {  	[dreg:$0x2] =	wrdreg s24  }
0xaf: {  	[dreg:$0x3] =	wrdreg s2  }
0xb0: {  	[dreg:$0x4] =	wrdreg $0x2E680  }
0xb1: {  	[dreg:$0x5] =	wrdreg $0x9  }
0xb2: {  	_ =	task.clear_ibuf [dreg:s7], $0x6FFFF;
	_ =	strace $0x90000046  }
0xb3: {  	s29 =	simm.s32 $0x9;
	_ =	strace $0x80000048  }
0xb4: {  	_ =	swait.ge [sflag:s29], $0x1  }
0xb5: {  	[sflag:s29] =	ssyncadd.s32 $0xFFFFFFFF  }
0xb6: {  	_ =	strace $0x90000048  }
0xb7: {  	_ =	sfence  }
0xb8: {  	s30 =	sld [smem:$0x0];
	_ =	sdelay $0x2  }
0xb9: {  	s31 =	sshll.u32 s1, $0xD;
	s1 =	sshrl.u32 s1, $0x2  }
0xba: {  	s3 =	sand.u32 $0x4000, s31;
	s1 =	sadd.s32 s1, s30  }
0xbb: {  	s0 =	sor.u32 s3, s0;
	s1 =	sshll.u32 s1, $0x11  }
0xbc: {  	s0 =	sor.u32 s1, s0  }
0xbd: {  	s0 =	sadd.s32 $0x8F2B, s0  }
0xbe: {  	[sflag:s0] =	ssyncadd.remote.s32 $0x1  }
0xbf: {  	_ =	sfence.sel $0xFFFF  }
0xc0: {  	[dreg:$0x0] =	wrdreg $0xFFFFFFFF;
	(pc) =	sbr.abs _section_cstart, $3  }
0xc1: {  	[dreg:$0x1] =	wrdreg $0xFFFFFFFF  }
0xc2: {  	_ =	task.clear_ibuf [dreg:s7], $0x2FFFF;
	_ =	strace $0x9FFFFFFF  }
0xc3: {  	(tm) =	ssettm $0x7FFFFFFF  }
tec
execute0_lowered:
.L_overlay_start_1:
0x0: {  	(tag) =	ssettag $0x1  }
0x1: {  	s0 =	srdreg.scid;
	s1 =	rddreg [dreg:$0x0]  }
0x2: {  	s5 =	stileid.u32;
	s3 =	rddreg [dreg:$0x2]  }
0x3: {  	s4 =	simm.s32 $0x0;
	s23 =	simm.s32 $0x5;
	s24 =	simm.s32 $0x2800  }
0x4: {  	s26 =	simm.s32 $0x1;
	s28 =	simm.s32 $0x7D;
	s25 =	simm.s32 $0x0  }
0x5: {  	s0 =	sand.u32 $0x1, s0;
	[smem:$0x7FF] =	sst s4;
	s6 =	smul.u32 $0x5000, s5  }
0x6: {  	s7 =	sadd.s32 $0xC600, s1;
	s31 =	smul.u32 $0x14000, s5;
	s15 =	sadd.s32 $0x12C00, s3  }
0x7: {  	s16 =	sadd.s32 $0x12E80, s3;
	s17 =	sadd.s32 $0x13100, s3;
	s19 =	sadd.s32 $0x13600, s3  }
0x8: {  	p0 =	seq.s32 s5, $0xF;
	s2 =	sshll.u32 s0, $0x4;
	_ =	strace $0x80000047  }
0x9: {  	[dreg:$0x4] =	wrdreg s7;
	s30 =	ssub.s32 $0x2, s0;
	s18 =	sshll.u32 s0, $0x6  }
0xa: {  	s0 =	sshll.u32 s0, $0x3;
	s2 =	sor.u32 s5, s2;
	s6 =	sshrl.u32 s6, $0x2  }
0xb: {  	s8 =	sshrl.u32 s30, $0x1;
	s2 =	smul.u32 $0x500, s2;
	s6 =	sadd.s32 s6, s3  }
0xc: {  	s22 =	ssub.s32 s30, s8;
	s8 =	sadd.s32 $0x280, s6;
	s9 =	sadd.s32 $0x500, s6  }
0xd: {  	s10 =	sadd.s32 $0x780, s6;
	s11 =	sadd.s32 $0xA00, s6;
	s12 =	sadd.s32 $0xC80, s6  }
0xe: {  	s13 =	sadd.s32 $0xF00, s6;
	s14 =	sadd.s32 $0x1180, s6;
	s2 =	sadd.s32 s2, s1  }
0xf: {  	s22 =	smax.u32 s22, $0x1;
	s1 =	sadd.s32 $0xC800, s1;
	s7 =	sadd.s32 $0x2600, s2  }
0x10: {  	s2 =	sor.u32 s18, s31;
	s18 =	sadd.s32 $0x13380, s3;
	s0 =	sadd.s32 s0, s1  }
0x11: {  	s2 =	sshrl.u32 s2, $0x3;
	s21 =	sadd.s32 $0x25800, s0;
	s0 =	simm.s32 $0x4  }
0x12: {  	s20 =	sadd.s32 s1, s2;
	s1 =	simm.s32 $0x2;
	s2 =	simm.s32 $0x3  }
.LBB2_1:
0x13: {  	[tilespmem:s4], [sflag:$0x5] =	stream.linear.gather [hbm4b:s7+s4], $0x2800, $0x38;
	[tilespmem:$0x41F0] =	vst v63  }
0x14: {  	_ =	swait.ge [sflag:s23], $0x2800  }
0x15: {  	[sflag:s23] =	ssyncset.done $0x0  }
0x16: {  	[sflag:s23] =	ssyncadd.s32 $0xFFFFD800  }
0x17: {  	s5 =	rddreg [dreg:$0x1]  }
0x18: {  	[tilespmem:s24], [sflag:$0x5] =	stream.linear.gather [hbm4b:s5+s4], $0x3E8, $0x38;
	[tilespmem:$0x41F0] =	vst v63  }
0x19: {  	_ =	swait.ge [sflag:s23], $0x3E8  }
0x1a: {  	[sflag:s23] =	ssyncset.done $0x0  }
0x1b: {  	s29 =	simm.s32 $0x2BE8;
	s31 =	rddreg [dreg:$0x4];
	[sflag:s23] =	ssyncadd.s32 $0xFFFFFC18  }
0x1c: {  	[tilespmem:s29], [sflag:$0x5] =	stream.linear.gather [hbm4b:s31+s4], $0x280, $0x38;
	[tilespmem:$0x41F0] =	vst v63  }
0x1d: {  	_ =	swait.ge [sflag:s23], $0x280  }
0x1e: {  	[sflag:s23] =	ssyncset.done $0x0  }
0x1f: {  	s29 =	simm.s32 @p0 $0x2BE8;
	[sflag:s23] =	ssyncadd.s32 $0xFFFFFD80  }
0x20: {  	[spmem:s15] =	stream.linear.scatter @p0 [tilespmem:s29], [sflag:$0x1], $0x280, $0x38;
	[tilespmem:$0x41F0] =	vst v63  }
0x21: {  	_ = 	snop  }
0x22: {  	[spmem:s16] =	stream.linear.scatter @p0 [tilespmem:s29], [sflag:$0x1], $0x280, $0x38;
	[tilespmem:$0x41F0] =	vst v63  }
0x23: {  	_ = 	snop  }
0x24: {  	[spmem:s17] =	stream.linear.scatter @p0 [tilespmem:s29], [sflag:$0x1], $0x280, $0x38;
	[tilespmem:$0x41F0] =	vst v63  }
0x25: {  	_ = 	snop  }
0x26: {  	[spmem:s18] =	stream.linear.scatter @p0 [tilespmem:s29], [sflag:$0x1], $0x280, $0x38;
	[tilespmem:$0x41F0] =	vst v63  }
0x27: {  	_ = 	snop  }
0x28: {  	[spmem:s19] =	stream.linear.scatter @p0 [tilespmem:s29], [sflag:$0x1], $0x280, $0x38;
	[tilespmem:$0x41F0] =	vst v63  }
0x29: {  	s29 =	simm.s32 @!p0 $0x2BE8  }
0x2a: {  	[spmem:s6] =	stream.linear.scatter @!p0 [tilespmem:s29], [sflag:$0x1], $0x280, $0x38;
	[tilespmem:$0x41F0] =	vst v63  }
0x2b: {  	_ = 	snop  }
0x2c: {  	[spmem:s8] =	stream.linear.scatter @!p0 [tilespmem:s29], [sflag:$0x1], $0x280, $0x38;
	[tilespmem:$0x41F0] =	vst v63  }
0x2d: {  	_ = 	snop  }
0x2e: {  	[spmem:s9] =	stream.linear.scatter @!p0 [tilespmem:s29], [sflag:$0x1], $0x280, $0x38;
	[tilespmem:$0x41F0] =	vst v63  }
0x2f: {  	_ = 	snop  }
0x30: {  	[spmem:s10] =	stream.linear.scatter @!p0 [tilespmem:s29], [sflag:$0x1], $0x280, $0x38;
	[tilespmem:$0x41F0] =	vst v63  }
0x31: {  	_ = 	snop  }
0x32: {  	[spmem:s11] =	stream.linear.scatter @!p0 [tilespmem:s29], [sflag:$0x1], $0x280, $0x38;
	[tilespmem:$0x41F0] =	vst v63  }
0x33: {  	_ = 	snop  }
0x34: {  	[spmem:s12] =	stream.linear.scatter @!p0 [tilespmem:s29], [sflag:$0x1], $0x280, $0x38;
	[tilespmem:$0x41F0] =	vst v63  }
0x35: {  	_ = 	snop  }
0x36: {  	[spmem:s13] =	stream.linear.scatter @!p0 [tilespmem:s29], [sflag:$0x1], $0x280, $0x38;
	[tilespmem:$0x41F0] =	vst v63  }
0x37: {  	_ = 	snop  }
0x38: {  	[spmem:s14] =	stream.linear.scatter @!p0 [tilespmem:s29], [sflag:$0x1], $0x280, $0x38;
	[tilespmem:$0x41F0] =	vst v63  }
0x39: {  	s29 =	simm.s32 @!p0 $0x1  }
0x3a: {  	_ =	swait.ge @!p0 [sflag:s29], $0x280  }
0x3b: {  	[sflag:s29] =	ssyncset.done @!p0 $0x0  }
0x3c: {  	[sflag:s29] =	ssyncadd.s32 @!p0 $0xFFFFFD80  }
0x3d: {  	_ =	swait.ge @!p0 [sflag:s29], $0x280  }
0x3e: {  	[sflag:s29] =	ssyncset.done @!p0 $0x0  }
0x3f: {  	[sflag:s29] =	ssyncadd.s32 @!p0 $0xFFFFFD80  }
0x40: {  	_ =	swait.ge @!p0 [sflag:s29], $0x280  }
0x41: {  	[sflag:s29] =	ssyncset.done @!p0 $0x0  }
0x42: {  	[sflag:s29] =	ssyncadd.s32 @!p0 $0xFFFFFD80  }
0x43: {  	_ =	swait.ge [sflag:s26], $0x280  }
0x44: {  	[sflag:s26] =	ssyncset.done $0x0  }
0x45: {  	[sflag:s26] =	ssyncadd.s32 $0xFFFFFD80  }
0x46: {  	_ =	swait.ge [sflag:s26], $0x280  }
0x47: {  	[sflag:s26] =	ssyncset.done $0x0  }
0x48: {  	[sflag:s26] =	ssyncadd.s32 $0xFFFFFD80  }
0x49: {  	_ =	swait.ge [sflag:s26], $0x280  }
0x4a: {  	[sflag:s26] =	ssyncset.done $0x0  }
0x4b: {  	[sflag:s26] =	ssyncadd.s32 $0xFFFFFD80  }
0x4c: {  	_ =	swait.ge [sflag:s26], $0x280  }
0x4d: {  	[sflag:s26] =	ssyncset.done $0x0  }
0x4e: {  	[sflag:s26] =	ssyncadd.s32 $0xFFFFFD80  }
0x4f: {  	_ =	swait.ge [sflag:s26], $0x280  }
0x50: {  	[sflag:s26] =	ssyncset.done $0x0  }
0x51: {  	[sflag:s26] =	ssyncadd.s32 $0xFFFFFD80  }
0x52: {  	[bflag:$0x0] =	sbarrier.arrive $0xFFFF  }
0x53: {  	[spmem:s3] =	stream.indirect.scatter.add.f32 [tilespmem:s24], [sflag:$0x1], $0x8, s4, s28, $0xb8;
	[tilespmem:$0x41F0] =	vst v63  }
0x54: {  	s31 =	simm.s32 $0x80  }
0x55: {  	[spmem:s3] =	stream.indirect.scatter.add.f32 [tilespmem:s24], [sflag:$0x2], $0x8, s31, s28, $0xb8;
	[tilespmem:$0x41F0] =	vst v63  }
0x56: {  	s31 =	simm.s32 $0x100  }
0x57: {  	[spmem:s3] =	stream.indirect.scatter.add.f32 [tilespmem:s24], [sflag:$0x3], $0x8, s31, s28, $0xb8;
	[tilespmem:$0x41F0] =	vst v63  }
0x58: {  	s31 =	simm.s32 $0x180  }
0x59: {  	[spmem:s3] =	stream.indirect.scatter.add.f32 [tilespmem:s24], [sflag:$0x4], $0x8, s31, s28, $0xb8;
	[tilespmem:$0x41F0] =	vst v63  }
0x5a: {  	_ =	swait.ge [sflag:s26], $0x3E8  }
0x5b: {  	[sflag:s26] =	ssyncset.done $0x0  }
0x5c: {  	s29 =	simm.s32 $0x200;
	[sflag:s26] =	ssyncadd.s32 $0xFFFFFC18  }
0x5d: {  	[spmem:s3] =	stream.indirect.scatter.add.f32 [tilespmem:s24], [sflag:$0x1], $0x8, s29, s28, $0xb8;
	[tilespmem:$0x41F0] =	vst v63  }
0x5e: {  	_ =	swait.ge [sflag:s1], $0x3E8  }
0x5f: {  	[sflag:s1] =	ssyncset.done $0x0  }
0x60: {  	s29 =	simm.s32 $0x280;
	[sflag:s1] =	ssyncadd.s32 $0xFFFFFC18  }
0x61: {  	[spmem:s3] =	stream.indirect.scatter.add.f32 [tilespmem:s24], [sflag:$0x2], $0x8, s29, s28, $0xb8;
	[tilespmem:$0x41F0] =	vst v63  }
0x62: {  	_ =	swait.ge [sflag:s2], $0x3E8  }
0x63: {  	[sflag:s2] =	ssyncset.done $0x0  }
0x64: {  	s29 =	simm.s32 $0x300;
	[sflag:s2] =	ssyncadd.s32 $0xFFFFFC18  }
0x65: {  	[spmem:s3] =	stream.indirect.scatter.add.f32 [tilespmem:s24], [sflag:$0x3], $0x8, s29, s28, $0xb8;
	[tilespmem:$0x41F0] =	vst v63  }
0x66: {  	_ =	swait.ge [sflag:s0], $0x3E8  }
0x67: {  	[sflag:s0] =	ssyncset.done $0x0  }
0x68: {  	s30 =	simm.s32 $0x380;
	s29 =	simm.s32 $0xFFFF7000;
	[sflag:s0] =	ssyncadd.s32 $0xFFFFFC18  }
.LBB2_2:
0x69: {  	[spmem:s3] =	stream.indirect.scatter.add.f32 [tilespmem:s24], [sflag:$0x4], $0x8, s30, s28, $0xb8;
	[tilespmem:$0x41F0] =	vst v63  }
0x6a: {  	s30 =	smov.u32 s29  }
0x6b: {  	p1 =	sne.s32 s29, $0xFFFFF800;
	s29 =	sadd.s32 $0x800, s29;
	_ =	swait.ge [sflag:s26], $0x3E8  }
0x6c: {  	s30 =	sshra.s32 s30, $0x2;
	[sflag:s26] =	ssyncset.done $0x0  }
0x6d: {  	s31 =	sadd.s32 $0x2800, s30;
	[sflag:s26] =	ssyncadd.s32 $0xFFFFFC18  }
0x6e: {  	[spmem:s3] =	stream.indirect.scatter.add.f32 [tilespmem:s24], [sflag:$0x1], $0x8, s31, s28, $0xb8;
	[tilespmem:$0x41F0] =	vst v63  }
0x6f: {  	_ =	swait.ge [sflag:s1], $0x3E8  }
0x70: {  	[sflag:s1] =	ssyncset.done $0x0  }
0x71: {  	s31 =	sadd.s32 $0x2880, s30;
	[sflag:s1] =	ssyncadd.s32 $0xFFFFFC18  }
0x72: {  	[spmem:s3] =	stream.indirect.scatter.add.f32 [tilespmem:s24], [sflag:$0x2], $0x8, s31, s28, $0xb8;
	[tilespmem:$0x41F0] =	vst v63  }
0x73: {  	_ =	swait.ge [sflag:s2], $0x3E8  }
0x74: {  	[sflag:s2] =	ssyncset.done $0x0  }
.Ltmp0:
0x75: {  	s31 =	sadd.s32 $0x2900, s30;
	[sflag:s2] =	ssyncadd.s32 $0xFFFFFC18;
	(pc) =	sbr.rel @p1 .LBB2_2-.Ltmp0, $4  }
0x76: {  	[spmem:s3] =	stream.indirect.scatter.add.f32 [tilespmem:s24], [sflag:$0x3], $0x8, s31, s28, $0xb8;
	[tilespmem:$0x41F0] =	vst v63  }
0x77: {  	_ =	swait.ge [sflag:s0], $0x3E8  }
0x78: {  	[sflag:s0] =	ssyncset.done $0x0  }
0x79: {  	s30 =	sadd.s32 $0x2980, s30;
	[sflag:s0] =	ssyncadd.s32 $0xFFFFFC18  }
0x7a: {  	[spmem:s3] =	stream.indirect.scatter.add.f32 [tilespmem:s24], [sflag:$0x4], $0x8, s30, s28, $0xb8;
	[tilespmem:$0x41F0] =	vst v63  }
0x7b: {  	_ =	swait.ge [sflag:s26], $0x3E8  }
0x7c: {  	[sflag:s26] =	ssyncset.done $0x0  }
0x7d: {  	[sflag:s26] =	ssyncadd.s32 $0xFFFFFC18  }
0x7e: {  	_ =	swait.ge [sflag:s1], $0x3E8  }
0x7f: {  	[sflag:s1] =	ssyncset.done $0x0  }
0x80: {  	[sflag:s1] =	ssyncadd.s32 $0xFFFFFC18  }
0x81: {  	_ =	swait.ge [sflag:s2], $0x3E8  }
0x82: {  	[sflag:s2] =	ssyncset.done $0x0  }
0x83: {  	[sflag:s2] =	ssyncadd.s32 $0xFFFFFC18  }
0x84: {  	_ =	swait.ge [sflag:s0], $0x3E8  }
0x85: {  	s29 =	sshrl.u32 @p0 s15, $0x3;
	[sflag:s0] =	ssyncset.done $0x0  }
0x86: {  	s30 =	simm.s32 @p0 $0x10;
	s31 =	simm.s32 @p0 $0x1;
	[sflag:s0] =	ssyncadd.s32 $0xFFFFFC18  }
0x87: {  	s5 =	simm.s32 @p0 $0x1FC5;
	s25 =	sadd.s32 $0x1, s25;
	[bflag:$0x0] =	sbarrier.arrive $0xFFFF  }
0x88: {  	[hbm:s21@s30], [sflag:s5] =	dma.strided @p0 [spmem:s29@s31], $0x190, s31, $0x1   }
0x89: {  	p1 =	sne.s32 s25, s22;
	s5 =	simm.s32 @p0 $0x5  }
0x8a: {  	s29 =	stileid.u32;
	s30 =	simm.s32 @!p0 $0x10;
	_ =	swait.ge @p0 [sflag:s5], $0x190  }
0x8b: {  	s31 =	simm.s32 @!p0 $0x1;
	s29 =	sshll.u32 @!p0 s29, $0x6;
	[sflag:s5] =	ssyncset.done @p0 $0x0  }
0x8c: {  	[sflag:s5] =	ssyncadd.s32 @p0 $0xFFFFFE70;
	s5 =	sor.u32 @!p0 $0x1C05, s29;
	s29 =	sshrl.u32 @!p0 s6, $0x3  }
0x8d: {  	[hbm:s20@s30], [sflag:s5] =	dma.strided @!p0 [spmem:s29@s31], $0x280, s31, $0x1   }
.Ltmp1:
0x8e: {  	_ = 	snop;
	(pc) =	sbr.rel @p1 .LBB2_1-.Ltmp1, $4  }
0x8f: {  	s5 =	simm.s32 @!p0 $0x5  }
0x90: {  	_ =	swait.ge @!p0 [sflag:s5], $0x280  }
0x91: {  	[sflag:s5] =	ssyncset.done @!p0 $0x0  }
0x92: {  	[sflag:s5] =	ssyncadd.s32 @!p0 $0xFFFFFD80  }
0x93: {  	_ =	sfence.sel $0x180000  }
0x94: {  	[bflag:$0x0] =	sbarrier.arrive $0xFFFF  }
0x95: {  	_ =	strace $0x90000047  }
0x96: {  	s0 =	stileid.u32;
	[bflag:$0x2] =	sbarrier.arrive $0xFFFF  }
0x97: {  	p0 =	sne.s32 s0, $0x0;
	s0 =	rddreg [dreg:$0x3]  }
0x98: {  	s0 =	sadd.s32 @!p0 $0x100000, s0  }
0x99: {  	[sflag:s0] =	ssyncadd.tile.s32 @!p0 $0x1;
	_ =	shalt  }
.Lfunc_end2:
_tile_overlayer_lowered:
.L_overlay_start_2:
0x9a: {  	(tag) =	ssettag $0x2  }
0x9b: {  	s0 =	rddreg [dreg:$0x0];
	s2 =	stileid.u32  }
0x9c: {  	s1 =	rddreg [dreg:$0x1];
	p0 =	sne.s32 s2, $0x0  }
0x9d: {  	s3 =	rddreg [dreg:$0x2];
	[bflag:$0x3] =	sbarrier.arrive $0xFFFF;
	s2 =	simm.s32 @!p0 $0x1C05  }
0x9e: {  	[timem:s3], [sflag:s2] =	dma.local @!p0 [hbm:s0], s1  }
0x9f: {  	s0 =	simm.s32 @!p0 $0x5  }
0xa0: {  	_ =	swait.ge @!p0 [sflag:s0], s1  }
0xa1: {  	s1 =	ssub.s32 @!p0 $0x0, s1;
	[sflag:s0] =	ssyncset.done @!p0 $0x0  }
0xa2: {  	[sflag:s0] =	ssyncadd.s32 @!p0 s1  }
0xa3: {  	[bflag:$0x3] =	sbarrier.arrive $0xFFFF  }
0xa4: {  	_ =	shalt  }

</sc_bundles>
